<compile_context>
chip_gen: v7x
topology: tpu7x:2x2x1
jax: 0.10.2.dev20260603
libtpu: 0.0.44.dev20260713+nightly
codegen_flags: <defaults>
</compile_context>

<pallas_src>
import functools

import jax
import jax.numpy as jnp
from jax import lax
from jax.experimental import pallas as pl
from jax.experimental.pallas import tpu as pltpu
from jax.experimental.pallas import tpu_sc as plsc

N_NODES = 10000
D_FEAT = 128
NUM_LAYERS = 3

NCORE = 2
NSUB = 16
NW = NCORE * NSUB
G = 128

N_ACC = 10112
ROWS_PER_SUB = N_ACC // NSUB

_mesh = plsc.VectorSubcoreMesh(core_axis_name="c", subcore_axis_name="s",
                               num_cores=NCORE, num_subcores=NSUB)


def _make_layer(ngroups):
    pw = ngroups // NW

    @functools.partial(
        pl.kernel,
        out_type=jax.ShapeDtypeStruct((NCORE, N_ACC, D_FEAT), jnp.float32),
        mesh=_mesh,
        scratch_types=[
            pltpu.VMEM((4, 2, G), jnp.int32),
            pltpu.VMEM((2, G, D_FEAT), jnp.float32),
            pltpu.VMEM_SHARED((N_ACC, D_FEAT), jnp.float32),
            pltpu.SemaphoreType.DMA,
            pltpu.SemaphoreType.DMA,
            pltpu.SemaphoreType.DMA,
            pltpu.SemaphoreType.DMA,
            pltpu.SemaphoreType.DMA,
        ],
    )
    def layer(g_hbm, rc_hbm, zeros_hbm, out_hbm, rcix, msgs, acc_sh,
              si0, si1, sg, ss0, ss1):
        c = lax.axis_index("c")
        s = lax.axis_index("s")
        sis = (si0, si1)
        sss = (ss0, ss1)

        pltpu.sync_copy(zeros_hbm, msgs.at[0])
        base = s * ROWS_PER_SUB
        off = 0
        while off < ROWS_PER_SUB:
            n = min(128, ROWS_PER_SUB - off)
            pltpu.sync_copy(msgs.at[0].at[pl.ds(0, n)],
                            acc_sh.at[pl.ds(base + off, n)])
            off += n
        plsc.subcore_barrier()

        def wait_gather(buf):
            pltpu.make_async_copy(
                g_hbm.at[pl.ds(0, G)], msgs.at[buf], sg).wait()

        def wait_scatter(buf, par):
            pltpu.make_async_copy(
                msgs.at[buf], acc_sh.at[pl.ds(0, G)], sss[par]).wait()

        def wait_idx(slot, par):
            pltpu.make_async_copy(
                rc_hbm.at[0], rcix.at[slot], sis[par]).wait()

        g0 = c * (ngroups // NCORE) + s * pw

        pltpu.async_copy(rc_hbm.at[g0], rcix.at[0], si0)
        pltpu.async_copy(rc_hbm.at[g0 + 1], rcix.at[1], si1)
        wait_idx(0, 0)
        pltpu.async_copy(g_hbm.at[rcix.at[0, 0]], msgs.at[0], sg)

        @pl.loop(0, pw // 4)
        def _(p):
            for q in range(4):
                k = p * 4 + q
                buf = q % 2
                wait_gather(buf)

                @pl.when(k > 0)
                def _():
                    wait_scatter(1 - buf, (q - 1) % 2)

                @pl.when(k + 2 < pw)
                def _():
                    pltpu.async_copy(rc_hbm.at[g0 + k + 2],
                                     rcix.at[(q + 2) % 4], sis[q % 2])

                @pl.when(k + 1 < pw)
                def _():
                    wait_idx((q + 1) % 4, (q + 1) % 2)
                    pltpu.async_copy(g_hbm.at[rcix.at[(q + 1) % 4, 0]],
                                     msgs.at[1 - buf], sg)

                pltpu.async_copy(msgs.at[buf], acc_sh.at[rcix.at[q, 1]],
                                 sss[q % 2], add=True)

        wait_scatter(1, 1)
        plsc.subcore_barrier()
        pltpu.sync_copy(acc_sh.at[pl.ds(base, ROWS_PER_SUB)],
                        out_hbm.at[c].at[pl.ds(base, ROWS_PER_SUB)])

    return layer


_BLK = 1000
_GRID = N_NODES // _BLK

_deg_spec = pl.BlockSpec((NCORE, _BLK, D_FEAT), lambda i: (0, i, 0))
_acc_spec = pl.BlockSpec((NCORE, _BLK, D_FEAT), lambda i: (0, i, 0))
_row_spec = pl.BlockSpec((_BLK, D_FEAT), lambda i: (i, 0))

_row_shape = jax.ShapeDtypeStruct((N_NODES, D_FEAT), jnp.float32)


def _dinv_of(deg_ref):
    deg = deg_ref[0, :, 0:1] + deg_ref[1, :, 0:1] + 1.0
    return lax.rsqrt(deg)


def _prescale_body(deg_ref, x_ref, g_ref):
    g_ref[...] = _dinv_of(deg_ref) * x_ref[...]


_prescale = pl.pallas_call(
    _prescale_body,
    grid=(_GRID,),
    in_specs=[_deg_spec, _row_spec],
    out_specs=_row_spec,
    out_shape=_row_shape,
)


def _combine_mid_body(deg_ref, acc_ref, g_ref, sum_ref, gn_ref, sn_ref):
    dinv = _dinv_of(deg_ref)
    h = dinv * (acc_ref[0] + acc_ref[1] + g_ref[...])
    sn_ref[...] = sum_ref[...] + h
    gn_ref[...] = dinv * h


_combine_mid = pl.pallas_call(
    _combine_mid_body,
    grid=(_GRID,),
    in_specs=[_deg_spec, _acc_spec, _row_spec, _row_spec],
    out_specs=[_row_spec, _row_spec],
    out_shape=[_row_shape, _row_shape],
)


def _combine_last_body(deg_ref, acc_ref, g_ref, sum_ref, out_ref):
    dinv = _dinv_of(deg_ref)
    h = dinv * (acc_ref[0] + acc_ref[1] + g_ref[...])
    out_ref[...] = (sum_ref[...] + h) * (1.0 / (NUM_LAYERS + 1))


_combine_last = pl.pallas_call(
    _combine_last_body,
    grid=(_GRID,),
    in_specs=[_deg_spec, _acc_spec, _row_spec, _row_spec],
    out_specs=_row_spec,
    out_shape=_row_shape,
)


def kernel(x, edge_index):
    n_edges = edge_index.shape[1]
    pw = -(-n_edges // (G * NW))
    pw = -(-pw // 4) * 4
    ngroups = pw * NW
    pad = ngroups * G - n_edges

    row = edge_index[0]
    col = edge_index[1]
    if pad:
        row = jnp.concatenate([row, jnp.zeros((pad,), row.dtype)])
        trash = N_NODES + jnp.arange(pad, dtype=col.dtype) % (N_ACC - N_NODES)
        col = jnp.concatenate([col, trash])
    rc2d = jnp.stack([row.reshape(ngroups, G), col.reshape(ngroups, G)],
                     axis=1)

    layer = _make_layer(ngroups)

    zerosd = jnp.zeros((G, D_FEAT), jnp.float32)

    deg2 = layer(jnp.ones((N_NODES, D_FEAT), jnp.float32), rc2d, zerosd)
    g = _prescale(deg2, x)
    running = x
    for li in range(NUM_LAYERS):
        acc = layer(g, rc2d, zerosd)
        if li < NUM_LAYERS - 1:
            g, running = _combine_mid(deg2, acc, g, running)
        else:
            out = _combine_last(deg2, acc, g, running)
    return out

# --- scband reference (transcript-rebuilt; emitter-appended) ---
"""Pipeline reference for scband-light-gcn-23759759082206 (READ-ONLY COPY).

The authoritative reference and input builder live on the scoring server;
editing this copy changes nothing except your own understanding.
"""

import jax, jax.numpy as jnp
import numpy as np

N_NODES = 10000
N_EDGES = 320000
D_FEAT = 128
NUM_LAYERS = 3


def setup_inputs(seed: int = 0) -> dict:
    key = jax.random.key(seed)
    k1, k2 = jax.random.split(key)
    x = jax.random.normal(k1, (N_NODES, D_FEAT), dtype=jnp.float32)
    edge_index = jax.random.randint(k2, (2, N_EDGES), 0, N_NODES, dtype=jnp.int64 if jax.config.jax_enable_x64 else jnp.int32).astype(jnp.int32)
    return {"x": x, "edge_index": edge_index}


def _lightgcn_conv(x, row, col, norm):
    # message: norm * x_j where x_j = x[row] (source nodes)
    msgs = norm[:, None] * jnp.take(x, row, axis=0)
    # aggregate (add) at destination nodes col
    return jnp.zeros_like(x).at[col].add(msgs)


def reference(x, edge_index):
    N = x.shape[0]
    # add_self_loops
    sl = jnp.arange(N, dtype=edge_index.dtype)
    ei = jnp.concatenate([edge_index, jnp.stack([sl, sl], axis=0)], axis=1)
    row, col = ei[0], ei[1]
    # degree of destination nodes (col)
    deg = jnp.bincount(col, length=N).astype(x.dtype)
    deg_inv_sqrt = jnp.power(deg, -0.5)
    deg_inv_sqrt = jnp.where(jnp.isinf(deg_inv_sqrt), 0.0, deg_inv_sqrt)
    norm = jnp.take(deg_inv_sqrt, row) * jnp.take(deg_inv_sqrt, col)
    all_embeddings = [x]
    h = x
    for _ in range(NUM_LAYERS):
        h = _lightgcn_conv(h, row, col, norm)
        all_embeddings.append(h)
    return jnp.mean(jnp.stack(all_embeddings, axis=0), axis=0)

if __name__ == "__main__":
    import jax
    _d = setup_inputs()
    print(jax.jit(kernel)(*tuple(_d.values())))

</pallas_src>

<mosaic_0001>
#map = affine_map<(d0, d1) -> (0, 0)>
#map1 = affine_map<(d0, d1) -> (0, 0, 0)>
module attributes {stable_mosaic.version = 14 : i64} {
  func.func @layer(%arg0: i32, %arg1: i32, %arg2: memref<10000x128xf32, #tpu.memory_space<hbm>>, %arg3: memref<2560x2x128xi32, #tpu.memory_space<hbm>>, %arg4: memref<128x128xf32, #tpu.memory_space<hbm>>, %arg5: memref<2x10112x128xf32, #tpu.memory_space<hbm>>, %arg6: memref<4x2x128xi32, #tpu.memory_space<vmem>>, %arg7: memref<2x128x128xf32, #tpu.memory_space<vmem>>, %arg8: memref<10112x128xf32, #tpu.memory_space<vmem_shared>>, %arg9: memref<!tpu.dma_semaphore, #tpu.memory_space<semaphore_mem>>, %arg10: memref<!tpu.dma_semaphore, #tpu.memory_space<semaphore_mem>>, %arg11: memref<!tpu.dma_semaphore, #tpu.memory_space<semaphore_mem>>, %arg12: memref<!tpu.dma_semaphore, #tpu.memory_space<semaphore_mem>>, %arg13: memref<!tpu.dma_semaphore, #tpu.memory_space<semaphore_mem>>) attributes {dimension_semantics = [#tpu.dimension_semantics<core_parallel>, #tpu.dimension_semantics<subcore_parallel>], iteration_bounds = array<i64: 2, 16>, scalar_prefetch = 0 : i64, scratch_operands = 8 : i64, tpu.core_type = #tpu.core_type<sc_vector_subcore>, window_params = [{transform_indices = #map}, {transform_indices = #map1}, {transform_indices = #map}, {transform_indices = #map1}]} {
    %run_scoped3A = arith.constant 0 : i32
    "tpu.region"() ({
      %run_scoped3A_105 = tpu.sem_alloc : memref<!tpu.dma_semaphore, #tpu.memory_space<semaphore_mem>>
      %dma_start3A_106 = arith.constant 0 : i32
      %dma_start3A_107 = arith.constant 0 : i32
      %dma_start3A_108 = tpu.memref_slice %arg7[%run_scoped3A, %dma_start3A_106, %dma_start3A_107] : memref<2x128x128xf32, #tpu.memory_space<vmem>> -> memref<1x128x128xf32, #tpu.memory_space<vmem>>
      %dma_start3A_109 = tpu.memref_squeeze %dma_start3A_108 : memref<1x128x128xf32, #tpu.memory_space<vmem>> -> memref<128x128xf32, #tpu.memory_space<vmem>>
      %dma_start3A_110 = arith.constant 0 : i32
      %dma_start3A_111 = arith.constant 0 : i32
      %dma_start3A_112 = tpu.memref_slice %arg7[%run_scoped3A, %dma_start3A_110, %dma_start3A_111] : memref<2x128x128xf32, #tpu.memory_space<vmem>> -> memref<1x128x128xf32, #tpu.memory_space<vmem>>
      %dma_start3A_113 = tpu.memref_squeeze %dma_start3A_112 : memref<1x128x128xf32, #tpu.memory_space<vmem>> -> memref<128x128xf32, #tpu.memory_space<vmem>>
      tpu.enqueue_dma source(%arg4 : memref<128x128xf32, #tpu.memory_space<hbm>>) target(%dma_start3A_113 : memref<128x128xf32, #tpu.memory_space<vmem>>) target_semaphore(%run_scoped3A_105 : memref<!tpu.dma_semaphore, #tpu.memory_space<semaphore_mem>>)
      %dma_wait3A_114 = arith.constant 0 : i32
      %dma_wait3A_115 = arith.constant 0 : i32
      %dma_wait3A_116 = tpu.memref_slice %arg7[%run_scoped3A, %dma_wait3A_114, %dma_wait3A_115] : memref<2x128x128xf32, #tpu.memory_space<vmem>> -> memref<1x128x128xf32, #tpu.memory_space<vmem>>
      %dma_wait3A_117 = tpu.memref_squeeze %dma_wait3A_116 : memref<1x128x128xf32, #tpu.memory_space<vmem>> -> memref<128x128xf32, #tpu.memory_space<vmem>>
      %dma_wait3A_118 = arith.constant 0 : i32
      %dma_wait3A_119 = arith.constant 0 : i32
      %dma_wait3A_120 = tpu.memref_slice %arg7[%run_scoped3A, %dma_wait3A_118, %dma_wait3A_119] : memref<2x128x128xf32, #tpu.memory_space<vmem>> -> memref<1x128x128xf32, #tpu.memory_space<vmem>>
      %dma_wait3A_121 = tpu.memref_squeeze %dma_wait3A_120 : memref<1x128x128xf32, #tpu.memory_space<vmem>> -> memref<128x128xf32, #tpu.memory_space<vmem>>
      tpu.wait_dma2 semaphore(%run_scoped3A_105 : memref<!tpu.dma_semaphore, #tpu.memory_space<semaphore_mem>>) src(%arg4 : memref<128x128xf32, #tpu.memory_space<hbm>>) dst(%dma_wait3A_121 : memref<128x128xf32, #tpu.memory_space<vmem>>)
      tpu.yield
    }) : () -> ()
    %mul3A = arith.constant 632 : i32
    %mul3A_0 = arith.muli %arg1, %mul3A : i32
    %add3A = arith.constant 0 : i32
    %add3A_1 = arith.addi %mul3A_0, %add3A : i32
    %run_scoped3A_2 = arith.constant 0 : i32
    "tpu.region"() ({
      %run_scoped3A_105 = tpu.sem_alloc : memref<!tpu.dma_semaphore, #tpu.memory_space<semaphore_mem>>
      %dma_start3A_106 = arith.constant 0 : i32
      %dma_start3A_107 = arith.constant 0 : i32
      %dma_start3A_108 = tpu.memref_slice %arg7[%run_scoped3A_2, %dma_start3A_106, %dma_start3A_107] : memref<2x128x128xf32, #tpu.memory_space<vmem>> -> memref<1x128x128xf32, #tpu.memory_space<vmem>>
      %dma_start3A_109 = tpu.memref_squeeze %dma_start3A_108 : memref<1x128x128xf32, #tpu.memory_space<vmem>> -> memref<128x128xf32, #tpu.memory_space<vmem>>
      %dma_start3A_110 = arith.constant 0 : i32
      %dma_start3A_111 = arith.constant 0 : i32
      %dma_start3A_112 = tpu.memref_slice %dma_start3A_109[%dma_start3A_110, %dma_start3A_111] : memref<128x128xf32, #tpu.memory_space<vmem>> -> memref<128x128xf32, #tpu.memory_space<vmem>>
      %dma_start3A_113 = arith.constant 0 : i32
      %dma_start3A_114 = tpu.memref_slice %arg8[%add3A_1, %dma_start3A_113] : memref<10112x128xf32, #tpu.memory_space<vmem_shared>> -> memref<128x128xf32, #tpu.memory_space<vmem_shared>>
      %dma_start3A_115 = arith.constant 0 : i32
      %dma_start3A_116 = tpu.memref_slice %arg8[%add3A_1, %dma_start3A_115] : memref<10112x128xf32, #tpu.memory_space<vmem_shared>> -> memref<128x128xf32, #tpu.memory_space<vmem_shared>>
      %dma_start3A_117 = arith.constant 0 : i32
      %dma_start3A_118 = arith.constant 0 : i32
      %dma_start3A_119 = tpu.memref_slice %arg7[%run_scoped3A_2, %dma_start3A_117, %dma_start3A_118] : memref<2x128x128xf32, #tpu.memory_space<vmem>> -> memref<1x128x128xf32, #tpu.memory_space<vmem>>
      %dma_start3A_120 = tpu.memref_squeeze %dma_start3A_119 : memref<1x128x128xf32, #tpu.memory_space<vmem>> -> memref<128x128xf32, #tpu.memory_space<vmem>>
      %dma_start3A_121 = arith.constant 0 : i32
      %dma_start3A_122 = arith.constant 0 : i32
      %dma_start3A_123 = tpu.memref_slice %dma_start3A_120[%dma_start3A_121, %dma_start3A_122] : memref<128x128xf32, #tpu.memory_space<vmem>> -> memref<128x128xf32, #tpu.memory_space<vmem>>
      tpu.enqueue_dma source(%dma_start3A_123 : memref<128x128xf32, #tpu.memory_space<vmem>>) target(%dma_start3A_116 : memref<128x128xf32, #tpu.memory_space<vmem_shared>>) target_semaphore(%run_scoped3A_105 : memref<!tpu.dma_semaphore, #tpu.memory_space<semaphore_mem>>)
      %dma_wait3A_124 = arith.constant 0 : i32
      %dma_wait3A_125 = arith.constant 0 : i32
      %dma_wait3A_126 = tpu.memref_slice %arg7[%run_scoped3A_2, %dma_wait3A_124, %dma_wait3A_125] : memref<2x128x128xf32, #tpu.memory_space<vmem>> -> memref<1x128x128xf32, #tpu.memory_space<vmem>>
      %dma_wait3A_127 = tpu.memref_squeeze %dma_wait3A_126 : memref<1x128x128xf32, #tpu.memory_space<vmem>> -> memref<128x128xf32, #tpu.memory_space<vmem>>
      %dma_wait3A_128 = arith.constant 0 : i32
      %dma_wait3A_129 = arith.constant 0 : i32
      %dma_wait3A_130 = tpu.memref_slice %dma_wait3A_127[%dma_wait3A_128, %dma_wait3A_129] : memref<128x128xf32, #tpu.memory_space<vmem>> -> memref<128x128xf32, #tpu.memory_space<vmem>>
      %dma_wait3A_131 = arith.constant 0 : i32
      %dma_wait3A_132 = tpu.memref_slice %arg8[%add3A_1, %dma_wait3A_131] : memref<10112x128xf32, #tpu.memory_space<vmem_shared>> -> memref<128x128xf32, #tpu.memory_space<vmem_shared>>
      %dma_wait3A_133 = arith.constant 0 : i32
      %dma_wait3A_134 = tpu.memref_slice %arg8[%add3A_1, %dma_wait3A_133] : memref<10112x128xf32, #tpu.memory_space<vmem_shared>> -> memref<128x128xf32, #tpu.memory_space<vmem_shared>>
      %dma_wait3A_135 = arith.constant 0 : i32
      %dma_wait3A_136 = arith.constant 0 : i32
      %dma_wait3A_137 = tpu.memref_slice %arg7[%run_scoped3A_2, %dma_wait3A_135, %dma_wait3A_136] : memref<2x128x128xf32, #tpu.memory_space<vmem>> -> memref<1x128x128xf32, #tpu.memory_space<vmem>>
      %dma_wait3A_138 = tpu.memref_squeeze %dma_wait3A_137 : memref<1x128x128xf32, #tpu.memory_space<vmem>> -> memref<128x128xf32, #tpu.memory_space<vmem>>
      %dma_wait3A_139 = arith.constant 0 : i32
      %dma_wait3A_140 = arith.constant 0 : i32
      %dma_wait3A_141 = tpu.memref_slice %dma_wait3A_138[%dma_wait3A_139, %dma_wait3A_140] : memref<128x128xf32, #tpu.memory_space<vmem>> -> memref<128x128xf32, #tpu.memory_space<vmem>>
      tpu.wait_dma2 semaphore(%run_scoped3A_105 : memref<!tpu.dma_semaphore, #tpu.memory_space<semaphore_mem>>) src(%dma_wait3A_141 : memref<128x128xf32, #tpu.memory_space<vmem>>) dst(%dma_wait3A_134 : memref<128x128xf32, #tpu.memory_space<vmem_shared>>)
      tpu.yield
    }) : () -> ()
    %add3A_3 = arith.constant 128 : i32
    %add3A_4 = arith.addi %mul3A_0, %add3A_3 : i32
    %run_scoped3A_5 = arith.constant 0 : i32
    "tpu.region"() ({
      %run_scoped3A_105 = tpu.sem_alloc : memref<!tpu.dma_semaphore, #tpu.memory_space<semaphore_mem>>
      %dma_start3A_106 = arith.constant 0 : i32
      %dma_start3A_107 = arith.constant 0 : i32
      %dma_start3A_108 = tpu.memref_slice %arg7[%run_scoped3A_5, %dma_start3A_106, %dma_start3A_107] : memref<2x128x128xf32, #tpu.memory_space<vmem>> -> memref<1x128x128xf32, #tpu.memory_space<vmem>>
      %dma_start3A_109 = tpu.memref_squeeze %dma_start3A_108 : memref<1x128x128xf32, #tpu.memory_space<vmem>> -> memref<128x128xf32, #tpu.memory_space<vmem>>
      %dma_start3A_110 = arith.constant 0 : i32
      %dma_start3A_111 = arith.constant 0 : i32
      %dma_start3A_112 = tpu.memref_slice %dma_start3A_109[%dma_start3A_110, %dma_start3A_111] : memref<128x128xf32, #tpu.memory_space<vmem>> -> memref<128x128xf32, #tpu.memory_space<vmem>>
      %dma_start3A_113 = arith.constant 0 : i32
      %dma_start3A_114 = tpu.memref_slice %arg8[%add3A_4, %dma_start3A_113] : memref<10112x128xf32, #tpu.memory_space<vmem_shared>> -> memref<128x128xf32, #tpu.memory_space<vmem_shared>>
      %dma_start3A_115 = arith.constant 0 : i32
      %dma_start3A_116 = tpu.memref_slice %arg8[%add3A_4, %dma_start3A_115] : memref<10112x128xf32, #tpu.memory_space<vmem_shared>> -> memref<128x128xf32, #tpu.memory_space<vmem_shared>>
      %dma_start3A_117 = arith.constant 0 : i32
      %dma_start3A_118 = arith.constant 0 : i32
      %dma_start3A_119 = tpu.memref_slice %arg7[%run_scoped3A_5, %dma_start3A_117, %dma_start3A_118] : memref<2x128x128xf32, #tpu.memory_space<vmem>> -> memref<1x128x128xf32, #tpu.memory_space<vmem>>
      %dma_start3A_120 = tpu.memref_squeeze %dma_start3A_119 : memref<1x128x128xf32, #tpu.memory_space<vmem>> -> memref<128x128xf32, #tpu.memory_space<vmem>>
      %dma_start3A_121 = arith.constant 0 : i32
      %dma_start3A_122 = arith.constant 0 : i32
      %dma_start3A_123 = tpu.memref_slice %dma_start3A_120[%dma_start3A_121, %dma_start3A_122] : memref<128x128xf32, #tpu.memory_space<vmem>> -> memref<128x128xf32, #tpu.memory_space<vmem>>
      tpu.enqueue_dma source(%dma_start3A_123 : memref<128x128xf32, #tpu.memory_space<vmem>>) target(%dma_start3A_116 : memref<128x128xf32, #tpu.memory_space<vmem_shared>>) target_semaphore(%run_scoped3A_105 : memref<!tpu.dma_semaphore, #tpu.memory_space<semaphore_mem>>)
      %dma_wait3A_124 = arith.constant 0 : i32
      %dma_wait3A_125 = arith.constant 0 : i32
      %dma_wait3A_126 = tpu.memref_slice %arg7[%run_scoped3A_5, %dma_wait3A_124, %dma_wait3A_125] : memref<2x128x128xf32, #tpu.memory_space<vmem>> -> memref<1x128x128xf32, #tpu.memory_space<vmem>>
      %dma_wait3A_127 = tpu.memref_squeeze %dma_wait3A_126 : memref<1x128x128xf32, #tpu.memory_space<vmem>> -> memref<128x128xf32, #tpu.memory_space<vmem>>
      %dma_wait3A_128 = arith.constant 0 : i32
      %dma_wait3A_129 = arith.constant 0 : i32
      %dma_wait3A_130 = tpu.memref_slice %dma_wait3A_127[%dma_wait3A_128, %dma_wait3A_129] : memref<128x128xf32, #tpu.memory_space<vmem>> -> memref<128x128xf32, #tpu.memory_space<vmem>>
      %dma_wait3A_131 = arith.constant 0 : i32
      %dma_wait3A_132 = tpu.memref_slice %arg8[%add3A_4, %dma_wait3A_131] : memref<10112x128xf32, #tpu.memory_space<vmem_shared>> -> memref<128x128xf32, #tpu.memory_space<vmem_shared>>
      %dma_wait3A_133 = arith.constant 0 : i32
      %dma_wait3A_134 = tpu.memref_slice %arg8[%add3A_4, %dma_wait3A_133] : memref<10112x128xf32, #tpu.memory_space<vmem_shared>> -> memref<128x128xf32, #tpu.memory_space<vmem_shared>>
      %dma_wait3A_135 = arith.constant 0 : i32
      %dma_wait3A_136 = arith.constant 0 : i32
      %dma_wait3A_137 = tpu.memref_slice %arg7[%run_scoped3A_5, %dma_wait3A_135, %dma_wait3A_136] : memref<2x128x128xf32, #tpu.memory_space<vmem>> -> memref<1x128x128xf32, #tpu.memory_space<vmem>>
      %dma_wait3A_138 = tpu.memref_squeeze %dma_wait3A_137 : memref<1x128x128xf32, #tpu.memory_space<vmem>> -> memref<128x128xf32, #tpu.memory_space<vmem>>
      %dma_wait3A_139 = arith.constant 0 : i32
      %dma_wait3A_140 = arith.constant 0 : i32
      %dma_wait3A_141 = tpu.memref_slice %dma_wait3A_138[%dma_wait3A_139, %dma_wait3A_140] : memref<128x128xf32, #tpu.memory_space<vmem>> -> memref<128x128xf32, #tpu.memory_space<vmem>>
      tpu.wait_dma2 semaphore(%run_scoped3A_105 : memref<!tpu.dma_semaphore, #tpu.memory_space<semaphore_mem>>) src(%dma_wait3A_141 : memref<128x128xf32, #tpu.memory_space<vmem>>) dst(%dma_wait3A_134 : memref<128x128xf32, #tpu.memory_space<vmem_shared>>)
      tpu.yield
    }) : () -> ()
    %add3A_6 = arith.constant 256 : i32
    %add3A_7 = arith.addi %mul3A_0, %add3A_6 : i32
    %run_scoped3A_8 = arith.constant 0 : i32
    "tpu.region"() ({
      %run_scoped3A_105 = tpu.sem_alloc : memref<!tpu.dma_semaphore, #tpu.memory_space<semaphore_mem>>
      %dma_start3A_106 = arith.constant 0 : i32
      %dma_start3A_107 = arith.constant 0 : i32
      %dma_start3A_108 = tpu.memref_slice %arg7[%run_scoped3A_8, %dma_start3A_106, %dma_start3A_107] : memref<2x128x128xf32, #tpu.memory_space<vmem>> -> memref<1x128x128xf32, #tpu.memory_space<vmem>>
      %dma_start3A_109 = tpu.memref_squeeze %dma_start3A_108 : memref<1x128x128xf32, #tpu.memory_space<vmem>> -> memref<128x128xf32, #tpu.memory_space<vmem>>
      %dma_start3A_110 = arith.constant 0 : i32
      %dma_start3A_111 = arith.constant 0 : i32
      %dma_start3A_112 = tpu.memref_slice %dma_start3A_109[%dma_start3A_110, %dma_start3A_111] : memref<128x128xf32, #tpu.memory_space<vmem>> -> memref<128x128xf32, #tpu.memory_space<vmem>>
      %dma_start3A_113 = arith.constant 0 : i32
      %dma_start3A_114 = tpu.memref_slice %arg8[%add3A_7, %dma_start3A_113] : memref<10112x128xf32, #tpu.memory_space<vmem_shared>> -> memref<128x128xf32, #tpu.memory_space<vmem_shared>>
      %dma_start3A_115 = arith.constant 0 : i32
      %dma_start3A_116 = tpu.memref_slice %arg8[%add3A_7, %dma_start3A_115] : memref<10112x128xf32, #tpu.memory_space<vmem_shared>> -> memref<128x128xf32, #tpu.memory_space<vmem_shared>>
      %dma_start3A_117 = arith.constant 0 : i32
      %dma_start3A_118 = arith.constant 0 : i32
      %dma_start3A_119 = tpu.memref_slice %arg7[%run_scoped3A_8, %dma_start3A_117, %dma_start3A_118] : memref<2x128x128xf32, #tpu.memory_space<vmem>> -> memref<1x128x128xf32, #tpu.memory_space<vmem>>
      %dma_start3A_120 = tpu.memref_squeeze %dma_start3A_119 : memref<1x128x128xf32, #tpu.memory_space<vmem>> -> memref<128x128xf32, #tpu.memory_space<vmem>>
      %dma_start3A_121 = arith.constant 0 : i32
      %dma_start3A_122 = arith.constant 0 : i32
      %dma_start3A_123 = tpu.memref_slice %dma_start3A_120[%dma_start3A_121, %dma_start3A_122] : memref<128x128xf32, #tpu.memory_space<vmem>> -> memref<128x128xf32, #tpu.memory_space<vmem>>
      tpu.enqueue_dma source(%dma_start3A_123 : memref<128x128xf32, #tpu.memory_space<vmem>>) target(%dma_start3A_116 : memref<128x128xf32, #tpu.memory_space<vmem_shared>>) target_semaphore(%run_scoped3A_105 : memref<!tpu.dma_semaphore, #tpu.memory_space<semaphore_mem>>)
      %dma_wait3A_124 = arith.constant 0 : i32
      %dma_wait3A_125 = arith.constant 0 : i32
      %dma_wait3A_126 = tpu.memref_slice %arg7[%run_scoped3A_8, %dma_wait3A_124, %dma_wait3A_125] : memref<2x128x128xf32, #tpu.memory_space<vmem>> -> memref<1x128x128xf32, #tpu.memory_space<vmem>>
      %dma_wait3A_127 = tpu.memref_squeeze %dma_wait3A_126 : memref<1x128x128xf32, #tpu.memory_space<vmem>> -> memref<128x128xf32, #tpu.memory_space<vmem>>
      %dma_wait3A_128 = arith.constant 0 : i32
      %dma_wait3A_129 = arith.constant 0 : i32
      %dma_wait3A_130 = tpu.memref_slice %dma_wait3A_127[%dma_wait3A_128, %dma_wait3A_129] : memref<128x128xf32, #tpu.memory_space<vmem>> -> memref<128x128xf32, #tpu.memory_space<vmem>>
      %dma_wait3A_131 = arith.constant 0 : i32
      %dma_wait3A_132 = tpu.memref_slice %arg8[%add3A_7, %dma_wait3A_131] : memref<10112x128xf32, #tpu.memory_space<vmem_shared>> -> memref<128x128xf32, #tpu.memory_space<vmem_shared>>
      %dma_wait3A_133 = arith.constant 0 : i32
      %dma_wait3A_134 = tpu.memref_slice %arg8[%add3A_7, %dma_wait3A_133] : memref<10112x128xf32, #tpu.memory_space<vmem_shared>> -> memref<128x128xf32, #tpu.memory_space<vmem_shared>>
      %dma_wait3A_135 = arith.constant 0 : i32
      %dma_wait3A_136 = arith.constant 0 : i32
      %dma_wait3A_137 = tpu.memref_slice %arg7[%run_scoped3A_8, %dma_wait3A_135, %dma_wait3A_136] : memref<2x128x128xf32, #tpu.memory_space<vmem>> -> memref<1x128x128xf32, #tpu.memory_space<vmem>>
      %dma_wait3A_138 = tpu.memref_squeeze %dma_wait3A_137 : memref<1x128x128xf32, #tpu.memory_space<vmem>> -> memref<128x128xf32, #tpu.memory_space<vmem>>
      %dma_wait3A_139 = arith.constant 0 : i32
      %dma_wait3A_140 = arith.constant 0 : i32
      %dma_wait3A_141 = tpu.memref_slice %dma_wait3A_138[%dma_wait3A_139, %dma_wait3A_140] : memref<128x128xf32, #tpu.memory_space<vmem>> -> memref<128x128xf32, #tpu.memory_space<vmem>>
      tpu.wait_dma2 semaphore(%run_scoped3A_105 : memref<!tpu.dma_semaphore, #tpu.memory_space<semaphore_mem>>) src(%dma_wait3A_141 : memref<128x128xf32, #tpu.memory_space<vmem>>) dst(%dma_wait3A_134 : memref<128x128xf32, #tpu.memory_space<vmem_shared>>)
      tpu.yield
    }) : () -> ()
    %add3A_9 = arith.constant 384 : i32
    %add3A_10 = arith.addi %mul3A_0, %add3A_9 : i32
    %run_scoped3A_11 = arith.constant 0 : i32
    "tpu.region"() ({
      %run_scoped3A_105 = tpu.sem_alloc : memref<!tpu.dma_semaphore, #tpu.memory_space<semaphore_mem>>
      %dma_start3A_106 = arith.constant 0 : i32
      %dma_start3A_107 = arith.constant 0 : i32
      %dma_start3A_108 = tpu.memref_slice %arg7[%run_scoped3A_11, %dma_start3A_106, %dma_start3A_107] : memref<2x128x128xf32, #tpu.memory_space<vmem>> -> memref<1x128x128xf32, #tpu.memory_space<vmem>>
      %dma_start3A_109 = tpu.memref_squeeze %dma_start3A_108 : memref<1x128x128xf32, #tpu.memory_space<vmem>> -> memref<128x128xf32, #tpu.memory_space<vmem>>
      %dma_start3A_110 = arith.constant 0 : i32
      %dma_start3A_111 = arith.constant 0 : i32
      %dma_start3A_112 = tpu.memref_slice %dma_start3A_109[%dma_start3A_110, %dma_start3A_111] : memref<128x128xf32, #tpu.memory_space<vmem>> -> memref<128x128xf32, #tpu.memory_space<vmem>>
      %dma_start3A_113 = arith.constant 0 : i32
      %dma_start3A_114 = tpu.memref_slice %arg8[%add3A_10, %dma_start3A_113] : memref<10112x128xf32, #tpu.memory_space<vmem_shared>> -> memref<128x128xf32, #tpu.memory_space<vmem_shared>>
      %dma_start3A_115 = arith.constant 0 : i32
      %dma_start3A_116 = tpu.memref_slice %arg8[%add3A_10, %dma_start3A_115] : memref<10112x128xf32, #tpu.memory_space<vmem_shared>> -> memref<128x128xf32, #tpu.memory_space<vmem_shared>>
      %dma_start3A_117 = arith.constant 0 : i32
      %dma_start3A_118 = arith.constant 0 : i32
      %dma_start3A_119 = tpu.memref_slice %arg7[%run_scoped3A_11, %dma_start3A_117, %dma_start3A_118] : memref<2x128x128xf32, #tpu.memory_space<vmem>> -> memref<1x128x128xf32, #tpu.memory_space<vmem>>
      %dma_start3A_120 = tpu.memref_squeeze %dma_start3A_119 : memref<1x128x128xf32, #tpu.memory_space<vmem>> -> memref<128x128xf32, #tpu.memory_space<vmem>>
      %dma_start3A_121 = arith.constant 0 : i32
      %dma_start3A_122 = arith.constant 0 : i32
      %dma_start3A_123 = tpu.memref_slice %dma_start3A_120[%dma_start3A_121, %dma_start3A_122] : memref<128x128xf32, #tpu.memory_space<vmem>> -> memref<128x128xf32, #tpu.memory_space<vmem>>
      tpu.enqueue_dma source(%dma_start3A_123 : memref<128x128xf32, #tpu.memory_space<vmem>>) target(%dma_start3A_116 : memref<128x128xf32, #tpu.memory_space<vmem_shared>>) target_semaphore(%run_scoped3A_105 : memref<!tpu.dma_semaphore, #tpu.memory_space<semaphore_mem>>)
      %dma_wait3A_124 = arith.constant 0 : i32
      %dma_wait3A_125 = arith.constant 0 : i32
      %dma_wait3A_126 = tpu.memref_slice %arg7[%run_scoped3A_11, %dma_wait3A_124, %dma_wait3A_125] : memref<2x128x128xf32, #tpu.memory_space<vmem>> -> memref<1x128x128xf32, #tpu.memory_space<vmem>>
      %dma_wait3A_127 = tpu.memref_squeeze %dma_wait3A_126 : memref<1x128x128xf32, #tpu.memory_space<vmem>> -> memref<128x128xf32, #tpu.memory_space<vmem>>
      %dma_wait3A_128 = arith.constant 0 : i32
      %dma_wait3A_129 = arith.constant 0 : i32
      %dma_wait3A_130 = tpu.memref_slice %dma_wait3A_127[%dma_wait3A_128, %dma_wait3A_129] : memref<128x128xf32, #tpu.memory_space<vmem>> -> memref<128x128xf32, #tpu.memory_space<vmem>>
      %dma_wait3A_131 = arith.constant 0 : i32
      %dma_wait3A_132 = tpu.memref_slice %arg8[%add3A_10, %dma_wait3A_131] : memref<10112x128xf32, #tpu.memory_space<vmem_shared>> -> memref<128x128xf32, #tpu.memory_space<vmem_shared>>
      %dma_wait3A_133 = arith.constant 0 : i32
      %dma_wait3A_134 = tpu.memref_slice %arg8[%add3A_10, %dma_wait3A_133] : memref<10112x128xf32, #tpu.memory_space<vmem_shared>> -> memref<128x128xf32, #tpu.memory_space<vmem_shared>>
      %dma_wait3A_135 = arith.constant 0 : i32
      %dma_wait3A_136 = arith.constant 0 : i32
      %dma_wait3A_137 = tpu.memref_slice %arg7[%run_scoped3A_11, %dma_wait3A_135, %dma_wait3A_136] : memref<2x128x128xf32, #tpu.memory_space<vmem>> -> memref<1x128x128xf32, #tpu.memory_space<vmem>>
      %dma_wait3A_138 = tpu.memref_squeeze %dma_wait3A_137 : memref<1x128x128xf32, #tpu.memory_space<vmem>> -> memref<128x128xf32, #tpu.memory_space<vmem>>
      %dma_wait3A_139 = arith.constant 0 : i32
      %dma_wait3A_140 = arith.constant 0 : i32
      %dma_wait3A_141 = tpu.memref_slice %dma_wait3A_138[%dma_wait3A_139, %dma_wait3A_140] : memref<128x128xf32, #tpu.memory_space<vmem>> -> memref<128x128xf32, #tpu.memory_space<vmem>>
      tpu.wait_dma2 semaphore(%run_scoped3A_105 : memref<!tpu.dma_semaphore, #tpu.memory_space<semaphore_mem>>) src(%dma_wait3A_141 : memref<128x128xf32, #tpu.memory_space<vmem>>) dst(%dma_wait3A_134 : memref<128x128xf32, #tpu.memory_space<vmem_shared>>)
      tpu.yield
    }) : () -> ()
    %add3A_12 = arith.constant 512 : i32
    %add3A_13 = arith.addi %mul3A_0, %add3A_12 : i32
    %run_scoped3A_14 = arith.constant 0 : i32
    "tpu.region"() ({
      %run_scoped3A_105 = tpu.sem_alloc : memref<!tpu.dma_semaphore, #tpu.memory_space<semaphore_mem>>
      %dma_start3A_106 = arith.constant 0 : i32
      %dma_start3A_107 = arith.constant 0 : i32
      %dma_start3A_108 = tpu.memref_slice %arg7[%run_scoped3A_14, %dma_start3A_106, %dma_start3A_107] : memref<2x128x128xf32, #tpu.memory_space<vmem>> -> memref<1x128x128xf32, #tpu.memory_space<vmem>>
      %dma_start3A_109 = tpu.memref_squeeze %dma_start3A_108 : memref<1x128x128xf32, #tpu.memory_space<vmem>> -> memref<128x128xf32, #tpu.memory_space<vmem>>
      %dma_start3A_110 = arith.constant 0 : i32
      %dma_start3A_111 = arith.constant 0 : i32
      %dma_start3A_112 = tpu.memref_slice %dma_start3A_109[%dma_start3A_110, %dma_start3A_111] : memref<128x128xf32, #tpu.memory_space<vmem>> -> memref<120x128xf32, #tpu.memory_space<vmem>>
      %dma_start3A_113 = arith.constant 0 : i32
      %dma_start3A_114 = tpu.memref_slice %arg8[%add3A_13, %dma_start3A_113] : memref<10112x128xf32, #tpu.memory_space<vmem_shared>> -> memref<120x128xf32, #tpu.memory_space<vmem_shared>>
      %dma_start3A_115 = arith.constant 0 : i32
      %dma_start3A_116 = tpu.memref_slice %arg8[%add3A_13, %dma_start3A_115] : memref<10112x128xf32, #tpu.memory_space<vmem_shared>> -> memref<120x128xf32, #tpu.memory_space<vmem_shared>>
      %dma_start3A_117 = arith.constant 0 : i32
      %dma_start3A_118 = arith.constant 0 : i32
      %dma_start3A_119 = tpu.memref_slice %arg7[%run_scoped3A_14, %dma_start3A_117, %dma_start3A_118] : memref<2x128x128xf32, #tpu.memory_space<vmem>> -> memref<1x128x128xf32, #tpu.memory_space<vmem>>
      %dma_start3A_120 = tpu.memref_squeeze %dma_start3A_119 : memref<1x128x128xf32, #tpu.memory_space<vmem>> -> memref<128x128xf32, #tpu.memory_space<vmem>>
      %dma_start3A_121 = arith.constant 0 : i32
      %dma_start3A_122 = arith.constant 0 : i32
      %dma_start3A_123 = tpu.memref_slice %dma_start3A_120[%dma_start3A_121, %dma_start3A_122] : memref<128x128xf32, #tpu.memory_space<vmem>> -> memref<120x128xf32, #tpu.memory_space<vmem>>
      tpu.enqueue_dma source(%dma_start3A_123 : memref<120x128xf32, #tpu.memory_space<vmem>>) target(%dma_start3A_116 : memref<120x128xf32, #tpu.memory_space<vmem_shared>>) target_semaphore(%run_scoped3A_105 : memref<!tpu.dma_semaphore, #tpu.memory_space<semaphore_mem>>)
      %dma_wait3A_124 = arith.constant 0 : i32
      %dma_wait3A_125 = arith.constant 0 : i32
      %dma_wait3A_126 = tpu.memref_slice %arg7[%run_scoped3A_14, %dma_wait3A_124, %dma_wait3A_125] : memref<2x128x128xf32, #tpu.memory_space<vmem>> -> memref<1x128x128xf32, #tpu.memory_space<vmem>>
      %dma_wait3A_127 = tpu.memref_squeeze %dma_wait3A_126 : memref<1x128x128xf32, #tpu.memory_space<vmem>> -> memref<128x128xf32, #tpu.memory_space<vmem>>
      %dma_wait3A_128 = arith.constant 0 : i32
      %dma_wait3A_129 = arith.constant 0 : i32
      %dma_wait3A_130 = tpu.memref_slice %dma_wait3A_127[%dma_wait3A_128, %dma_wait3A_129] : memref<128x128xf32, #tpu.memory_space<vmem>> -> memref<120x128xf32, #tpu.memory_space<vmem>>
      %dma_wait3A_131 = arith.constant 0 : i32
      %dma_wait3A_132 = tpu.memref_slice %arg8[%add3A_13, %dma_wait3A_131] : memref<10112x128xf32, #tpu.memory_space<vmem_shared>> -> memref<120x128xf32, #tpu.memory_space<vmem_shared>>
      %dma_wait3A_133 = arith.constant 0 : i32
      %dma_wait3A_134 = tpu.memref_slice %arg8[%add3A_13, %dma_wait3A_133] : memref<10112x128xf32, #tpu.memory_space<vmem_shared>> -> memref<120x128xf32, #tpu.memory_space<vmem_shared>>
      %dma_wait3A_135 = arith.constant 0 : i32
      %dma_wait3A_136 = arith.constant 0 : i32
      %dma_wait3A_137 = tpu.memref_slice %arg7[%run_scoped3A_14, %dma_wait3A_135, %dma_wait3A_136] : memref<2x128x128xf32, #tpu.memory_space<vmem>> -> memref<1x128x128xf32, #tpu.memory_space<vmem>>
      %dma_wait3A_138 = tpu.memref_squeeze %dma_wait3A_137 : memref<1x128x128xf32, #tpu.memory_space<vmem>> -> memref<128x128xf32, #tpu.memory_space<vmem>>
      %dma_wait3A_139 = arith.constant 0 : i32
      %dma_wait3A_140 = arith.constant 0 : i32
      %dma_wait3A_141 = tpu.memref_slice %dma_wait3A_138[%dma_wait3A_139, %dma_wait3A_140] : memref<128x128xf32, #tpu.memory_space<vmem>> -> memref<120x128xf32, #tpu.memory_space<vmem>>
      tpu.wait_dma2 semaphore(%run_scoped3A_105 : memref<!tpu.dma_semaphore, #tpu.memory_space<semaphore_mem>>) src(%dma_wait3A_141 : memref<120x128xf32, #tpu.memory_space<vmem>>) dst(%dma_wait3A_134 : memref<120x128xf32, #tpu.memory_space<vmem_shared>>)
      tpu.yield
    }) : () -> ()
    %barrier3A = arith.constant 0 : index
    tpu.barrier barrier_id(%barrier3A)
    %mul3A_15 = arith.constant 1280 : i32
    %mul3A_16 = arith.muli %arg0, %mul3A_15 : i32
    %mul3A_17 = arith.constant 80 : i32
    %mul3A_18 = arith.muli %arg1, %mul3A_17 : i32
    %add3A_19 = arith.addi %mul3A_16, %mul3A_18 : i32
    %dma_start3A = arith.constant 0 : i32
    %dma_start3A_20 = arith.constant 0 : i32
    %dma_start3A_21 = arith.constant 0 : i32
    %dma_start3A_22 = tpu.memref_slice %arg6[%dma_start3A, %dma_start3A_20, %dma_start3A_21] : memref<4x2x128xi32, #tpu.memory_space<vmem>> -> memref<1x2x128xi32, #tpu.memory_space<vmem>>
    %dma_start3A_23 = tpu.memref_squeeze %dma_start3A_22 : memref<1x2x128xi32, #tpu.memory_space<vmem>> -> memref<2x128xi32, #tpu.memory_space<vmem>>
    %dma_start3A_24 = arith.constant 0 : i32
    %dma_start3A_25 = arith.constant 0 : i32
    %dma_start3A_26 = tpu.memref_slice %arg3[%add3A_19, %dma_start3A_24, %dma_start3A_25] : memref<2560x2x128xi32, #tpu.memory_space<hbm>> -> memref<1x2x128xi32, #tpu.memory_space<hbm>>
    %dma_start3A_27 = tpu.memref_squeeze %dma_start3A_26 : memref<1x2x128xi32, #tpu.memory_space<hbm>> -> memref<2x128xi32, #tpu.memory_space<hbm>>
    %dma_start3A_28 = arith.constant 0 : i32
    %dma_start3A_29 = arith.constant 0 : i32
    %dma_start3A_30 = tpu.memref_slice %arg6[%dma_start3A, %dma_start3A_28, %dma_start3A_29] : memref<4x2x128xi32, #tpu.memory_space<vmem>> -> memref<1x2x128xi32, #tpu.memory_space<vmem>>
    %dma_start3A_31 = tpu.memref_squeeze %dma_start3A_30 : memref<1x2x128xi32, #tpu.memory_space<vmem>> -> memref<2x128xi32, #tpu.memory_space<vmem>>
    %dma_start3A_32 = arith.constant 0 : i32
    %dma_start3A_33 = arith.constant 0 : i32
    %dma_start3A_34 = tpu.memref_slice %arg3[%add3A_19, %dma_start3A_32, %dma_start3A_33] : memref<2560x2x128xi32, #tpu.memory_space<hbm>> -> memref<1x2x128xi32, #tpu.memory_space<hbm>>
    %dma_start3A_35 = tpu.memref_squeeze %dma_start3A_34 : memref<1x2x128xi32, #tpu.memory_space<hbm>> -> memref<2x128xi32, #tpu.memory_space<hbm>>
    tpu.enqueue_dma source(%dma_start3A_35 : memref<2x128xi32, #tpu.memory_space<hbm>>) target(%dma_start3A_31 : memref<2x128xi32, #tpu.memory_space<vmem>>) target_semaphore(%arg9 : memref<!tpu.dma_semaphore, #tpu.memory_space<semaphore_mem>>)
    %add3A_36 = arith.constant 1 : i32
    %add3A_37 = arith.addi %add3A_19, %add3A_36 : i32
    %dma_start3A_38 = arith.constant 1 : i32
    %dma_start3A_39 = arith.constant 0 : i32
    %dma_start3A_40 = arith.constant 0 : i32
    %dma_start3A_41 = tpu.memref_slice %arg6[%dma_start3A_38, %dma_start3A_39, %dma_start3A_40] : memref<4x2x128xi32, #tpu.memory_space<vmem>> -> memref<1x2x128xi32, #tpu.memory_space<vmem>>
    %dma_start3A_42 = tpu.memref_squeeze %dma_start3A_41 : memref<1x2x128xi32, #tpu.memory_space<vmem>> -> memref<2x128xi32, #tpu.memory_space<vmem>>
    %dma_start3A_43 = arith.constant 0 : i32
    %dma_start3A_44 = arith.constant 0 : i32
    %dma_start3A_45 = tpu.memref_slice %arg3[%add3A_37, %dma_start3A_43, %dma_start3A_44] : memref<2560x2x128xi32, #tpu.memory_space<hbm>> -> memref<1x2x128xi32, #tpu.memory_space<hbm>>
    %dma_start3A_46 = tpu.memref_squeeze %dma_start3A_45 : memref<1x2x128xi32, #tpu.memory_space<hbm>> -> memref<2x128xi32, #tpu.memory_space<hbm>>
    %dma_start3A_47 = arith.constant 0 : i32
    %dma_start3A_48 = arith.constant 0 : i32
    %dma_start3A_49 = tpu.memref_slice %arg6[%dma_start3A_38, %dma_start3A_47, %dma_start3A_48] : memref<4x2x128xi32, #tpu.memory_space<vmem>> -> memref<1x2x128xi32, #tpu.memory_space<vmem>>
    %dma_start3A_50 = tpu.memref_squeeze %dma_start3A_49 : memref<1x2x128xi32, #tpu.memory_space<vmem>> -> memref<2x128xi32, #tpu.memory_space<vmem>>
    %dma_start3A_51 = arith.constant 0 : i32
    %dma_start3A_52 = arith.constant 0 : i32
    %dma_start3A_53 = tpu.memref_slice %arg3[%add3A_37, %dma_start3A_51, %dma_start3A_52] : memref<2560x2x128xi32, #tpu.memory_space<hbm>> -> memref<1x2x128xi32, #tpu.memory_space<hbm>>
    %dma_start3A_54 = tpu.memref_squeeze %dma_start3A_53 : memref<1x2x128xi32, #tpu.memory_space<hbm>> -> memref<2x128xi32, #tpu.memory_space<hbm>>
    tpu.enqueue_dma source(%dma_start3A_54 : memref<2x128xi32, #tpu.memory_space<hbm>>) target(%dma_start3A_50 : memref<2x128xi32, #tpu.memory_space<vmem>>) target_semaphore(%arg10 : memref<!tpu.dma_semaphore, #tpu.memory_space<semaphore_mem>>)
    %dma_wait3A = arith.constant 0 : i32
    %dma_wait3A_55 = arith.constant 0 : i32
    %dma_wait3A_56 = arith.constant 0 : i32
    %dma_wait3A_57 = arith.constant 0 : i32
    %dma_wait3A_58 = tpu.memref_slice %arg6[%dma_wait3A_55, %dma_wait3A_56, %dma_wait3A_57] : memref<4x2x128xi32, #tpu.memory_space<vmem>> -> memref<1x2x128xi32, #tpu.memory_space<vmem>>
    %dma_wait3A_59 = tpu.memref_squeeze %dma_wait3A_58 : memref<1x2x128xi32, #tpu.memory_space<vmem>> -> memref<2x128xi32, #tpu.memory_space<vmem>>
    %dma_wait3A_60 = arith.constant 0 : i32
    %dma_wait3A_61 = arith.constant 0 : i32
    %dma_wait3A_62 = tpu.memref_slice %arg3[%dma_wait3A, %dma_wait3A_60, %dma_wait3A_61] : memref<2560x2x128xi32, #tpu.memory_space<hbm>> -> memref<1x2x128xi32, #tpu.memory_space<hbm>>
    %dma_wait3A_63 = tpu.memref_squeeze %dma_wait3A_62 : memref<1x2x128xi32, #tpu.memory_space<hbm>> -> memref<2x128xi32, #tpu.memory_space<hbm>>
    %dma_wait3A_64 = arith.constant 0 : i32
    %dma_wait3A_65 = arith.constant 0 : i32
    %dma_wait3A_66 = tpu.memref_slice %arg6[%dma_wait3A_55, %dma_wait3A_64, %dma_wait3A_65] : memref<4x2x128xi32, #tpu.memory_space<vmem>> -> memref<1x2x128xi32, #tpu.memory_space<vmem>>
    %dma_wait3A_67 = tpu.memref_squeeze %dma_wait3A_66 : memref<1x2x128xi32, #tpu.memory_space<vmem>> -> memref<2x128xi32, #tpu.memory_space<vmem>>
    %dma_wait3A_68 = arith.constant 0 : i32
    %dma_wait3A_69 = arith.constant 0 : i32
    %dma_wait3A_70 = tpu.memref_slice %arg3[%dma_wait3A, %dma_wait3A_68, %dma_wait3A_69] : memref<2560x2x128xi32, #tpu.memory_space<hbm>> -> memref<1x2x128xi32, #tpu.memory_space<hbm>>
    %dma_wait3A_71 = tpu.memref_squeeze %dma_wait3A_70 : memref<1x2x128xi32, #tpu.memory_space<hbm>> -> memref<2x128xi32, #tpu.memory_space<hbm>>
    tpu.wait_dma2 semaphore(%arg9 : memref<!tpu.dma_semaphore, #tpu.memory_space<semaphore_mem>>) src(%dma_wait3A_71 : memref<2x128xi32, #tpu.memory_space<hbm>>) dst(%dma_wait3A_67 : memref<2x128xi32, #tpu.memory_space<vmem>>)
    %dma_start3A_72 = arith.constant 0 : i32
    %dma_start3A_73 = arith.constant 0 : i32
    %dma_start3A_74 = arith.constant 0 : i32
    %dma_start3A_75 = arith.constant 0 : i32
    %dma_start3A_76 = arith.constant 0 : i32
    %dma_start3A_77 = tpu.memref_slice %arg7[%dma_start3A_74, %dma_start3A_75, %dma_start3A_76] : memref<2x128x128xf32, #tpu.memory_space<vmem>> -> memref<1x128x128xf32, #tpu.memory_space<vmem>>
    %dma_start3A_78 = tpu.memref_squeeze %dma_start3A_77 : memref<1x128x128xf32, #tpu.memory_space<vmem>> -> memref<128x128xf32, #tpu.memory_space<vmem>>
    %dma_start3A_79 = arith.constant 0 : i32
    %dma_start3A_80 = tpu.memref_slice %arg6[%dma_start3A_72, %dma_start3A_73, %dma_start3A_79] : memref<4x2x128xi32, #tpu.memory_space<vmem>> -> memref<1x1x128xi32, #tpu.memory_space<vmem>>
    %dma_start3A_81 = tpu.memref_squeeze %dma_start3A_80 : memref<1x1x128xi32, #tpu.memory_space<vmem>> -> memref<128xi32, #tpu.memory_space<vmem>>
    %dma_start3A_82 = arith.constant 0 : i32
    %dma_start3A_83 = arith.constant 0 : i32
    %dma_start3A_84 = tpu.memref_slice %arg2[%dma_start3A_82, %dma_start3A_83] : memref<10000x128xf32, #tpu.memory_space<hbm>> -> memref<10000x128xf32, #tpu.memory_space<hbm>>
    tpu.enqueue_indirect_dma source(%dma_start3A_84 : memref<10000x128xf32, #tpu.memory_space<hbm>>) target(%dma_start3A_78 : memref<128x128xf32, #tpu.memory_space<vmem>>) offsets(%dma_start3A_81 : memref<128xi32, #tpu.memory_space<vmem>>) semaphore(%arg11 : memref<!tpu.dma_semaphore, #tpu.memory_space<semaphore_mem>>)
    %scan3A = arith.constant 0 : i32
    %scan3A_85 = arith.constant 20 : i32
    %scan3A_86 = arith.addi %scan3A, %scan3A_85 : i32
    %scan3A_87 = arith.constant 1 : i32
    scf.for %scan3A_105 = %scan3A to %scan3A_86 step %scan3A_87  : i32 {
      %mul3A_106 = arith.constant 1 : i32
      %mul3A_107 = arith.muli %scan3A_105, %mul3A_106 : i32
      %add3A_108 = arith.constant 0 : i32
      %add3A_109 = arith.addi %add3A_108, %mul3A_107 : i32
      %mul3A_110 = arith.constant 4 : i32
      %mul3A_111 = arith.muli %add3A_109, %mul3A_110 : i32
      %add3A_112 = arith.constant 0 : i32
      %add3A_113 = arith.addi %mul3A_111, %add3A_112 : i32
      %dma_wait3A_114 = arith.constant 0 : i32
      %dma_wait3A_115 = arith.constant 0 : i32
      %dma_wait3A_116 = arith.constant 0 : i32
      %dma_wait3A_117 = tpu.memref_slice %arg7[%dma_wait3A_114, %dma_wait3A_115, %dma_wait3A_116] : memref<2x128x128xf32, #tpu.memory_space<vmem>> -> memref<1x128x128xf32, #tpu.memory_space<vmem>>
      %dma_wait3A_118 = tpu.memref_squeeze %dma_wait3A_117 : memref<1x128x128xf32, #tpu.memory_space<vmem>> -> memref<128x128xf32, #tpu.memory_space<vmem>>
      %dma_wait3A_119 = arith.constant 0 : i32
      %dma_wait3A_120 = arith.constant 0 : i32
      %dma_wait3A_121 = tpu.memref_slice %arg2[%dma_wait3A_119, %dma_wait3A_120] : memref<10000x128xf32, #tpu.memory_space<hbm>> -> memref<128x128xf32, #tpu.memory_space<hbm>>
      %dma_wait3A_122 = arith.constant 0 : i32
      %dma_wait3A_123 = arith.constant 0 : i32
      %dma_wait3A_124 = tpu.memref_slice %arg7[%dma_wait3A_114, %dma_wait3A_122, %dma_wait3A_123] : memref<2x128x128xf32, #tpu.memory_space<vmem>> -> memref<1x128x128xf32, #tpu.memory_space<vmem>>
      %dma_wait3A_125 = tpu.memref_squeeze %dma_wait3A_124 : memref<1x128x128xf32, #tpu.memory_space<vmem>> -> memref<128x128xf32, #tpu.memory_space<vmem>>
      %dma_wait3A_126 = arith.constant 0 : i32
      %dma_wait3A_127 = arith.constant 0 : i32
      %dma_wait3A_128 = tpu.memref_slice %arg2[%dma_wait3A_126, %dma_wait3A_127] : memref<10000x128xf32, #tpu.memory_space<hbm>> -> memref<128x128xf32, #tpu.memory_space<hbm>>
      tpu.wait_dma2 semaphore(%arg11 : memref<!tpu.dma_semaphore, #tpu.memory_space<semaphore_mem>>) src(%dma_wait3A_128 : memref<128x128xf32, #tpu.memory_space<hbm>>) dst(%dma_wait3A_125 : memref<128x128xf32, #tpu.memory_space<vmem>>)
      %gt3A = arith.constant 0 : i32
      %gt3A_129 = arith.cmpi sgt, %add3A_113, %gt3A : i32
      %convert_element_type3A = arith.extui %gt3A_129 : i1 to i32
      %cond3A = arith.constant 0 : i32
      %cond3A_130 = arith.cmpi ne, %convert_element_type3A, %cond3A : i32
      scf.if %cond3A_130 {
        %dma_wait3A_310 = arith.constant 1 : i32
        %dma_wait3A_311 = arith.constant 0 : i32
        %dma_wait3A_312 = arith.constant 0 : i32
        %dma_wait3A_313 = tpu.memref_slice %arg7[%dma_wait3A_310, %dma_wait3A_311, %dma_wait3A_312] : memref<2x128x128xf32, #tpu.memory_space<vmem>> -> memref<1x128x128xf32, #tpu.memory_space<vmem>>
        %dma_wait3A_314 = tpu.memref_squeeze %dma_wait3A_313 : memref<1x128x128xf32, #tpu.memory_space<vmem>> -> memref<128x128xf32, #tpu.memory_space<vmem>>
        %dma_wait3A_315 = arith.constant 0 : i32
        %dma_wait3A_316 = arith.constant 0 : i32
        %dma_wait3A_317 = tpu.memref_slice %arg8[%dma_wait3A_315, %dma_wait3A_316] : memref<10112x128xf32, #tpu.memory_space<vmem_shared>> -> memref<128x128xf32, #tpu.memory_space<vmem_shared>>
        %dma_wait3A_318 = arith.constant 0 : i32
        %dma_wait3A_319 = arith.constant 0 : i32
        %dma_wait3A_320 = tpu.memref_slice %arg8[%dma_wait3A_318, %dma_wait3A_319] : memref<10112x128xf32, #tpu.memory_space<vmem_shared>> -> memref<128x128xf32, #tpu.memory_space<vmem_shared>>
        %dma_wait3A_321 = arith.constant 0 : i32
        %dma_wait3A_322 = arith.constant 0 : i32
        %dma_wait3A_323 = tpu.memref_slice %arg7[%dma_wait3A_310, %dma_wait3A_321, %dma_wait3A_322] : memref<2x128x128xf32, #tpu.memory_space<vmem>> -> memref<1x128x128xf32, #tpu.memory_space<vmem>>
        %dma_wait3A_324 = tpu.memref_squeeze %dma_wait3A_323 : memref<1x128x128xf32, #tpu.memory_space<vmem>> -> memref<128x128xf32, #tpu.memory_space<vmem>>
        tpu.wait_dma2 semaphore(%arg13 : memref<!tpu.dma_semaphore, #tpu.memory_space<semaphore_mem>>) src(%dma_wait3A_324 : memref<128x128xf32, #tpu.memory_space<vmem>>) dst(%dma_wait3A_320 : memref<128x128xf32, #tpu.memory_space<vmem_shared>>)
      } else {
      }
      %add3A_131 = arith.constant 2 : i32
      %add3A_132 = arith.addi %add3A_113, %add3A_131 : i32
      %lt3A = arith.constant 80 : i32
      %lt3A_133 = arith.cmpi slt, %add3A_132, %lt3A : i32
      %convert_element_type3A_134 = arith.extui %lt3A_133 : i1 to i32
      %cond3A_135 = arith.constant 0 : i32
      %cond3A_136 = arith.cmpi ne, %convert_element_type3A_134, %cond3A_135 : i32
      scf.if %cond3A_136 {
        %add3A_310 = arith.addi %add3A_19, %add3A_113 : i32
        %add3A_311 = arith.constant 2 : i32
        %add3A_312 = arith.addi %add3A_310, %add3A_311 : i32
        %dma_start3A_313 = arith.constant 2 : i32
        %dma_start3A_314 = arith.constant 0 : i32
        %dma_start3A_315 = arith.constant 0 : i32
        %dma_start3A_316 = tpu.memref_slice %arg6[%dma_start3A_313, %dma_start3A_314, %dma_start3A_315] : memref<4x2x128xi32, #tpu.memory_space<vmem>> -> memref<1x2x128xi32, #tpu.memory_space<vmem>>
        %dma_start3A_317 = tpu.memref_squeeze %dma_start3A_316 : memref<1x2x128xi32, #tpu.memory_space<vmem>> -> memref<2x128xi32, #tpu.memory_space<vmem>>
        %dma_start3A_318 = arith.constant 0 : i32
        %dma_start3A_319 = arith.constant 0 : i32
        %dma_start3A_320 = tpu.memref_slice %arg3[%add3A_312, %dma_start3A_318, %dma_start3A_319] : memref<2560x2x128xi32, #tpu.memory_space<hbm>> -> memref<1x2x128xi32, #tpu.memory_space<hbm>>
        %dma_start3A_321 = tpu.memref_squeeze %dma_start3A_320 : memref<1x2x128xi32, #tpu.memory_space<hbm>> -> memref<2x128xi32, #tpu.memory_space<hbm>>
        %dma_start3A_322 = arith.constant 0 : i32
        %dma_start3A_323 = arith.constant 0 : i32
        %dma_start3A_324 = tpu.memref_slice %arg6[%dma_start3A_313, %dma_start3A_322, %dma_start3A_323] : memref<4x2x128xi32, #tpu.memory_space<vmem>> -> memref<1x2x128xi32, #tpu.memory_space<vmem>>
        %dma_start3A_325 = tpu.memref_squeeze %dma_start3A_324 : memref<1x2x128xi32, #tpu.memory_space<vmem>> -> memref<2x128xi32, #tpu.memory_space<vmem>>
        %dma_start3A_326 = arith.constant 0 : i32
        %dma_start3A_327 = arith.constant 0 : i32
        %dma_start3A_328 = tpu.memref_slice %arg3[%add3A_312, %dma_start3A_326, %dma_start3A_327] : memref<2560x2x128xi32, #tpu.memory_space<hbm>> -> memref<1x2x128xi32, #tpu.memory_space<hbm>>
        %dma_start3A_329 = tpu.memref_squeeze %dma_start3A_328 : memref<1x2x128xi32, #tpu.memory_space<hbm>> -> memref<2x128xi32, #tpu.memory_space<hbm>>
        tpu.enqueue_dma source(%dma_start3A_329 : memref<2x128xi32, #tpu.memory_space<hbm>>) target(%dma_start3A_325 : memref<2x128xi32, #tpu.memory_space<vmem>>) target_semaphore(%arg9 : memref<!tpu.dma_semaphore, #tpu.memory_space<semaphore_mem>>)
      } else {
      }
      %add3A_137 = arith.constant 1 : i32
      %add3A_138 = arith.addi %add3A_113, %add3A_137 : i32
      %lt3A_139 = arith.constant 80 : i32
      %lt3A_140 = arith.cmpi slt, %add3A_138, %lt3A_139 : i32
      %convert_element_type3A_141 = arith.extui %lt3A_140 : i1 to i32
      %cond3A_142 = arith.constant 0 : i32
      %cond3A_143 = arith.cmpi ne, %convert_element_type3A_141, %cond3A_142 : i32
      scf.if %cond3A_143 {
        %dma_wait3A_310 = arith.constant 0 : i32
        %dma_wait3A_311 = arith.constant 1 : i32
        %dma_wait3A_312 = arith.constant 0 : i32
        %dma_wait3A_313 = arith.constant 0 : i32
        %dma_wait3A_314 = tpu.memref_slice %arg6[%dma_wait3A_311, %dma_wait3A_312, %dma_wait3A_313] : memref<4x2x128xi32, #tpu.memory_space<vmem>> -> memref<1x2x128xi32, #tpu.memory_space<vmem>>
        %dma_wait3A_315 = tpu.memref_squeeze %dma_wait3A_314 : memref<1x2x128xi32, #tpu.memory_space<vmem>> -> memref<2x128xi32, #tpu.memory_space<vmem>>
        %dma_wait3A_316 = arith.constant 0 : i32
        %dma_wait3A_317 = arith.constant 0 : i32
        %dma_wait3A_318 = tpu.memref_slice %arg3[%dma_wait3A_310, %dma_wait3A_316, %dma_wait3A_317] : memref<2560x2x128xi32, #tpu.memory_space<hbm>> -> memref<1x2x128xi32, #tpu.memory_space<hbm>>
        %dma_wait3A_319 = tpu.memref_squeeze %dma_wait3A_318 : memref<1x2x128xi32, #tpu.memory_space<hbm>> -> memref<2x128xi32, #tpu.memory_space<hbm>>
        %dma_wait3A_320 = arith.constant 0 : i32
        %dma_wait3A_321 = arith.constant 0 : i32
        %dma_wait3A_322 = tpu.memref_slice %arg6[%dma_wait3A_311, %dma_wait3A_320, %dma_wait3A_321] : memref<4x2x128xi32, #tpu.memory_space<vmem>> -> memref<1x2x128xi32, #tpu.memory_space<vmem>>
        %dma_wait3A_323 = tpu.memref_squeeze %dma_wait3A_322 : memref<1x2x128xi32, #tpu.memory_space<vmem>> -> memref<2x128xi32, #tpu.memory_space<vmem>>
        %dma_wait3A_324 = arith.constant 0 : i32
        %dma_wait3A_325 = arith.constant 0 : i32
        %dma_wait3A_326 = tpu.memref_slice %arg3[%dma_wait3A_310, %dma_wait3A_324, %dma_wait3A_325] : memref<2560x2x128xi32, #tpu.memory_space<hbm>> -> memref<1x2x128xi32, #tpu.memory_space<hbm>>
        %dma_wait3A_327 = tpu.memref_squeeze %dma_wait3A_326 : memref<1x2x128xi32, #tpu.memory_space<hbm>> -> memref<2x128xi32, #tpu.memory_space<hbm>>
        tpu.wait_dma2 semaphore(%arg10 : memref<!tpu.dma_semaphore, #tpu.memory_space<semaphore_mem>>) src(%dma_wait3A_327 : memref<2x128xi32, #tpu.memory_space<hbm>>) dst(%dma_wait3A_323 : memref<2x128xi32, #tpu.memory_space<vmem>>)
        %dma_start3A_328 = arith.constant 1 : i32
        %dma_start3A_329 = arith.constant 0 : i32
        %dma_start3A_330 = arith.constant 1 : i32
        %dma_start3A_331 = arith.constant 0 : i32
        %dma_start3A_332 = arith.constant 0 : i32
        %dma_start3A_333 = tpu.memref_slice %arg7[%dma_start3A_330, %dma_start3A_331, %dma_start3A_332] : memref<2x128x128xf32, #tpu.memory_space<vmem>> -> memref<1x128x128xf32, #tpu.memory_space<vmem>>
        %dma_start3A_334 = tpu.memref_squeeze %dma_start3A_333 : memref<1x128x128xf32, #tpu.memory_space<vmem>> -> memref<128x128xf32, #tpu.memory_space<vmem>>
        %dma_start3A_335 = arith.constant 0 : i32
        %dma_start3A_336 = tpu.memref_slice %arg6[%dma_start3A_328, %dma_start3A_329, %dma_start3A_335] : memref<4x2x128xi32, #tpu.memory_space<vmem>> -> memref<1x1x128xi32, #tpu.memory_space<vmem>>
        %dma_start3A_337 = tpu.memref_squeeze %dma_start3A_336 : memref<1x1x128xi32, #tpu.memory_space<vmem>> -> memref<128xi32, #tpu.memory_space<vmem>>
        %dma_start3A_338 = arith.constant 0 : i32
        %dma_start3A_339 = arith.constant 0 : i32
        %dma_start3A_340 = tpu.memref_slice %arg2[%dma_start3A_338, %dma_start3A_339] : memref<10000x128xf32, #tpu.memory_space<hbm>> -> memref<10000x128xf32, #tpu.memory_space<hbm>>
        tpu.enqueue_indirect_dma source(%dma_start3A_340 : memref<10000x128xf32, #tpu.memory_space<hbm>>) target(%dma_start3A_334 : memref<128x128xf32, #tpu.memory_space<vmem>>) offsets(%dma_start3A_337 : memref<128xi32, #tpu.memory_space<vmem>>) semaphore(%arg11 : memref<!tpu.dma_semaphore, #tpu.memory_space<semaphore_mem>>)
      } else {
      }
      %dma_start3A_144 = arith.constant 0 : i32
      %dma_start3A_145 = arith.constant 0 : i32
      %dma_start3A_146 = arith.constant 1 : i32
      %dma_start3A_147 = arith.constant 0 : i32
      %dma_start3A_148 = arith.constant 0 : i32
      %dma_start3A_149 = tpu.memref_slice %arg7[%dma_start3A_144, %dma_start3A_147, %dma_start3A_148] : memref<2x128x128xf32, #tpu.memory_space<vmem>> -> memref<1x128x128xf32, #tpu.memory_space<vmem>>
      %dma_start3A_150 = tpu.memref_squeeze %dma_start3A_149 : memref<1x128x128xf32, #tpu.memory_space<vmem>> -> memref<128x128xf32, #tpu.memory_space<vmem>>
      %dma_start3A_151 = arith.constant 0 : i32
      %dma_start3A_152 = tpu.memref_slice %arg6[%dma_start3A_145, %dma_start3A_146, %dma_start3A_151] : memref<4x2x128xi32, #tpu.memory_space<vmem>> -> memref<1x1x128xi32, #tpu.memory_space<vmem>>
      %dma_start3A_153 = tpu.memref_squeeze %dma_start3A_152 : memref<1x1x128xi32, #tpu.memory_space<vmem>> -> memref<128xi32, #tpu.memory_space<vmem>>
      %dma_start3A_154 = arith.constant 0 : i32
      %dma_start3A_155 = arith.constant 0 : i32
      %dma_start3A_156 = tpu.memref_slice %arg8[%dma_start3A_154, %dma_start3A_155] : memref<10112x128xf32, #tpu.memory_space<vmem_shared>> -> memref<10112x128xf32, #tpu.memory_space<vmem_shared>>
      tpu.enqueue_indirect_dma source(%dma_start3A_150 : memref<128x128xf32, #tpu.memory_space<vmem>>) target(%dma_start3A_156 : memref<10112x128xf32, #tpu.memory_space<vmem_shared>>) offsets(%dma_start3A_153 : memref<128xi32, #tpu.memory_space<vmem>>) semaphore(%arg12 : memref<!tpu.dma_semaphore, #tpu.memory_space<semaphore_mem>>) {add = true}
      %mul3A_157 = arith.constant 4 : i32
      %mul3A_158 = arith.muli %add3A_109, %mul3A_157 : i32
      %add3A_159 = arith.constant 1 : i32
      %add3A_160 = arith.addi %mul3A_158, %add3A_159 : i32
      %dma_wait3A_161 = arith.constant 1 : i32
      %dma_wait3A_162 = arith.constant 0 : i32
      %dma_wait3A_163 = arith.constant 0 : i32
      %dma_wait3A_164 = tpu.memref_slice %arg7[%dma_wait3A_161, %dma_wait3A_162, %dma_wait3A_163] : memref<2x128x128xf32, #tpu.memory_space<vmem>> -> memref<1x128x128xf32, #tpu.memory_space<vmem>>
      %dma_wait3A_165 = tpu.memref_squeeze %dma_wait3A_164 : memref<1x128x128xf32, #tpu.memory_space<vmem>> -> memref<128x128xf32, #tpu.memory_space<vmem>>
      %dma_wait3A_166 = arith.constant 0 : i32
      %dma_wait3A_167 = arith.constant 0 : i32
      %dma_wait3A_168 = tpu.memref_slice %arg2[%dma_wait3A_166, %dma_wait3A_167] : memref<10000x128xf32, #tpu.memory_space<hbm>> -> memref<128x128xf32, #tpu.memory_space<hbm>>
      %dma_wait3A_169 = arith.constant 0 : i32
      %dma_wait3A_170 = arith.constant 0 : i32
      %dma_wait3A_171 = tpu.memref_slice %arg7[%dma_wait3A_161, %dma_wait3A_169, %dma_wait3A_170] : memref<2x128x128xf32, #tpu.memory_space<vmem>> -> memref<1x128x128xf32, #tpu.memory_space<vmem>>
      %dma_wait3A_172 = tpu.memref_squeeze %dma_wait3A_171 : memref<1x128x128xf32, #tpu.memory_space<vmem>> -> memref<128x128xf32, #tpu.memory_space<vmem>>
      %dma_wait3A_173 = arith.constant 0 : i32
      %dma_wait3A_174 = arith.constant 0 : i32
      %dma_wait3A_175 = tpu.memref_slice %arg2[%dma_wait3A_173, %dma_wait3A_174] : memref<10000x128xf32, #tpu.memory_space<hbm>> -> memref<128x128xf32, #tpu.memory_space<hbm>>
      tpu.wait_dma2 semaphore(%arg11 : memref<!tpu.dma_semaphore, #tpu.memory_space<semaphore_mem>>) src(%dma_wait3A_175 : memref<128x128xf32, #tpu.memory_space<hbm>>) dst(%dma_wait3A_172 : memref<128x128xf32, #tpu.memory_space<vmem>>)
      %gt3A_176 = arith.constant 0 : i32
      %gt3A_177 = arith.cmpi sgt, %add3A_160, %gt3A_176 : i32
      %convert_element_type3A_178 = arith.extui %gt3A_177 : i1 to i32
      %cond3A_179 = arith.constant 0 : i32
      %cond3A_180 = arith.cmpi ne, %convert_element_type3A_178, %cond3A_179 : i32
      scf.if %cond3A_180 {
        %dma_wait3A_310 = arith.constant 0 : i32
        %dma_wait3A_311 = arith.constant 0 : i32
        %dma_wait3A_312 = arith.constant 0 : i32
        %dma_wait3A_313 = tpu.memref_slice %arg7[%dma_wait3A_310, %dma_wait3A_311, %dma_wait3A_312] : memref<2x128x128xf32, #tpu.memory_space<vmem>> -> memref<1x128x128xf32, #tpu.memory_space<vmem>>
        %dma_wait3A_314 = tpu.memref_squeeze %dma_wait3A_313 : memref<1x128x128xf32, #tpu.memory_space<vmem>> -> memref<128x128xf32, #tpu.memory_space<vmem>>
        %dma_wait3A_315 = arith.constant 0 : i32
        %dma_wait3A_316 = arith.constant 0 : i32
        %dma_wait3A_317 = tpu.memref_slice %arg8[%dma_wait3A_315, %dma_wait3A_316] : memref<10112x128xf32, #tpu.memory_space<vmem_shared>> -> memref<128x128xf32, #tpu.memory_space<vmem_shared>>
        %dma_wait3A_318 = arith.constant 0 : i32
        %dma_wait3A_319 = arith.constant 0 : i32
        %dma_wait3A_320 = tpu.memref_slice %arg8[%dma_wait3A_318, %dma_wait3A_319] : memref<10112x128xf32, #tpu.memory_space<vmem_shared>> -> memref<128x128xf32, #tpu.memory_space<vmem_shared>>
        %dma_wait3A_321 = arith.constant 0 : i32
        %dma_wait3A_322 = arith.constant 0 : i32
        %dma_wait3A_323 = tpu.memref_slice %arg7[%dma_wait3A_310, %dma_wait3A_321, %dma_wait3A_322] : memref<2x128x128xf32, #tpu.memory_space<vmem>> -> memref<1x128x128xf32, #tpu.memory_space<vmem>>
        %dma_wait3A_324 = tpu.memref_squeeze %dma_wait3A_323 : memref<1x128x128xf32, #tpu.memory_space<vmem>> -> memref<128x128xf32, #tpu.memory_space<vmem>>
        tpu.wait_dma2 semaphore(%arg12 : memref<!tpu.dma_semaphore, #tpu.memory_space<semaphore_mem>>) src(%dma_wait3A_324 : memref<128x128xf32, #tpu.memory_space<vmem>>) dst(%dma_wait3A_320 : memref<128x128xf32, #tpu.memory_space<vmem_shared>>)
      } else {
      }
      %add3A_181 = arith.constant 2 : i32
      %add3A_182 = arith.addi %add3A_160, %add3A_181 : i32
      %lt3A_183 = arith.constant 80 : i32
      %lt3A_184 = arith.cmpi slt, %add3A_182, %lt3A_183 : i32
      %convert_element_type3A_185 = arith.extui %lt3A_184 : i1 to i32
      %cond3A_186 = arith.constant 0 : i32
      %cond3A_187 = arith.cmpi ne, %convert_element_type3A_185, %cond3A_186 : i32
      scf.if %cond3A_187 {
        %add3A_310 = arith.addi %add3A_19, %add3A_160 : i32
        %add3A_311 = arith.constant 2 : i32
        %add3A_312 = arith.addi %add3A_310, %add3A_311 : i32
        %dma_start3A_313 = arith.constant 3 : i32
        %dma_start3A_314 = arith.constant 0 : i32
        %dma_start3A_315 = arith.constant 0 : i32
        %dma_start3A_316 = tpu.memref_slice %arg6[%dma_start3A_313, %dma_start3A_314, %dma_start3A_315] : memref<4x2x128xi32, #tpu.memory_space<vmem>> -> memref<1x2x128xi32, #tpu.memory_space<vmem>>
        %dma_start3A_317 = tpu.memref_squeeze %dma_start3A_316 : memref<1x2x128xi32, #tpu.memory_space<vmem>> -> memref<2x128xi32, #tpu.memory_space<vmem>>
        %dma_start3A_318 = arith.constant 0 : i32
        %dma_start3A_319 = arith.constant 0 : i32
        %dma_start3A_320 = tpu.memref_slice %arg3[%add3A_312, %dma_start3A_318, %dma_start3A_319] : memref<2560x2x128xi32, #tpu.memory_space<hbm>> -> memref<1x2x128xi32, #tpu.memory_space<hbm>>
        %dma_start3A_321 = tpu.memref_squeeze %dma_start3A_320 : memref<1x2x128xi32, #tpu.memory_space<hbm>> -> memref<2x128xi32, #tpu.memory_space<hbm>>
        %dma_start3A_322 = arith.constant 0 : i32
        %dma_start3A_323 = arith.constant 0 : i32
        %dma_start3A_324 = tpu.memref_slice %arg6[%dma_start3A_313, %dma_start3A_322, %dma_start3A_323] : memref<4x2x128xi32, #tpu.memory_space<vmem>> -> memref<1x2x128xi32, #tpu.memory_space<vmem>>
        %dma_start3A_325 = tpu.memref_squeeze %dma_start3A_324 : memref<1x2x128xi32, #tpu.memory_space<vmem>> -> memref<2x128xi32, #tpu.memory_space<vmem>>
        %dma_start3A_326 = arith.constant 0 : i32
        %dma_start3A_327 = arith.constant 0 : i32
        %dma_start3A_328 = tpu.memref_slice %arg3[%add3A_312, %dma_start3A_326, %dma_start3A_327] : memref<2560x2x128xi32, #tpu.memory_space<hbm>> -> memref<1x2x128xi32, #tpu.memory_space<hbm>>
        %dma_start3A_329 = tpu.memref_squeeze %dma_start3A_328 : memref<1x2x128xi32, #tpu.memory_space<hbm>> -> memref<2x128xi32, #tpu.memory_space<hbm>>
        tpu.enqueue_dma source(%dma_start3A_329 : memref<2x128xi32, #tpu.memory_space<hbm>>) target(%dma_start3A_325 : memref<2x128xi32, #tpu.memory_space<vmem>>) target_semaphore(%arg10 : memref<!tpu.dma_semaphore, #tpu.memory_space<semaphore_mem>>)
      } else {
      }
      %add3A_188 = arith.constant 1 : i32
      %add3A_189 = arith.addi %add3A_160, %add3A_188 : i32
      %lt3A_190 = arith.constant 80 : i32
      %lt3A_191 = arith.cmpi slt, %add3A_189, %lt3A_190 : i32
      %convert_element_type3A_192 = arith.extui %lt3A_191 : i1 to i32
      %cond3A_193 = arith.constant 0 : i32
      %cond3A_194 = arith.cmpi ne, %convert_element_type3A_192, %cond3A_193 : i32
      scf.if %cond3A_194 {
        %dma_wait3A_310 = arith.constant 0 : i32
        %dma_wait3A_311 = arith.constant 2 : i32
        %dma_wait3A_312 = arith.constant 0 : i32
        %dma_wait3A_313 = arith.constant 0 : i32
        %dma_wait3A_314 = tpu.memref_slice %arg6[%dma_wait3A_311, %dma_wait3A_312, %dma_wait3A_313] : memref<4x2x128xi32, #tpu.memory_space<vmem>> -> memref<1x2x128xi32, #tpu.memory_space<vmem>>
        %dma_wait3A_315 = tpu.memref_squeeze %dma_wait3A_314 : memref<1x2x128xi32, #tpu.memory_space<vmem>> -> memref<2x128xi32, #tpu.memory_space<vmem>>
        %dma_wait3A_316 = arith.constant 0 : i32
        %dma_wait3A_317 = arith.constant 0 : i32
        %dma_wait3A_318 = tpu.memref_slice %arg3[%dma_wait3A_310, %dma_wait3A_316, %dma_wait3A_317] : memref<2560x2x128xi32, #tpu.memory_space<hbm>> -> memref<1x2x128xi32, #tpu.memory_space<hbm>>
        %dma_wait3A_319 = tpu.memref_squeeze %dma_wait3A_318 : memref<1x2x128xi32, #tpu.memory_space<hbm>> -> memref<2x128xi32, #tpu.memory_space<hbm>>
        %dma_wait3A_320 = arith.constant 0 : i32
        %dma_wait3A_321 = arith.constant 0 : i32
        %dma_wait3A_322 = tpu.memref_slice %arg6[%dma_wait3A_311, %dma_wait3A_320, %dma_wait3A_321] : memref<4x2x128xi32, #tpu.memory_space<vmem>> -> memref<1x2x128xi32, #tpu.memory_space<vmem>>
        %dma_wait3A_323 = tpu.memref_squeeze %dma_wait3A_322 : memref<1x2x128xi32, #tpu.memory_space<vmem>> -> memref<2x128xi32, #tpu.memory_space<vmem>>
        %dma_wait3A_324 = arith.constant 0 : i32
        %dma_wait3A_325 = arith.constant 0 : i32
        %dma_wait3A_326 = tpu.memref_slice %arg3[%dma_wait3A_310, %dma_wait3A_324, %dma_wait3A_325] : memref<2560x2x128xi32, #tpu.memory_space<hbm>> -> memref<1x2x128xi32, #tpu.memory_space<hbm>>
        %dma_wait3A_327 = tpu.memref_squeeze %dma_wait3A_326 : memref<1x2x128xi32, #tpu.memory_space<hbm>> -> memref<2x128xi32, #tpu.memory_space<hbm>>
        tpu.wait_dma2 semaphore(%arg9 : memref<!tpu.dma_semaphore, #tpu.memory_space<semaphore_mem>>) src(%dma_wait3A_327 : memref<2x128xi32, #tpu.memory_space<hbm>>) dst(%dma_wait3A_323 : memref<2x128xi32, #tpu.memory_space<vmem>>)
        %dma_start3A_328 = arith.constant 2 : i32
        %dma_start3A_329 = arith.constant 0 : i32
        %dma_start3A_330 = arith.constant 0 : i32
        %dma_start3A_331 = arith.constant 0 : i32
        %dma_start3A_332 = arith.constant 0 : i32
        %dma_start3A_333 = tpu.memref_slice %arg7[%dma_start3A_330, %dma_start3A_331, %dma_start3A_332] : memref<2x128x128xf32, #tpu.memory_space<vmem>> -> memref<1x128x128xf32, #tpu.memory_space<vmem>>
        %dma_start3A_334 = tpu.memref_squeeze %dma_start3A_333 : memref<1x128x128xf32, #tpu.memory_space<vmem>> -> memref<128x128xf32, #tpu.memory_space<vmem>>
        %dma_start3A_335 = arith.constant 0 : i32
        %dma_start3A_336 = tpu.memref_slice %arg6[%dma_start3A_328, %dma_start3A_329, %dma_start3A_335] : memref<4x2x128xi32, #tpu.memory_space<vmem>> -> memref<1x1x128xi32, #tpu.memory_space<vmem>>
        %dma_start3A_337 = tpu.memref_squeeze %dma_start3A_336 : memref<1x1x128xi32, #tpu.memory_space<vmem>> -> memref<128xi32, #tpu.memory_space<vmem>>
        %dma_start3A_338 = arith.constant 0 : i32
        %dma_start3A_339 = arith.constant 0 : i32
        %dma_start3A_340 = tpu.memref_slice %arg2[%dma_start3A_338, %dma_start3A_339] : memref<10000x128xf32, #tpu.memory_space<hbm>> -> memref<10000x128xf32, #tpu.memory_space<hbm>>
        tpu.enqueue_indirect_dma source(%dma_start3A_340 : memref<10000x128xf32, #tpu.memory_space<hbm>>) target(%dma_start3A_334 : memref<128x128xf32, #tpu.memory_space<vmem>>) offsets(%dma_start3A_337 : memref<128xi32, #tpu.memory_space<vmem>>) semaphore(%arg11 : memref<!tpu.dma_semaphore, #tpu.memory_space<semaphore_mem>>)
      } else {
      }
      %dma_start3A_195 = arith.constant 1 : i32
      %dma_start3A_196 = arith.constant 1 : i32
      %dma_start3A_197 = arith.constant 1 : i32
      %dma_start3A_198 = arith.constant 0 : i32
      %dma_start3A_199 = arith.constant 0 : i32
      %dma_start3A_200 = tpu.memref_slice %arg7[%dma_start3A_195, %dma_start3A_198, %dma_start3A_199] : memref<2x128x128xf32, #tpu.memory_space<vmem>> -> memref<1x128x128xf32, #tpu.memory_space<vmem>>
      %dma_start3A_201 = tpu.memref_squeeze %dma_start3A_200 : memref<1x128x128xf32, #tpu.memory_space<vmem>> -> memref<128x128xf32, #tpu.memory_space<vmem>>
      %dma_start3A_202 = arith.constant 0 : i32
      %dma_start3A_203 = tpu.memref_slice %arg6[%dma_start3A_196, %dma_start3A_197, %dma_start3A_202] : memref<4x2x128xi32, #tpu.memory_space<vmem>> -> memref<1x1x128xi32, #tpu.memory_space<vmem>>
      %dma_start3A_204 = tpu.memref_squeeze %dma_start3A_203 : memref<1x1x128xi32, #tpu.memory_space<vmem>> -> memref<128xi32, #tpu.memory_space<vmem>>
      %dma_start3A_205 = arith.constant 0 : i32
      %dma_start3A_206 = arith.constant 0 : i32
      %dma_start3A_207 = tpu.memref_slice %arg8[%dma_start3A_205, %dma_start3A_206] : memref<10112x128xf32, #tpu.memory_space<vmem_shared>> -> memref<10112x128xf32, #tpu.memory_space<vmem_shared>>
      tpu.enqueue_indirect_dma source(%dma_start3A_201 : memref<128x128xf32, #tpu.memory_space<vmem>>) target(%dma_start3A_207 : memref<10112x128xf32, #tpu.memory_space<vmem_shared>>) offsets(%dma_start3A_204 : memref<128xi32, #tpu.memory_space<vmem>>) semaphore(%arg13 : memref<!tpu.dma_semaphore, #tpu.memory_space<semaphore_mem>>) {add = true}
      %mul3A_208 = arith.constant 4 : i32
      %mul3A_209 = arith.muli %add3A_109, %mul3A_208 : i32
      %add3A_210 = arith.constant 2 : i32
      %add3A_211 = arith.addi %mul3A_209, %add3A_210 : i32
      %dma_wait3A_212 = arith.constant 0 : i32
      %dma_wait3A_213 = arith.constant 0 : i32
      %dma_wait3A_214 = arith.constant 0 : i32
      %dma_wait3A_215 = tpu.memref_slice %arg7[%dma_wait3A_212, %dma_wait3A_213, %dma_wait3A_214] : memref<2x128x128xf32, #tpu.memory_space<vmem>> -> memref<1x128x128xf32, #tpu.memory_space<vmem>>
      %dma_wait3A_216 = tpu.memref_squeeze %dma_wait3A_215 : memref<1x128x128xf32, #tpu.memory_space<vmem>> -> memref<128x128xf32, #tpu.memory_space<vmem>>
      %dma_wait3A_217 = arith.constant 0 : i32
      %dma_wait3A_218 = arith.constant 0 : i32
      %dma_wait3A_219 = tpu.memref_slice %arg2[%dma_wait3A_217, %dma_wait3A_218] : memref<10000x128xf32, #tpu.memory_space<hbm>> -> memref<128x128xf32, #tpu.memory_space<hbm>>
      %dma_wait3A_220 = arith.constant 0 : i32
      %dma_wait3A_221 = arith.constant 0 : i32
      %dma_wait3A_222 = tpu.memref_slice %arg7[%dma_wait3A_212, %dma_wait3A_220, %dma_wait3A_221] : memref<2x128x128xf32, #tpu.memory_space<vmem>> -> memref<1x128x128xf32, #tpu.memory_space<vmem>>
      %dma_wait3A_223 = tpu.memref_squeeze %dma_wait3A_222 : memref<1x128x128xf32, #tpu.memory_space<vmem>> -> memref<128x128xf32, #tpu.memory_space<vmem>>
      %dma_wait3A_224 = arith.constant 0 : i32
      %dma_wait3A_225 = arith.constant 0 : i32
      %dma_wait3A_226 = tpu.memref_slice %arg2[%dma_wait3A_224, %dma_wait3A_225] : memref<10000x128xf32, #tpu.memory_space<hbm>> -> memref<128x128xf32, #tpu.memory_space<hbm>>
      tpu.wait_dma2 semaphore(%arg11 : memref<!tpu.dma_semaphore, #tpu.memory_space<semaphore_mem>>) src(%dma_wait3A_226 : memref<128x128xf32, #tpu.memory_space<hbm>>) dst(%dma_wait3A_223 : memref<128x128xf32, #tpu.memory_space<vmem>>)
      %gt3A_227 = arith.constant 0 : i32
      %gt3A_228 = arith.cmpi sgt, %add3A_211, %gt3A_227 : i32
      %convert_element_type3A_229 = arith.extui %gt3A_228 : i1 to i32
      %cond3A_230 = arith.constant 0 : i32
      %cond3A_231 = arith.cmpi ne, %convert_element_type3A_229, %cond3A_230 : i32
      scf.if %cond3A_231 {
        %dma_wait3A_310 = arith.constant 1 : i32
        %dma_wait3A_311 = arith.constant 0 : i32
        %dma_wait3A_312 = arith.constant 0 : i32
        %dma_wait3A_313 = tpu.memref_slice %arg7[%dma_wait3A_310, %dma_wait3A_311, %dma_wait3A_312] : memref<2x128x128xf32, #tpu.memory_space<vmem>> -> memref<1x128x128xf32, #tpu.memory_space<vmem>>
        %dma_wait3A_314 = tpu.memref_squeeze %dma_wait3A_313 : memref<1x128x128xf32, #tpu.memory_space<vmem>> -> memref<128x128xf32, #tpu.memory_space<vmem>>
        %dma_wait3A_315 = arith.constant 0 : i32
        %dma_wait3A_316 = arith.constant 0 : i32
        %dma_wait3A_317 = tpu.memref_slice %arg8[%dma_wait3A_315, %dma_wait3A_316] : memref<10112x128xf32, #tpu.memory_space<vmem_shared>> -> memref<128x128xf32, #tpu.memory_space<vmem_shared>>
        %dma_wait3A_318 = arith.constant 0 : i32
        %dma_wait3A_319 = arith.constant 0 : i32
        %dma_wait3A_320 = tpu.memref_slice %arg8[%dma_wait3A_318, %dma_wait3A_319] : memref<10112x128xf32, #tpu.memory_space<vmem_shared>> -> memref<128x128xf32, #tpu.memory_space<vmem_shared>>
        %dma_wait3A_321 = arith.constant 0 : i32
        %dma_wait3A_322 = arith.constant 0 : i32
        %dma_wait3A_323 = tpu.memref_slice %arg7[%dma_wait3A_310, %dma_wait3A_321, %dma_wait3A_322] : memref<2x128x128xf32, #tpu.memory_space<vmem>> -> memref<1x128x128xf32, #tpu.memory_space<vmem>>
        %dma_wait3A_324 = tpu.memref_squeeze %dma_wait3A_323 : memref<1x128x128xf32, #tpu.memory_space<vmem>> -> memref<128x128xf32, #tpu.memory_space<vmem>>
        tpu.wait_dma2 semaphore(%arg13 : memref<!tpu.dma_semaphore, #tpu.memory_space<semaphore_mem>>) src(%dma_wait3A_324 : memref<128x128xf32, #tpu.memory_space<vmem>>) dst(%dma_wait3A_320 : memref<128x128xf32, #tpu.memory_space<vmem_shared>>)
      } else {
      }
      %add3A_232 = arith.constant 2 : i32
      %add3A_233 = arith.addi %add3A_211, %add3A_232 : i32
      %lt3A_234 = arith.constant 80 : i32
      %lt3A_235 = arith.cmpi slt, %add3A_233, %lt3A_234 : i32
      %convert_element_type3A_236 = arith.extui %lt3A_235 : i1 to i32
      %cond3A_237 = arith.constant 0 : i32
      %cond3A_238 = arith.cmpi ne, %convert_element_type3A_236, %cond3A_237 : i32
      scf.if %cond3A_238 {
        %add3A_310 = arith.addi %add3A_19, %add3A_211 : i32
        %add3A_311 = arith.constant 2 : i32
        %add3A_312 = arith.addi %add3A_310, %add3A_311 : i32
        %dma_start3A_313 = arith.constant 0 : i32
        %dma_start3A_314 = arith.constant 0 : i32
        %dma_start3A_315 = arith.constant 0 : i32
        %dma_start3A_316 = tpu.memref_slice %arg6[%dma_start3A_313, %dma_start3A_314, %dma_start3A_315] : memref<4x2x128xi32, #tpu.memory_space<vmem>> -> memref<1x2x128xi32, #tpu.memory_space<vmem>>
        %dma_start3A_317 = tpu.memref_squeeze %dma_start3A_316 : memref<1x2x128xi32, #tpu.memory_space<vmem>> -> memref<2x128xi32, #tpu.memory_space<vmem>>
        %dma_start3A_318 = arith.constant 0 : i32
        %dma_start3A_319 = arith.constant 0 : i32
        %dma_start3A_320 = tpu.memref_slice %arg3[%add3A_312, %dma_start3A_318, %dma_start3A_319] : memref<2560x2x128xi32, #tpu.memory_space<hbm>> -> memref<1x2x128xi32, #tpu.memory_space<hbm>>
        %dma_start3A_321 = tpu.memref_squeeze %dma_start3A_320 : memref<1x2x128xi32, #tpu.memory_space<hbm>> -> memref<2x128xi32, #tpu.memory_space<hbm>>
        %dma_start3A_322 = arith.constant 0 : i32
        %dma_start3A_323 = arith.constant 0 : i32
        %dma_start3A_324 = tpu.memref_slice %arg6[%dma_start3A_313, %dma_start3A_322, %dma_start3A_323] : memref<4x2x128xi32, #tpu.memory_space<vmem>> -> memref<1x2x128xi32, #tpu.memory_space<vmem>>
        %dma_start3A_325 = tpu.memref_squeeze %dma_start3A_324 : memref<1x2x128xi32, #tpu.memory_space<vmem>> -> memref<2x128xi32, #tpu.memory_space<vmem>>
        %dma_start3A_326 = arith.constant 0 : i32
        %dma_start3A_327 = arith.constant 0 : i32
        %dma_start3A_328 = tpu.memref_slice %arg3[%add3A_312, %dma_start3A_326, %dma_start3A_327] : memref<2560x2x128xi32, #tpu.memory_space<hbm>> -> memref<1x2x128xi32, #tpu.memory_space<hbm>>
        %dma_start3A_329 = tpu.memref_squeeze %dma_start3A_328 : memref<1x2x128xi32, #tpu.memory_space<hbm>> -> memref<2x128xi32, #tpu.memory_space<hbm>>
        tpu.enqueue_dma source(%dma_start3A_329 : memref<2x128xi32, #tpu.memory_space<hbm>>) target(%dma_start3A_325 : memref<2x128xi32, #tpu.memory_space<vmem>>) target_semaphore(%arg9 : memref<!tpu.dma_semaphore, #tpu.memory_space<semaphore_mem>>)
      } else {
      }
      %add3A_239 = arith.constant 1 : i32
      %add3A_240 = arith.addi %add3A_211, %add3A_239 : i32
      %lt3A_241 = arith.constant 80 : i32
      %lt3A_242 = arith.cmpi slt, %add3A_240, %lt3A_241 : i32
      %convert_element_type3A_243 = arith.extui %lt3A_242 : i1 to i32
      %cond3A_244 = arith.constant 0 : i32
      %cond3A_245 = arith.cmpi ne, %convert_element_type3A_243, %cond3A_244 : i32
      scf.if %cond3A_245 {
        %dma_wait3A_310 = arith.constant 0 : i32
        %dma_wait3A_311 = arith.constant 3 : i32
        %dma_wait3A_312 = arith.constant 0 : i32
        %dma_wait3A_313 = arith.constant 0 : i32
        %dma_wait3A_314 = tpu.memref_slice %arg6[%dma_wait3A_311, %dma_wait3A_312, %dma_wait3A_313] : memref<4x2x128xi32, #tpu.memory_space<vmem>> -> memref<1x2x128xi32, #tpu.memory_space<vmem>>
        %dma_wait3A_315 = tpu.memref_squeeze %dma_wait3A_314 : memref<1x2x128xi32, #tpu.memory_space<vmem>> -> memref<2x128xi32, #tpu.memory_space<vmem>>
        %dma_wait3A_316 = arith.constant 0 : i32
        %dma_wait3A_317 = arith.constant 0 : i32
        %dma_wait3A_318 = tpu.memref_slice %arg3[%dma_wait3A_310, %dma_wait3A_316, %dma_wait3A_317] : memref<2560x2x128xi32, #tpu.memory_space<hbm>> -> memref<1x2x128xi32, #tpu.memory_space<hbm>>
        %dma_wait3A_319 = tpu.memref_squeeze %dma_wait3A_318 : memref<1x2x128xi32, #tpu.memory_space<hbm>> -> memref<2x128xi32, #tpu.memory_space<hbm>>
        %dma_wait3A_320 = arith.constant 0 : i32
        %dma_wait3A_321 = arith.constant 0 : i32
        %dma_wait3A_322 = tpu.memref_slice %arg6[%dma_wait3A_311, %dma_wait3A_320, %dma_wait3A_321] : memref<4x2x128xi32, #tpu.memory_space<vmem>> -> memref<1x2x128xi32, #tpu.memory_space<vmem>>
        %dma_wait3A_323 = tpu.memref_squeeze %dma_wait3A_322 : memref<1x2x128xi32, #tpu.memory_space<vmem>> -> memref<2x128xi32, #tpu.memory_space<vmem>>
        %dma_wait3A_324 = arith.constant 0 : i32
        %dma_wait3A_325 = arith.constant 0 : i32
        %dma_wait3A_326 = tpu.memref_slice %arg3[%dma_wait3A_310, %dma_wait3A_324, %dma_wait3A_325] : memref<2560x2x128xi32, #tpu.memory_space<hbm>> -> memref<1x2x128xi32, #tpu.memory_space<hbm>>
        %dma_wait3A_327 = tpu.memref_squeeze %dma_wait3A_326 : memref<1x2x128xi32, #tpu.memory_space<hbm>> -> memref<2x128xi32, #tpu.memory_space<hbm>>
        tpu.wait_dma2 semaphore(%arg10 : memref<!tpu.dma_semaphore, #tpu.memory_space<semaphore_mem>>) src(%dma_wait3A_327 : memref<2x128xi32, #tpu.memory_space<hbm>>) dst(%dma_wait3A_323 : memref<2x128xi32, #tpu.memory_space<vmem>>)
        %dma_start3A_328 = arith.constant 3 : i32
        %dma_start3A_329 = arith.constant 0 : i32
        %dma_start3A_330 = arith.constant 1 : i32
        %dma_start3A_331 = arith.constant 0 : i32
        %dma_start3A_332 = arith.constant 0 : i32
        %dma_start3A_333 = tpu.memref_slice %arg7[%dma_start3A_330, %dma_start3A_331, %dma_start3A_332] : memref<2x128x128xf32, #tpu.memory_space<vmem>> -> memref<1x128x128xf32, #tpu.memory_space<vmem>>
        %dma_start3A_334 = tpu.memref_squeeze %dma_start3A_333 : memref<1x128x128xf32, #tpu.memory_space<vmem>> -> memref<128x128xf32, #tpu.memory_space<vmem>>
        %dma_start3A_335 = arith.constant 0 : i32
        %dma_start3A_336 = tpu.memref_slice %arg6[%dma_start3A_328, %dma_start3A_329, %dma_start3A_335] : memref<4x2x128xi32, #tpu.memory_space<vmem>> -> memref<1x1x128xi32, #tpu.memory_space<vmem>>
        %dma_start3A_337 = tpu.memref_squeeze %dma_start3A_336 : memref<1x1x128xi32, #tpu.memory_space<vmem>> -> memref<128xi32, #tpu.memory_space<vmem>>
        %dma_start3A_338 = arith.constant 0 : i32
        %dma_start3A_339 = arith.constant 0 : i32
        %dma_start3A_340 = tpu.memref_slice %arg2[%dma_start3A_338, %dma_start3A_339] : memref<10000x128xf32, #tpu.memory_space<hbm>> -> memref<10000x128xf32, #tpu.memory_space<hbm>>
        tpu.enqueue_indirect_dma source(%dma_start3A_340 : memref<10000x128xf32, #tpu.memory_space<hbm>>) target(%dma_start3A_334 : memref<128x128xf32, #tpu.memory_space<vmem>>) offsets(%dma_start3A_337 : memref<128xi32, #tpu.memory_space<vmem>>) semaphore(%arg11 : memref<!tpu.dma_semaphore, #tpu.memory_space<semaphore_mem>>)
      } else {
      }
      %dma_start3A_246 = arith.constant 0 : i32
      %dma_start3A_247 = arith.constant 2 : i32
      %dma_start3A_248 = arith.constant 1 : i32
      %dma_start3A_249 = arith.constant 0 : i32
      %dma_start3A_250 = arith.constant 0 : i32
      %dma_start3A_251 = tpu.memref_slice %arg7[%dma_start3A_246, %dma_start3A_249, %dma_start3A_250] : memref<2x128x128xf32, #tpu.memory_space<vmem>> -> memref<1x128x128xf32, #tpu.memory_space<vmem>>
      %dma_start3A_252 = tpu.memref_squeeze %dma_start3A_251 : memref<1x128x128xf32, #tpu.memory_space<vmem>> -> memref<128x128xf32, #tpu.memory_space<vmem>>
      %dma_start3A_253 = arith.constant 0 : i32
      %dma_start3A_254 = tpu.memref_slice %arg6[%dma_start3A_247, %dma_start3A_248, %dma_start3A_253] : memref<4x2x128xi32, #tpu.memory_space<vmem>> -> memref<1x1x128xi32, #tpu.memory_space<vmem>>
      %dma_start3A_255 = tpu.memref_squeeze %dma_start3A_254 : memref<1x1x128xi32, #tpu.memory_space<vmem>> -> memref<128xi32, #tpu.memory_space<vmem>>
      %dma_start3A_256 = arith.constant 0 : i32
      %dma_start3A_257 = arith.constant 0 : i32
      %dma_start3A_258 = tpu.memref_slice %arg8[%dma_start3A_256, %dma_start3A_257] : memref<10112x128xf32, #tpu.memory_space<vmem_shared>> -> memref<10112x128xf32, #tpu.memory_space<vmem_shared>>
      tpu.enqueue_indirect_dma source(%dma_start3A_252 : memref<128x128xf32, #tpu.memory_space<vmem>>) target(%dma_start3A_258 : memref<10112x128xf32, #tpu.memory_space<vmem_shared>>) offsets(%dma_start3A_255 : memref<128xi32, #tpu.memory_space<vmem>>) semaphore(%arg12 : memref<!tpu.dma_semaphore, #tpu.memory_space<semaphore_mem>>) {add = true}
      %mul3A_259 = arith.constant 4 : i32
      %mul3A_260 = arith.muli %add3A_109, %mul3A_259 : i32
      %add3A_261 = arith.constant 3 : i32
      %add3A_262 = arith.addi %mul3A_260, %add3A_261 : i32
      %dma_wait3A_263 = arith.constant 1 : i32
      %dma_wait3A_264 = arith.constant 0 : i32
      %dma_wait3A_265 = arith.constant 0 : i32
      %dma_wait3A_266 = tpu.memref_slice %arg7[%dma_wait3A_263, %dma_wait3A_264, %dma_wait3A_265] : memref<2x128x128xf32, #tpu.memory_space<vmem>> -> memref<1x128x128xf32, #tpu.memory_space<vmem>>
      %dma_wait3A_267 = tpu.memref_squeeze %dma_wait3A_266 : memref<1x128x128xf32, #tpu.memory_space<vmem>> -> memref<128x128xf32, #tpu.memory_space<vmem>>
      %dma_wait3A_268 = arith.constant 0 : i32
      %dma_wait3A_269 = arith.constant 0 : i32
      %dma_wait3A_270 = tpu.memref_slice %arg2[%dma_wait3A_268, %dma_wait3A_269] : memref<10000x128xf32, #tpu.memory_space<hbm>> -> memref<128x128xf32, #tpu.memory_space<hbm>>
      %dma_wait3A_271 = arith.constant 0 : i32
      %dma_wait3A_272 = arith.constant 0 : i32
      %dma_wait3A_273 = tpu.memref_slice %arg7[%dma_wait3A_263, %dma_wait3A_271, %dma_wait3A_272] : memref<2x128x128xf32, #tpu.memory_space<vmem>> -> memref<1x128x128xf32, #tpu.memory_space<vmem>>
      %dma_wait3A_274 = tpu.memref_squeeze %dma_wait3A_273 : memref<1x128x128xf32, #tpu.memory_space<vmem>> -> memref<128x128xf32, #tpu.memory_space<vmem>>
      %dma_wait3A_275 = arith.constant 0 : i32
      %dma_wait3A_276 = arith.constant 0 : i32
      %dma_wait3A_277 = tpu.memref_slice %arg2[%dma_wait3A_275, %dma_wait3A_276] : memref<10000x128xf32, #tpu.memory_space<hbm>> -> memref<128x128xf32, #tpu.memory_space<hbm>>
      tpu.wait_dma2 semaphore(%arg11 : memref<!tpu.dma_semaphore, #tpu.memory_space<semaphore_mem>>) src(%dma_wait3A_277 : memref<128x128xf32, #tpu.memory_space<hbm>>) dst(%dma_wait3A_274 : memref<128x128xf32, #tpu.memory_space<vmem>>)
      %gt3A_278 = arith.constant 0 : i32
      %gt3A_279 = arith.cmpi sgt, %add3A_262, %gt3A_278 : i32
      %convert_element_type3A_280 = arith.extui %gt3A_279 : i1 to i32
      %cond3A_281 = arith.constant 0 : i32
      %cond3A_282 = arith.cmpi ne, %convert_element_type3A_280, %cond3A_281 : i32
      scf.if %cond3A_282 {
        %dma_wait3A_310 = arith.constant 0 : i32
        %dma_wait3A_311 = arith.constant 0 : i32
        %dma_wait3A_312 = arith.constant 0 : i32
        %dma_wait3A_313 = tpu.memref_slice %arg7[%dma_wait3A_310, %dma_wait3A_311, %dma_wait3A_312] : memref<2x128x128xf32, #tpu.memory_space<vmem>> -> memref<1x128x128xf32, #tpu.memory_space<vmem>>
        %dma_wait3A_314 = tpu.memref_squeeze %dma_wait3A_313 : memref<1x128x128xf32, #tpu.memory_space<vmem>> -> memref<128x128xf32, #tpu.memory_space<vmem>>
        %dma_wait3A_315 = arith.constant 0 : i32
        %dma_wait3A_316 = arith.constant 0 : i32
        %dma_wait3A_317 = tpu.memref_slice %arg8[%dma_wait3A_315, %dma_wait3A_316] : memref<10112x128xf32, #tpu.memory_space<vmem_shared>> -> memref<128x128xf32, #tpu.memory_space<vmem_shared>>
        %dma_wait3A_318 = arith.constant 0 : i32
        %dma_wait3A_319 = arith.constant 0 : i32
        %dma_wait3A_320 = tpu.memref_slice %arg8[%dma_wait3A_318, %dma_wait3A_319] : memref<10112x128xf32, #tpu.memory_space<vmem_shared>> -> memref<128x128xf32, #tpu.memory_space<vmem_shared>>
        %dma_wait3A_321 = arith.constant 0 : i32
        %dma_wait3A_322 = arith.constant 0 : i32
        %dma_wait3A_323 = tpu.memref_slice %arg7[%dma_wait3A_310, %dma_wait3A_321, %dma_wait3A_322] : memref<2x128x128xf32, #tpu.memory_space<vmem>> -> memref<1x128x128xf32, #tpu.memory_space<vmem>>
        %dma_wait3A_324 = tpu.memref_squeeze %dma_wait3A_323 : memref<1x128x128xf32, #tpu.memory_space<vmem>> -> memref<128x128xf32, #tpu.memory_space<vmem>>
        tpu.wait_dma2 semaphore(%arg12 : memref<!tpu.dma_semaphore, #tpu.memory_space<semaphore_mem>>) src(%dma_wait3A_324 : memref<128x128xf32, #tpu.memory_space<vmem>>) dst(%dma_wait3A_320 : memref<128x128xf32, #tpu.memory_space<vmem_shared>>)
      } else {
      }
      %add3A_283 = arith.constant 2 : i32
      %add3A_284 = arith.addi %add3A_262, %add3A_283 : i32
      %lt3A_285 = arith.constant 80 : i32
      %lt3A_286 = arith.cmpi slt, %add3A_284, %lt3A_285 : i32
      %convert_element_type3A_287 = arith.extui %lt3A_286 : i1 to i32
      %cond3A_288 = arith.constant 0 : i32
      %cond3A_289 = arith.cmpi ne, %convert_element_type3A_287, %cond3A_288 : i32
      scf.if %cond3A_289 {
        %add3A_310 = arith.addi %add3A_19, %add3A_262 : i32
        %add3A_311 = arith.constant 2 : i32
        %add3A_312 = arith.addi %add3A_310, %add3A_311 : i32
        %dma_start3A_313 = arith.constant 1 : i32
        %dma_start3A_314 = arith.constant 0 : i32
        %dma_start3A_315 = arith.constant 0 : i32
        %dma_start3A_316 = tpu.memref_slice %arg6[%dma_start3A_313, %dma_start3A_314, %dma_start3A_315] : memref<4x2x128xi32, #tpu.memory_space<vmem>> -> memref<1x2x128xi32, #tpu.memory_space<vmem>>
        %dma_start3A_317 = tpu.memref_squeeze %dma_start3A_316 : memref<1x2x128xi32, #tpu.memory_space<vmem>> -> memref<2x128xi32, #tpu.memory_space<vmem>>
        %dma_start3A_318 = arith.constant 0 : i32
        %dma_start3A_319 = arith.constant 0 : i32
        %dma_start3A_320 = tpu.memref_slice %arg3[%add3A_312, %dma_start3A_318, %dma_start3A_319] : memref<2560x2x128xi32, #tpu.memory_space<hbm>> -> memref<1x2x128xi32, #tpu.memory_space<hbm>>
        %dma_start3A_321 = tpu.memref_squeeze %dma_start3A_320 : memref<1x2x128xi32, #tpu.memory_space<hbm>> -> memref<2x128xi32, #tpu.memory_space<hbm>>
        %dma_start3A_322 = arith.constant 0 : i32
        %dma_start3A_323 = arith.constant 0 : i32
        %dma_start3A_324 = tpu.memref_slice %arg6[%dma_start3A_313, %dma_start3A_322, %dma_start3A_323] : memref<4x2x128xi32, #tpu.memory_space<vmem>> -> memref<1x2x128xi32, #tpu.memory_space<vmem>>
        %dma_start3A_325 = tpu.memref_squeeze %dma_start3A_324 : memref<1x2x128xi32, #tpu.memory_space<vmem>> -> memref<2x128xi32, #tpu.memory_space<vmem>>
        %dma_start3A_326 = arith.constant 0 : i32
        %dma_start3A_327 = arith.constant 0 : i32
        %dma_start3A_328 = tpu.memref_slice %arg3[%add3A_312, %dma_start3A_326, %dma_start3A_327] : memref<2560x2x128xi32, #tpu.memory_space<hbm>> -> memref<1x2x128xi32, #tpu.memory_space<hbm>>
        %dma_start3A_329 = tpu.memref_squeeze %dma_start3A_328 : memref<1x2x128xi32, #tpu.memory_space<hbm>> -> memref<2x128xi32, #tpu.memory_space<hbm>>
        tpu.enqueue_dma source(%dma_start3A_329 : memref<2x128xi32, #tpu.memory_space<hbm>>) target(%dma_start3A_325 : memref<2x128xi32, #tpu.memory_space<vmem>>) target_semaphore(%arg10 : memref<!tpu.dma_semaphore, #tpu.memory_space<semaphore_mem>>)
      } else {
      }
      %add3A_290 = arith.constant 1 : i32
      %add3A_291 = arith.addi %add3A_262, %add3A_290 : i32
      %lt3A_292 = arith.constant 80 : i32
      %lt3A_293 = arith.cmpi slt, %add3A_291, %lt3A_292 : i32
      %convert_element_type3A_294 = arith.extui %lt3A_293 : i1 to i32
      %cond3A_295 = arith.constant 0 : i32
      %cond3A_296 = arith.cmpi ne, %convert_element_type3A_294, %cond3A_295 : i32
      scf.if %cond3A_296 {
        %dma_wait3A_310 = arith.constant 0 : i32
        %dma_wait3A_311 = arith.constant 0 : i32
        %dma_wait3A_312 = arith.constant 0 : i32
        %dma_wait3A_313 = arith.constant 0 : i32
        %dma_wait3A_314 = tpu.memref_slice %arg6[%dma_wait3A_311, %dma_wait3A_312, %dma_wait3A_313] : memref<4x2x128xi32, #tpu.memory_space<vmem>> -> memref<1x2x128xi32, #tpu.memory_space<vmem>>
        %dma_wait3A_315 = tpu.memref_squeeze %dma_wait3A_314 : memref<1x2x128xi32, #tpu.memory_space<vmem>> -> memref<2x128xi32, #tpu.memory_space<vmem>>
        %dma_wait3A_316 = arith.constant 0 : i32
        %dma_wait3A_317 = arith.constant 0 : i32
        %dma_wait3A_318 = tpu.memref_slice %arg3[%dma_wait3A_310, %dma_wait3A_316, %dma_wait3A_317] : memref<2560x2x128xi32, #tpu.memory_space<hbm>> -> memref<1x2x128xi32, #tpu.memory_space<hbm>>
        %dma_wait3A_319 = tpu.memref_squeeze %dma_wait3A_318 : memref<1x2x128xi32, #tpu.memory_space<hbm>> -> memref<2x128xi32, #tpu.memory_space<hbm>>
        %dma_wait3A_320 = arith.constant 0 : i32
        %dma_wait3A_321 = arith.constant 0 : i32
        %dma_wait3A_322 = tpu.memref_slice %arg6[%dma_wait3A_311, %dma_wait3A_320, %dma_wait3A_321] : memref<4x2x128xi32, #tpu.memory_space<vmem>> -> memref<1x2x128xi32, #tpu.memory_space<vmem>>
        %dma_wait3A_323 = tpu.memref_squeeze %dma_wait3A_322 : memref<1x2x128xi32, #tpu.memory_space<vmem>> -> memref<2x128xi32, #tpu.memory_space<vmem>>
        %dma_wait3A_324 = arith.constant 0 : i32
        %dma_wait3A_325 = arith.constant 0 : i32
        %dma_wait3A_326 = tpu.memref_slice %arg3[%dma_wait3A_310, %dma_wait3A_324, %dma_wait3A_325] : memref<2560x2x128xi32, #tpu.memory_space<hbm>> -> memref<1x2x128xi32, #tpu.memory_space<hbm>>
        %dma_wait3A_327 = tpu.memref_squeeze %dma_wait3A_326 : memref<1x2x128xi32, #tpu.memory_space<hbm>> -> memref<2x128xi32, #tpu.memory_space<hbm>>
        tpu.wait_dma2 semaphore(%arg9 : memref<!tpu.dma_semaphore, #tpu.memory_space<semaphore_mem>>) src(%dma_wait3A_327 : memref<2x128xi32, #tpu.memory_space<hbm>>) dst(%dma_wait3A_323 : memref<2x128xi32, #tpu.memory_space<vmem>>)
        %dma_start3A_328 = arith.constant 0 : i32
        %dma_start3A_329 = arith.constant 0 : i32
        %dma_start3A_330 = arith.constant 0 : i32
        %dma_start3A_331 = arith.constant 0 : i32
        %dma_start3A_332 = arith.constant 0 : i32
        %dma_start3A_333 = tpu.memref_slice %arg7[%dma_start3A_330, %dma_start3A_331, %dma_start3A_332] : memref<2x128x128xf32, #tpu.memory_space<vmem>> -> memref<1x128x128xf32, #tpu.memory_space<vmem>>
        %dma_start3A_334 = tpu.memref_squeeze %dma_start3A_333 : memref<1x128x128xf32, #tpu.memory_space<vmem>> -> memref<128x128xf32, #tpu.memory_space<vmem>>
        %dma_start3A_335 = arith.constant 0 : i32
        %dma_start3A_336 = tpu.memref_slice %arg6[%dma_start3A_328, %dma_start3A_329, %dma_start3A_335] : memref<4x2x128xi32, #tpu.memory_space<vmem>> -> memref<1x1x128xi32, #tpu.memory_space<vmem>>
        %dma_start3A_337 = tpu.memref_squeeze %dma_start3A_336 : memref<1x1x128xi32, #tpu.memory_space<vmem>> -> memref<128xi32, #tpu.memory_space<vmem>>
        %dma_start3A_338 = arith.constant 0 : i32
        %dma_start3A_339 = arith.constant 0 : i32
        %dma_start3A_340 = tpu.memref_slice %arg2[%dma_start3A_338, %dma_start3A_339] : memref<10000x128xf32, #tpu.memory_space<hbm>> -> memref<10000x128xf32, #tpu.memory_space<hbm>>
        tpu.enqueue_indirect_dma source(%dma_start3A_340 : memref<10000x128xf32, #tpu.memory_space<hbm>>) target(%dma_start3A_334 : memref<128x128xf32, #tpu.memory_space<vmem>>) offsets(%dma_start3A_337 : memref<128xi32, #tpu.memory_space<vmem>>) semaphore(%arg11 : memref<!tpu.dma_semaphore, #tpu.memory_space<semaphore_mem>>)
      } else {
      }
      %dma_start3A_297 = arith.constant 1 : i32
      %dma_start3A_298 = arith.constant 3 : i32
      %dma_start3A_299 = arith.constant 1 : i32
      %dma_start3A_300 = arith.constant 0 : i32
      %dma_start3A_301 = arith.constant 0 : i32
      %dma_start3A_302 = tpu.memref_slice %arg7[%dma_start3A_297, %dma_start3A_300, %dma_start3A_301] : memref<2x128x128xf32, #tpu.memory_space<vmem>> -> memref<1x128x128xf32, #tpu.memory_space<vmem>>
      %dma_start3A_303 = tpu.memref_squeeze %dma_start3A_302 : memref<1x128x128xf32, #tpu.memory_space<vmem>> -> memref<128x128xf32, #tpu.memory_space<vmem>>
      %dma_start3A_304 = arith.constant 0 : i32
      %dma_start3A_305 = tpu.memref_slice %arg6[%dma_start3A_298, %dma_start3A_299, %dma_start3A_304] : memref<4x2x128xi32, #tpu.memory_space<vmem>> -> memref<1x1x128xi32, #tpu.memory_space<vmem>>
      %dma_start3A_306 = tpu.memref_squeeze %dma_start3A_305 : memref<1x1x128xi32, #tpu.memory_space<vmem>> -> memref<128xi32, #tpu.memory_space<vmem>>
      %dma_start3A_307 = arith.constant 0 : i32
      %dma_start3A_308 = arith.constant 0 : i32
      %dma_start3A_309 = tpu.memref_slice %arg8[%dma_start3A_307, %dma_start3A_308] : memref<10112x128xf32, #tpu.memory_space<vmem_shared>> -> memref<10112x128xf32, #tpu.memory_space<vmem_shared>>
      tpu.enqueue_indirect_dma source(%dma_start3A_303 : memref<128x128xf32, #tpu.memory_space<vmem>>) target(%dma_start3A_309 : memref<10112x128xf32, #tpu.memory_space<vmem_shared>>) offsets(%dma_start3A_306 : memref<128xi32, #tpu.memory_space<vmem>>) semaphore(%arg13 : memref<!tpu.dma_semaphore, #tpu.memory_space<semaphore_mem>>) {add = true}
    }
    %scan3A_88 = arith.constant 20 : i32
    %dma_wait3A_89 = arith.constant 1 : i32
    %dma_wait3A_90 = arith.constant 0 : i32
    %dma_wait3A_91 = arith.constant 0 : i32
    %dma_wait3A_92 = tpu.memref_slice %arg7[%dma_wait3A_89, %dma_wait3A_90, %dma_wait3A_91] : memref<2x128x128xf32, #tpu.memory_space<vmem>> -> memref<1x128x128xf32, #tpu.memory_space<vmem>>
    %dma_wait3A_93 = tpu.memref_squeeze %dma_wait3A_92 : memref<1x128x128xf32, #tpu.memory_space<vmem>> -> memref<128x128xf32, #tpu.memory_space<vmem>>
    %dma_wait3A_94 = arith.constant 0 : i32
    %dma_wait3A_95 = arith.constant 0 : i32
    %dma_wait3A_96 = tpu.memref_slice %arg8[%dma_wait3A_94, %dma_wait3A_95] : memref<10112x128xf32, #tpu.memory_space<vmem_shared>> -> memref<128x128xf32, #tpu.memory_space<vmem_shared>>
    %dma_wait3A_97 = arith.constant 0 : i32
    %dma_wait3A_98 = arith.constant 0 : i32
    %dma_wait3A_99 = tpu.memref_slice %arg8[%dma_wait3A_97, %dma_wait3A_98] : memref<10112x128xf32, #tpu.memory_space<vmem_shared>> -> memref<128x128xf32, #tpu.memory_space<vmem_shared>>
    %dma_wait3A_100 = arith.constant 0 : i32
    %dma_wait3A_101 = arith.constant 0 : i32
    %dma_wait3A_102 = tpu.memref_slice %arg7[%dma_wait3A_89, %dma_wait3A_100, %dma_wait3A_101] : memref<2x128x128xf32, #tpu.memory_space<vmem>> -> memref<1x128x128xf32, #tpu.memory_space<vmem>>
    %dma_wait3A_103 = tpu.memref_squeeze %dma_wait3A_102 : memref<1x128x128xf32, #tpu.memory_space<vmem>> -> memref<128x128xf32, #tpu.memory_space<vmem>>
    tpu.wait_dma2 semaphore(%arg13 : memref<!tpu.dma_semaphore, #tpu.memory_space<semaphore_mem>>) src(%dma_wait3A_103 : memref<128x128xf32, #tpu.memory_space<vmem>>) dst(%dma_wait3A_99 : memref<128x128xf32, #tpu.memory_space<vmem_shared>>)
    %barrier3A_104 = arith.constant 0 : index
    tpu.barrier barrier_id(%barrier3A_104)
    "tpu.region"() ({
      %run_scoped3A_105 = tpu.sem_alloc : memref<!tpu.dma_semaphore, #tpu.memory_space<semaphore_mem>>
      %dma_start3A_106 = arith.constant 0 : i32
      %dma_start3A_107 = arith.constant 0 : i32
      %dma_start3A_108 = tpu.memref_slice %arg5[%arg0, %dma_start3A_106, %dma_start3A_107] : memref<2x10112x128xf32, #tpu.memory_space<hbm>> -> memref<1x10112x128xf32, #tpu.memory_space<hbm>>
      %dma_start3A_109 = tpu.memref_squeeze %dma_start3A_108 : memref<1x10112x128xf32, #tpu.memory_space<hbm>> -> memref<10112x128xf32, #tpu.memory_space<hbm>>
      %dma_start3A_110 = arith.constant 0 : i32
      %dma_start3A_111 = tpu.memref_slice %dma_start3A_109[%mul3A_0, %dma_start3A_110] : memref<10112x128xf32, #tpu.memory_space<hbm>> -> memref<632x128xf32, #tpu.memory_space<hbm>>
      %dma_start3A_112 = arith.constant 0 : i32
      %dma_start3A_113 = tpu.memref_slice %arg8[%mul3A_0, %dma_start3A_112] : memref<10112x128xf32, #tpu.memory_space<vmem_shared>> -> memref<632x128xf32, #tpu.memory_space<vmem_shared>>
      tpu.enqueue_dma source(%dma_start3A_113 : memref<632x128xf32, #tpu.memory_space<vmem_shared>>) target(%dma_start3A_111 : memref<632x128xf32, #tpu.memory_space<hbm>>) target_semaphore(%run_scoped3A_105 : memref<!tpu.dma_semaphore, #tpu.memory_space<semaphore_mem>>)
      %dma_wait3A_114 = arith.constant 0 : i32
      %dma_wait3A_115 = arith.constant 0 : i32
      %dma_wait3A_116 = tpu.memref_slice %arg5[%arg0, %dma_wait3A_114, %dma_wait3A_115] : memref<2x10112x128xf32, #tpu.memory_space<hbm>> -> memref<1x10112x128xf32, #tpu.memory_space<hbm>>
      %dma_wait3A_117 = tpu.memref_squeeze %dma_wait3A_116 : memref<1x10112x128xf32, #tpu.memory_space<hbm>> -> memref<10112x128xf32, #tpu.memory_space<hbm>>
      %dma_wait3A_118 = arith.constant 0 : i32
      %dma_wait3A_119 = tpu.memref_slice %dma_wait3A_117[%mul3A_0, %dma_wait3A_118] : memref<10112x128xf32, #tpu.memory_space<hbm>> -> memref<632x128xf32, #tpu.memory_space<hbm>>
      %dma_wait3A_120 = arith.constant 0 : i32
      %dma_wait3A_121 = tpu.memref_slice %arg8[%mul3A_0, %dma_wait3A_120] : memref<10112x128xf32, #tpu.memory_space<vmem_shared>> -> memref<632x128xf32, #tpu.memory_space<vmem_shared>>
      tpu.wait_dma2 semaphore(%run_scoped3A_105 : memref<!tpu.dma_semaphore, #tpu.memory_space<semaphore_mem>>) src(%dma_wait3A_121 : memref<632x128xf32, #tpu.memory_space<vmem_shared>>) dst(%dma_wait3A_119 : memref<632x128xf32, #tpu.memory_space<hbm>>)
      tpu.yield
    }) : () -> ()
    return
  }
}

#map = affine_map<(d0, d1) -> (0, 0)>
#map1 = affine_map<(d0, d1) -> (0, 0, 0)>
module attributes {stable_mosaic.version = 14 : i64} {
  func.func @layer(%arg0: i32, %arg1: i32, %arg2: memref<10000x128xf32, #tpu.memory_space<hbm>>, %arg3: memref<2560x2x128xi32, #tpu.memory_space<hbm>>, %arg4: memref<128x128xf32, #tpu.memory_space<hbm>>, %arg5: memref<2x10112x128xf32, #tpu.memory_space<hbm>>, %arg6: memref<4x2x128xi32, #tpu.memory_space<vmem>>, %arg7: memref<2x128x128xf32, #tpu.memory_space<vmem>>, %arg8: memref<10112x128xf32, #tpu.memory_space<vmem_shared>>, %arg9: memref<!tpu.dma_semaphore, #tpu.memory_space<semaphore_mem>>, %arg10: memref<!tpu.dma_semaphore, #tpu.memory_space<semaphore_mem>>, %arg11: memref<!tpu.dma_semaphore, #tpu.memory_space<semaphore_mem>>, %arg12: memref<!tpu.dma_semaphore, #tpu.memory_space<semaphore_mem>>, %arg13: memref<!tpu.dma_semaphore, #tpu.memory_space<semaphore_mem>>) attributes {dimension_semantics = [#tpu.dimension_semantics<core_parallel>, #tpu.dimension_semantics<subcore_parallel>], iteration_bounds = array<i64: 2, 16>, scalar_prefetch = 0 : i64, scratch_operands = 8 : i64, tpu.core_type = #tpu.core_type<sc_vector_subcore>, window_params = [{transform_indices = #map}, {transform_indices = #map1}, {transform_indices = #map}, {transform_indices = #map1}]} {
    %run_scoped3A = arith.constant 0 : i32
    "tpu.region"() ({
      %run_scoped3A_105 = tpu.sem_alloc : memref<!tpu.dma_semaphore, #tpu.memory_space<semaphore_mem>>
      %dma_start3A_106 = arith.constant 0 : i32
      %dma_start3A_107 = arith.constant 0 : i32
      %dma_start3A_108 = tpu.memref_slice %arg7[%run_scoped3A, %dma_start3A_106, %dma_start3A_107] : memref<2x128x128xf32, #tpu.memory_space<vmem>> -> memref<1x128x128xf32, #tpu.memory_space<vmem>>
      %dma_start3A_109 = tpu.memref_squeeze %dma_start3A_108 : memref<1x128x128xf32, #tpu.memory_space<vmem>> -> memref<128x128xf32, #tpu.memory_space<vmem>>
      %dma_start3A_110 = arith.constant 0 : i32
      %dma_start3A_111 = arith.constant 0 : i32
      %dma_start3A_112 = tpu.memref_slice %arg7[%run_scoped3A, %dma_start3A_110, %dma_start3A_111] : memref<2x128x128xf32, #tpu.memory_space<vmem>> -> memref<1x128x128xf32, #tpu.memory_space<vmem>>
      %dma_start3A_113 = tpu.memref_squeeze %dma_start3A_112 : memref<1x128x128xf32, #tpu.memory_space<vmem>> -> memref<128x128xf32, #tpu.memory_space<vmem>>
      tpu.enqueue_dma source(%arg4 : memref<128x128xf32, #tpu.memory_space<hbm>>) target(%dma_start3A_113 : memref<128x128xf32, #tpu.memory_space<vmem>>) target_semaphore(%run_scoped3A_105 : memref<!tpu.dma_semaphore, #tpu.memory_space<semaphore_mem>>)
      %dma_wait3A_114 = arith.constant 0 : i32
      %dma_wait3A_115 = arith.constant 0 : i32
      %dma_wait3A_116 = tpu.memref_slice %arg7[%run_scoped3A, %dma_wait3A_114, %dma_wait3A_115] : memref<2x128x128xf32, #tpu.memory_space<vmem>> -> memref<1x128x128xf32, #tpu.memory_space<vmem>>
      %dma_wait3A_117 = tpu.memref_squeeze %dma_wait3A_116 : memref<1x128x128xf32, #tpu.memory_space<vmem>> -> memref<128x128xf32, #tpu.memory_space<vmem>>
      %dma_wait3A_118 = arith.constant 0 : i32
      %dma_wait3A_119 = arith.constant 0 : i32
      %dma_wait3A_120 = tpu.memref_slice %arg7[%run_scoped3A, %dma_wait3A_118, %dma_wait3A_119] : memref<2x128x128xf32, #tpu.memory_space<vmem>> -> memref<1x128x128xf32, #tpu.memory_space<vmem>>
      %dma_wait3A_121 = tpu.memref_squeeze %dma_wait3A_120 : memref<1x128x128xf32, #tpu.memory_space<vmem>> -> memref<128x128xf32, #tpu.memory_space<vmem>>
      tpu.wait_dma2 semaphore(%run_scoped3A_105 : memref<!tpu.dma_semaphore, #tpu.memory_space<semaphore_mem>>) src(%arg4 : memref<128x128xf32, #tpu.memory_space<hbm>>) dst(%dma_wait3A_121 : memref<128x128xf32, #tpu.memory_space<vmem>>)
      tpu.yield
    }) : () -> ()
    %mul3A = arith.constant 632 : i32
    %mul3A_0 = arith.muli %arg1, %mul3A : i32
    %add3A = arith.constant 0 : i32
    %add3A_1 = arith.addi %mul3A_0, %add3A : i32
    %run_scoped3A_2 = arith.constant 0 : i32
    "tpu.region"() ({
      %run_scoped3A_105 = tpu.sem_alloc : memref<!tpu.dma_semaphore, #tpu.memory_space<semaphore_mem>>
      %dma_start3A_106 = arith.constant 0 : i32
      %dma_start3A_107 = arith.constant 0 : i32
      %dma_start3A_108 = tpu.memref_slice %arg7[%run_scoped3A_2, %dma_start3A_106, %dma_start3A_107] : memref<2x128x128xf32, #tpu.memory_space<vmem>> -> memref<1x128x128xf32, #tpu.memory_space<vmem>>
      %dma_start3A_109 = tpu.memref_squeeze %dma_start3A_108 : memref<1x128x128xf32, #tpu.memory_space<vmem>> -> memref<128x128xf32, #tpu.memory_space<vmem>>
      %dma_start3A_110 = arith.constant 0 : i32
      %dma_start3A_111 = arith.constant 0 : i32
      %dma_start3A_112 = tpu.memref_slice %dma_start3A_109[%dma_start3A_110, %dma_start3A_111] : memref<128x128xf32, #tpu.memory_space<vmem>> -> memref<128x128xf32, #tpu.memory_space<vmem>>
      %dma_start3A_113 = arith.constant 0 : i32
      %dma_start3A_114 = tpu.memref_slice %arg8[%add3A_1, %dma_start3A_113] : memref<10112x128xf32, #tpu.memory_space<vmem_shared>> -> memref<128x128xf32, #tpu.memory_space<vmem_shared>>
      %dma_start3A_115 = arith.constant 0 : i32
      %dma_start3A_116 = tpu.memref_slice %arg8[%add3A_1, %dma_start3A_115] : memref<10112x128xf32, #tpu.memory_space<vmem_shared>> -> memref<128x128xf32, #tpu.memory_space<vmem_shared>>
      %dma_start3A_117 = arith.constant 0 : i32
      %dma_start3A_118 = arith.constant 0 : i32
      %dma_start3A_119 = tpu.memref_slice %arg7[%run_scoped3A_2, %dma_start3A_117, %dma_start3A_118] : memref<2x128x128xf32, #tpu.memory_space<vmem>> -> memref<1x128x128xf32, #tpu.memory_space<vmem>>
      %dma_start3A_120 = tpu.memref_squeeze %dma_start3A_119 : memref<1x128x128xf32, #tpu.memory_space<vmem>> -> memref<128x128xf32, #tpu.memory_space<vmem>>
      %dma_start3A_121 = arith.constant 0 : i32
      %dma_start3A_122 = arith.constant 0 : i32
      %dma_start3A_123 = tpu.memref_slice %dma_start3A_120[%dma_start3A_121, %dma_start3A_122] : memref<128x128xf32, #tpu.memory_space<vmem>> -> memref<128x128xf32, #tpu.memory_space<vmem>>
      tpu.enqueue_dma source(%dma_start3A_123 : memref<128x128xf32, #tpu.memory_space<vmem>>) target(%dma_start3A_116 : memref<128x128xf32, #tpu.memory_space<vmem_shared>>) target_semaphore(%run_scoped3A_105 : memref<!tpu.dma_semaphore, #tpu.memory_space<semaphore_mem>>)
      %dma_wait3A_124 = arith.constant 0 : i32
      %dma_wait3A_125 = arith.constant 0 : i32
      %dma_wait3A_126 = tpu.memref_slice %arg7[%run_scoped3A_2, %dma_wait3A_124, %dma_wait3A_125] : memref<2x128x128xf32, #tpu.memory_space<vmem>> -> memref<1x128x128xf32, #tpu.memory_space<vmem>>
      %dma_wait3A_127 = tpu.memref_squeeze %dma_wait3A_126 : memref<1x128x128xf32, #tpu.memory_space<vmem>> -> memref<128x128xf32, #tpu.memory_space<vmem>>
      %dma_wait3A_128 = arith.constant 0 : i32
      %dma_wait3A_129 = arith.constant 0 : i32
      %dma_wait3A_130 = tpu.memref_slice %dma_wait3A_127[%dma_wait3A_128, %dma_wait3A_129] : memref<128x128xf32, #tpu.memory_space<vmem>> -> memref<128x128xf32, #tpu.memory_space<vmem>>
      %dma_wait3A_131 = arith.constant 0 : i32
      %dma_wait3A_132 = tpu.memref_slice %arg8[%add3A_1, %dma_wait3A_131] : memref<10112x128xf32, #tpu.memory_space<vmem_shared>> -> memref<128x128xf32, #tpu.memory_space<vmem_shared>>
      %dma_wait3A_133 = arith.constant 0 : i32
      %dma_wait3A_134 = tpu.memref_slice %arg8[%add3A_1, %dma_wait3A_133] : memref<10112x128xf32, #tpu.memory_space<vmem_shared>> -> memref<128x128xf32, #tpu.memory_space<vmem_shared>>
      %dma_wait3A_135 = arith.constant 0 : i32
      %dma_wait3A_136 = arith.constant 0 : i32
      %dma_wait3A_137 = tpu.memref_slice %arg7[%run_scoped3A_2, %dma_wait3A_135, %dma_wait3A_136] : memref<2x128x128xf32, #tpu.memory_space<vmem>> -> memref<1x128x128xf32, #tpu.memory_space<vmem>>
      %dma_wait3A_138 = tpu.memref_squeeze %dma_wait3A_137 : memref<1x128x128xf32, #tpu.memory_space<vmem>> -> memref<128x128xf32, #tpu.memory_space<vmem>>
      %dma_wait3A_139 = arith.constant 0 : i32
      %dma_wait3A_140 = arith.constant 0 : i32
      %dma_wait3A_141 = tpu.memref_slice %dma_wait3A_138[%dma_wait3A_139, %dma_wait3A_140] : memref<128x128xf32, #tpu.memory_space<vmem>> -> memref<128x128xf32, #tpu.memory_space<vmem>>
      tpu.wait_dma2 semaphore(%run_scoped3A_105 : memref<!tpu.dma_semaphore, #tpu.memory_space<semaphore_mem>>) src(%dma_wait3A_141 : memref<128x128xf32, #tpu.memory_space<vmem>>) dst(%dma_wait3A_134 : memref<128x128xf32, #tpu.memory_space<vmem_shared>>)
      tpu.yield
    }) : () -> ()
    %add3A_3 = arith.constant 128 : i32
    %add3A_4 = arith.addi %mul3A_0, %add3A_3 : i32
    %run_scoped3A_5 = arith.constant 0 : i32
    "tpu.region"() ({
      %run_scoped3A_105 = tpu.sem_alloc : memref<!tpu.dma_semaphore, #tpu.memory_space<semaphore_mem>>
      %dma_start3A_106 = arith.constant 0 : i32
      %dma_start3A_107 = arith.constant 0 : i32
      %dma_start3A_108 = tpu.memref_slice %arg7[%run_scoped3A_5, %dma_start3A_106, %dma_start3A_107] : memref<2x128x128xf32, #tpu.memory_space<vmem>> -> memref<1x128x128xf32, #tpu.memory_space<vmem>>
      %dma_start3A_109 = tpu.memref_squeeze %dma_start3A_108 : memref<1x128x128xf32, #tpu.memory_space<vmem>> -> memref<128x128xf32, #tpu.memory_space<vmem>>
      %dma_start3A_110 = arith.constant 0 : i32
      %dma_start3A_111 = arith.constant 0 : i32
      %dma_start3A_112 = tpu.memref_slice %dma_start3A_109[%dma_start3A_110, %dma_start3A_111] : memref<128x128xf32, #tpu.memory_space<vmem>> -> memref<128x128xf32, #tpu.memory_space<vmem>>
      %dma_start3A_113 = arith.constant 0 : i32
      %dma_start3A_114 = tpu.memref_slice %arg8[%add3A_4, %dma_start3A_113] : memref<10112x128xf32, #tpu.memory_space<vmem_shared>> -> memref<128x128xf32, #tpu.memory_space<vmem_shared>>
      %dma_start3A_115 = arith.constant 0 : i32
      %dma_start3A_116 = tpu.memref_slice %arg8[%add3A_4, %dma_start3A_115] : memref<10112x128xf32, #tpu.memory_space<vmem_shared>> -> memref<128x128xf32, #tpu.memory_space<vmem_shared>>
      %dma_start3A_117 = arith.constant 0 : i32
      %dma_start3A_118 = arith.constant 0 : i32
      %dma_start3A_119 = tpu.memref_slice %arg7[%run_scoped3A_5, %dma_start3A_117, %dma_start3A_118] : memref<2x128x128xf32, #tpu.memory_space<vmem>> -> memref<1x128x128xf32, #tpu.memory_space<vmem>>
      %dma_start3A_120 = tpu.memref_squeeze %dma_start3A_119 : memref<1x128x128xf32, #tpu.memory_space<vmem>> -> memref<128x128xf32, #tpu.memory_space<vmem>>
      %dma_start3A_121 = arith.constant 0 : i32
      %dma_start3A_122 = arith.constant 0 : i32
      %dma_start3A_123 = tpu.memref_slice %dma_start3A_120[%dma_start3A_121, %dma_start3A_122] : memref<128x128xf32, #tpu.memory_space<vmem>> -> memref<128x128xf32, #tpu.memory_space<vmem>>
      tpu.enqueue_dma source(%dma_start3A_123 : memref<128x128xf32, #tpu.memory_space<vmem>>) target(%dma_start3A_116 : memref<128x128xf32, #tpu.memory_space<vmem_shared>>) target_semaphore(%run_scoped3A_105 : memref<!tpu.dma_semaphore, #tpu.memory_space<semaphore_mem>>)
      %dma_wait3A_124 = arith.constant 0 : i32
      %dma_wait3A_125 = arith.constant 0 : i32
      %dma_wait3A_126 = tpu.memref_slice %arg7[%run_scoped3A_5, %dma_wait3A_124, %dma_wait3A_125] : memref<2x128x128xf32, #tpu.memory_space<vmem>> -> memref<1x128x128xf32, #tpu.memory_space<vmem>>
      %dma_wait3A_127 = tpu.memref_squeeze %dma_wait3A_126 : memref<1x128x128xf32, #tpu.memory_space<vmem>> -> memref<128x128xf32, #tpu.memory_space<vmem>>
      %dma_wait3A_128 = arith.constant 0 : i32
      %dma_wait3A_129 = arith.constant 0 : i32
      %dma_wait3A_130 = tpu.memref_slice %dma_wait3A_127[%dma_wait3A_128, %dma_wait3A_129] : memref<128x128xf32, #tpu.memory_space<vmem>> -> memref<128x128xf32, #tpu.memory_space<vmem>>
      %dma_wait3A_131 = arith.constant 0 : i32
      %dma_wait3A_132 = tpu.memref_slice %arg8[%add3A_4, %dma_wait3A_131] : memref<10112x128xf32, #tpu.memory_space<vmem_shared>> -> memref<128x128xf32, #tpu.memory_space<vmem_shared>>
      %dma_wait3A_133 = arith.constant 0 : i32
      %dma_wait3A_134 = tpu.memref_slice %arg8[%add3A_4, %dma_wait3A_133] : memref<10112x128xf32, #tpu.memory_space<vmem_shared>> -> memref<128x128xf32, #tpu.memory_space<vmem_shared>>
      %dma_wait3A_135 = arith.constant 0 : i32
      %dma_wait3A_136 = arith.constant 0 : i32
      %dma_wait3A_137 = tpu.memref_slice %arg7[%run_scoped3A_5, %dma_wait3A_135, %dma_wait3A_136] : memref<2x128x128xf32, #tpu.memory_space<vmem>> -> memref<1x128x128xf32, #tpu.memory_space<vmem>>
      %dma_wait3A_138 = tpu.memref_squeeze %dma_wait3A_137 : memref<1x128x128xf32, #tpu.memory_space<vmem>> -> memref<128x128xf32, #tpu.memory_space<vmem>>
      %dma_wait3A_139 = arith.constant 0 : i32
      %dma_wait3A_140 = arith.constant 0 : i32
      %dma_wait3A_141 = tpu.memref_slice %dma_wait3A_138[%dma_wait3A_139, %dma_wait3A_140] : memref<128x128xf32, #tpu.memory_space<vmem>> -> memref<128x128xf32, #tpu.memory_space<vmem>>
      tpu.wait_dma2 semaphore(%run_scoped3A_105 : memref<!tpu.dma_semaphore, #tpu.memory_space<semaphore_mem>>) src(%dma_wait3A_141 : memref<128x128xf32, #tpu.memory_space<vmem>>) dst(%dma_wait3A_134 : memref<128x128xf32, #tpu.memory_space<vmem_shared>>)
      tpu.yield
    }) : () -> ()
    %add3A_6 = arith.constant 256 : i32
    %add3A_7 = arith.addi %mul3A_0, %add3A_6 : i32
    %run_scoped3A_8 = arith.constant 0 : i32
    "tpu.region"() ({
      %run_scoped3A_105 = tpu.sem_alloc : memref<!tpu.dma_semaphore, #tpu.memory_space<semaphore_mem>>
      %dma_start3A_106 = arith.constant 0 : i32
      %dma_start3A_107 = arith.constant 0 : i32
      %dma_start3A_108 = tpu.memref_slice %arg7[%run_scoped3A_8, %dma_start3A_106, %dma_start3A_107] : memref<2x128x128xf32, #tpu.memory_space<vmem>> -> memref<1x128x128xf32, #tpu.memory_space<vmem>>
      %dma_start3A_109 = tpu.memref_squeeze %dma_start3A_108 : memref<1x128x128xf32, #tpu.memory_space<vmem>> -> memref<128x128xf32, #tpu.memory_space<vmem>>
      %dma_start3A_110 = arith.constant 0 : i32
      %dma_start3A_111 = arith.constant 0 : i32
      %dma_start3A_112 = tpu.memref_slice %dma_start3A_109[%dma_start3A_110, %dma_start3A_111] : memref<128x128xf32, #tpu.memory_space<vmem>> -> memref<128x128xf32, #tpu.memory_space<vmem>>
      %dma_start3A_113 = arith.constant 0 : i32
      %dma_start3A_114 = tpu.memref_slice %arg8[%add3A_7, %dma_start3A_113] : memref<10112x128xf32, #tpu.memory_space<vmem_shared>> -> memref<128x128xf32, #tpu.memory_space<vmem_shared>>
      %dma_start3A_115 = arith.constant 0 : i32
      %dma_start3A_116 = tpu.memref_slice %arg8[%add3A_7, %dma_start3A_115] : memref<10112x128xf32, #tpu.memory_space<vmem_shared>> -> memref<128x128xf32, #tpu.memory_space<vmem_shared>>
      %dma_start3A_117 = arith.constant 0 : i32
      %dma_start3A_118 = arith.constant 0 : i32
      %dma_start3A_119 = tpu.memref_slice %arg7[%run_scoped3A_8, %dma_start3A_117, %dma_start3A_118] : memref<2x128x128xf32, #tpu.memory_space<vmem>> -> memref<1x128x128xf32, #tpu.memory_space<vmem>>
      %dma_start3A_120 = tpu.memref_squeeze %dma_start3A_119 : memref<1x128x128xf32, #tpu.memory_space<vmem>> -> memref<128x128xf32, #tpu.memory_space<vmem>>
      %dma_start3A_121 = arith.constant 0 : i32
      %dma_start3A_122 = arith.constant 0 : i32
      %dma_start3A_123 = tpu.memref_slice %dma_start3A_120[%dma_start3A_121, %dma_start3A_122] : memref<128x128xf32, #tpu.memory_space<vmem>> -> memref<128x128xf32, #tpu.memory_space<vmem>>
      tpu.enqueue_dma source(%dma_start3A_123 : memref<128x128xf32, #tpu.memory_space<vmem>>) target(%dma_start3A_116 : memref<128x128xf32, #tpu.memory_space<vmem_shared>>) target_semaphore(%run_scoped3A_105 : memref<!tpu.dma_semaphore, #tpu.memory_space<semaphore_mem>>)
      %dma_wait3A_124 = arith.constant 0 : i32
      %dma_wait3A_125 = arith.constant 0 : i32
      %dma_wait3A_126 = tpu.memref_slice %arg7[%run_scoped3A_8, %dma_wait3A_124, %dma_wait3A_125] : memref<2x128x128xf32, #tpu.memory_space<vmem>> -> memref<1x128x128xf32, #tpu.memory_space<vmem>>
      %dma_wait3A_127 = tpu.memref_squeeze %dma_wait3A_126 : memref<1x128x128xf32, #tpu.memory_space<vmem>> -> memref<128x128xf32, #tpu.memory_space<vmem>>
      %dma_wait3A_128 = arith.constant 0 : i32
      %dma_wait3A_129 = arith.constant 0 : i32
      %dma_wait3A_130 = tpu.memref_slice %dma_wait3A_127[%dma_wait3A_128, %dma_wait3A_129] : memref<128x128xf32, #tpu.memory_space<vmem>> -> memref<128x128xf32, #tpu.memory_space<vmem>>
      %dma_wait3A_131 = arith.constant 0 : i32
      %dma_wait3A_132 = tpu.memref_slice %arg8[%add3A_7, %dma_wait3A_131] : memref<10112x128xf32, #tpu.memory_space<vmem_shared>> -> memref<128x128xf32, #tpu.memory_space<vmem_shared>>
      %dma_wait3A_133 = arith.constant 0 : i32
      %dma_wait3A_134 = tpu.memref_slice %arg8[%add3A_7, %dma_wait3A_133] : memref<10112x128xf32, #tpu.memory_space<vmem_shared>> -> memref<128x128xf32, #tpu.memory_space<vmem_shared>>
      %dma_wait3A_135 = arith.constant 0 : i32
      %dma_wait3A_136 = arith.constant 0 : i32
      %dma_wait3A_137 = tpu.memref_slice %arg7[%run_scoped3A_8, %dma_wait3A_135, %dma_wait3A_136] : memref<2x128x128xf32, #tpu.memory_space<vmem>> -> memref<1x128x128xf32, #tpu.memory_space<vmem>>
      %dma_wait3A_138 = tpu.memref_squeeze %dma_wait3A_137 : memref<1x128x128xf32, #tpu.memory_space<vmem>> -> memref<128x128xf32, #tpu.memory_space<vmem>>
      %dma_wait3A_139 = arith.constant 0 : i32
      %dma_wait3A_140 = arith.constant 0 : i32
      %dma_wait3A_141 = tpu.memref_slice %dma_wait3A_138[%dma_wait3A_139, %dma_wait3A_140] : memref<128x128xf32, #tpu.memory_space<vmem>> -> memref<128x128xf32, #tpu.memory_space<vmem>>
      tpu.wait_dma2 semaphore(%run_scoped3A_105 : memref<!tpu.dma_semaphore, #tpu.memory_space<semaphore_mem>>) src(%dma_wait3A_141 : memref<128x128xf32, #tpu.memory_space<vmem>>) dst(%dma_wait3A_134 : memref<128x128xf32, #tpu.memory_space<vmem_shared>>)
      tpu.yield
    }) : () -> ()
    %add3A_9 = arith.constant 384 : i32
    %add3A_10 = arith.addi %mul3A_0, %add3A_9 : i32
    %run_scoped3A_11 = arith.constant 0 : i32
    "tpu.region"() ({
      %run_scoped3A_105 = tpu.sem_alloc : memref<!tpu.dma_semaphore, #tpu.memory_space<semaphore_mem>>
      %dma_start3A_106 = arith.constant 0 : i32
      %dma_start3A_107 = arith.constant 0 : i32
      %dma_start3A_108 = tpu.memref_slice %arg7[%run_scoped3A_11, %dma_start3A_106, %dma_start3A_107] : memref<2x128x128xf32, #tpu.memory_space<vmem>> -> memref<1x128x128xf32, #tpu.memory_space<vmem>>
      %dma_start3A_109 = tpu.memref_squeeze %dma_start3A_108 : memref<1x128x128xf32, #tpu.memory_space<vmem>> -> memref<128x128xf32, #tpu.memory_space<vmem>>
      %dma_start3A_110 = arith.constant 0 : i32
      %dma_start3A_111 = arith.constant 0 : i32
      %dma_start3A_112 = tpu.memref_slice %dma_start3A_109[%dma_start3A_110, %dma_start3A_111] : memref<128x128xf32, #tpu.memory_space<vmem>> -> memref<128x128xf32, #tpu.memory_space<vmem>>
      %dma_start3A_113 = arith.constant 0 : i32
      %dma_start3A_114 = tpu.memref_slice %arg8[%add3A_10, %dma_start3A_113] : memref<10112x128xf32, #tpu.memory_space<vmem_shared>> -> memref<128x128xf32, #tpu.memory_space<vmem_shared>>
      %dma_start3A_115 = arith.constant 0 : i32
      %dma_start3A_116 = tpu.memref_slice %arg8[%add3A_10, %dma_start3A_115] : memref<10112x128xf32, #tpu.memory_space<vmem_shared>> -> memref<128x128xf32, #tpu.memory_space<vmem_shared>>
      %dma_start3A_117 = arith.constant 0 : i32
      %dma_start3A_118 = arith.constant 0 : i32
      %dma_start3A_119 = tpu.memref_slice %arg7[%run_scoped3A_11, %dma_start3A_117, %dma_start3A_118] : memref<2x128x128xf32, #tpu.memory_space<vmem>> -> memref<1x128x128xf32, #tpu.memory_space<vmem>>
      %dma_start3A_120 = tpu.memref_squeeze %dma_start3A_119 : memref<1x128x128xf32, #tpu.memory_space<vmem>> -> memref<128x128xf32, #tpu.memory_space<vmem>>
      %dma_start3A_121 = arith.constant 0 : i32
      %dma_start3A_122 = arith.constant 0 : i32
      %dma_start3A_123 = tpu.memref_slice %dma_start3A_120[%dma_start3A_121, %dma_start3A_122] : memref<128x128xf32, #tpu.memory_space<vmem>> -> memref<128x128xf32, #tpu.memory_space<vmem>>
      tpu.enqueue_dma source(%dma_start3A_123 : memref<128x128xf32, #tpu.memory_space<vmem>>) target(%dma_start3A_116 : memref<128x128xf32, #tpu.memory_space<vmem_shared>>) target_semaphore(%run_scoped3A_105 : memref<!tpu.dma_semaphore, #tpu.memory_space<semaphore_mem>>)
      %dma_wait3A_124 = arith.constant 0 : i32
      %dma_wait3A_125 = arith.constant 0 : i32
      %dma_wait3A_126 = tpu.memref_slice %arg7[%run_scoped3A_11, %dma_wait3A_124, %dma_wait3A_125] : memref<2x128x128xf32, #tpu.memory_space<vmem>> -> memref<1x128x128xf32, #tpu.memory_space<vmem>>
      %dma_wait3A_127 = tpu.memref_squeeze %dma_wait3A_126 : memref<1x128x128xf32, #tpu.memory_space<vmem>> -> memref<128x128xf32, #tpu.memory_space<vmem>>
      %dma_wait3A_128 = arith.constant 0 : i32
      %dma_wait3A_129 = arith.constant 0 : i32
      %dma_wait3A_130 = tpu.memref_slice %dma_wait3A_127[%dma_wait3A_128, %dma_wait3A_129] : memref<128x128xf32, #tpu.memory_space<vmem>> -> memref<128x128xf32, #tpu.memory_space<vmem>>
      %dma_wait3A_131 = arith.constant 0 : i32
      %dma_wait3A_132 = tpu.memref_slice %arg8[%add3A_10, %dma_wait3A_131] : memref<10112x128xf32, #tpu.memory_space<vmem_shared>> -> memref<128x128xf32, #tpu.memory_space<vmem_shared>>
      %dma_wait3A_133 = arith.constant 0 : i32
      %dma_wait3A_134 = tpu.memref_slice %arg8[%add3A_10, %dma_wait3A_133] : memref<10112x128xf32, #tpu.memory_space<vmem_shared>> -> memref<128x128xf32, #tpu.memory_space<vmem_shared>>
      %dma_wait3A_135 = arith.constant 0 : i32
      %dma_wait3A_136 = arith.constant 0 : i32
      %dma_wait3A_137 = tpu.memref_slice %arg7[%run_scoped3A_11, %dma_wait3A_135, %dma_wait3A_136] : memref<2x128x128xf32, #tpu.memory_space<vmem>> -> memref<1x128x128xf32, #tpu.memory_space<vmem>>
      %dma_wait3A_138 = tpu.memref_squeeze %dma_wait3A_137 : memref<1x128x128xf32, #tpu.memory_space<vmem>> -> memref<128x128xf32, #tpu.memory_space<vmem>>
      %dma_wait3A_139 = arith.constant 0 : i32
      %dma_wait3A_140 = arith.constant 0 : i32
      %dma_wait3A_141 = tpu.memref_slice %dma_wait3A_138[%dma_wait3A_139, %dma_wait3A_140] : memref<128x128xf32, #tpu.memory_space<vmem>> -> memref<128x128xf32, #tpu.memory_space<vmem>>
      tpu.wait_dma2 semaphore(%run_scoped3A_105 : memref<!tpu.dma_semaphore, #tpu.memory_space<semaphore_mem>>) src(%dma_wait3A_141 : memref<128x128xf32, #tpu.memory_space<vmem>>) dst(%dma_wait3A_134 : memref<128x128xf32, #tpu.memory_space<vmem_shared>>)
      tpu.yield
    }) : () -> ()
    %add3A_12 = arith.constant 512 : i32
    %add3A_13 = arith.addi %mul3A_0, %add3A_12 : i32
    %run_scoped3A_14 = arith.constant 0 : i32
    "tpu.region"() ({
      %run_scoped3A_105 = tpu.sem_alloc : memref<!tpu.dma_semaphore, #tpu.memory_space<semaphore_mem>>
      %dma_start3A_106 = arith.constant 0 : i32
      %dma_start3A_107 = arith.constant 0 : i32
      %dma_start3A_108 = tpu.memref_slice %arg7[%run_scoped3A_14, %dma_start3A_106, %dma_start3A_107] : memref<2x128x128xf32, #tpu.memory_space<vmem>> -> memref<1x128x128xf32, #tpu.memory_space<vmem>>
      %dma_start3A_109 = tpu.memref_squeeze %dma_start3A_108 : memref<1x128x128xf32, #tpu.memory_space<vmem>> -> memref<128x128xf32, #tpu.memory_space<vmem>>
      %dma_start3A_110 = arith.constant 0 : i32
      %dma_start3A_111 = arith.constant 0 : i32
      %dma_start3A_112 = tpu.memref_slice %dma_start3A_109[%dma_start3A_110, %dma_start3A_111] : memref<128x128xf32, #tpu.memory_space<vmem>> -> memref<120x128xf32, #tpu.memory_space<vmem>>
      %dma_start3A_113 = arith.constant 0 : i32
      %dma_start3A_114 = tpu.memref_slice %arg8[%add3A_13, %dma_start3A_113] : memref<10112x128xf32, #tpu.memory_space<vmem_shared>> -> memref<120x128xf32, #tpu.memory_space<vmem_shared>>
      %dma_start3A_115 = arith.constant 0 : i32
      %dma_start3A_116 = tpu.memref_slice %arg8[%add3A_13, %dma_start3A_115] : memref<10112x128xf32, #tpu.memory_space<vmem_shared>> -> memref<120x128xf32, #tpu.memory_space<vmem_shared>>
      %dma_start3A_117 = arith.constant 0 : i32
      %dma_start3A_118 = arith.constant 0 : i32
      %dma_start3A_119 = tpu.memref_slice %arg7[%run_scoped3A_14, %dma_start3A_117, %dma_start3A_118] : memref<2x128x128xf32, #tpu.memory_space<vmem>> -> memref<1x128x128xf32, #tpu.memory_space<vmem>>
      %dma_start3A_120 = tpu.memref_squeeze %dma_start3A_119 : memref<1x128x128xf32, #tpu.memory_space<vmem>> -> memref<128x128xf32, #tpu.memory_space<vmem>>
      %dma_start3A_121 = arith.constant 0 : i32
      %dma_start3A_122 = arith.constant 0 : i32
      %dma_start3A_123 = tpu.memref_slice %dma_start3A_120[%dma_start3A_121, %dma_start3A_122] : memref<128x128xf32, #tpu.memory_space<vmem>> -> memref<120x128xf32, #tpu.memory_space<vmem>>
      tpu.enqueue_dma source(%dma_start3A_123 : memref<120x128xf32, #tpu.memory_space<vmem>>) target(%dma_start3A_116 : memref<120x128xf32, #tpu.memory_space<vmem_shared>>) target_semaphore(%run_scoped3A_105 : memref<!tpu.dma_semaphore, #tpu.memory_space<semaphore_mem>>)
      %dma_wait3A_124 = arith.constant 0 : i32
      %dma_wait3A_125 = arith.constant 0 : i32
      %dma_wait3A_126 = tpu.memref_slice %arg7[%run_scoped3A_14, %dma_wait3A_124, %dma_wait3A_125] : memref<2x128x128xf32, #tpu.memory_space<vmem>> -> memref<1x128x128xf32, #tpu.memory_space<vmem>>
      %dma_wait3A_127 = tpu.memref_squeeze %dma_wait3A_126 : memref<1x128x128xf32, #tpu.memory_space<vmem>> -> memref<128x128xf32, #tpu.memory_space<vmem>>
      %dma_wait3A_128 = arith.constant 0 : i32
      %dma_wait3A_129 = arith.constant 0 : i32
      %dma_wait3A_130 = tpu.memref_slice %dma_wait3A_127[%dma_wait3A_128, %dma_wait3A_129] : memref<128x128xf32, #tpu.memory_space<vmem>> -> memref<120x128xf32, #tpu.memory_space<vmem>>
      %dma_wait3A_131 = arith.constant 0 : i32
      %dma_wait3A_132 = tpu.memref_slice %arg8[%add3A_13, %dma_wait3A_131] : memref<10112x128xf32, #tpu.memory_space<vmem_shared>> -> memref<120x128xf32, #tpu.memory_space<vmem_shared>>
      %dma_wait3A_133 = arith.constant 0 : i32
      %dma_wait3A_134 = tpu.memref_slice %arg8[%add3A_13, %dma_wait3A_133] : memref<10112x128xf32, #tpu.memory_space<vmem_shared>> -> memref<120x128xf32, #tpu.memory_space<vmem_shared>>
      %dma_wait3A_135 = arith.constant 0 : i32
      %dma_wait3A_136 = arith.constant 0 : i32
      %dma_wait3A_137 = tpu.memref_slice %arg7[%run_scoped3A_14, %dma_wait3A_135, %dma_wait3A_136] : memref<2x128x128xf32, #tpu.memory_space<vmem>> -> memref<1x128x128xf32, #tpu.memory_space<vmem>>
      %dma_wait3A_138 = tpu.memref_squeeze %dma_wait3A_137 : memref<1x128x128xf32, #tpu.memory_space<vmem>> -> memref<128x128xf32, #tpu.memory_space<vmem>>
      %dma_wait3A_139 = arith.constant 0 : i32
      %dma_wait3A_140 = arith.constant 0 : i32
      %dma_wait3A_141 = tpu.memref_slice %dma_wait3A_138[%dma_wait3A_139, %dma_wait3A_140] : memref<128x128xf32, #tpu.memory_space<vmem>> -> memref<120x128xf32, #tpu.memory_space<vmem>>
      tpu.wait_dma2 semaphore(%run_scoped3A_105 : memref<!tpu.dma_semaphore, #tpu.memory_space<semaphore_mem>>) src(%dma_wait3A_141 : memref<120x128xf32, #tpu.memory_space<vmem>>) dst(%dma_wait3A_134 : memref<120x128xf32, #tpu.memory_space<vmem_shared>>)
      tpu.yield
    }) : () -> ()
    %barrier3A = arith.constant 0 : index
    tpu.barrier barrier_id(%barrier3A)
    %mul3A_15 = arith.constant 1280 : i32
    %mul3A_16 = arith.muli %arg0, %mul3A_15 : i32
    %mul3A_17 = arith.constant 80 : i32
    %mul3A_18 = arith.muli %arg1, %mul3A_17 : i32
    %add3A_19 = arith.addi %mul3A_16, %mul3A_18 : i32
    %dma_start3A = arith.constant 0 : i32
    %dma_start3A_20 = arith.constant 0 : i32
    %dma_start3A_21 = arith.constant 0 : i32
    %dma_start3A_22 = tpu.memref_slice %arg6[%dma_start3A, %dma_start3A_20, %dma_start3A_21] : memref<4x2x128xi32, #tpu.memory_space<vmem>> -> memref<1x2x128xi32, #tpu.memory_space<vmem>>
    %dma_start3A_23 = tpu.memref_squeeze %dma_start3A_22 : memref<1x2x128xi32, #tpu.memory_space<vmem>> -> memref<2x128xi32, #tpu.memory_space<vmem>>
    %dma_start3A_24 = arith.constant 0 : i32
    %dma_start3A_25 = arith.constant 0 : i32
    %dma_start3A_26 = tpu.memref_slice %arg3[%add3A_19, %dma_start3A_24, %dma_start3A_25] : memref<2560x2x128xi32, #tpu.memory_space<hbm>> -> memref<1x2x128xi32, #tpu.memory_space<hbm>>
    %dma_start3A_27 = tpu.memref_squeeze %dma_start3A_26 : memref<1x2x128xi32, #tpu.memory_space<hbm>> -> memref<2x128xi32, #tpu.memory_space<hbm>>
    %dma_start3A_28 = arith.constant 0 : i32
    %dma_start3A_29 = arith.constant 0 : i32
    %dma_start3A_30 = tpu.memref_slice %arg6[%dma_start3A, %dma_start3A_28, %dma_start3A_29] : memref<4x2x128xi32, #tpu.memory_space<vmem>> -> memref<1x2x128xi32, #tpu.memory_space<vmem>>
    %dma_start3A_31 = tpu.memref_squeeze %dma_start3A_30 : memref<1x2x128xi32, #tpu.memory_space<vmem>> -> memref<2x128xi32, #tpu.memory_space<vmem>>
    %dma_start3A_32 = arith.constant 0 : i32
    %dma_start3A_33 = arith.constant 0 : i32
    %dma_start3A_34 = tpu.memref_slice %arg3[%add3A_19, %dma_start3A_32, %dma_start3A_33] : memref<2560x2x128xi32, #tpu.memory_space<hbm>> -> memref<1x2x128xi32, #tpu.memory_space<hbm>>
    %dma_start3A_35 = tpu.memref_squeeze %dma_start3A_34 : memref<1x2x128xi32, #tpu.memory_space<hbm>> -> memref<2x128xi32, #tpu.memory_space<hbm>>
    tpu.enqueue_dma source(%dma_start3A_35 : memref<2x128xi32, #tpu.memory_space<hbm>>) target(%dma_start3A_31 : memref<2x128xi32, #tpu.memory_space<vmem>>) target_semaphore(%arg9 : memref<!tpu.dma_semaphore, #tpu.memory_space<semaphore_mem>>)
    %add3A_36 = arith.constant 1 : i32
    %add3A_37 = arith.addi %add3A_19, %add3A_36 : i32
    %dma_start3A_38 = arith.constant 1 : i32
    %dma_start3A_39 = arith.constant 0 : i32
    %dma_start3A_40 = arith.constant 0 : i32
    %dma_start3A_41 = tpu.memref_slice %arg6[%dma_start3A_38, %dma_start3A_39, %dma_start3A_40] : memref<4x2x128xi32, #tpu.memory_space<vmem>> -> memref<1x2x128xi32, #tpu.memory_space<vmem>>
    %dma_start3A_42 = tpu.memref_squeeze %dma_start3A_41 : memref<1x2x128xi32, #tpu.memory_space<vmem>> -> memref<2x128xi32, #tpu.memory_space<vmem>>
    %dma_start3A_43 = arith.constant 0 : i32
    %dma_start3A_44 = arith.constant 0 : i32
    %dma_start3A_45 = tpu.memref_slice %arg3[%add3A_37, %dma_start3A_43, %dma_start3A_44] : memref<2560x2x128xi32, #tpu.memory_space<hbm>> -> memref<1x2x128xi32, #tpu.memory_space<hbm>>
    %dma_start3A_46 = tpu.memref_squeeze %dma_start3A_45 : memref<1x2x128xi32, #tpu.memory_space<hbm>> -> memref<2x128xi32, #tpu.memory_space<hbm>>
    %dma_start3A_47 = arith.constant 0 : i32
    %dma_start3A_48 = arith.constant 0 : i32
    %dma_start3A_49 = tpu.memref_slice %arg6[%dma_start3A_38, %dma_start3A_47, %dma_start3A_48] : memref<4x2x128xi32, #tpu.memory_space<vmem>> -> memref<1x2x128xi32, #tpu.memory_space<vmem>>
    %dma_start3A_50 = tpu.memref_squeeze %dma_start3A_49 : memref<1x2x128xi32, #tpu.memory_space<vmem>> -> memref<2x128xi32, #tpu.memory_space<vmem>>
    %dma_start3A_51 = arith.constant 0 : i32
    %dma_start3A_52 = arith.constant 0 : i32
    %dma_start3A_53 = tpu.memref_slice %arg3[%add3A_37, %dma_start3A_51, %dma_start3A_52] : memref<2560x2x128xi32, #tpu.memory_space<hbm>> -> memref<1x2x128xi32, #tpu.memory_space<hbm>>
    %dma_start3A_54 = tpu.memref_squeeze %dma_start3A_53 : memref<1x2x128xi32, #tpu.memory_space<hbm>> -> memref<2x128xi32, #tpu.memory_space<hbm>>
    tpu.enqueue_dma source(%dma_start3A_54 : memref<2x128xi32, #tpu.memory_space<hbm>>) target(%dma_start3A_50 : memref<2x128xi32, #tpu.memory_space<vmem>>) target_semaphore(%arg10 : memref<!tpu.dma_semaphore, #tpu.memory_space<semaphore_mem>>)
    %dma_wait3A = arith.constant 0 : i32
    %dma_wait3A_55 = arith.constant 0 : i32
    %dma_wait3A_56 = arith.constant 0 : i32
    %dma_wait3A_57 = arith.constant 0 : i32
    %dma_wait3A_58 = tpu.memref_slice %arg6[%dma_wait3A_55, %dma_wait3A_56, %dma_wait3A_57] : memref<4x2x128xi32, #tpu.memory_space<vmem>> -> memref<1x2x128xi32, #tpu.memory_space<vmem>>
    %dma_wait3A_59 = tpu.memref_squeeze %dma_wait3A_58 : memref<1x2x128xi32, #tpu.memory_space<vmem>> -> memref<2x128xi32, #tpu.memory_space<vmem>>
    %dma_wait3A_60 = arith.constant 0 : i32
    %dma_wait3A_61 = arith.constant 0 : i32
    %dma_wait3A_62 = tpu.memref_slice %arg3[%dma_wait3A, %dma_wait3A_60, %dma_wait3A_61] : memref<2560x2x128xi32, #tpu.memory_space<hbm>> -> memref<1x2x128xi32, #tpu.memory_space<hbm>>
    %dma_wait3A_63 = tpu.memref_squeeze %dma_wait3A_62 : memref<1x2x128xi32, #tpu.memory_space<hbm>> -> memref<2x128xi32, #tpu.memory_space<hbm>>
    %dma_wait3A_64 = arith.constant 0 : i32
    %dma_wait3A_65 = arith.constant 0 : i32
    %dma_wait3A_66 = tpu.memref_slice %arg6[%dma_wait3A_55, %dma_wait3A_64, %dma_wait3A_65] : memref<4x2x128xi32, #tpu.memory_space<vmem>> -> memref<1x2x128xi32, #tpu.memory_space<vmem>>
    %dma_wait3A_67 = tpu.memref_squeeze %dma_wait3A_66 : memref<1x2x128xi32, #tpu.memory_space<vmem>> -> memref<2x128xi32, #tpu.memory_space<vmem>>
    %dma_wait3A_68 = arith.constant 0 : i32
    %dma_wait3A_69 = arith.constant 0 : i32
    %dma_wait3A_70 = tpu.memref_slice %arg3[%dma_wait3A, %dma_wait3A_68, %dma_wait3A_69] : memref<2560x2x128xi32, #tpu.memory_space<hbm>> -> memref<1x2x128xi32, #tpu.memory_space<hbm>>
    %dma_wait3A_71 = tpu.memref_squeeze %dma_wait3A_70 : memref<1x2x128xi32, #tpu.memory_space<hbm>> -> memref<2x128xi32, #tpu.memory_space<hbm>>
    tpu.wait_dma2 semaphore(%arg9 : memref<!tpu.dma_semaphore, #tpu.memory_space<semaphore_mem>>) src(%dma_wait3A_71 : memref<2x128xi32, #tpu.memory_space<hbm>>) dst(%dma_wait3A_67 : memref<2x128xi32, #tpu.memory_space<vmem>>)
    %dma_start3A_72 = arith.constant 0 : i32
    %dma_start3A_73 = arith.constant 0 : i32
    %dma_start3A_74 = arith.constant 0 : i32
    %dma_start3A_75 = arith.constant 0 : i32
    %dma_start3A_76 = arith.constant 0 : i32
    %dma_start3A_77 = tpu.memref_slice %arg7[%dma_start3A_74, %dma_start3A_75, %dma_start3A_76] : memref<2x128x128xf32, #tpu.memory_space<vmem>> -> memref<1x128x128xf32, #tpu.memory_space<vmem>>
    %dma_start3A_78 = tpu.memref_squeeze %dma_start3A_77 : memref<1x128x128xf32, #tpu.memory_space<vmem>> -> memref<128x128xf32, #tpu.memory_space<vmem>>
    %dma_start3A_79 = arith.constant 0 : i32
    %dma_start3A_80 = tpu.memref_slice %arg6[%dma_start3A_72, %dma_start3A_73, %dma_start3A_79] : memref<4x2x128xi32, #tpu.memory_space<vmem>> -> memref<1x1x128xi32, #tpu.memory_space<vmem>>
    %dma_start3A_81 = tpu.memref_squeeze %dma_start3A_80 : memref<1x1x128xi32, #tpu.memory_space<vmem>> -> memref<128xi32, #tpu.memory_space<vmem>>
    %dma_start3A_82 = arith.constant 0 : i32
    %dma_start3A_83 = arith.constant 0 : i32
    %dma_start3A_84 = tpu.memref_slice %arg2[%dma_start3A_82, %dma_start3A_83] : memref<10000x128xf32, #tpu.memory_space<hbm>> -> memref<10000x128xf32, #tpu.memory_space<hbm>>
    tpu.enqueue_indirect_dma source(%dma_start3A_84 : memref<10000x128xf32, #tpu.memory_space<hbm>>) target(%dma_start3A_78 : memref<128x128xf32, #tpu.memory_space<vmem>>) offsets(%dma_start3A_81 : memref<128xi32, #tpu.memory_space<vmem>>) semaphore(%arg11 : memref<!tpu.dma_semaphore, #tpu.memory_space<semaphore_mem>>)
    %scan3A = arith.constant 0 : i32
    %scan3A_85 = arith.constant 20 : i32
    %scan3A_86 = arith.addi %scan3A, %scan3A_85 : i32
    %scan3A_87 = arith.constant 1 : i32
    scf.for %scan3A_105 = %scan3A to %scan3A_86 step %scan3A_87  : i32 {
      %mul3A_106 = arith.constant 1 : i32
      %mul3A_107 = arith.muli %scan3A_105, %mul3A_106 : i32
      %add3A_108 = arith.constant 0 : i32
      %add3A_109 = arith.addi %add3A_108, %mul3A_107 : i32
      %mul3A_110 = arith.constant 4 : i32
      %mul3A_111 = arith.muli %add3A_109, %mul3A_110 : i32
      %add3A_112 = arith.constant 0 : i32
      %add3A_113 = arith.addi %mul3A_111, %add3A_112 : i32
      %dma_wait3A_114 = arith.constant 0 : i32
      %dma_wait3A_115 = arith.constant 0 : i32
      %dma_wait3A_116 = arith.constant 0 : i32
      %dma_wait3A_117 = tpu.memref_slice %arg7[%dma_wait3A_114, %dma_wait3A_115, %dma_wait3A_116] : memref<2x128x128xf32, #tpu.memory_space<vmem>> -> memref<1x128x128xf32, #tpu.memory_space<vmem>>
      %dma_wait3A_118 = tpu.memref_squeeze %dma_wait3A_117 : memref<1x128x128xf32, #tpu.memory_space<vmem>> -> memref<128x128xf32, #tpu.memory_space<vmem>>
      %dma_wait3A_119 = arith.constant 0 : i32
      %dma_wait3A_120 = arith.constant 0 : i32
      %dma_wait3A_121 = tpu.memref_slice %arg2[%dma_wait3A_119, %dma_wait3A_120] : memref<10000x128xf32, #tpu.memory_space<hbm>> -> memref<128x128xf32, #tpu.memory_space<hbm>>
      %dma_wait3A_122 = arith.constant 0 : i32
      %dma_wait3A_123 = arith.constant 0 : i32
      %dma_wait3A_124 = tpu.memref_slice %arg7[%dma_wait3A_114, %dma_wait3A_122, %dma_wait3A_123] : memref<2x128x128xf32, #tpu.memory_space<vmem>> -> memref<1x128x128xf32, #tpu.memory_space<vmem>>
      %dma_wait3A_125 = tpu.memref_squeeze %dma_wait3A_124 : memref<1x128x128xf32, #tpu.memory_space<vmem>> -> memref<128x128xf32, #tpu.memory_space<vmem>>
      %dma_wait3A_126 = arith.constant 0 : i32
      %dma_wait3A_127 = arith.constant 0 : i32
      %dma_wait3A_128 = tpu.memref_slice %arg2[%dma_wait3A_126, %dma_wait3A_127] : memref<10000x128xf32, #tpu.memory_space<hbm>> -> memref<128x128xf32, #tpu.memory_space<hbm>>
      tpu.wait_dma2 semaphore(%arg11 : memref<!tpu.dma_semaphore, #tpu.memory_space<semaphore_mem>>) src(%dma_wait3A_128 : memref<128x128xf32, #tpu.memory_space<hbm>>) dst(%dma_wait3A_125 : memref<128x128xf32, #tpu.memory_space<vmem>>)
      %gt3A = arith.constant 0 : i32
      %gt3A_129 = arith.cmpi sgt, %add3A_113, %gt3A : i32
      %convert_element_type3A = arith.extui %gt3A_129 : i1 to i32
      %cond3A = arith.constant 0 : i32
      %cond3A_130 = arith.cmpi ne, %convert_element_type3A, %cond3A : i32
      scf.if %cond3A_130 {
        %dma_wait3A_310 = arith.constant 1 : i32
        %dma_wait3A_311 = arith.constant 0 : i32
        %dma_wait3A_312 = arith.constant 0 : i32
        %dma_wait3A_313 = tpu.memref_slice %arg7[%dma_wait3A_310, %dma_wait3A_311, %dma_wait3A_312] : memref<2x128x128xf32, #tpu.memory_space<vmem>> -> memref<1x128x128xf32, #tpu.memory_space<vmem>>
        %dma_wait3A_314 = tpu.memref_squeeze %dma_wait3A_313 : memref<1x128x128xf32, #tpu.memory_space<vmem>> -> memref<128x128xf32, #tpu.memory_space<vmem>>
        %dma_wait3A_315 = arith.constant 0 : i32
        %dma_wait3A_316 = arith.constant 0 : i32
        %dma_wait3A_317 = tpu.memref_slice %arg8[%dma_wait3A_315, %dma_wait3A_316] : memref<10112x128xf32, #tpu.memory_space<vmem_shared>> -> memref<128x128xf32, #tpu.memory_space<vmem_shared>>
        %dma_wait3A_318 = arith.constant 0 : i32
        %dma_wait3A_319 = arith.constant 0 : i32
        %dma_wait3A_320 = tpu.memref_slice %arg8[%dma_wait3A_318, %dma_wait3A_319] : memref<10112x128xf32, #tpu.memory_space<vmem_shared>> -> memref<128x128xf32, #tpu.memory_space<vmem_shared>>
        %dma_wait3A_321 = arith.constant 0 : i32
        %dma_wait3A_322 = arith.constant 0 : i32
        %dma_wait3A_323 = tpu.memref_slice %arg7[%dma_wait3A_310, %dma_wait3A_321, %dma_wait3A_322] : memref<2x128x128xf32, #tpu.memory_space<vmem>> -> memref<1x128x128xf32, #tpu.memory_space<vmem>>
        %dma_wait3A_324 = tpu.memref_squeeze %dma_wait3A_323 : memref<1x128x128xf32, #tpu.memory_space<vmem>> -> memref<128x128xf32, #tpu.memory_space<vmem>>
        tpu.wait_dma2 semaphore(%arg13 : memref<!tpu.dma_semaphore, #tpu.memory_space<semaphore_mem>>) src(%dma_wait3A_324 : memref<128x128xf32, #tpu.memory_space<vmem>>) dst(%dma_wait3A_320 : memref<128x128xf32, #tpu.memory_space<vmem_shared>>)
      } else {
      }
      %add3A_131 = arith.constant 2 : i32
      %add3A_132 = arith.addi %add3A_113, %add3A_131 : i32
      %lt3A = arith.constant 80 : i32
      %lt3A_133 = arith.cmpi slt, %add3A_132, %lt3A : i32
      %convert_element_type3A_134 = arith.extui %lt3A_133 : i1 to i32
      %cond3A_135 = arith.constant 0 : i32
      %cond3A_136 = arith.cmpi ne, %convert_element_type3A_134, %cond3A_135 : i32
      scf.if %cond3A_136 {
        %add3A_310 = arith.addi %add3A_19, %add3A_113 : i32
        %add3A_311 = arith.constant 2 : i32
        %add3A_312 = arith.addi %add3A_310, %add3A_311 : i32
        %dma_start3A_313 = arith.constant 2 : i32
        %dma_start3A_314 = arith.constant 0 : i32
        %dma_start3A_315 = arith.constant 0 : i32
        %dma_start3A_316 = tpu.memref_slice %arg6[%dma_start3A_313, %dma_start3A_314, %dma_start3A_315] : memref<4x2x128xi32, #tpu.memory_space<vmem>> -> memref<1x2x128xi32, #tpu.memory_space<vmem>>
        %dma_start3A_317 = tpu.memref_squeeze %dma_start3A_316 : memref<1x2x128xi32, #tpu.memory_space<vmem>> -> memref<2x128xi32, #tpu.memory_space<vmem>>
        %dma_start3A_318 = arith.constant 0 : i32
        %dma_start3A_319 = arith.constant 0 : i32
        %dma_start3A_320 = tpu.memref_slice %arg3[%add3A_312, %dma_start3A_318, %dma_start3A_319] : memref<2560x2x128xi32, #tpu.memory_space<hbm>> -> memref<1x2x128xi32, #tpu.memory_space<hbm>>
        %dma_start3A_321 = tpu.memref_squeeze %dma_start3A_320 : memref<1x2x128xi32, #tpu.memory_space<hbm>> -> memref<2x128xi32, #tpu.memory_space<hbm>>
        %dma_start3A_322 = arith.constant 0 : i32
        %dma_start3A_323 = arith.constant 0 : i32
        %dma_start3A_324 = tpu.memref_slice %arg6[%dma_start3A_313, %dma_start3A_322, %dma_start3A_323] : memref<4x2x128xi32, #tpu.memory_space<vmem>> -> memref<1x2x128xi32, #tpu.memory_space<vmem>>
        %dma_start3A_325 = tpu.memref_squeeze %dma_start3A_324 : memref<1x2x128xi32, #tpu.memory_space<vmem>> -> memref<2x128xi32, #tpu.memory_space<vmem>>
        %dma_start3A_326 = arith.constant 0 : i32
        %dma_start3A_327 = arith.constant 0 : i32
        %dma_start3A_328 = tpu.memref_slice %arg3[%add3A_312, %dma_start3A_326, %dma_start3A_327] : memref<2560x2x128xi32, #tpu.memory_space<hbm>> -> memref<1x2x128xi32, #tpu.memory_space<hbm>>
        %dma_start3A_329 = tpu.memref_squeeze %dma_start3A_328 : memref<1x2x128xi32, #tpu.memory_space<hbm>> -> memref<2x128xi32, #tpu.memory_space<hbm>>
        tpu.enqueue_dma source(%dma_start3A_329 : memref<2x128xi32, #tpu.memory_space<hbm>>) target(%dma_start3A_325 : memref<2x128xi32, #tpu.memory_space<vmem>>) target_semaphore(%arg9 : memref<!tpu.dma_semaphore, #tpu.memory_space<semaphore_mem>>)
      } else {
      }
      %add3A_137 = arith.constant 1 : i32
      %add3A_138 = arith.addi %add3A_113, %add3A_137 : i32
      %lt3A_139 = arith.constant 80 : i32
      %lt3A_140 = arith.cmpi slt, %add3A_138, %lt3A_139 : i32
      %convert_element_type3A_141 = arith.extui %lt3A_140 : i1 to i32
      %cond3A_142 = arith.constant 0 : i32
      %cond3A_143 = arith.cmpi ne, %convert_element_type3A_141, %cond3A_142 : i32
      scf.if %cond3A_143 {
        %dma_wait3A_310 = arith.constant 0 : i32
        %dma_wait3A_311 = arith.constant 1 : i32
        %dma_wait3A_312 = arith.constant 0 : i32
        %dma_wait3A_313 = arith.constant 0 : i32
        %dma_wait3A_314 = tpu.memref_slice %arg6[%dma_wait3A_311, %dma_wait3A_312, %dma_wait3A_313] : memref<4x2x128xi32, #tpu.memory_space<vmem>> -> memref<1x2x128xi32, #tpu.memory_space<vmem>>
        %dma_wait3A_315 = tpu.memref_squeeze %dma_wait3A_314 : memref<1x2x128xi32, #tpu.memory_space<vmem>> -> memref<2x128xi32, #tpu.memory_space<vmem>>
        %dma_wait3A_316 = arith.constant 0 : i32
        %dma_wait3A_317 = arith.constant 0 : i32
        %dma_wait3A_318 = tpu.memref_slice %arg3[%dma_wait3A_310, %dma_wait3A_316, %dma_wait3A_317] : memref<2560x2x128xi32, #tpu.memory_space<hbm>> -> memref<1x2x128xi32, #tpu.memory_space<hbm>>
        %dma_wait3A_319 = tpu.memref_squeeze %dma_wait3A_318 : memref<1x2x128xi32, #tpu.memory_space<hbm>> -> memref<2x128xi32, #tpu.memory_space<hbm>>
        %dma_wait3A_320 = arith.constant 0 : i32
        %dma_wait3A_321 = arith.constant 0 : i32
        %dma_wait3A_322 = tpu.memref_slice %arg6[%dma_wait3A_311, %dma_wait3A_320, %dma_wait3A_321] : memref<4x2x128xi32, #tpu.memory_space<vmem>> -> memref<1x2x128xi32, #tpu.memory_space<vmem>>
        %dma_wait3A_323 = tpu.memref_squeeze %dma_wait3A_322 : memref<1x2x128xi32, #tpu.memory_space<vmem>> -> memref<2x128xi32, #tpu.memory_space<vmem>>
        %dma_wait3A_324 = arith.constant 0 : i32
        %dma_wait3A_325 = arith.constant 0 : i32
        %dma_wait3A_326 = tpu.memref_slice %arg3[%dma_wait3A_310, %dma_wait3A_324, %dma_wait3A_325] : memref<2560x2x128xi32, #tpu.memory_space<hbm>> -> memref<1x2x128xi32, #tpu.memory_space<hbm>>
        %dma_wait3A_327 = tpu.memref_squeeze %dma_wait3A_326 : memref<1x2x128xi32, #tpu.memory_space<hbm>> -> memref<2x128xi32, #tpu.memory_space<hbm>>
        tpu.wait_dma2 semaphore(%arg10 : memref<!tpu.dma_semaphore, #tpu.memory_space<semaphore_mem>>) src(%dma_wait3A_327 : memref<2x128xi32, #tpu.memory_space<hbm>>) dst(%dma_wait3A_323 : memref<2x128xi32, #tpu.memory_space<vmem>>)
        %dma_start3A_328 = arith.constant 1 : i32
        %dma_start3A_329 = arith.constant 0 : i32
        %dma_start3A_330 = arith.constant 1 : i32
        %dma_start3A_331 = arith.constant 0 : i32
        %dma_start3A_332 = arith.constant 0 : i32
        %dma_start3A_333 = tpu.memref_slice %arg7[%dma_start3A_330, %dma_start3A_331, %dma_start3A_332] : memref<2x128x128xf32, #tpu.memory_space<vmem>> -> memref<1x128x128xf32, #tpu.memory_space<vmem>>
        %dma_start3A_334 = tpu.memref_squeeze %dma_start3A_333 : memref<1x128x128xf32, #tpu.memory_space<vmem>> -> memref<128x128xf32, #tpu.memory_space<vmem>>
        %dma_start3A_335 = arith.constant 0 : i32
        %dma_start3A_336 = tpu.memref_slice %arg6[%dma_start3A_328, %dma_start3A_329, %dma_start3A_335] : memref<4x2x128xi32, #tpu.memory_space<vmem>> -> memref<1x1x128xi32, #tpu.memory_space<vmem>>
        %dma_start3A_337 = tpu.memref_squeeze %dma_start3A_336 : memref<1x1x128xi32, #tpu.memory_space<vmem>> -> memref<128xi32, #tpu.memory_space<vmem>>
        %dma_start3A_338 = arith.constant 0 : i32
        %dma_start3A_339 = arith.constant 0 : i32
        %dma_start3A_340 = tpu.memref_slice %arg2[%dma_start3A_338, %dma_start3A_339] : memref<10000x128xf32, #tpu.memory_space<hbm>> -> memref<10000x128xf32, #tpu.memory_space<hbm>>
        tpu.enqueue_indirect_dma source(%dma_start3A_340 : memref<10000x128xf32, #tpu.memory_space<hbm>>) target(%dma_start3A_334 : memref<128x128xf32, #tpu.memory_space<vmem>>) offsets(%dma_start3A_337 : memref<128xi32, #tpu.memory_space<vmem>>) semaphore(%arg11 : memref<!tpu.dma_semaphore, #tpu.memory_space<semaphore_mem>>)
      } else {
      }
      %dma_start3A_144 = arith.constant 0 : i32
      %dma_start3A_145 = arith.constant 0 : i32
      %dma_start3A_146 = arith.constant 1 : i32
      %dma_start3A_147 = arith.constant 0 : i32
      %dma_start3A_148 = arith.constant 0 : i32
      %dma_start3A_149 = tpu.memref_slice %arg7[%dma_start3A_144, %dma_start3A_147, %dma_start3A_148] : memref<2x128x128xf32, #tpu.memory_space<vmem>> -> memref<1x128x128xf32, #tpu.memory_space<vmem>>
      %dma_start3A_150 = tpu.memref_squeeze %dma_start3A_149 : memref<1x128x128xf32, #tpu.memory_space<vmem>> -> memref<128x128xf32, #tpu.memory_space<vmem>>
      %dma_start3A_151 = arith.constant 0 : i32
      %dma_start3A_152 = tpu.memref_slice %arg6[%dma_start3A_145, %dma_start3A_146, %dma_start3A_151] : memref<4x2x128xi32, #tpu.memory_space<vmem>> -> memref<1x1x128xi32, #tpu.memory_space<vmem>>
      %dma_start3A_153 = tpu.memref_squeeze %dma_start3A_152 : memref<1x1x128xi32, #tpu.memory_space<vmem>> -> memref<128xi32, #tpu.memory_space<vmem>>
      %dma_start3A_154 = arith.constant 0 : i32
      %dma_start3A_155 = arith.constant 0 : i32
      %dma_start3A_156 = tpu.memref_slice %arg8[%dma_start3A_154, %dma_start3A_155] : memref<10112x128xf32, #tpu.memory_space<vmem_shared>> -> memref<10112x128xf32, #tpu.memory_space<vmem_shared>>
      tpu.enqueue_indirect_dma source(%dma_start3A_150 : memref<128x128xf32, #tpu.memory_space<vmem>>) target(%dma_start3A_156 : memref<10112x128xf32, #tpu.memory_space<vmem_shared>>) offsets(%dma_start3A_153 : memref<128xi32, #tpu.memory_space<vmem>>) semaphore(%arg12 : memref<!tpu.dma_semaphore, #tpu.memory_space<semaphore_mem>>) {add = true}
      %mul3A_157 = arith.constant 4 : i32
      %mul3A_158 = arith.muli %add3A_109, %mul3A_157 : i32
      %add3A_159 = arith.constant 1 : i32
      %add3A_160 = arith.addi %mul3A_158, %add3A_159 : i32
      %dma_wait3A_161 = arith.constant 1 : i32
      %dma_wait3A_162 = arith.constant 0 : i32
      %dma_wait3A_163 = arith.constant 0 : i32
      %dma_wait3A_164 = tpu.memref_slice %arg7[%dma_wait3A_161, %dma_wait3A_162, %dma_wait3A_163] : memref<2x128x128xf32, #tpu.memory_space<vmem>> -> memref<1x128x128xf32, #tpu.memory_space<vmem>>
      %dma_wait3A_165 = tpu.memref_squeeze %dma_wait3A_164 : memref<1x128x128xf32, #tpu.memory_space<vmem>> -> memref<128x128xf32, #tpu.memory_space<vmem>>
      %dma_wait3A_166 = arith.constant 0 : i32
      %dma_wait3A_167 = arith.constant 0 : i32
      %dma_wait3A_168 = tpu.memref_slice %arg2[%dma_wait3A_166, %dma_wait3A_167] : memref<10000x128xf32, #tpu.memory_space<hbm>> -> memref<128x128xf32, #tpu.memory_space<hbm>>
      %dma_wait3A_169 = arith.constant 0 : i32
      %dma_wait3A_170 = arith.constant 0 : i32
      %dma_wait3A_171 = tpu.memref_slice %arg7[%dma_wait3A_161, %dma_wait3A_169, %dma_wait3A_170] : memref<2x128x128xf32, #tpu.memory_space<vmem>> -> memref<1x128x128xf32, #tpu.memory_space<vmem>>
      %dma_wait3A_172 = tpu.memref_squeeze %dma_wait3A_171 : memref<1x128x128xf32, #tpu.memory_space<vmem>> -> memref<128x128xf32, #tpu.memory_space<vmem>>
      %dma_wait3A_173 = arith.constant 0 : i32
      %dma_wait3A_174 = arith.constant 0 : i32
      %dma_wait3A_175 = tpu.memref_slice %arg2[%dma_wait3A_173, %dma_wait3A_174] : memref<10000x128xf32, #tpu.memory_space<hbm>> -> memref<128x128xf32, #tpu.memory_space<hbm>>
      tpu.wait_dma2 semaphore(%arg11 : memref<!tpu.dma_semaphore, #tpu.memory_space<semaphore_mem>>) src(%dma_wait3A_175 : memref<128x128xf32, #tpu.memory_space<hbm>>) dst(%dma_wait3A_172 : memref<128x128xf32, #tpu.memory_space<vmem>>)
      %gt3A_176 = arith.constant 0 : i32
      %gt3A_177 = arith.cmpi sgt, %add3A_160, %gt3A_176 : i32
      %convert_element_type3A_178 = arith.extui %gt3A_177 : i1 to i32
      %cond3A_179 = arith.constant 0 : i32
      %cond3A_180 = arith.cmpi ne, %convert_element_type3A_178, %cond3A_179 : i32
      scf.if %cond3A_180 {
        %dma_wait3A_310 = arith.constant 0 : i32
        %dma_wait3A_311 = arith.constant 0 : i32
        %dma_wait3A_312 = arith.constant 0 : i32
        %dma_wait3A_313 = tpu.memref_slice %arg7[%dma_wait3A_310, %dma_wait3A_311, %dma_wait3A_312] : memref<2x128x128xf32, #tpu.memory_space<vmem>> -> memref<1x128x128xf32, #tpu.memory_space<vmem>>
        %dma_wait3A_314 = tpu.memref_squeeze %dma_wait3A_313 : memref<1x128x128xf32, #tpu.memory_space<vmem>> -> memref<128x128xf32, #tpu.memory_space<vmem>>
        %dma_wait3A_315 = arith.constant 0 : i32
        %dma_wait3A_316 = arith.constant 0 : i32
        %dma_wait3A_317 = tpu.memref_slice %arg8[%dma_wait3A_315, %dma_wait3A_316] : memref<10112x128xf32, #tpu.memory_space<vmem_shared>> -> memref<128x128xf32, #tpu.memory_space<vmem_shared>>
        %dma_wait3A_318 = arith.constant 0 : i32
        %dma_wait3A_319 = arith.constant 0 : i32
        %dma_wait3A_320 = tpu.memref_slice %arg8[%dma_wait3A_318, %dma_wait3A_319] : memref<10112x128xf32, #tpu.memory_space<vmem_shared>> -> memref<128x128xf32, #tpu.memory_space<vmem_shared>>
        %dma_wait3A_321 = arith.constant 0 : i32
        %dma_wait3A_322 = arith.constant 0 : i32
        %dma_wait3A_323 = tpu.memref_slice %arg7[%dma_wait3A_310, %dma_wait3A_321, %dma_wait3A_322] : memref<2x128x128xf32, #tpu.memory_space<vmem>> -> memref<1x128x128xf32, #tpu.memory_space<vmem>>
        %dma_wait3A_324 = tpu.memref_squeeze %dma_wait3A_323 : memref<1x128x128xf32, #tpu.memory_space<vmem>> -> memref<128x128xf32, #tpu.memory_space<vmem>>
        tpu.wait_dma2 semaphore(%arg12 : memref<!tpu.dma_semaphore, #tpu.memory_space<semaphore_mem>>) src(%dma_wait3A_324 : memref<128x128xf32, #tpu.memory_space<vmem>>) dst(%dma_wait3A_320 : memref<128x128xf32, #tpu.memory_space<vmem_shared>>)
      } else {
      }
      %add3A_181 = arith.constant 2 : i32
      %add3A_182 = arith.addi %add3A_160, %add3A_181 : i32
      %lt3A_183 = arith.constant 80 : i32
      %lt3A_184 = arith.cmpi slt, %add3A_182, %lt3A_183 : i32
      %convert_element_type3A_185 = arith.extui %lt3A_184 : i1 to i32
      %cond3A_186 = arith.constant 0 : i32
      %cond3A_187 = arith.cmpi ne, %convert_element_type3A_185, %cond3A_186 : i32
      scf.if %cond3A_187 {
        %add3A_310 = arith.addi %add3A_19, %add3A_160 : i32
        %add3A_311 = arith.constant 2 : i32
        %add3A_312 = arith.addi %add3A_310, %add3A_311 : i32
        %dma_start3A_313 = arith.constant 3 : i32
        %dma_start3A_314 = arith.constant 0 : i32
        %dma_start3A_315 = arith.constant 0 : i32
        %dma_start3A_316 = tpu.memref_slice %arg6[%dma_start3A_313, %dma_start3A_314, %dma_start3A_315] : memref<4x2x128xi32, #tpu.memory_space<vmem>> -> memref<1x2x128xi32, #tpu.memory_space<vmem>>
        %dma_start3A_317 = tpu.memref_squeeze %dma_start3A_316 : memref<1x2x128xi32, #tpu.memory_space<vmem>> -> memref<2x128xi32, #tpu.memory_space<vmem>>
        %dma_start3A_318 = arith.constant 0 : i32
        %dma_start3A_319 = arith.constant 0 : i32
        %dma_start3A_320 = tpu.memref_slice %arg3[%add3A_312, %dma_start3A_318, %dma_start3A_319] : memref<2560x2x128xi32, #tpu.memory_space<hbm>> -> memref<1x2x128xi32, #tpu.memory_space<hbm>>
        %dma_start3A_321 = tpu.memref_squeeze %dma_start3A_320 : memref<1x2x128xi32, #tpu.memory_space<hbm>> -> memref<2x128xi32, #tpu.memory_space<hbm>>
        %dma_start3A_322 = arith.constant 0 : i32
        %dma_start3A_323 = arith.constant 0 : i32
        %dma_start3A_324 = tpu.memref_slice %arg6[%dma_start3A_313, %dma_start3A_322, %dma_start3A_323] : memref<4x2x128xi32, #tpu.memory_space<vmem>> -> memref<1x2x128xi32, #tpu.memory_space<vmem>>
        %dma_start3A_325 = tpu.memref_squeeze %dma_start3A_324 : memref<1x2x128xi32, #tpu.memory_space<vmem>> -> memref<2x128xi32, #tpu.memory_space<vmem>>
        %dma_start3A_326 = arith.constant 0 : i32
        %dma_start3A_327 = arith.constant 0 : i32
        %dma_start3A_328 = tpu.memref_slice %arg3[%add3A_312, %dma_start3A_326, %dma_start3A_327] : memref<2560x2x128xi32, #tpu.memory_space<hbm>> -> memref<1x2x128xi32, #tpu.memory_space<hbm>>
        %dma_start3A_329 = tpu.memref_squeeze %dma_start3A_328 : memref<1x2x128xi32, #tpu.memory_space<hbm>> -> memref<2x128xi32, #tpu.memory_space<hbm>>
        tpu.enqueue_dma source(%dma_start3A_329 : memref<2x128xi32, #tpu.memory_space<hbm>>) target(%dma_start3A_325 : memref<2x128xi32, #tpu.memory_space<vmem>>) target_semaphore(%arg10 : memref<!tpu.dma_semaphore, #tpu.memory_space<semaphore_mem>>)
      } else {
      }
      %add3A_188 = arith.constant 1 : i32
      %add3A_189 = arith.addi %add3A_160, %add3A_188 : i32
      %lt3A_190 = arith.constant 80 : i32
      %lt3A_191 = arith.cmpi slt, %add3A_189, %lt3A_190 : i32
      %convert_element_type3A_192 = arith.extui %lt3A_191 : i1 to i32
      %cond3A_193 = arith.constant 0 : i32
      %cond3A_194 = arith.cmpi ne, %convert_element_type3A_192, %cond3A_193 : i32
      scf.if %cond3A_194 {
        %dma_wait3A_310 = arith.constant 0 : i32
        %dma_wait3A_311 = arith.constant 2 : i32
        %dma_wait3A_312 = arith.constant 0 : i32
        %dma_wait3A_313 = arith.constant 0 : i32
        %dma_wait3A_314 = tpu.memref_slice %arg6[%dma_wait3A_311, %dma_wait3A_312, %dma_wait3A_313] : memref<4x2x128xi32, #tpu.memory_space<vmem>> -> memref<1x2x128xi32, #tpu.memory_space<vmem>>
        %dma_wait3A_315 = tpu.memref_squeeze %dma_wait3A_314 : memref<1x2x128xi32, #tpu.memory_space<vmem>> -> memref<2x128xi32, #tpu.memory_space<vmem>>
        %dma_wait3A_316 = arith.constant 0 : i32
        %dma_wait3A_317 = arith.constant 0 : i32
        %dma_wait3A_318 = tpu.memref_slice %arg3[%dma_wait3A_310, %dma_wait3A_316, %dma_wait3A_317] : memref<2560x2x128xi32, #tpu.memory_space<hbm>> -> memref<1x2x128xi32, #tpu.memory_space<hbm>>
        %dma_wait3A_319 = tpu.memref_squeeze %dma_wait3A_318 : memref<1x2x128xi32, #tpu.memory_space<hbm>> -> memref<2x128xi32, #tpu.memory_space<hbm>>
        %dma_wait3A_320 = arith.constant 0 : i32
        %dma_wait3A_321 = arith.constant 0 : i32
        %dma_wait3A_322 = tpu.memref_slice %arg6[%dma_wait3A_311, %dma_wait3A_320, %dma_wait3A_321] : memref<4x2x128xi32, #tpu.memory_space<vmem>> -> memref<1x2x128xi32, #tpu.memory_space<vmem>>
        %dma_wait3A_323 = tpu.memref_squeeze %dma_wait3A_322 : memref<1x2x128xi32, #tpu.memory_space<vmem>> -> memref<2x128xi32, #tpu.memory_space<vmem>>
        %dma_wait3A_324 = arith.constant 0 : i32
        %dma_wait3A_325 = arith.constant 0 : i32
        %dma_wait3A_326 = tpu.memref_slice %arg3[%dma_wait3A_310, %dma_wait3A_324, %dma_wait3A_325] : memref<2560x2x128xi32, #tpu.memory_space<hbm>> -> memref<1x2x128xi32, #tpu.memory_space<hbm>>
        %dma_wait3A_327 = tpu.memref_squeeze %dma_wait3A_326 : memref<1x2x128xi32, #tpu.memory_space<hbm>> -> memref<2x128xi32, #tpu.memory_space<hbm>>
        tpu.wait_dma2 semaphore(%arg9 : memref<!tpu.dma_semaphore, #tpu.memory_space<semaphore_mem>>) src(%dma_wait3A_327 : memref<2x128xi32, #tpu.memory_space<hbm>>) dst(%dma_wait3A_323 : memref<2x128xi32, #tpu.memory_space<vmem>>)
        %dma_start3A_328 = arith.constant 2 : i32
        %dma_start3A_329 = arith.constant 0 : i32
        %dma_start3A_330 = arith.constant 0 : i32
        %dma_start3A_331 = arith.constant 0 : i32
        %dma_start3A_332 = arith.constant 0 : i32
        %dma_start3A_333 = tpu.memref_slice %arg7[%dma_start3A_330, %dma_start3A_331, %dma_start3A_332] : memref<2x128x128xf32, #tpu.memory_space<vmem>> -> memref<1x128x128xf32, #tpu.memory_space<vmem>>
        %dma_start3A_334 = tpu.memref_squeeze %dma_start3A_333 : memref<1x128x128xf32, #tpu.memory_space<vmem>> -> memref<128x128xf32, #tpu.memory_space<vmem>>
        %dma_start3A_335 = arith.constant 0 : i32
        %dma_start3A_336 = tpu.memref_slice %arg6[%dma_start3A_328, %dma_start3A_329, %dma_start3A_335] : memref<4x2x128xi32, #tpu.memory_space<vmem>> -> memref<1x1x128xi32, #tpu.memory_space<vmem>>
        %dma_start3A_337 = tpu.memref_squeeze %dma_start3A_336 : memref<1x1x128xi32, #tpu.memory_space<vmem>> -> memref<128xi32, #tpu.memory_space<vmem>>
        %dma_start3A_338 = arith.constant 0 : i32
        %dma_start3A_339 = arith.constant 0 : i32
        %dma_start3A_340 = tpu.memref_slice %arg2[%dma_start3A_338, %dma_start3A_339] : memref<10000x128xf32, #tpu.memory_space<hbm>> -> memref<10000x128xf32, #tpu.memory_space<hbm>>
        tpu.enqueue_indirect_dma source(%dma_start3A_340 : memref<10000x128xf32, #tpu.memory_space<hbm>>) target(%dma_start3A_334 : memref<128x128xf32, #tpu.memory_space<vmem>>) offsets(%dma_start3A_337 : memref<128xi32, #tpu.memory_space<vmem>>) semaphore(%arg11 : memref<!tpu.dma_semaphore, #tpu.memory_space<semaphore_mem>>)
      } else {
      }
      %dma_start3A_195 = arith.constant 1 : i32
      %dma_start3A_196 = arith.constant 1 : i32
      %dma_start3A_197 = arith.constant 1 : i32
      %dma_start3A_198 = arith.constant 0 : i32
      %dma_start3A_199 = arith.constant 0 : i32
      %dma_start3A_200 = tpu.memref_slice %arg7[%dma_start3A_195, %dma_start3A_198, %dma_start3A_199] : memref<2x128x128xf32, #tpu.memory_space<vmem>> -> memref<1x128x128xf32, #tpu.memory_space<vmem>>
      %dma_start3A_201 = tpu.memref_squeeze %dma_start3A_200 : memref<1x128x128xf32, #tpu.memory_space<vmem>> -> memref<128x128xf32, #tpu.memory_space<vmem>>
      %dma_start3A_202 = arith.constant 0 : i32
      %dma_start3A_203 = tpu.memref_slice %arg6[%dma_start3A_196, %dma_start3A_197, %dma_start3A_202] : memref<4x2x128xi32, #tpu.memory_space<vmem>> -> memref<1x1x128xi32, #tpu.memory_space<vmem>>
      %dma_start3A_204 = tpu.memref_squeeze %dma_start3A_203 : memref<1x1x128xi32, #tpu.memory_space<vmem>> -> memref<128xi32, #tpu.memory_space<vmem>>
      %dma_start3A_205 = arith.constant 0 : i32
      %dma_start3A_206 = arith.constant 0 : i32
      %dma_start3A_207 = tpu.memref_slice %arg8[%dma_start3A_205, %dma_start3A_206] : memref<10112x128xf32, #tpu.memory_space<vmem_shared>> -> memref<10112x128xf32, #tpu.memory_space<vmem_shared>>
      tpu.enqueue_indirect_dma source(%dma_start3A_201 : memref<128x128xf32, #tpu.memory_space<vmem>>) target(%dma_start3A_207 : memref<10112x128xf32, #tpu.memory_space<vmem_shared>>) offsets(%dma_start3A_204 : memref<128xi32, #tpu.memory_space<vmem>>) semaphore(%arg13 : memref<!tpu.dma_semaphore, #tpu.memory_space<semaphore_mem>>) {add = true}
      %mul3A_208 = arith.constant 4 : i32
      %mul3A_209 = arith.muli %add3A_109, %mul3A_208 : i32
      %add3A_210 = arith.constant 2 : i32
      %add3A_211 = arith.addi %mul3A_209, %add3A_210 : i32
      %dma_wait3A_212 = arith.constant 0 : i32
      %dma_wait3A_213 = arith.constant 0 : i32
      %dma_wait3A_214 = arith.constant 0 : i32
      %dma_wait3A_215 = tpu.memref_slice %arg7[%dma_wait3A_212, %dma_wait3A_213, %dma_wait3A_214] : memref<2x128x128xf32, #tpu.memory_space<vmem>> -> memref<1x128x128xf32, #tpu.memory_space<vmem>>
      %dma_wait3A_216 = tpu.memref_squeeze %dma_wait3A_215 : memref<1x128x128xf32, #tpu.memory_space<vmem>> -> memref<128x128xf32, #tpu.memory_space<vmem>>
      %dma_wait3A_217 = arith.constant 0 : i32
      %dma_wait3A_218 = arith.constant 0 : i32
      %dma_wait3A_219 = tpu.memref_slice %arg2[%dma_wait3A_217, %dma_wait3A_218] : memref<10000x128xf32, #tpu.memory_space<hbm>> -> memref<128x128xf32, #tpu.memory_space<hbm>>
      %dma_wait3A_220 = arith.constant 0 : i32
      %dma_wait3A_221 = arith.constant 0 : i32
      %dma_wait3A_222 = tpu.memref_slice %arg7[%dma_wait3A_212, %dma_wait3A_220, %dma_wait3A_221] : memref<2x128x128xf32, #tpu.memory_space<vmem>> -> memref<1x128x128xf32, #tpu.memory_space<vmem>>
      %dma_wait3A_223 = tpu.memref_squeeze %dma_wait3A_222 : memref<1x128x128xf32, #tpu.memory_space<vmem>> -> memref<128x128xf32, #tpu.memory_space<vmem>>
      %dma_wait3A_224 = arith.constant 0 : i32
      %dma_wait3A_225 = arith.constant 0 : i32
      %dma_wait3A_226 = tpu.memref_slice %arg2[%dma_wait3A_224, %dma_wait3A_225] : memref<10000x128xf32, #tpu.memory_space<hbm>> -> memref<128x128xf32, #tpu.memory_space<hbm>>
      tpu.wait_dma2 semaphore(%arg11 : memref<!tpu.dma_semaphore, #tpu.memory_space<semaphore_mem>>) src(%dma_wait3A_226 : memref<128x128xf32, #tpu.memory_space<hbm>>) dst(%dma_wait3A_223 : memref<128x128xf32, #tpu.memory_space<vmem>>)
      %gt3A_227 = arith.constant 0 : i32
      %gt3A_228 = arith.cmpi sgt, %add3A_211, %gt3A_227 : i32
      %convert_element_type3A_229 = arith.extui %gt3A_228 : i1 to i32
      %cond3A_230 = arith.constant 0 : i32
      %cond3A_231 = arith.cmpi ne, %convert_element_type3A_229, %cond3A_230 : i32
      scf.if %cond3A_231 {
        %dma_wait3A_310 = arith.constant 1 : i32
        %dma_wait3A_311 = arith.constant 0 : i32
        %dma_wait3A_312 = arith.constant 0 : i32
        %dma_wait3A_313 = tpu.memref_slice %arg7[%dma_wait3A_310, %dma_wait3A_311, %dma_wait3A_312] : memref<2x128x128xf32, #tpu.memory_space<vmem>> -> memref<1x128x128xf32, #tpu.memory_space<vmem>>
        %dma_wait3A_314 = tpu.memref_squeeze %dma_wait3A_313 : memref<1x128x128xf32, #tpu.memory_space<vmem>> -> memref<128x128xf32, #tpu.memory_space<vmem>>
        %dma_wait3A_315 = arith.constant 0 : i32
        %dma_wait3A_316 = arith.constant 0 : i32
        %dma_wait3A_317 = tpu.memref_slice %arg8[%dma_wait3A_315, %dma_wait3A_316] : memref<10112x128xf32, #tpu.memory_space<vmem_shared>> -> memref<128x128xf32, #tpu.memory_space<vmem_shared>>
        %dma_wait3A_318 = arith.constant 0 : i32
        %dma_wait3A_319 = arith.constant 0 : i32
        %dma_wait3A_320 = tpu.memref_slice %arg8[%dma_wait3A_318, %dma_wait3A_319] : memref<10112x128xf32, #tpu.memory_space<vmem_shared>> -> memref<128x128xf32, #tpu.memory_space<vmem_shared>>
        %dma_wait3A_321 = arith.constant 0 : i32
        %dma_wait3A_322 = arith.constant 0 : i32
        %dma_wait3A_323 = tpu.memref_slice %arg7[%dma_wait3A_310, %dma_wait3A_321, %dma_wait3A_322] : memref<2x128x128xf32, #tpu.memory_space<vmem>> -> memref<1x128x128xf32, #tpu.memory_space<vmem>>
        %dma_wait3A_324 = tpu.memref_squeeze %dma_wait3A_323 : memref<1x128x128xf32, #tpu.memory_space<vmem>> -> memref<128x128xf32, #tpu.memory_space<vmem>>
        tpu.wait_dma2 semaphore(%arg13 : memref<!tpu.dma_semaphore, #tpu.memory_space<semaphore_mem>>) src(%dma_wait3A_324 : memref<128x128xf32, #tpu.memory_space<vmem>>) dst(%dma_wait3A_320 : memref<128x128xf32, #tpu.memory_space<vmem_shared>>)
      } else {
      }
      %add3A_232 = arith.constant 2 : i32
      %add3A_233 = arith.addi %add3A_211, %add3A_232 : i32
      %lt3A_234 = arith.constant 80 : i32
      %lt3A_235 = arith.cmpi slt, %add3A_233, %lt3A_234 : i32
      %convert_element_type3A_236 = arith.extui %lt3A_235 : i1 to i32
      %cond3A_237 = arith.constant 0 : i32
      %cond3A_238 = arith.cmpi ne, %convert_element_type3A_236, %cond3A_237 : i32
      scf.if %cond3A_238 {
        %add3A_310 = arith.addi %add3A_19, %add3A_211 : i32
        %add3A_311 = arith.constant 2 : i32
        %add3A_312 = arith.addi %add3A_310, %add3A_311 : i32
        %dma_start3A_313 = arith.constant 0 : i32
        %dma_start3A_314 = arith.constant 0 : i32
        %dma_start3A_315 = arith.constant 0 : i32
        %dma_start3A_316 = tpu.memref_slice %arg6[%dma_start3A_313, %dma_start3A_314, %dma_start3A_315] : memref<4x2x128xi32, #tpu.memory_space<vmem>> -> memref<1x2x128xi32, #tpu.memory_space<vmem>>
        %dma_start3A_317 = tpu.memref_squeeze %dma_start3A_316 : memref<1x2x128xi32, #tpu.memory_space<vmem>> -> memref<2x128xi32, #tpu.memory_space<vmem>>
        %dma_start3A_318 = arith.constant 0 : i32
        %dma_start3A_319 = arith.constant 0 : i32
        %dma_start3A_320 = tpu.memref_slice %arg3[%add3A_312, %dma_start3A_318, %dma_start3A_319] : memref<2560x2x128xi32, #tpu.memory_space<hbm>> -> memref<1x2x128xi32, #tpu.memory_space<hbm>>
        %dma_start3A_321 = tpu.memref_squeeze %dma_start3A_320 : memref<1x2x128xi32, #tpu.memory_space<hbm>> -> memref<2x128xi32, #tpu.memory_space<hbm>>
        %dma_start3A_322 = arith.constant 0 : i32
        %dma_start3A_323 = arith.constant 0 : i32
        %dma_start3A_324 = tpu.memref_slice %arg6[%dma_start3A_313, %dma_start3A_322, %dma_start3A_323] : memref<4x2x128xi32, #tpu.memory_space<vmem>> -> memref<1x2x128xi32, #tpu.memory_space<vmem>>
        %dma_start3A_325 = tpu.memref_squeeze %dma_start3A_324 : memref<1x2x128xi32, #tpu.memory_space<vmem>> -> memref<2x128xi32, #tpu.memory_space<vmem>>
        %dma_start3A_326 = arith.constant 0 : i32
        %dma_start3A_327 = arith.constant 0 : i32
        %dma_start3A_328 = tpu.memref_slice %arg3[%add3A_312, %dma_start3A_326, %dma_start3A_327] : memref<2560x2x128xi32, #tpu.memory_space<hbm>> -> memref<1x2x128xi32, #tpu.memory_space<hbm>>
        %dma_start3A_329 = tpu.memref_squeeze %dma_start3A_328 : memref<1x2x128xi32, #tpu.memory_space<hbm>> -> memref<2x128xi32, #tpu.memory_space<hbm>>
        tpu.enqueue_dma source(%dma_start3A_329 : memref<2x128xi32, #tpu.memory_space<hbm>>) target(%dma_start3A_325 : memref<2x128xi32, #tpu.memory_space<vmem>>) target_semaphore(%arg9 : memref<!tpu.dma_semaphore, #tpu.memory_space<semaphore_mem>>)
      } else {
      }
      %add3A_239 = arith.constant 1 : i32
      %add3A_240 = arith.addi %add3A_211, %add3A_239 : i32
      %lt3A_241 = arith.constant 80 : i32
      %lt3A_242 = arith.cmpi slt, %add3A_240, %lt3A_241 : i32
      %convert_element_type3A_243 = arith.extui %lt3A_242 : i1 to i32
      %cond3A_244 = arith.constant 0 : i32
      %cond3A_245 = arith.cmpi ne, %convert_element_type3A_243, %cond3A_244 : i32
      scf.if %cond3A_245 {
        %dma_wait3A_310 = arith.constant 0 : i32
        %dma_wait3A_311 = arith.constant 3 : i32
        %dma_wait3A_312 = arith.constant 0 : i32
        %dma_wait3A_313 = arith.constant 0 : i32
        %dma_wait3A_314 = tpu.memref_slice %arg6[%dma_wait3A_311, %dma_wait3A_312, %dma_wait3A_313] : memref<4x2x128xi32, #tpu.memory_space<vmem>> -> memref<1x2x128xi32, #tpu.memory_space<vmem>>
        %dma_wait3A_315 = tpu.memref_squeeze %dma_wait3A_314 : memref<1x2x128xi32, #tpu.memory_space<vmem>> -> memref<2x128xi32, #tpu.memory_space<vmem>>
        %dma_wait3A_316 = arith.constant 0 : i32
        %dma_wait3A_317 = arith.constant 0 : i32
        %dma_wait3A_318 = tpu.memref_slice %arg3[%dma_wait3A_310, %dma_wait3A_316, %dma_wait3A_317] : memref<2560x2x128xi32, #tpu.memory_space<hbm>> -> memref<1x2x128xi32, #tpu.memory_space<hbm>>
        %dma_wait3A_319 = tpu.memref_squeeze %dma_wait3A_318 : memref<1x2x128xi32, #tpu.memory_space<hbm>> -> memref<2x128xi32, #tpu.memory_space<hbm>>
        %dma_wait3A_320 = arith.constant 0 : i32
        %dma_wait3A_321 = arith.constant 0 : i32
        %dma_wait3A_322 = tpu.memref_slice %arg6[%dma_wait3A_311, %dma_wait3A_320, %dma_wait3A_321] : memref<4x2x128xi32, #tpu.memory_space<vmem>> -> memref<1x2x128xi32, #tpu.memory_space<vmem>>
        %dma_wait3A_323 = tpu.memref_squeeze %dma_wait3A_322 : memref<1x2x128xi32, #tpu.memory_space<vmem>> -> memref<2x128xi32, #tpu.memory_space<vmem>>
        %dma_wait3A_324 = arith.constant 0 : i32
        %dma_wait3A_325 = arith.constant 0 : i32
        %dma_wait3A_326 = tpu.memref_slice %arg3[%dma_wait3A_310, %dma_wait3A_324, %dma_wait3A_325] : memref<2560x2x128xi32, #tpu.memory_space<hbm>> -> memref<1x2x128xi32, #tpu.memory_space<hbm>>
        %dma_wait3A_327 = tpu.memref_squeeze %dma_wait3A_326 : memref<1x2x128xi32, #tpu.memory_space<hbm>> -> memref<2x128xi32, #tpu.memory_space<hbm>>
        tpu.wait_dma2 semaphore(%arg10 : memref<!tpu.dma_semaphore, #tpu.memory_space<semaphore_mem>>) src(%dma_wait3A_327 : memref<2x128xi32, #tpu.memory_space<hbm>>) dst(%dma_wait3A_323 : memref<2x128xi32, #tpu.memory_space<vmem>>)
        %dma_start3A_328 = arith.constant 3 : i32
        %dma_start3A_329 = arith.constant 0 : i32
        %dma_start3A_330 = arith.constant 1 : i32
        %dma_start3A_331 = arith.constant 0 : i32
        %dma_start3A_332 = arith.constant 0 : i32
        %dma_start3A_333 = tpu.memref_slice %arg7[%dma_start3A_330, %dma_start3A_331, %dma_start3A_332] : memref<2x128x128xf32, #tpu.memory_space<vmem>> -> memref<1x128x128xf32, #tpu.memory_space<vmem>>
        %dma_start3A_334 = tpu.memref_squeeze %dma_start3A_333 : memref<1x128x128xf32, #tpu.memory_space<vmem>> -> memref<128x128xf32, #tpu.memory_space<vmem>>
        %dma_start3A_335 = arith.constant 0 : i32
        %dma_start3A_336 = tpu.memref_slice %arg6[%dma_start3A_328, %dma_start3A_329, %dma_start3A_335] : memref<4x2x128xi32, #tpu.memory_space<vmem>> -> memref<1x1x128xi32, #tpu.memory_space<vmem>>
        %dma_start3A_337 = tpu.memref_squeeze %dma_start3A_336 : memref<1x1x128xi32, #tpu.memory_space<vmem>> -> memref<128xi32, #tpu.memory_space<vmem>>
        %dma_start3A_338 = arith.constant 0 : i32
        %dma_start3A_339 = arith.constant 0 : i32
        %dma_start3A_340 = tpu.memref_slice %arg2[%dma_start3A_338, %dma_start3A_339] : memref<10000x128xf32, #tpu.memory_space<hbm>> -> memref<10000x128xf32, #tpu.memory_space<hbm>>
        tpu.enqueue_indirect_dma source(%dma_start3A_340 : memref<10000x128xf32, #tpu.memory_space<hbm>>) target(%dma_start3A_334 : memref<128x128xf32, #tpu.memory_space<vmem>>) offsets(%dma_start3A_337 : memref<128xi32, #tpu.memory_space<vmem>>) semaphore(%arg11 : memref<!tpu.dma_semaphore, #tpu.memory_space<semaphore_mem>>)
      } else {
      }
      %dma_start3A_246 = arith.constant 0 : i32
      %dma_start3A_247 = arith.constant 2 : i32
      %dma_start3A_248 = arith.constant 1 : i32
      %dma_start3A_249 = arith.constant 0 : i32
      %dma_start3A_250 = arith.constant 0 : i32
      %dma_start3A_251 = tpu.memref_slice %arg7[%dma_start3A_246, %dma_start3A_249, %dma_start3A_250] : memref<2x128x128xf32, #tpu.memory_space<vmem>> -> memref<1x128x128xf32, #tpu.memory_space<vmem>>
      %dma_start3A_252 = tpu.memref_squeeze %dma_start3A_251 : memref<1x128x128xf32, #tpu.memory_space<vmem>> -> memref<128x128xf32, #tpu.memory_space<vmem>>
      %dma_start3A_253 = arith.constant 0 : i32
      %dma_start3A_254 = tpu.memref_slice %arg6[%dma_start3A_247, %dma_start3A_248, %dma_start3A_253] : memref<4x2x128xi32, #tpu.memory_space<vmem>> -> memref<1x1x128xi32, #tpu.memory_space<vmem>>
      %dma_start3A_255 = tpu.memref_squeeze %dma_start3A_254 : memref<1x1x128xi32, #tpu.memory_space<vmem>> -> memref<128xi32, #tpu.memory_space<vmem>>
      %dma_start3A_256 = arith.constant 0 : i32
      %dma_start3A_257 = arith.constant 0 : i32
      %dma_start3A_258 = tpu.memref_slice %arg8[%dma_start3A_256, %dma_start3A_257] : memref<10112x128xf32, #tpu.memory_space<vmem_shared>> -> memref<10112x128xf32, #tpu.memory_space<vmem_shared>>
      tpu.enqueue_indirect_dma source(%dma_start3A_252 : memref<128x128xf32, #tpu.memory_space<vmem>>) target(%dma_start3A_258 : memref<10112x128xf32, #tpu.memory_space<vmem_shared>>) offsets(%dma_start3A_255 : memref<128xi32, #tpu.memory_space<vmem>>) semaphore(%arg12 : memref<!tpu.dma_semaphore, #tpu.memory_space<semaphore_mem>>) {add = true}
      %mul3A_259 = arith.constant 4 : i32
      %mul3A_260 = arith.muli %add3A_109, %mul3A_259 : i32
      %add3A_261 = arith.constant 3 : i32
      %add3A_262 = arith.addi %mul3A_260, %add3A_261 : i32
      %dma_wait3A_263 = arith.constant 1 : i32
      %dma_wait3A_264 = arith.constant 0 : i32
      %dma_wait3A_265 = arith.constant 0 : i32
      %dma_wait3A_266 = tpu.memref_slice %arg7[%dma_wait3A_263, %dma_wait3A_264, %dma_wait3A_265] : memref<2x128x128xf32, #tpu.memory_space<vmem>> -> memref<1x128x128xf32, #tpu.memory_space<vmem>>
      %dma_wait3A_267 = tpu.memref_squeeze %dma_wait3A_266 : memref<1x128x128xf32, #tpu.memory_space<vmem>> -> memref<128x128xf32, #tpu.memory_space<vmem>>
      %dma_wait3A_268 = arith.constant 0 : i32
      %dma_wait3A_269 = arith.constant 0 : i32
      %dma_wait3A_270 = tpu.memref_slice %arg2[%dma_wait3A_268, %dma_wait3A_269] : memref<10000x128xf32, #tpu.memory_space<hbm>> -> memref<128x128xf32, #tpu.memory_space<hbm>>
      %dma_wait3A_271 = arith.constant 0 : i32
      %dma_wait3A_272 = arith.constant 0 : i32
      %dma_wait3A_273 = tpu.memref_slice %arg7[%dma_wait3A_263, %dma_wait3A_271, %dma_wait3A_272] : memref<2x128x128xf32, #tpu.memory_space<vmem>> -> memref<1x128x128xf32, #tpu.memory_space<vmem>>
      %dma_wait3A_274 = tpu.memref_squeeze %dma_wait3A_273 : memref<1x128x128xf32, #tpu.memory_space<vmem>> -> memref<128x128xf32, #tpu.memory_space<vmem>>
      %dma_wait3A_275 = arith.constant 0 : i32
      %dma_wait3A_276 = arith.constant 0 : i32
      %dma_wait3A_277 = tpu.memref_slice %arg2[%dma_wait3A_275, %dma_wait3A_276] : memref<10000x128xf32, #tpu.memory_space<hbm>> -> memref<128x128xf32, #tpu.memory_space<hbm>>
      tpu.wait_dma2 semaphore(%arg11 : memref<!tpu.dma_semaphore, #tpu.memory_space<semaphore_mem>>) src(%dma_wait3A_277 : memref<128x128xf32, #tpu.memory_space<hbm>>) dst(%dma_wait3A_274 : memref<128x128xf32, #tpu.memory_space<vmem>>)
      %gt3A_278 = arith.constant 0 : i32
      %gt3A_279 = arith.cmpi sgt, %add3A_262, %gt3A_278 : i32
      %convert_element_type3A_280 = arith.extui %gt3A_279 : i1 to i32
      %cond3A_281 = arith.constant 0 : i32
      %cond3A_282 = arith.cmpi ne, %convert_element_type3A_280, %cond3A_281 : i32
      scf.if %cond3A_282 {
        %dma_wait3A_310 = arith.constant 0 : i32
        %dma_wait3A_311 = arith.constant 0 : i32
        %dma_wait3A_312 = arith.constant 0 : i32
        %dma_wait3A_313 = tpu.memref_slice %arg7[%dma_wait3A_310, %dma_wait3A_311, %dma_wait3A_312] : memref<2x128x128xf32, #tpu.memory_space<vmem>> -> memref<1x128x128xf32, #tpu.memory_space<vmem>>
        %dma_wait3A_314 = tpu.memref_squeeze %dma_wait3A_313 : memref<1x128x128xf32, #tpu.memory_space<vmem>> -> memref<128x128xf32, #tpu.memory_space<vmem>>
        %dma_wait3A_315 = arith.constant 0 : i32
        %dma_wait3A_316 = arith.constant 0 : i32
        %dma_wait3A_317 = tpu.memref_slice %arg8[%dma_wait3A_315, %dma_wait3A_316] : memref<10112x128xf32, #tpu.memory_space<vmem_shared>> -> memref<128x128xf32, #tpu.memory_space<vmem_shared>>
        %dma_wait3A_318 = arith.constant 0 : i32
        %dma_wait3A_319 = arith.constant 0 : i32
        %dma_wait3A_320 = tpu.memref_slice %arg8[%dma_wait3A_318, %dma_wait3A_319] : memref<10112x128xf32, #tpu.memory_space<vmem_shared>> -> memref<128x128xf32, #tpu.memory_space<vmem_shared>>
        %dma_wait3A_321 = arith.constant 0 : i32
        %dma_wait3A_322 = arith.constant 0 : i32
        %dma_wait3A_323 = tpu.memref_slice %arg7[%dma_wait3A_310, %dma_wait3A_321, %dma_wait3A_322] : memref<2x128x128xf32, #tpu.memory_space<vmem>> -> memref<1x128x128xf32, #tpu.memory_space<vmem>>
        %dma_wait3A_324 = tpu.memref_squeeze %dma_wait3A_323 : memref<1x128x128xf32, #tpu.memory_space<vmem>> -> memref<128x128xf32, #tpu.memory_space<vmem>>
        tpu.wait_dma2 semaphore(%arg12 : memref<!tpu.dma_semaphore, #tpu.memory_space<semaphore_mem>>) src(%dma_wait3A_324 : memref<128x128xf32, #tpu.memory_space<vmem>>) dst(%dma_wait3A_320 : memref<128x128xf32, #tpu.memory_space<vmem_shared>>)
      } else {
      }
      %add3A_283 = arith.constant 2 : i32
      %add3A_284 = arith.addi %add3A_262, %add3A_283 : i32
      %lt3A_285 = arith.constant 80 : i32
      %lt3A_286 = arith.cmpi slt, %add3A_284, %lt3A_285 : i32
      %convert_element_type3A_287 = arith.extui %lt3A_286 : i1 to i32
      %cond3A_288 = arith.constant 0 : i32
      %cond3A_289 = arith.cmpi ne, %convert_element_type3A_287, %cond3A_288 : i32
      scf.if %cond3A_289 {
        %add3A_310 = arith.addi %add3A_19, %add3A_262 : i32
        %add3A_311 = arith.constant 2 : i32
        %add3A_312 = arith.addi %add3A_310, %add3A_311 : i32
        %dma_start3A_313 = arith.constant 1 : i32
        %dma_start3A_314 = arith.constant 0 : i32
        %dma_start3A_315 = arith.constant 0 : i32
        %dma_start3A_316 = tpu.memref_slice %arg6[%dma_start3A_313, %dma_start3A_314, %dma_start3A_315] : memref<4x2x128xi32, #tpu.memory_space<vmem>> -> memref<1x2x128xi32, #tpu.memory_space<vmem>>
        %dma_start3A_317 = tpu.memref_squeeze %dma_start3A_316 : memref<1x2x128xi32, #tpu.memory_space<vmem>> -> memref<2x128xi32, #tpu.memory_space<vmem>>
        %dma_start3A_318 = arith.constant 0 : i32
        %dma_start3A_319 = arith.constant 0 : i32
        %dma_start3A_320 = tpu.memref_slice %arg3[%add3A_312, %dma_start3A_318, %dma_start3A_319] : memref<2560x2x128xi32, #tpu.memory_space<hbm>> -> memref<1x2x128xi32, #tpu.memory_space<hbm>>
        %dma_start3A_321 = tpu.memref_squeeze %dma_start3A_320 : memref<1x2x128xi32, #tpu.memory_space<hbm>> -> memref<2x128xi32, #tpu.memory_space<hbm>>
        %dma_start3A_322 = arith.constant 0 : i32
        %dma_start3A_323 = arith.constant 0 : i32
        %dma_start3A_324 = tpu.memref_slice %arg6[%dma_start3A_313, %dma_start3A_322, %dma_start3A_323] : memref<4x2x128xi32, #tpu.memory_space<vmem>> -> memref<1x2x128xi32, #tpu.memory_space<vmem>>
        %dma_start3A_325 = tpu.memref_squeeze %dma_start3A_324 : memref<1x2x128xi32, #tpu.memory_space<vmem>> -> memref<2x128xi32, #tpu.memory_space<vmem>>
        %dma_start3A_326 = arith.constant 0 : i32
        %dma_start3A_327 = arith.constant 0 : i32
        %dma_start3A_328 = tpu.memref_slice %arg3[%add3A_312, %dma_start3A_326, %dma_start3A_327] : memref<2560x2x128xi32, #tpu.memory_space<hbm>> -> memref<1x2x128xi32, #tpu.memory_space<hbm>>
        %dma_start3A_329 = tpu.memref_squeeze %dma_start3A_328 : memref<1x2x128xi32, #tpu.memory_space<hbm>> -> memref<2x128xi32, #tpu.memory_space<hbm>>
        tpu.enqueue_dma source(%dma_start3A_329 : memref<2x128xi32, #tpu.memory_space<hbm>>) target(%dma_start3A_325 : memref<2x128xi32, #tpu.memory_space<vmem>>) target_semaphore(%arg10 : memref<!tpu.dma_semaphore, #tpu.memory_space<semaphore_mem>>)
      } else {
      }
      %add3A_290 = arith.constant 1 : i32
      %add3A_291 = arith.addi %add3A_262, %add3A_290 : i32
      %lt3A_292 = arith.constant 80 : i32
      %lt3A_293 = arith.cmpi slt, %add3A_291, %lt3A_292 : i32
      %convert_element_type3A_294 = arith.extui %lt3A_293 : i1 to i32
      %cond3A_295 = arith.constant 0 : i32
      %cond3A_296 = arith.cmpi ne, %convert_element_type3A_294, %cond3A_295 : i32
      scf.if %cond3A_296 {
        %dma_wait3A_310 = arith.constant 0 : i32
        %dma_wait3A_311 = arith.constant 0 : i32
        %dma_wait3A_312 = arith.constant 0 : i32
        %dma_wait3A_313 = arith.constant 0 : i32
        %dma_wait3A_314 = tpu.memref_slice %arg6[%dma_wait3A_311, %dma_wait3A_312, %dma_wait3A_313] : memref<4x2x128xi32, #tpu.memory_space<vmem>> -> memref<1x2x128xi32, #tpu.memory_space<vmem>>
        %dma_wait3A_315 = tpu.memref_squeeze %dma_wait3A_314 : memref<1x2x128xi32, #tpu.memory_space<vmem>> -> memref<2x128xi32, #tpu.memory_space<vmem>>
        %dma_wait3A_316 = arith.constant 0 : i32
        %dma_wait3A_317 = arith.constant 0 : i32
        %dma_wait3A_318 = tpu.memref_slice %arg3[%dma_wait3A_310, %dma_wait3A_316, %dma_wait3A_317] : memref<2560x2x128xi32, #tpu.memory_space<hbm>> -> memref<1x2x128xi32, #tpu.memory_space<hbm>>
        %dma_wait3A_319 = tpu.memref_squeeze %dma_wait3A_318 : memref<1x2x128xi32, #tpu.memory_space<hbm>> -> memref<2x128xi32, #tpu.memory_space<hbm>>
        %dma_wait3A_320 = arith.constant 0 : i32
        %dma_wait3A_321 = arith.constant 0 : i32
        %dma_wait3A_322 = tpu.memref_slice %arg6[%dma_wait3A_311, %dma_wait3A_320, %dma_wait3A_321] : memref<4x2x128xi32, #tpu.memory_space<vmem>> -> memref<1x2x128xi32, #tpu.memory_space<vmem>>
        %dma_wait3A_323 = tpu.memref_squeeze %dma_wait3A_322 : memref<1x2x128xi32, #tpu.memory_space<vmem>> -> memref<2x128xi32, #tpu.memory_space<vmem>>
        %dma_wait3A_324 = arith.constant 0 : i32
        %dma_wait3A_325 = arith.constant 0 : i32
        %dma_wait3A_326 = tpu.memref_slice %arg3[%dma_wait3A_310, %dma_wait3A_324, %dma_wait3A_325] : memref<2560x2x128xi32, #tpu.memory_space<hbm>> -> memref<1x2x128xi32, #tpu.memory_space<hbm>>
        %dma_wait3A_327 = tpu.memref_squeeze %dma_wait3A_326 : memref<1x2x128xi32, #tpu.memory_space<hbm>> -> memref<2x128xi32, #tpu.memory_space<hbm>>
        tpu.wait_dma2 semaphore(%arg9 : memref<!tpu.dma_semaphore, #tpu.memory_space<semaphore_mem>>) src(%dma_wait3A_327 : memref<2x128xi32, #tpu.memory_space<hbm>>) dst(%dma_wait3A_323 : memref<2x128xi32, #tpu.memory_space<vmem>>)
        %dma_start3A_328 = arith.constant 0 : i32
        %dma_start3A_329 = arith.constant 0 : i32
        %dma_start3A_330 = arith.constant 0 : i32
        %dma_start3A_331 = arith.constant 0 : i32
        %dma_start3A_332 = arith.constant 0 : i32
        %dma_start3A_333 = tpu.memref_slice %arg7[%dma_start3A_330, %dma_start3A_331, %dma_start3A_332] : memref<2x128x128xf32, #tpu.memory_space<vmem>> -> memref<1x128x128xf32, #tpu.memory_space<vmem>>
        %dma_start3A_334 = tpu.memref_squeeze %dma_start3A_333 : memref<1x128x128xf32, #tpu.memory_space<vmem>> -> memref<128x128xf32, #tpu.memory_space<vmem>>
        %dma_start3A_335 = arith.constant 0 : i32
        %dma_start3A_336 = tpu.memref_slice %arg6[%dma_start3A_328, %dma_start3A_329, %dma_start3A_335] : memref<4x2x128xi32, #tpu.memory_space<vmem>> -> memref<1x1x128xi32, #tpu.memory_space<vmem>>
        %dma_start3A_337 = tpu.memref_squeeze %dma_start3A_336 : memref<1x1x128xi32, #tpu.memory_space<vmem>> -> memref<128xi32, #tpu.memory_space<vmem>>
        %dma_start3A_338 = arith.constant 0 : i32
        %dma_start3A_339 = arith.constant 0 : i32
        %dma_start3A_340 = tpu.memref_slice %arg2[%dma_start3A_338, %dma_start3A_339] : memref<10000x128xf32, #tpu.memory_space<hbm>> -> memref<10000x128xf32, #tpu.memory_space<hbm>>
        tpu.enqueue_indirect_dma source(%dma_start3A_340 : memref<10000x128xf32, #tpu.memory_space<hbm>>) target(%dma_start3A_334 : memref<128x128xf32, #tpu.memory_space<vmem>>) offsets(%dma_start3A_337 : memref<128xi32, #tpu.memory_space<vmem>>) semaphore(%arg11 : memref<!tpu.dma_semaphore, #tpu.memory_space<semaphore_mem>>)
      } else {
      }
      %dma_start3A_297 = arith.constant 1 : i32
      %dma_start3A_298 = arith.constant 3 : i32
      %dma_start3A_299 = arith.constant 1 : i32
      %dma_start3A_300 = arith.constant 0 : i32
      %dma_start3A_301 = arith.constant 0 : i32
      %dma_start3A_302 = tpu.memref_slice %arg7[%dma_start3A_297, %dma_start3A_300, %dma_start3A_301] : memref<2x128x128xf32, #tpu.memory_space<vmem>> -> memref<1x128x128xf32, #tpu.memory_space<vmem>>
      %dma_start3A_303 = tpu.memref_squeeze %dma_start3A_302 : memref<1x128x128xf32, #tpu.memory_space<vmem>> -> memref<128x128xf32, #tpu.memory_space<vmem>>
      %dma_start3A_304 = arith.constant 0 : i32
      %dma_start3A_305 = tpu.memref_slice %arg6[%dma_start3A_298, %dma_start3A_299, %dma_start3A_304] : memref<4x2x128xi32, #tpu.memory_space<vmem>> -> memref<1x1x128xi32, #tpu.memory_space<vmem>>
      %dma_start3A_306 = tpu.memref_squeeze %dma_start3A_305 : memref<1x1x128xi32, #tpu.memory_space<vmem>> -> memref<128xi32, #tpu.memory_space<vmem>>
      %dma_start3A_307 = arith.constant 0 : i32
      %dma_start3A_308 = arith.constant 0 : i32
      %dma_start3A_309 = tpu.memref_slice %arg8[%dma_start3A_307, %dma_start3A_308] : memref<10112x128xf32, #tpu.memory_space<vmem_shared>> -> memref<10112x128xf32, #tpu.memory_space<vmem_shared>>
      tpu.enqueue_indirect_dma source(%dma_start3A_303 : memref<128x128xf32, #tpu.memory_space<vmem>>) target(%dma_start3A_309 : memref<10112x128xf32, #tpu.memory_space<vmem_shared>>) offsets(%dma_start3A_306 : memref<128xi32, #tpu.memory_space<vmem>>) semaphore(%arg13 : memref<!tpu.dma_semaphore, #tpu.memory_space<semaphore_mem>>) {add = true}
    }
    %scan3A_88 = arith.constant 20 : i32
    %dma_wait3A_89 = arith.constant 1 : i32
    %dma_wait3A_90 = arith.constant 0 : i32
    %dma_wait3A_91 = arith.constant 0 : i32
    %dma_wait3A_92 = tpu.memref_slice %arg7[%dma_wait3A_89, %dma_wait3A_90, %dma_wait3A_91] : memref<2x128x128xf32, #tpu.memory_space<vmem>> -> memref<1x128x128xf32, #tpu.memory_space<vmem>>
    %dma_wait3A_93 = tpu.memref_squeeze %dma_wait3A_92 : memref<1x128x128xf32, #tpu.memory_space<vmem>> -> memref<128x128xf32, #tpu.memory_space<vmem>>
    %dma_wait3A_94 = arith.constant 0 : i32
    %dma_wait3A_95 = arith.constant 0 : i32
    %dma_wait3A_96 = tpu.memref_slice %arg8[%dma_wait3A_94, %dma_wait3A_95] : memref<10112x128xf32, #tpu.memory_space<vmem_shared>> -> memref<128x128xf32, #tpu.memory_space<vmem_shared>>
    %dma_wait3A_97 = arith.constant 0 : i32
    %dma_wait3A_98 = arith.constant 0 : i32
    %dma_wait3A_99 = tpu.memref_slice %arg8[%dma_wait3A_97, %dma_wait3A_98] : memref<10112x128xf32, #tpu.memory_space<vmem_shared>> -> memref<128x128xf32, #tpu.memory_space<vmem_shared>>
    %dma_wait3A_100 = arith.constant 0 : i32
    %dma_wait3A_101 = arith.constant 0 : i32
    %dma_wait3A_102 = tpu.memref_slice %arg7[%dma_wait3A_89, %dma_wait3A_100, %dma_wait3A_101] : memref<2x128x128xf32, #tpu.memory_space<vmem>> -> memref<1x128x128xf32, #tpu.memory_space<vmem>>
    %dma_wait3A_103 = tpu.memref_squeeze %dma_wait3A_102 : memref<1x128x128xf32, #tpu.memory_space<vmem>> -> memref<128x128xf32, #tpu.memory_space<vmem>>
    tpu.wait_dma2 semaphore(%arg13 : memref<!tpu.dma_semaphore, #tpu.memory_space<semaphore_mem>>) src(%dma_wait3A_103 : memref<128x128xf32, #tpu.memory_space<vmem>>) dst(%dma_wait3A_99 : memref<128x128xf32, #tpu.memory_space<vmem_shared>>)
    %barrier3A_104 = arith.constant 0 : index
    tpu.barrier barrier_id(%barrier3A_104)
    "tpu.region"() ({
      %run_scoped3A_105 = tpu.sem_alloc : memref<!tpu.dma_semaphore, #tpu.memory_space<semaphore_mem>>
      %dma_start3A_106 = arith.constant 0 : i32
      %dma_start3A_107 = arith.constant 0 : i32
      %dma_start3A_108 = tpu.memref_slice %arg5[%arg0, %dma_start3A_106, %dma_start3A_107] : memref<2x10112x128xf32, #tpu.memory_space<hbm>> -> memref<1x10112x128xf32, #tpu.memory_space<hbm>>
      %dma_start3A_109 = tpu.memref_squeeze %dma_start3A_108 : memref<1x10112x128xf32, #tpu.memory_space<hbm>> -> memref<10112x128xf32, #tpu.memory_space<hbm>>
      %dma_start3A_110 = arith.constant 0 : i32
      %dma_start3A_111 = tpu.memref_slice %dma_start3A_109[%mul3A_0, %dma_start3A_110] : memref<10112x128xf32, #tpu.memory_space<hbm>> -> memref<632x128xf32, #tpu.memory_space<hbm>>
      %dma_start3A_112 = arith.constant 0 : i32
      %dma_start3A_113 = tpu.memref_slice %arg8[%mul3A_0, %dma_start3A_112] : memref<10112x128xf32, #tpu.memory_space<vmem_shared>> -> memref<632x128xf32, #tpu.memory_space<vmem_shared>>
      tpu.enqueue_dma source(%dma_start3A_113 : memref<632x128xf32, #tpu.memory_space<vmem_shared>>) target(%dma_start3A_111 : memref<632x128xf32, #tpu.memory_space<hbm>>) target_semaphore(%run_scoped3A_105 : memref<!tpu.dma_semaphore, #tpu.memory_space<semaphore_mem>>)
      %dma_wait3A_114 = arith.constant 0 : i32
      %dma_wait3A_115 = arith.constant 0 : i32
      %dma_wait3A_116 = tpu.memref_slice %arg5[%arg0, %dma_wait3A_114, %dma_wait3A_115] : memref<2x10112x128xf32, #tpu.memory_space<hbm>> -> memref<1x10112x128xf32, #tpu.memory_space<hbm>>
      %dma_wait3A_117 = tpu.memref_squeeze %dma_wait3A_116 : memref<1x10112x128xf32, #tpu.memory_space<hbm>> -> memref<10112x128xf32, #tpu.memory_space<hbm>>
      %dma_wait3A_118 = arith.constant 0 : i32
      %dma_wait3A_119 = tpu.memref_slice %dma_wait3A_117[%mul3A_0, %dma_wait3A_118] : memref<10112x128xf32, #tpu.memory_space<hbm>> -> memref<632x128xf32, #tpu.memory_space<hbm>>
      %dma_wait3A_120 = arith.constant 0 : i32
      %dma_wait3A_121 = tpu.memref_slice %arg8[%mul3A_0, %dma_wait3A_120] : memref<10112x128xf32, #tpu.memory_space<vmem_shared>> -> memref<632x128xf32, #tpu.memory_space<vmem_shared>>
      tpu.wait_dma2 semaphore(%run_scoped3A_105 : memref<!tpu.dma_semaphore, #tpu.memory_space<semaphore_mem>>) src(%dma_wait3A_121 : memref<632x128xf32, #tpu.memory_space<vmem_shared>>) dst(%dma_wait3A_119 : memref<632x128xf32, #tpu.memory_space<hbm>>)
      tpu.yield
    }) : () -> ()
    return
  }
}

#map = affine_map<(d0, d1) -> (0, 0)>
#map1 = affine_map<(d0, d1) -> (0, 0, 0)>
module attributes {stable_mosaic.version = 14 : i64} {
  func.func @layer(%arg0: i32, %arg1: i32, %arg2: memref<10000x128xf32, #tpu.memory_space<hbm>>, %arg3: memref<2560x2x128xi32, #tpu.memory_space<hbm>>, %arg4: memref<128x128xf32, #tpu.memory_space<hbm>>, %arg5: memref<2x10112x128xf32, #tpu.memory_space<hbm>>, %arg6: memref<4x2x128xi32, #tpu.memory_space<vmem>>, %arg7: memref<2x128x128xf32, #tpu.memory_space<vmem>>, %arg8: memref<10112x128xf32, #tpu.memory_space<vmem_shared>>, %arg9: memref<!tpu.dma_semaphore, #tpu.memory_space<semaphore_mem>>, %arg10: memref<!tpu.dma_semaphore, #tpu.memory_space<semaphore_mem>>, %arg11: memref<!tpu.dma_semaphore, #tpu.memory_space<semaphore_mem>>, %arg12: memref<!tpu.dma_semaphore, #tpu.memory_space<semaphore_mem>>, %arg13: memref<!tpu.dma_semaphore, #tpu.memory_space<semaphore_mem>>) attributes {dimension_semantics = [#tpu.dimension_semantics<core_parallel>, #tpu.dimension_semantics<subcore_parallel>], iteration_bounds = array<i64: 2, 16>, scalar_prefetch = 0 : i64, scratch_operands = 8 : i64, tpu.core_type = #tpu.core_type<sc_vector_subcore>, window_params = [{transform_indices = #map}, {transform_indices = #map1}, {transform_indices = #map}, {transform_indices = #map1}]} {
    %run_scoped3A = arith.constant 0 : i32
    "tpu.region"() ({
      %run_scoped3A_105 = tpu.sem_alloc : memref<!tpu.dma_semaphore, #tpu.memory_space<semaphore_mem>>
      %dma_start3A_106 = arith.constant 0 : i32
      %dma_start3A_107 = arith.constant 0 : i32
      %dma_start3A_108 = tpu.memref_slice %arg7[%run_scoped3A, %dma_start3A_106, %dma_start3A_107] : memref<2x128x128xf32, #tpu.memory_space<vmem>> -> memref<1x128x128xf32, #tpu.memory_space<vmem>>
      %dma_start3A_109 = tpu.memref_squeeze %dma_start3A_108 : memref<1x128x128xf32, #tpu.memory_space<vmem>> -> memref<128x128xf32, #tpu.memory_space<vmem>>
      %dma_start3A_110 = arith.constant 0 : i32
      %dma_start3A_111 = arith.constant 0 : i32
      %dma_start3A_112 = tpu.memref_slice %arg7[%run_scoped3A, %dma_start3A_110, %dma_start3A_111] : memref<2x128x128xf32, #tpu.memory_space<vmem>> -> memref<1x128x128xf32, #tpu.memory_space<vmem>>
      %dma_start3A_113 = tpu.memref_squeeze %dma_start3A_112 : memref<1x128x128xf32, #tpu.memory_space<vmem>> -> memref<128x128xf32, #tpu.memory_space<vmem>>
      tpu.enqueue_dma source(%arg4 : memref<128x128xf32, #tpu.memory_space<hbm>>) target(%dma_start3A_113 : memref<128x128xf32, #tpu.memory_space<vmem>>) target_semaphore(%run_scoped3A_105 : memref<!tpu.dma_semaphore, #tpu.memory_space<semaphore_mem>>)
      %dma_wait3A_114 = arith.constant 0 : i32
      %dma_wait3A_115 = arith.constant 0 : i32
      %dma_wait3A_116 = tpu.memref_slice %arg7[%run_scoped3A, %dma_wait3A_114, %dma_wait3A_115] : memref<2x128x128xf32, #tpu.memory_space<vmem>> -> memref<1x128x128xf32, #tpu.memory_space<vmem>>
      %dma_wait3A_117 = tpu.memref_squeeze %dma_wait3A_116 : memref<1x128x128xf32, #tpu.memory_space<vmem>> -> memref<128x128xf32, #tpu.memory_space<vmem>>
      %dma_wait3A_118 = arith.constant 0 : i32
      %dma_wait3A_119 = arith.constant 0 : i32
      %dma_wait3A_120 = tpu.memref_slice %arg7[%run_scoped3A, %dma_wait3A_118, %dma_wait3A_119] : memref<2x128x128xf32, #tpu.memory_space<vmem>> -> memref<1x128x128xf32, #tpu.memory_space<vmem>>
      %dma_wait3A_121 = tpu.memref_squeeze %dma_wait3A_120 : memref<1x128x128xf32, #tpu.memory_space<vmem>> -> memref<128x128xf32, #tpu.memory_space<vmem>>
      tpu.wait_dma2 semaphore(%run_scoped3A_105 : memref<!tpu.dma_semaphore, #tpu.memory_space<semaphore_mem>>) src(%arg4 : memref<128x128xf32, #tpu.memory_space<hbm>>) dst(%dma_wait3A_121 : memref<128x128xf32, #tpu.memory_space<vmem>>)
      tpu.yield
    }) : () -> ()
    %mul3A = arith.constant 632 : i32
    %mul3A_0 = arith.muli %arg1, %mul3A : i32
    %add3A = arith.constant 0 : i32
    %add3A_1 = arith.addi %mul3A_0, %add3A : i32
    %run_scoped3A_2 = arith.constant 0 : i32
    "tpu.region"() ({
      %run_scoped3A_105 = tpu.sem_alloc : memref<!tpu.dma_semaphore, #tpu.memory_space<semaphore_mem>>
      %dma_start3A_106 = arith.constant 0 : i32
      %dma_start3A_107 = arith.constant 0 : i32
      %dma_start3A_108 = tpu.memref_slice %arg7[%run_scoped3A_2, %dma_start3A_106, %dma_start3A_107] : memref<2x128x128xf32, #tpu.memory_space<vmem>> -> memref<1x128x128xf32, #tpu.memory_space<vmem>>
      %dma_start3A_109 = tpu.memref_squeeze %dma_start3A_108 : memref<1x128x128xf32, #tpu.memory_space<vmem>> -> memref<128x128xf32, #tpu.memory_space<vmem>>
      %dma_start3A_110 = arith.constant 0 : i32
      %dma_start3A_111 = arith.constant 0 : i32
      %dma_start3A_112 = tpu.memref_slice %dma_start3A_109[%dma_start3A_110, %dma_start3A_111] : memref<128x128xf32, #tpu.memory_space<vmem>> -> memref<128x128xf32, #tpu.memory_space<vmem>>
      %dma_start3A_113 = arith.constant 0 : i32
      %dma_start3A_114 = tpu.memref_slice %arg8[%add3A_1, %dma_start3A_113] : memref<10112x128xf32, #tpu.memory_space<vmem_shared>> -> memref<128x128xf32, #tpu.memory_space<vmem_shared>>
      %dma_start3A_115 = arith.constant 0 : i32
      %dma_start3A_116 = tpu.memref_slice %arg8[%add3A_1, %dma_start3A_115] : memref<10112x128xf32, #tpu.memory_space<vmem_shared>> -> memref<128x128xf32, #tpu.memory_space<vmem_shared>>
      %dma_start3A_117 = arith.constant 0 : i32
      %dma_start3A_118 = arith.constant 0 : i32
      %dma_start3A_119 = tpu.memref_slice %arg7[%run_scoped3A_2, %dma_start3A_117, %dma_start3A_118] : memref<2x128x128xf32, #tpu.memory_space<vmem>> -> memref<1x128x128xf32, #tpu.memory_space<vmem>>
      %dma_start3A_120 = tpu.memref_squeeze %dma_start3A_119 : memref<1x128x128xf32, #tpu.memory_space<vmem>> -> memref<128x128xf32, #tpu.memory_space<vmem>>
      %dma_start3A_121 = arith.constant 0 : i32
      %dma_start3A_122 = arith.constant 0 : i32
      %dma_start3A_123 = tpu.memref_slice %dma_start3A_120[%dma_start3A_121, %dma_start3A_122] : memref<128x128xf32, #tpu.memory_space<vmem>> -> memref<128x128xf32, #tpu.memory_space<vmem>>
      tpu.enqueue_dma source(%dma_start3A_123 : memref<128x128xf32, #tpu.memory_space<vmem>>) target(%dma_start3A_116 : memref<128x128xf32, #tpu.memory_space<vmem_shared>>) target_semaphore(%run_scoped3A_105 : memref<!tpu.dma_semaphore, #tpu.memory_space<semaphore_mem>>)
      %dma_wait3A_124 = arith.constant 0 : i32
      %dma_wait3A_125 = arith.constant 0 : i32
      %dma_wait3A_126 = tpu.memref_slice %arg7[%run_scoped3A_2, %dma_wait3A_124, %dma_wait3A_125] : memref<2x128x128xf32, #tpu.memory_space<vmem>> -> memref<1x128x128xf32, #tpu.memory_space<vmem>>
      %dma_wait3A_127 = tpu.memref_squeeze %dma_wait3A_126 : memref<1x128x128xf32, #tpu.memory_space<vmem>> -> memref<128x128xf32, #tpu.memory_space<vmem>>
      %dma_wait3A_128 = arith.constant 0 : i32
      %dma_wait3A_129 = arith.constant 0 : i32
      %dma_wait3A_130 = tpu.memref_slice %dma_wait3A_127[%dma_wait3A_128, %dma_wait3A_129] : memref<128x128xf32, #tpu.memory_space<vmem>> -> memref<128x128xf32, #tpu.memory_space<vmem>>
      %dma_wait3A_131 = arith.constant 0 : i32
      %dma_wait3A_132 = tpu.memref_slice %arg8[%add3A_1, %dma_wait3A_131] : memref<10112x128xf32, #tpu.memory_space<vmem_shared>> -> memref<128x128xf32, #tpu.memory_space<vmem_shared>>
      %dma_wait3A_133 = arith.constant 0 : i32
      %dma_wait3A_134 = tpu.memref_slice %arg8[%add3A_1, %dma_wait3A_133] : memref<10112x128xf32, #tpu.memory_space<vmem_shared>> -> memref<128x128xf32, #tpu.memory_space<vmem_shared>>
      %dma_wait3A_135 = arith.constant 0 : i32
      %dma_wait3A_136 = arith.constant 0 : i32
      %dma_wait3A_137 = tpu.memref_slice %arg7[%run_scoped3A_2, %dma_wait3A_135, %dma_wait3A_136] : memref<2x128x128xf32, #tpu.memory_space<vmem>> -> memref<1x128x128xf32, #tpu.memory_space<vmem>>
      %dma_wait3A_138 = tpu.memref_squeeze %dma_wait3A_137 : memref<1x128x128xf32, #tpu.memory_space<vmem>> -> memref<128x128xf32, #tpu.memory_space<vmem>>
      %dma_wait3A_139 = arith.constant 0 : i32
      %dma_wait3A_140 = arith.constant 0 : i32
      %dma_wait3A_141 = tpu.memref_slice %dma_wait3A_138[%dma_wait3A_139, %dma_wait3A_140] : memref<128x128xf32, #tpu.memory_space<vmem>> -> memref<128x128xf32, #tpu.memory_space<vmem>>
      tpu.wait_dma2 semaphore(%run_scoped3A_105 : memref<!tpu.dma_semaphore, #tpu.memory_space<semaphore_mem>>) src(%dma_wait3A_141 : memref<128x128xf32, #tpu.memory_space<vmem>>) dst(%dma_wait3A_134 : memref<128x128xf32, #tpu.memory_space<vmem_shared>>)
      tpu.yield
    }) : () -> ()
    %add3A_3 = arith.constant 128 : i32
    %add3A_4 = arith.addi %mul3A_0, %add3A_3 : i32
    %run_scoped3A_5 = arith.constant 0 : i32
    "tpu.region"() ({
      %run_scoped3A_105 = tpu.sem_alloc : memref<!tpu.dma_semaphore, #tpu.memory_space<semaphore_mem>>
      %dma_start3A_106 = arith.constant 0 : i32
      %dma_start3A_107 = arith.constant 0 : i32
      %dma_start3A_108 = tpu.memref_slice %arg7[%run_scoped3A_5, %dma_start3A_106, %dma_start3A_107] : memref<2x128x128xf32, #tpu.memory_space<vmem>> -> memref<1x128x128xf32, #tpu.memory_space<vmem>>
      %dma_start3A_109 = tpu.memref_squeeze %dma_start3A_108 : memref<1x128x128xf32, #tpu.memory_space<vmem>> -> memref<128x128xf32, #tpu.memory_space<vmem>>
      %dma_start3A_110 = arith.constant 0 : i32
      %dma_start3A_111 = arith.constant 0 : i32
      %dma_start3A_112 = tpu.memref_slice %dma_start3A_109[%dma_start3A_110, %dma_start3A_111] : memref<128x128xf32, #tpu.memory_space<vmem>> -> memref<128x128xf32, #tpu.memory_space<vmem>>
      %dma_start3A_113 = arith.constant 0 : i32
      %dma_start3A_114 = tpu.memref_slice %arg8[%add3A_4, %dma_start3A_113] : memref<10112x128xf32, #tpu.memory_space<vmem_shared>> -> memref<128x128xf32, #tpu.memory_space<vmem_shared>>
      %dma_start3A_115 = arith.constant 0 : i32
      %dma_start3A_116 = tpu.memref_slice %arg8[%add3A_4, %dma_start3A_115] : memref<10112x128xf32, #tpu.memory_space<vmem_shared>> -> memref<128x128xf32, #tpu.memory_space<vmem_shared>>
      %dma_start3A_117 = arith.constant 0 : i32
      %dma_start3A_118 = arith.constant 0 : i32
      %dma_start3A_119 = tpu.memref_slice %arg7[%run_scoped3A_5, %dma_start3A_117, %dma_start3A_118] : memref<2x128x128xf32, #tpu.memory_space<vmem>> -> memref<1x128x128xf32, #tpu.memory_space<vmem>>
      %dma_start3A_120 = tpu.memref_squeeze %dma_start3A_119 : memref<1x128x128xf32, #tpu.memory_space<vmem>> -> memref<128x128xf32, #tpu.memory_space<vmem>>
      %dma_start3A_121 = arith.constant 0 : i32
      %dma_start3A_122 = arith.constant 0 : i32
      %dma_start3A_123 = tpu.memref_slice %dma_start3A_120[%dma_start3A_121, %dma_start3A_122] : memref<128x128xf32, #tpu.memory_space<vmem>> -> memref<128x128xf32, #tpu.memory_space<vmem>>
      tpu.enqueue_dma source(%dma_start3A_123 : memref<128x128xf32, #tpu.memory_space<vmem>>) target(%dma_start3A_116 : memref<128x128xf32, #tpu.memory_space<vmem_shared>>) target_semaphore(%run_scoped3A_105 : memref<!tpu.dma_semaphore, #tpu.memory_space<semaphore_mem>>)
      %dma_wait3A_124 = arith.constant 0 : i32
      %dma_wait3A_125 = arith.constant 0 : i32
      %dma_wait3A_126 = tpu.memref_slice %arg7[%run_scoped3A_5, %dma_wait3A_124, %dma_wait3A_125] : memref<2x128x128xf32, #tpu.memory_space<vmem>> -> memref<1x128x128xf32, #tpu.memory_space<vmem>>
      %dma_wait3A_127 = tpu.memref_squeeze %dma_wait3A_126 : memref<1x128x128xf32, #tpu.memory_space<vmem>> -> memref<128x128xf32, #tpu.memory_space<vmem>>
      %dma_wait3A_128 = arith.constant 0 : i32
      %dma_wait3A_129 = arith.constant 0 : i32
      %dma_wait3A_130 = tpu.memref_slice %dma_wait3A_127[%dma_wait3A_128, %dma_wait3A_129] : memref<128x128xf32, #tpu.memory_space<vmem>> -> memref<128x128xf32, #tpu.memory_space<vmem>>
      %dma_wait3A_131 = arith.constant 0 : i32
      %dma_wait3A_132 = tpu.memref_slice %arg8[%add3A_4, %dma_wait3A_131] : memref<10112x128xf32, #tpu.memory_space<vmem_shared>> -> memref<128x128xf32, #tpu.memory_space<vmem_shared>>
      %dma_wait3A_133 = arith.constant 0 : i32
      %dma_wait3A_134 = tpu.memref_slice %arg8[%add3A_4, %dma_wait3A_133] : memref<10112x128xf32, #tpu.memory_space<vmem_shared>> -> memref<128x128xf32, #tpu.memory_space<vmem_shared>>
      %dma_wait3A_135 = arith.constant 0 : i32
      %dma_wait3A_136 = arith.constant 0 : i32
      %dma_wait3A_137 = tpu.memref_slice %arg7[%run_scoped3A_5, %dma_wait3A_135, %dma_wait3A_136] : memref<2x128x128xf32, #tpu.memory_space<vmem>> -> memref<1x128x128xf32, #tpu.memory_space<vmem>>
      %dma_wait3A_138 = tpu.memref_squeeze %dma_wait3A_137 : memref<1x128x128xf32, #tpu.memory_space<vmem>> -> memref<128x128xf32, #tpu.memory_space<vmem>>
      %dma_wait3A_139 = arith.constant 0 : i32
      %dma_wait3A_140 = arith.constant 0 : i32
      %dma_wait3A_141 = tpu.memref_slice %dma_wait3A_138[%dma_wait3A_139, %dma_wait3A_140] : memref<128x128xf32, #tpu.memory_space<vmem>> -> memref<128x128xf32, #tpu.memory_space<vmem>>
      tpu.wait_dma2 semaphore(%run_scoped3A_105 : memref<!tpu.dma_semaphore, #tpu.memory_space<semaphore_mem>>) src(%dma_wait3A_141 : memref<128x128xf32, #tpu.memory_space<vmem>>) dst(%dma_wait3A_134 : memref<128x128xf32, #tpu.memory_space<vmem_shared>>)
      tpu.yield
    }) : () -> ()
    %add3A_6 = arith.constant 256 : i32
    %add3A_7 = arith.addi %mul3A_0, %add3A_6 : i32
    %run_scoped3A_8 = arith.constant 0 : i32
    "tpu.region"() ({
      %run_scoped3A_105 = tpu.sem_alloc : memref<!tpu.dma_semaphore, #tpu.memory_space<semaphore_mem>>
      %dma_start3A_106 = arith.constant 0 : i32
      %dma_start3A_107 = arith.constant 0 : i32
      %dma_start3A_108 = tpu.memref_slice %arg7[%run_scoped3A_8, %dma_start3A_106, %dma_start3A_107] : memref<2x128x128xf32, #tpu.memory_space<vmem>> -> memref<1x128x128xf32, #tpu.memory_space<vmem>>
      %dma_start3A_109 = tpu.memref_squeeze %dma_start3A_108 : memref<1x128x128xf32, #tpu.memory_space<vmem>> -> memref<128x128xf32, #tpu.memory_space<vmem>>
      %dma_start3A_110 = arith.constant 0 : i32
      %dma_start3A_111 = arith.constant 0 : i32
      %dma_start3A_112 = tpu.memref_slice %dma_start3A_109[%dma_start3A_110, %dma_start3A_111] : memref<128x128xf32, #tpu.memory_space<vmem>> -> memref<128x128xf32, #tpu.memory_space<vmem>>
      %dma_start3A_113 = arith.constant 0 : i32
      %dma_start3A_114 = tpu.memref_slice %arg8[%add3A_7, %dma_start3A_113] : memref<10112x128xf32, #tpu.memory_space<vmem_shared>> -> memref<128x128xf32, #tpu.memory_space<vmem_shared>>
      %dma_start3A_115 = arith.constant 0 : i32
      %dma_start3A_116 = tpu.memref_slice %arg8[%add3A_7, %dma_start3A_115] : memref<10112x128xf32, #tpu.memory_space<vmem_shared>> -> memref<128x128xf32, #tpu.memory_space<vmem_shared>>
      %dma_start3A_117 = arith.constant 0 : i32
      %dma_start3A_118 = arith.constant 0 : i32
      %dma_start3A_119 = tpu.memref_slice %arg7[%run_scoped3A_8, %dma_start3A_117, %dma_start3A_118] : memref<2x128x128xf32, #tpu.memory_space<vmem>> -> memref<1x128x128xf32, #tpu.memory_space<vmem>>
      %dma_start3A_120 = tpu.memref_squeeze %dma_start3A_119 : memref<1x128x128xf32, #tpu.memory_space<vmem>> -> memref<128x128xf32, #tpu.memory_space<vmem>>
      %dma_start3A_121 = arith.constant 0 : i32
      %dma_start3A_122 = arith.constant 0 : i32
      %dma_start3A_123 = tpu.memref_slice %dma_start3A_120[%dma_start3A_121, %dma_start3A_122] : memref<128x128xf32, #tpu.memory_space<vmem>> -> memref<128x128xf32, #tpu.memory_space<vmem>>
      tpu.enqueue_dma source(%dma_start3A_123 : memref<128x128xf32, #tpu.memory_space<vmem>>) target(%dma_start3A_116 : memref<128x128xf32, #tpu.memory_space<vmem_shared>>) target_semaphore(%run_scoped3A_105 : memref<!tpu.dma_semaphore, #tpu.memory_space<semaphore_mem>>)
      %dma_wait3A_124 = arith.constant 0 : i32
      %dma_wait3A_125 = arith.constant 0 : i32
      %dma_wait3A_126 = tpu.memref_slice %arg7[%run_scoped3A_8, %dma_wait3A_124, %dma_wait3A_125] : memref<2x128x128xf32, #tpu.memory_space<vmem>> -> memref<1x128x128xf32, #tpu.memory_space<vmem>>
      %dma_wait3A_127 = tpu.memref_squeeze %dma_wait3A_126 : memref<1x128x128xf32, #tpu.memory_space<vmem>> -> memref<128x128xf32, #tpu.memory_space<vmem>>
      %dma_wait3A_128 = arith.constant 0 : i32
      %dma_wait3A_129 = arith.constant 0 : i32
      %dma_wait3A_130 = tpu.memref_slice %dma_wait3A_127[%dma_wait3A_128, %dma_wait3A_129] : memref<128x128xf32, #tpu.memory_space<vmem>> -> memref<128x128xf32, #tpu.memory_space<vmem>>
      %dma_wait3A_131 = arith.constant 0 : i32
      %dma_wait3A_132 = tpu.memref_slice %arg8[%add3A_7, %dma_wait3A_131] : memref<10112x128xf32, #tpu.memory_space<vmem_shared>> -> memref<128x128xf32, #tpu.memory_space<vmem_shared>>
      %dma_wait3A_133 = arith.constant 0 : i32
      %dma_wait3A_134 = tpu.memref_slice %arg8[%add3A_7, %dma_wait3A_133] : memref<10112x128xf32, #tpu.memory_space<vmem_shared>> -> memref<128x128xf32, #tpu.memory_space<vmem_shared>>
      %dma_wait3A_135 = arith.constant 0 : i32
      %dma_wait3A_136 = arith.constant 0 : i32
      %dma_wait3A_137 = tpu.memref_slice %arg7[%run_scoped3A_8, %dma_wait3A_135, %dma_wait3A_136] : memref<2x128x128xf32, #tpu.memory_space<vmem>> -> memref<1x128x128xf32, #tpu.memory_space<vmem>>
      %dma_wait3A_138 = tpu.memref_squeeze %dma_wait3A_137 : memref<1x128x128xf32, #tpu.memory_space<vmem>> -> memref<128x128xf32, #tpu.memory_space<vmem>>
      %dma_wait3A_139 = arith.constant 0 : i32
      %dma_wait3A_140 = arith.constant 0 : i32
      %dma_wait3A_141 = tpu.memref_slice %dma_wait3A_138[%dma_wait3A_139, %dma_wait3A_140] : memref<128x128xf32, #tpu.memory_space<vmem>> -> memref<128x128xf32, #tpu.memory_space<vmem>>
      tpu.wait_dma2 semaphore(%run_scoped3A_105 : memref<!tpu.dma_semaphore, #tpu.memory_space<semaphore_mem>>) src(%dma_wait3A_141 : memref<128x128xf32, #tpu.memory_space<vmem>>) dst(%dma_wait3A_134 : memref<128x128xf32, #tpu.memory_space<vmem_shared>>)
      tpu.yield
    }) : () -> ()
    %add3A_9 = arith.constant 384 : i32
    %add3A_10 = arith.addi %mul3A_0, %add3A_9 : i32
    %run_scoped3A_11 = arith.constant 0 : i32
    "tpu.region"() ({
      %run_scoped3A_105 = tpu.sem_alloc : memref<!tpu.dma_semaphore, #tpu.memory_space<semaphore_mem>>
      %dma_start3A_106 = arith.constant 0 : i32
      %dma_start3A_107 = arith.constant 0 : i32
      %dma_start3A_108 = tpu.memref_slice %arg7[%run_scoped3A_11, %dma_start3A_106, %dma_start3A_107] : memref<2x128x128xf32, #tpu.memory_space<vmem>> -> memref<1x128x128xf32, #tpu.memory_space<vmem>>
      %dma_start3A_109 = tpu.memref_squeeze %dma_start3A_108 : memref<1x128x128xf32, #tpu.memory_space<vmem>> -> memref<128x128xf32, #tpu.memory_space<vmem>>
      %dma_start3A_110 = arith.constant 0 : i32
      %dma_start3A_111 = arith.constant 0 : i32
      %dma_start3A_112 = tpu.memref_slice %dma_start3A_109[%dma_start3A_110, %dma_start3A_111] : memref<128x128xf32, #tpu.memory_space<vmem>> -> memref<128x128xf32, #tpu.memory_space<vmem>>
      %dma_start3A_113 = arith.constant 0 : i32
      %dma_start3A_114 = tpu.memref_slice %arg8[%add3A_10, %dma_start3A_113] : memref<10112x128xf32, #tpu.memory_space<vmem_shared>> -> memref<128x128xf32, #tpu.memory_space<vmem_shared>>
      %dma_start3A_115 = arith.constant 0 : i32
      %dma_start3A_116 = tpu.memref_slice %arg8[%add3A_10, %dma_start3A_115] : memref<10112x128xf32, #tpu.memory_space<vmem_shared>> -> memref<128x128xf32, #tpu.memory_space<vmem_shared>>
      %dma_start3A_117 = arith.constant 0 : i32
      %dma_start3A_118 = arith.constant 0 : i32
      %dma_start3A_119 = tpu.memref_slice %arg7[%run_scoped3A_11, %dma_start3A_117, %dma_start3A_118] : memref<2x128x128xf32, #tpu.memory_space<vmem>> -> memref<1x128x128xf32, #tpu.memory_space<vmem>>
      %dma_start3A_120 = tpu.memref_squeeze %dma_start3A_119 : memref<1x128x128xf32, #tpu.memory_space<vmem>> -> memref<128x128xf32, #tpu.memory_space<vmem>>
      %dma_start3A_121 = arith.constant 0 : i32
      %dma_start3A_122 = arith.constant 0 : i32
      %dma_start3A_123 = tpu.memref_slice %dma_start3A_120[%dma_start3A_121, %dma_start3A_122] : memref<128x128xf32, #tpu.memory_space<vmem>> -> memref<128x128xf32, #tpu.memory_space<vmem>>
      tpu.enqueue_dma source(%dma_start3A_123 : memref<128x128xf32, #tpu.memory_space<vmem>>) target(%dma_start3A_116 : memref<128x128xf32, #tpu.memory_space<vmem_shared>>) target_semaphore(%run_scoped3A_105 : memref<!tpu.dma_semaphore, #tpu.memory_space<semaphore_mem>>)
      %dma_wait3A_124 = arith.constant 0 : i32
      %dma_wait3A_125 = arith.constant 0 : i32
      %dma_wait3A_126 = tpu.memref_slice %arg7[%run_scoped3A_11, %dma_wait3A_124, %dma_wait3A_125] : memref<2x128x128xf32, #tpu.memory_space<vmem>> -> memref<1x128x128xf32, #tpu.memory_space<vmem>>
      %dma_wait3A_127 = tpu.memref_squeeze %dma_wait3A_126 : memref<1x128x128xf32, #tpu.memory_space<vmem>> -> memref<128x128xf32, #tpu.memory_space<vmem>>
      %dma_wait3A_128 = arith.constant 0 : i32
      %dma_wait3A_129 = arith.constant 0 : i32
      %dma_wait3A_130 = tpu.memref_slice %dma_wait3A_127[%dma_wait3A_128, %dma_wait3A_129] : memref<128x128xf32, #tpu.memory_space<vmem>> -> memref<128x128xf32, #tpu.memory_space<vmem>>
      %dma_wait3A_131 = arith.constant 0 : i32
      %dma_wait3A_132 = tpu.memref_slice %arg8[%add3A_10, %dma_wait3A_131] : memref<10112x128xf32, #tpu.memory_space<vmem_shared>> -> memref<128x128xf32, #tpu.memory_space<vmem_shared>>
      %dma_wait3A_133 = arith.constant 0 : i32
      %dma_wait3A_134 = tpu.memref_slice %arg8[%add3A_10, %dma_wait3A_133] : memref<10112x128xf32, #tpu.memory_space<vmem_shared>> -> memref<128x128xf32, #tpu.memory_space<vmem_shared>>
      %dma_wait3A_135 = arith.constant 0 : i32
      %dma_wait3A_136 = arith.constant 0 : i32
      %dma_wait3A_137 = tpu.memref_slice %arg7[%run_scoped3A_11, %dma_wait3A_135, %dma_wait3A_136] : memref<2x128x128xf32, #tpu.memory_space<vmem>> -> memref<1x128x128xf32, #tpu.memory_space<vmem>>
      %dma_wait3A_138 = tpu.memref_squeeze %dma_wait3A_137 : memref<1x128x128xf32, #tpu.memory_space<vmem>> -> memref<128x128xf32, #tpu.memory_space<vmem>>
      %dma_wait3A_139 = arith.constant 0 : i32
      %dma_wait3A_140 = arith.constant 0 : i32
      %dma_wait3A_141 = tpu.memref_slice %dma_wait3A_138[%dma_wait3A_139, %dma_wait3A_140] : memref<128x128xf32, #tpu.memory_space<vmem>> -> memref<128x128xf32, #tpu.memory_space<vmem>>
      tpu.wait_dma2 semaphore(%run_scoped3A_105 : memref<!tpu.dma_semaphore, #tpu.memory_space<semaphore_mem>>) src(%dma_wait3A_141 : memref<128x128xf32, #tpu.memory_space<vmem>>) dst(%dma_wait3A_134 : memref<128x128xf32, #tpu.memory_space<vmem_shared>>)
      tpu.yield
    }) : () -> ()
    %add3A_12 = arith.constant 512 : i32
    %add3A_13 = arith.addi %mul3A_0, %add3A_12 : i32
    %run_scoped3A_14 = arith.constant 0 : i32
    "tpu.region"() ({
      %run_scoped3A_105 = tpu.sem_alloc : memref<!tpu.dma_semaphore, #tpu.memory_space<semaphore_mem>>
      %dma_start3A_106 = arith.constant 0 : i32
      %dma_start3A_107 = arith.constant 0 : i32
      %dma_start3A_108 = tpu.memref_slice %arg7[%run_scoped3A_14, %dma_start3A_106, %dma_start3A_107] : memref<2x128x128xf32, #tpu.memory_space<vmem>> -> memref<1x128x128xf32, #tpu.memory_space<vmem>>
      %dma_start3A_109 = tpu.memref_squeeze %dma_start3A_108 : memref<1x128x128xf32, #tpu.memory_space<vmem>> -> memref<128x128xf32, #tpu.memory_space<vmem>>
      %dma_start3A_110 = arith.constant 0 : i32
      %dma_start3A_111 = arith.constant 0 : i32
      %dma_start3A_112 = tpu.memref_slice %dma_start3A_109[%dma_start3A_110, %dma_start3A_111] : memref<128x128xf32, #tpu.memory_space<vmem>> -> memref<120x128xf32, #tpu.memory_space<vmem>>
      %dma_start3A_113 = arith.constant 0 : i32
      %dma_start3A_114 = tpu.memref_slice %arg8[%add3A_13, %dma_start3A_113] : memref<10112x128xf32, #tpu.memory_space<vmem_shared>> -> memref<120x128xf32, #tpu.memory_space<vmem_shared>>
      %dma_start3A_115 = arith.constant 0 : i32
      %dma_start3A_116 = tpu.memref_slice %arg8[%add3A_13, %dma_start3A_115] : memref<10112x128xf32, #tpu.memory_space<vmem_shared>> -> memref<120x128xf32, #tpu.memory_space<vmem_shared>>
      %dma_start3A_117 = arith.constant 0 : i32
      %dma_start3A_118 = arith.constant 0 : i32
      %dma_start3A_119 = tpu.memref_slice %arg7[%run_scoped3A_14, %dma_start3A_117, %dma_start3A_118] : memref<2x128x128xf32, #tpu.memory_space<vmem>> -> memref<1x128x128xf32, #tpu.memory_space<vmem>>
      %dma_start3A_120 = tpu.memref_squeeze %dma_start3A_119 : memref<1x128x128xf32, #tpu.memory_space<vmem>> -> memref<128x128xf32, #tpu.memory_space<vmem>>
      %dma_start3A_121 = arith.constant 0 : i32
      %dma_start3A_122 = arith.constant 0 : i32
      %dma_start3A_123 = tpu.memref_slice %dma_start3A_120[%dma_start3A_121, %dma_start3A_122] : memref<128x128xf32, #tpu.memory_space<vmem>> -> memref<120x128xf32, #tpu.memory_space<vmem>>
      tpu.enqueue_dma source(%dma_start3A_123 : memref<120x128xf32, #tpu.memory_space<vmem>>) target(%dma_start3A_116 : memref<120x128xf32, #tpu.memory_space<vmem_shared>>) target_semaphore(%run_scoped3A_105 : memref<!tpu.dma_semaphore, #tpu.memory_space<semaphore_mem>>)
      %dma_wait3A_124 = arith.constant 0 : i32
      %dma_wait3A_125 = arith.constant 0 : i32
      %dma_wait3A_126 = tpu.memref_slice %arg7[%run_scoped3A_14, %dma_wait3A_124, %dma_wait3A_125] : memref<2x128x128xf32, #tpu.memory_space<vmem>> -> memref<1x128x128xf32, #tpu.memory_space<vmem>>
      %dma_wait3A_127 = tpu.memref_squeeze %dma_wait3A_126 : memref<1x128x128xf32, #tpu.memory_space<vmem>> -> memref<128x128xf32, #tpu.memory_space<vmem>>
      %dma_wait3A_128 = arith.constant 0 : i32
      %dma_wait3A_129 = arith.constant 0 : i32
      %dma_wait3A_130 = tpu.memref_slice %dma_wait3A_127[%dma_wait3A_128, %dma_wait3A_129] : memref<128x128xf32, #tpu.memory_space<vmem>> -> memref<120x128xf32, #tpu.memory_space<vmem>>
      %dma_wait3A_131 = arith.constant 0 : i32
      %dma_wait3A_132 = tpu.memref_slice %arg8[%add3A_13, %dma_wait3A_131] : memref<10112x128xf32, #tpu.memory_space<vmem_shared>> -> memref<120x128xf32, #tpu.memory_space<vmem_shared>>
      %dma_wait3A_133 = arith.constant 0 : i32
      %dma_wait3A_134 = tpu.memref_slice %arg8[%add3A_13, %dma_wait3A_133] : memref<10112x128xf32, #tpu.memory_space<vmem_shared>> -> memref<120x128xf32, #tpu.memory_space<vmem_shared>>
      %dma_wait3A_135 = arith.constant 0 : i32
      %dma_wait3A_136 = arith.constant 0 : i32
      %dma_wait3A_137 = tpu.memref_slice %arg7[%run_scoped3A_14, %dma_wait3A_135, %dma_wait3A_136] : memref<2x128x128xf32, #tpu.memory_space<vmem>> -> memref<1x128x128xf32, #tpu.memory_space<vmem>>
      %dma_wait3A_138 = tpu.memref_squeeze %dma_wait3A_137 : memref<1x128x128xf32, #tpu.memory_space<vmem>> -> memref<128x128xf32, #tpu.memory_space<vmem>>
      %dma_wait3A_139 = arith.constant 0 : i32
      %dma_wait3A_140 = arith.constant 0 : i32
      %dma_wait3A_141 = tpu.memref_slice %dma_wait3A_138[%dma_wait3A_139, %dma_wait3A_140] : memref<128x128xf32, #tpu.memory_space<vmem>> -> memref<120x128xf32, #tpu.memory_space<vmem>>
      tpu.wait_dma2 semaphore(%run_scoped3A_105 : memref<!tpu.dma_semaphore, #tpu.memory_space<semaphore_mem>>) src(%dma_wait3A_141 : memref<120x128xf32, #tpu.memory_space<vmem>>) dst(%dma_wait3A_134 : memref<120x128xf32, #tpu.memory_space<vmem_shared>>)
      tpu.yield
    }) : () -> ()
    %barrier3A = arith.constant 0 : index
    tpu.barrier barrier_id(%barrier3A)
    %mul3A_15 = arith.constant 1280 : i32
    %mul3A_16 = arith.muli %arg0, %mul3A_15 : i32
    %mul3A_17 = arith.constant 80 : i32
    %mul3A_18 = arith.muli %arg1, %mul3A_17 : i32
    %add3A_19 = arith.addi %mul3A_16, %mul3A_18 : i32
    %dma_start3A = arith.constant 0 : i32
    %dma_start3A_20 = arith.constant 0 : i32
    %dma_start3A_21 = arith.constant 0 : i32
    %dma_start3A_22 = tpu.memref_slice %arg6[%dma_start3A, %dma_start3A_20, %dma_start3A_21] : memref<4x2x128xi32, #tpu.memory_space<vmem>> -> memref<1x2x128xi32, #tpu.memory_space<vmem>>
    %dma_start3A_23 = tpu.memref_squeeze %dma_start3A_22 : memref<1x2x128xi32, #tpu.memory_space<vmem>> -> memref<2x128xi32, #tpu.memory_space<vmem>>
    %dma_start3A_24 = arith.constant 0 : i32
    %dma_start3A_25 = arith.constant 0 : i32
    %dma_start3A_26 = tpu.memref_slice %arg3[%add3A_19, %dma_start3A_24, %dma_start3A_25] : memref<2560x2x128xi32, #tpu.memory_space<hbm>> -> memref<1x2x128xi32, #tpu.memory_space<hbm>>
    %dma_start3A_27 = tpu.memref_squeeze %dma_start3A_26 : memref<1x2x128xi32, #tpu.memory_space<hbm>> -> memref<2x128xi32, #tpu.memory_space<hbm>>
    %dma_start3A_28 = arith.constant 0 : i32
    %dma_start3A_29 = arith.constant 0 : i32
    %dma_start3A_30 = tpu.memref_slice %arg6[%dma_start3A, %dma_start3A_28, %dma_start3A_29] : memref<4x2x128xi32, #tpu.memory_space<vmem>> -> memref<1x2x128xi32, #tpu.memory_space<vmem>>
    %dma_start3A_31 = tpu.memref_squeeze %dma_start3A_30 : memref<1x2x128xi32, #tpu.memory_space<vmem>> -> memref<2x128xi32, #tpu.memory_space<vmem>>
    %dma_start3A_32 = arith.constant 0 : i32
    %dma_start3A_33 = arith.constant 0 : i32
    %dma_start3A_34 = tpu.memref_slice %arg3[%add3A_19, %dma_start3A_32, %dma_start3A_33] : memref<2560x2x128xi32, #tpu.memory_space<hbm>> -> memref<1x2x128xi32, #tpu.memory_space<hbm>>
    %dma_start3A_35 = tpu.memref_squeeze %dma_start3A_34 : memref<1x2x128xi32, #tpu.memory_space<hbm>> -> memref<2x128xi32, #tpu.memory_space<hbm>>
    tpu.enqueue_dma source(%dma_start3A_35 : memref<2x128xi32, #tpu.memory_space<hbm>>) target(%dma_start3A_31 : memref<2x128xi32, #tpu.memory_space<vmem>>) target_semaphore(%arg9 : memref<!tpu.dma_semaphore, #tpu.memory_space<semaphore_mem>>)
    %add3A_36 = arith.constant 1 : i32
    %add3A_37 = arith.addi %add3A_19, %add3A_36 : i32
    %dma_start3A_38 = arith.constant 1 : i32
    %dma_start3A_39 = arith.constant 0 : i32
    %dma_start3A_40 = arith.constant 0 : i32
    %dma_start3A_41 = tpu.memref_slice %arg6[%dma_start3A_38, %dma_start3A_39, %dma_start3A_40] : memref<4x2x128xi32, #tpu.memory_space<vmem>> -> memref<1x2x128xi32, #tpu.memory_space<vmem>>
    %dma_start3A_42 = tpu.memref_squeeze %dma_start3A_41 : memref<1x2x128xi32, #tpu.memory_space<vmem>> -> memref<2x128xi32, #tpu.memory_space<vmem>>
    %dma_start3A_43 = arith.constant 0 : i32
    %dma_start3A_44 = arith.constant 0 : i32
    %dma_start3A_45 = tpu.memref_slice %arg3[%add3A_37, %dma_start3A_43, %dma_start3A_44] : memref<2560x2x128xi32, #tpu.memory_space<hbm>> -> memref<1x2x128xi32, #tpu.memory_space<hbm>>
    %dma_start3A_46 = tpu.memref_squeeze %dma_start3A_45 : memref<1x2x128xi32, #tpu.memory_space<hbm>> -> memref<2x128xi32, #tpu.memory_space<hbm>>
    %dma_start3A_47 = arith.constant 0 : i32
    %dma_start3A_48 = arith.constant 0 : i32
    %dma_start3A_49 = tpu.memref_slice %arg6[%dma_start3A_38, %dma_start3A_47, %dma_start3A_48] : memref<4x2x128xi32, #tpu.memory_space<vmem>> -> memref<1x2x128xi32, #tpu.memory_space<vmem>>
    %dma_start3A_50 = tpu.memref_squeeze %dma_start3A_49 : memref<1x2x128xi32, #tpu.memory_space<vmem>> -> memref<2x128xi32, #tpu.memory_space<vmem>>
    %dma_start3A_51 = arith.constant 0 : i32
    %dma_start3A_52 = arith.constant 0 : i32
    %dma_start3A_53 = tpu.memref_slice %arg3[%add3A_37, %dma_start3A_51, %dma_start3A_52] : memref<2560x2x128xi32, #tpu.memory_space<hbm>> -> memref<1x2x128xi32, #tpu.memory_space<hbm>>
    %dma_start3A_54 = tpu.memref_squeeze %dma_start3A_53 : memref<1x2x128xi32, #tpu.memory_space<hbm>> -> memref<2x128xi32, #tpu.memory_space<hbm>>
    tpu.enqueue_dma source(%dma_start3A_54 : memref<2x128xi32, #tpu.memory_space<hbm>>) target(%dma_start3A_50 : memref<2x128xi32, #tpu.memory_space<vmem>>) target_semaphore(%arg10 : memref<!tpu.dma_semaphore, #tpu.memory_space<semaphore_mem>>)
    %dma_wait3A = arith.constant 0 : i32
    %dma_wait3A_55 = arith.constant 0 : i32
    %dma_wait3A_56 = arith.constant 0 : i32
    %dma_wait3A_57 = arith.constant 0 : i32
    %dma_wait3A_58 = tpu.memref_slice %arg6[%dma_wait3A_55, %dma_wait3A_56, %dma_wait3A_57] : memref<4x2x128xi32, #tpu.memory_space<vmem>> -> memref<1x2x128xi32, #tpu.memory_space<vmem>>
    %dma_wait3A_59 = tpu.memref_squeeze %dma_wait3A_58 : memref<1x2x128xi32, #tpu.memory_space<vmem>> -> memref<2x128xi32, #tpu.memory_space<vmem>>
    %dma_wait3A_60 = arith.constant 0 : i32
    %dma_wait3A_61 = arith.constant 0 : i32
    %dma_wait3A_62 = tpu.memref_slice %arg3[%dma_wait3A, %dma_wait3A_60, %dma_wait3A_61] : memref<2560x2x128xi32, #tpu.memory_space<hbm>> -> memref<1x2x128xi32, #tpu.memory_space<hbm>>
    %dma_wait3A_63 = tpu.memref_squeeze %dma_wait3A_62 : memref<1x2x128xi32, #tpu.memory_space<hbm>> -> memref<2x128xi32, #tpu.memory_space<hbm>>
    %dma_wait3A_64 = arith.constant 0 : i32
    %dma_wait3A_65 = arith.constant 0 : i32
    %dma_wait3A_66 = tpu.memref_slice %arg6[%dma_wait3A_55, %dma_wait3A_64, %dma_wait3A_65] : memref<4x2x128xi32, #tpu.memory_space<vmem>> -> memref<1x2x128xi32, #tpu.memory_space<vmem>>
    %dma_wait3A_67 = tpu.memref_squeeze %dma_wait3A_66 : memref<1x2x128xi32, #tpu.memory_space<vmem>> -> memref<2x128xi32, #tpu.memory_space<vmem>>
    %dma_wait3A_68 = arith.constant 0 : i32
    %dma_wait3A_69 = arith.constant 0 : i32
    %dma_wait3A_70 = tpu.memref_slice %arg3[%dma_wait3A, %dma_wait3A_68, %dma_wait3A_69] : memref<2560x2x128xi32, #tpu.memory_space<hbm>> -> memref<1x2x128xi32, #tpu.memory_space<hbm>>
    %dma_wait3A_71 = tpu.memref_squeeze %dma_wait3A_70 : memref<1x2x128xi32, #tpu.memory_space<hbm>> -> memref<2x128xi32, #tpu.memory_space<hbm>>
    tpu.wait_dma2 semaphore(%arg9 : memref<!tpu.dma_semaphore, #tpu.memory_space<semaphore_mem>>) src(%dma_wait3A_71 : memref<2x128xi32, #tpu.memory_space<hbm>>) dst(%dma_wait3A_67 : memref<2x128xi32, #tpu.memory_space<vmem>>)
    %dma_start3A_72 = arith.constant 0 : i32
    %dma_start3A_73 = arith.constant 0 : i32
    %dma_start3A_74 = arith.constant 0 : i32
    %dma_start3A_75 = arith.constant 0 : i32
    %dma_start3A_76 = arith.constant 0 : i32
    %dma_start3A_77 = tpu.memref_slice %arg7[%dma_start3A_74, %dma_start3A_75, %dma_start3A_76] : memref<2x128x128xf32, #tpu.memory_space<vmem>> -> memref<1x128x128xf32, #tpu.memory_space<vmem>>
    %dma_start3A_78 = tpu.memref_squeeze %dma_start3A_77 : memref<1x128x128xf32, #tpu.memory_space<vmem>> -> memref<128x128xf32, #tpu.memory_space<vmem>>
    %dma_start3A_79 = arith.constant 0 : i32
    %dma_start3A_80 = tpu.memref_slice %arg6[%dma_start3A_72, %dma_start3A_73, %dma_start3A_79] : memref<4x2x128xi32, #tpu.memory_space<vmem>> -> memref<1x1x128xi32, #tpu.memory_space<vmem>>
    %dma_start3A_81 = tpu.memref_squeeze %dma_start3A_80 : memref<1x1x128xi32, #tpu.memory_space<vmem>> -> memref<128xi32, #tpu.memory_space<vmem>>
    %dma_start3A_82 = arith.constant 0 : i32
    %dma_start3A_83 = arith.constant 0 : i32
    %dma_start3A_84 = tpu.memref_slice %arg2[%dma_start3A_82, %dma_start3A_83] : memref<10000x128xf32, #tpu.memory_space<hbm>> -> memref<10000x128xf32, #tpu.memory_space<hbm>>
    tpu.enqueue_indirect_dma source(%dma_start3A_84 : memref<10000x128xf32, #tpu.memory_space<hbm>>) target(%dma_start3A_78 : memref<128x128xf32, #tpu.memory_space<vmem>>) offsets(%dma_start3A_81 : memref<128xi32, #tpu.memory_space<vmem>>) semaphore(%arg11 : memref<!tpu.dma_semaphore, #tpu.memory_space<semaphore_mem>>)
    %scan3A = arith.constant 0 : i32
    %scan3A_85 = arith.constant 20 : i32
    %scan3A_86 = arith.addi %scan3A, %scan3A_85 : i32
    %scan3A_87 = arith.constant 1 : i32
    scf.for %scan3A_105 = %scan3A to %scan3A_86 step %scan3A_87  : i32 {
      %mul3A_106 = arith.constant 1 : i32
      %mul3A_107 = arith.muli %scan3A_105, %mul3A_106 : i32
      %add3A_108 = arith.constant 0 : i32
      %add3A_109 = arith.addi %add3A_108, %mul3A_107 : i32
      %mul3A_110 = arith.constant 4 : i32
      %mul3A_111 = arith.muli %add3A_109, %mul3A_110 : i32
      %add3A_112 = arith.constant 0 : i32
      %add3A_113 = arith.addi %mul3A_111, %add3A_112 : i32
      %dma_wait3A_114 = arith.constant 0 : i32
      %dma_wait3A_115 = arith.constant 0 : i32
      %dma_wait3A_116 = arith.constant 0 : i32
      %dma_wait3A_117 = tpu.memref_slice %arg7[%dma_wait3A_114, %dma_wait3A_115, %dma_wait3A_116] : memref<2x128x128xf32, #tpu.memory_space<vmem>> -> memref<1x128x128xf32, #tpu.memory_space<vmem>>
      %dma_wait3A_118 = tpu.memref_squeeze %dma_wait3A_117 : memref<1x128x128xf32, #tpu.memory_space<vmem>> -> memref<128x128xf32, #tpu.memory_space<vmem>>
      %dma_wait3A_119 = arith.constant 0 : i32
      %dma_wait3A_120 = arith.constant 0 : i32
      %dma_wait3A_121 = tpu.memref_slice %arg2[%dma_wait3A_119, %dma_wait3A_120] : memref<10000x128xf32, #tpu.memory_space<hbm>> -> memref<128x128xf32, #tpu.memory_space<hbm>>
      %dma_wait3A_122 = arith.constant 0 : i32
      %dma_wait3A_123 = arith.constant 0 : i32
      %dma_wait3A_124 = tpu.memref_slice %arg7[%dma_wait3A_114, %dma_wait3A_122, %dma_wait3A_123] : memref<2x128x128xf32, #tpu.memory_space<vmem>> -> memref<1x128x128xf32, #tpu.memory_space<vmem>>
      %dma_wait3A_125 = tpu.memref_squeeze %dma_wait3A_124 : memref<1x128x128xf32, #tpu.memory_space<vmem>> -> memref<128x128xf32, #tpu.memory_space<vmem>>
      %dma_wait3A_126 = arith.constant 0 : i32
      %dma_wait3A_127 = arith.constant 0 : i32
      %dma_wait3A_128 = tpu.memref_slice %arg2[%dma_wait3A_126, %dma_wait3A_127] : memref<10000x128xf32, #tpu.memory_space<hbm>> -> memref<128x128xf32, #tpu.memory_space<hbm>>
      tpu.wait_dma2 semaphore(%arg11 : memref<!tpu.dma_semaphore, #tpu.memory_space<semaphore_mem>>) src(%dma_wait3A_128 : memref<128x128xf32, #tpu.memory_space<hbm>>) dst(%dma_wait3A_125 : memref<128x128xf32, #tpu.memory_space<vmem>>)
      %gt3A = arith.constant 0 : i32
      %gt3A_129 = arith.cmpi sgt, %add3A_113, %gt3A : i32
      %convert_element_type3A = arith.extui %gt3A_129 : i1 to i32
      %cond3A = arith.constant 0 : i32
      %cond3A_130 = arith.cmpi ne, %convert_element_type3A, %cond3A : i32
      scf.if %cond3A_130 {
        %dma_wait3A_310 = arith.constant 1 : i32
        %dma_wait3A_311 = arith.constant 0 : i32
        %dma_wait3A_312 = arith.constant 0 : i32
        %dma_wait3A_313 = tpu.memref_slice %arg7[%dma_wait3A_310, %dma_wait3A_311, %dma_wait3A_312] : memref<2x128x128xf32, #tpu.memory_space<vmem>> -> memref<1x128x128xf32, #tpu.memory_space<vmem>>
        %dma_wait3A_314 = tpu.memref_squeeze %dma_wait3A_313 : memref<1x128x128xf32, #tpu.memory_space<vmem>> -> memref<128x128xf32, #tpu.memory_space<vmem>>
        %dma_wait3A_315 = arith.constant 0 : i32
        %dma_wait3A_316 = arith.constant 0 : i32
        %dma_wait3A_317 = tpu.memref_slice %arg8[%dma_wait3A_315, %dma_wait3A_316] : memref<10112x128xf32, #tpu.memory_space<vmem_shared>> -> memref<128x128xf32, #tpu.memory_space<vmem_shared>>
        %dma_wait3A_318 = arith.constant 0 : i32
        %dma_wait3A_319 = arith.constant 0 : i32
        %dma_wait3A_320 = tpu.memref_slice %arg8[%dma_wait3A_318, %dma_wait3A_319] : memref<10112x128xf32, #tpu.memory_space<vmem_shared>> -> memref<128x128xf32, #tpu.memory_space<vmem_shared>>
        %dma_wait3A_321 = arith.constant 0 : i32
        %dma_wait3A_322 = arith.constant 0 : i32
        %dma_wait3A_323 = tpu.memref_slice %arg7[%dma_wait3A_310, %dma_wait3A_321, %dma_wait3A_322] : memref<2x128x128xf32, #tpu.memory_space<vmem>> -> memref<1x128x128xf32, #tpu.memory_space<vmem>>
        %dma_wait3A_324 = tpu.memref_squeeze %dma_wait3A_323 : memref<1x128x128xf32, #tpu.memory_space<vmem>> -> memref<128x128xf32, #tpu.memory_space<vmem>>
        tpu.wait_dma2 semaphore(%arg13 : memref<!tpu.dma_semaphore, #tpu.memory_space<semaphore_mem>>) src(%dma_wait3A_324 : memref<128x128xf32, #tpu.memory_space<vmem>>) dst(%dma_wait3A_320 : memref<128x128xf32, #tpu.memory_space<vmem_shared>>)
      } else {
      }
      %add3A_131 = arith.constant 2 : i32
      %add3A_132 = arith.addi %add3A_113, %add3A_131 : i32
      %lt3A = arith.constant 80 : i32
      %lt3A_133 = arith.cmpi slt, %add3A_132, %lt3A : i32
      %convert_element_type3A_134 = arith.extui %lt3A_133 : i1 to i32
      %cond3A_135 = arith.constant 0 : i32
      %cond3A_136 = arith.cmpi ne, %convert_element_type3A_134, %cond3A_135 : i32
      scf.if %cond3A_136 {
        %add3A_310 = arith.addi %add3A_19, %add3A_113 : i32
        %add3A_311 = arith.constant 2 : i32
        %add3A_312 = arith.addi %add3A_310, %add3A_311 : i32
        %dma_start3A_313 = arith.constant 2 : i32
        %dma_start3A_314 = arith.constant 0 : i32
        %dma_start3A_315 = arith.constant 0 : i32
        %dma_start3A_316 = tpu.memref_slice %arg6[%dma_start3A_313, %dma_start3A_314, %dma_start3A_315] : memref<4x2x128xi32, #tpu.memory_space<vmem>> -> memref<1x2x128xi32, #tpu.memory_space<vmem>>
        %dma_start3A_317 = tpu.memref_squeeze %dma_start3A_316 : memref<1x2x128xi32, #tpu.memory_space<vmem>> -> memref<2x128xi32, #tpu.memory_space<vmem>>
        %dma_start3A_318 = arith.constant 0 : i32
        %dma_start3A_319 = arith.constant 0 : i32
        %dma_start3A_320 = tpu.memref_slice %arg3[%add3A_312, %dma_start3A_318, %dma_start3A_319] : memref<2560x2x128xi32, #tpu.memory_space<hbm>> -> memref<1x2x128xi32, #tpu.memory_space<hbm>>
        %dma_start3A_321 = tpu.memref_squeeze %dma_start3A_320 : memref<1x2x128xi32, #tpu.memory_space<hbm>> -> memref<2x128xi32, #tpu.memory_space<hbm>>
        %dma_start3A_322 = arith.constant 0 : i32
        %dma_start3A_323 = arith.constant 0 : i32
        %dma_start3A_324 = tpu.memref_slice %arg6[%dma_start3A_313, %dma_start3A_322, %dma_start3A_323] : memref<4x2x128xi32, #tpu.memory_space<vmem>> -> memref<1x2x128xi32, #tpu.memory_space<vmem>>
        %dma_start3A_325 = tpu.memref_squeeze %dma_start3A_324 : memref<1x2x128xi32, #tpu.memory_space<vmem>> -> memref<2x128xi32, #tpu.memory_space<vmem>>
        %dma_start3A_326 = arith.constant 0 : i32
        %dma_start3A_327 = arith.constant 0 : i32
        %dma_start3A_328 = tpu.memref_slice %arg3[%add3A_312, %dma_start3A_326, %dma_start3A_327] : memref<2560x2x128xi32, #tpu.memory_space<hbm>> -> memref<1x2x128xi32, #tpu.memory_space<hbm>>
        %dma_start3A_329 = tpu.memref_squeeze %dma_start3A_328 : memref<1x2x128xi32, #tpu.memory_space<hbm>> -> memref<2x128xi32, #tpu.memory_space<hbm>>
        tpu.enqueue_dma source(%dma_start3A_329 : memref<2x128xi32, #tpu.memory_space<hbm>>) target(%dma_start3A_325 : memref<2x128xi32, #tpu.memory_space<vmem>>) target_semaphore(%arg9 : memref<!tpu.dma_semaphore, #tpu.memory_space<semaphore_mem>>)
      } else {
      }
      %add3A_137 = arith.constant 1 : i32
      %add3A_138 = arith.addi %add3A_113, %add3A_137 : i32
      %lt3A_139 = arith.constant 80 : i32
      %lt3A_140 = arith.cmpi slt, %add3A_138, %lt3A_139 : i32
      %convert_element_type3A_141 = arith.extui %lt3A_140 : i1 to i32
      %cond3A_142 = arith.constant 0 : i32
      %cond3A_143 = arith.cmpi ne, %convert_element_type3A_141, %cond3A_142 : i32
      scf.if %cond3A_143 {
        %dma_wait3A_310 = arith.constant 0 : i32
        %dma_wait3A_311 = arith.constant 1 : i32
        %dma_wait3A_312 = arith.constant 0 : i32
        %dma_wait3A_313 = arith.constant 0 : i32
        %dma_wait3A_314 = tpu.memref_slice %arg6[%dma_wait3A_311, %dma_wait3A_312, %dma_wait3A_313] : memref<4x2x128xi32, #tpu.memory_space<vmem>> -> memref<1x2x128xi32, #tpu.memory_space<vmem>>
        %dma_wait3A_315 = tpu.memref_squeeze %dma_wait3A_314 : memref<1x2x128xi32, #tpu.memory_space<vmem>> -> memref<2x128xi32, #tpu.memory_space<vmem>>
        %dma_wait3A_316 = arith.constant 0 : i32
        %dma_wait3A_317 = arith.constant 0 : i32
        %dma_wait3A_318 = tpu.memref_slice %arg3[%dma_wait3A_310, %dma_wait3A_316, %dma_wait3A_317] : memref<2560x2x128xi32, #tpu.memory_space<hbm>> -> memref<1x2x128xi32, #tpu.memory_space<hbm>>
        %dma_wait3A_319 = tpu.memref_squeeze %dma_wait3A_318 : memref<1x2x128xi32, #tpu.memory_space<hbm>> -> memref<2x128xi32, #tpu.memory_space<hbm>>
        %dma_wait3A_320 = arith.constant 0 : i32
        %dma_wait3A_321 = arith.constant 0 : i32
        %dma_wait3A_322 = tpu.memref_slice %arg6[%dma_wait3A_311, %dma_wait3A_320, %dma_wait3A_321] : memref<4x2x128xi32, #tpu.memory_space<vmem>> -> memref<1x2x128xi32, #tpu.memory_space<vmem>>
        %dma_wait3A_323 = tpu.memref_squeeze %dma_wait3A_322 : memref<1x2x128xi32, #tpu.memory_space<vmem>> -> memref<2x128xi32, #tpu.memory_space<vmem>>
        %dma_wait3A_324 = arith.constant 0 : i32
        %dma_wait3A_325 = arith.constant 0 : i32
        %dma_wait3A_326 = tpu.memref_slice %arg3[%dma_wait3A_310, %dma_wait3A_324, %dma_wait3A_325] : memref<2560x2x128xi32, #tpu.memory_space<hbm>> -> memref<1x2x128xi32, #tpu.memory_space<hbm>>
        %dma_wait3A_327 = tpu.memref_squeeze %dma_wait3A_326 : memref<1x2x128xi32, #tpu.memory_space<hbm>> -> memref<2x128xi32, #tpu.memory_space<hbm>>
        tpu.wait_dma2 semaphore(%arg10 : memref<!tpu.dma_semaphore, #tpu.memory_space<semaphore_mem>>) src(%dma_wait3A_327 : memref<2x128xi32, #tpu.memory_space<hbm>>) dst(%dma_wait3A_323 : memref<2x128xi32, #tpu.memory_space<vmem>>)
        %dma_start3A_328 = arith.constant 1 : i32
        %dma_start3A_329 = arith.constant 0 : i32
        %dma_start3A_330 = arith.constant 1 : i32
        %dma_start3A_331 = arith.constant 0 : i32
        %dma_start3A_332 = arith.constant 0 : i32
        %dma_start3A_333 = tpu.memref_slice %arg7[%dma_start3A_330, %dma_start3A_331, %dma_start3A_332] : memref<2x128x128xf32, #tpu.memory_space<vmem>> -> memref<1x128x128xf32, #tpu.memory_space<vmem>>
        %dma_start3A_334 = tpu.memref_squeeze %dma_start3A_333 : memref<1x128x128xf32, #tpu.memory_space<vmem>> -> memref<128x128xf32, #tpu.memory_space<vmem>>
        %dma_start3A_335 = arith.constant 0 : i32
        %dma_start3A_336 = tpu.memref_slice %arg6[%dma_start3A_328, %dma_start3A_329, %dma_start3A_335] : memref<4x2x128xi32, #tpu.memory_space<vmem>> -> memref<1x1x128xi32, #tpu.memory_space<vmem>>
        %dma_start3A_337 = tpu.memref_squeeze %dma_start3A_336 : memref<1x1x128xi32, #tpu.memory_space<vmem>> -> memref<128xi32, #tpu.memory_space<vmem>>
        %dma_start3A_338 = arith.constant 0 : i32
        %dma_start3A_339 = arith.constant 0 : i32
        %dma_start3A_340 = tpu.memref_slice %arg2[%dma_start3A_338, %dma_start3A_339] : memref<10000x128xf32, #tpu.memory_space<hbm>> -> memref<10000x128xf32, #tpu.memory_space<hbm>>
        tpu.enqueue_indirect_dma source(%dma_start3A_340 : memref<10000x128xf32, #tpu.memory_space<hbm>>) target(%dma_start3A_334 : memref<128x128xf32, #tpu.memory_space<vmem>>) offsets(%dma_start3A_337 : memref<128xi32, #tpu.memory_space<vmem>>) semaphore(%arg11 : memref<!tpu.dma_semaphore, #tpu.memory_space<semaphore_mem>>)
      } else {
      }
      %dma_start3A_144 = arith.constant 0 : i32
      %dma_start3A_145 = arith.constant 0 : i32
      %dma_start3A_146 = arith.constant 1 : i32
      %dma_start3A_147 = arith.constant 0 : i32
      %dma_start3A_148 = arith.constant 0 : i32
      %dma_start3A_149 = tpu.memref_slice %arg7[%dma_start3A_144, %dma_start3A_147, %dma_start3A_148] : memref<2x128x128xf32, #tpu.memory_space<vmem>> -> memref<1x128x128xf32, #tpu.memory_space<vmem>>
      %dma_start3A_150 = tpu.memref_squeeze %dma_start3A_149 : memref<1x128x128xf32, #tpu.memory_space<vmem>> -> memref<128x128xf32, #tpu.memory_space<vmem>>
      %dma_start3A_151 = arith.constant 0 : i32
      %dma_start3A_152 = tpu.memref_slice %arg6[%dma_start3A_145, %dma_start3A_146, %dma_start3A_151] : memref<4x2x128xi32, #tpu.memory_space<vmem>> -> memref<1x1x128xi32, #tpu.memory_space<vmem>>
      %dma_start3A_153 = tpu.memref_squeeze %dma_start3A_152 : memref<1x1x128xi32, #tpu.memory_space<vmem>> -> memref<128xi32, #tpu.memory_space<vmem>>
      %dma_start3A_154 = arith.constant 0 : i32
      %dma_start3A_155 = arith.constant 0 : i32
      %dma_start3A_156 = tpu.memref_slice %arg8[%dma_start3A_154, %dma_start3A_155] : memref<10112x128xf32, #tpu.memory_space<vmem_shared>> -> memref<10112x128xf32, #tpu.memory_space<vmem_shared>>
      tpu.enqueue_indirect_dma source(%dma_start3A_150 : memref<128x128xf32, #tpu.memory_space<vmem>>) target(%dma_start3A_156 : memref<10112x128xf32, #tpu.memory_space<vmem_shared>>) offsets(%dma_start3A_153 : memref<128xi32, #tpu.memory_space<vmem>>) semaphore(%arg12 : memref<!tpu.dma_semaphore, #tpu.memory_space<semaphore_mem>>) {add = true}
      %mul3A_157 = arith.constant 4 : i32
      %mul3A_158 = arith.muli %add3A_109, %mul3A_157 : i32
      %add3A_159 = arith.constant 1 : i32
      %add3A_160 = arith.addi %mul3A_158, %add3A_159 : i32
      %dma_wait3A_161 = arith.constant 1 : i32
      %dma_wait3A_162 = arith.constant 0 : i32
      %dma_wait3A_163 = arith.constant 0 : i32
      %dma_wait3A_164 = tpu.memref_slice %arg7[%dma_wait3A_161, %dma_wait3A_162, %dma_wait3A_163] : memref<2x128x128xf32, #tpu.memory_space<vmem>> -> memref<1x128x128xf32, #tpu.memory_space<vmem>>
      %dma_wait3A_165 = tpu.memref_squeeze %dma_wait3A_164 : memref<1x128x128xf32, #tpu.memory_space<vmem>> -> memref<128x128xf32, #tpu.memory_space<vmem>>
      %dma_wait3A_166 = arith.constant 0 : i32
      %dma_wait3A_167 = arith.constant 0 : i32
      %dma_wait3A_168 = tpu.memref_slice %arg2[%dma_wait3A_166, %dma_wait3A_167] : memref<10000x128xf32, #tpu.memory_space<hbm>> -> memref<128x128xf32, #tpu.memory_space<hbm>>
      %dma_wait3A_169 = arith.constant 0 : i32
      %dma_wait3A_170 = arith.constant 0 : i32
      %dma_wait3A_171 = tpu.memref_slice %arg7[%dma_wait3A_161, %dma_wait3A_169, %dma_wait3A_170] : memref<2x128x128xf32, #tpu.memory_space<vmem>> -> memref<1x128x128xf32, #tpu.memory_space<vmem>>
      %dma_wait3A_172 = tpu.memref_squeeze %dma_wait3A_171 : memref<1x128x128xf32, #tpu.memory_space<vmem>> -> memref<128x128xf32, #tpu.memory_space<vmem>>
      %dma_wait3A_173 = arith.constant 0 : i32
      %dma_wait3A_174 = arith.constant 0 : i32
      %dma_wait3A_175 = tpu.memref_slice %arg2[%dma_wait3A_173, %dma_wait3A_174] : memref<10000x128xf32, #tpu.memory_space<hbm>> -> memref<128x128xf32, #tpu.memory_space<hbm>>
      tpu.wait_dma2 semaphore(%arg11 : memref<!tpu.dma_semaphore, #tpu.memory_space<semaphore_mem>>) src(%dma_wait3A_175 : memref<128x128xf32, #tpu.memory_space<hbm>>) dst(%dma_wait3A_172 : memref<128x128xf32, #tpu.memory_space<vmem>>)
      %gt3A_176 = arith.constant 0 : i32
      %gt3A_177 = arith.cmpi sgt, %add3A_160, %gt3A_176 : i32
      %convert_element_type3A_178 = arith.extui %gt3A_177 : i1 to i32
      %cond3A_179 = arith.constant 0 : i32
      %cond3A_180 = arith.cmpi ne, %convert_element_type3A_178, %cond3A_179 : i32
      scf.if %cond3A_180 {
        %dma_wait3A_310 = arith.constant 0 : i32
        %dma_wait3A_311 = arith.constant 0 : i32
        %dma_wait3A_312 = arith.constant 0 : i32
        %dma_wait3A_313 = tpu.memref_slice %arg7[%dma_wait3A_310, %dma_wait3A_311, %dma_wait3A_312] : memref<2x128x128xf32, #tpu.memory_space<vmem>> -> memref<1x128x128xf32, #tpu.memory_space<vmem>>
        %dma_wait3A_314 = tpu.memref_squeeze %dma_wait3A_313 : memref<1x128x128xf32, #tpu.memory_space<vmem>> -> memref<128x128xf32, #tpu.memory_space<vmem>>
        %dma_wait3A_315 = arith.constant 0 : i32
        %dma_wait3A_316 = arith.constant 0 : i32
        %dma_wait3A_317 = tpu.memref_slice %arg8[%dma_wait3A_315, %dma_wait3A_316] : memref<10112x128xf32, #tpu.memory_space<vmem_shared>> -> memref<128x128xf32, #tpu.memory_space<vmem_shared>>
        %dma_wait3A_318 = arith.constant 0 : i32
        %dma_wait3A_319 = arith.constant 0 : i32
        %dma_wait3A_320 = tpu.memref_slice %arg8[%dma_wait3A_318, %dma_wait3A_319] : memref<10112x128xf32, #tpu.memory_space<vmem_shared>> -> memref<128x128xf32, #tpu.memory_space<vmem_shared>>
        %dma_wait3A_321 = arith.constant 0 : i32
        %dma_wait3A_322 = arith.constant 0 : i32
        %dma_wait3A_323 = tpu.memref_slice %arg7[%dma_wait3A_310, %dma_wait3A_321, %dma_wait3A_322] : memref<2x128x128xf32, #tpu.memory_space<vmem>> -> memref<1x128x128xf32, #tpu.memory_space<vmem>>
        %dma_wait3A_324 = tpu.memref_squeeze %dma_wait3A_323 : memref<1x128x128xf32, #tpu.memory_space<vmem>> -> memref<128x128xf32, #tpu.memory_space<vmem>>
        tpu.wait_dma2 semaphore(%arg12 : memref<!tpu.dma_semaphore, #tpu.memory_space<semaphore_mem>>) src(%dma_wait3A_324 : memref<128x128xf32, #tpu.memory_space<vmem>>) dst(%dma_wait3A_320 : memref<128x128xf32, #tpu.memory_space<vmem_shared>>)
      } else {
      }
      %add3A_181 = arith.constant 2 : i32
      %add3A_182 = arith.addi %add3A_160, %add3A_181 : i32
      %lt3A_183 = arith.constant 80 : i32
      %lt3A_184 = arith.cmpi slt, %add3A_182, %lt3A_183 : i32
      %convert_element_type3A_185 = arith.extui %lt3A_184 : i1 to i32
      %cond3A_186 = arith.constant 0 : i32
      %cond3A_187 = arith.cmpi ne, %convert_element_type3A_185, %cond3A_186 : i32
      scf.if %cond3A_187 {
        %add3A_310 = arith.addi %add3A_19, %add3A_160 : i32
        %add3A_311 = arith.constant 2 : i32
        %add3A_312 = arith.addi %add3A_310, %add3A_311 : i32
        %dma_start3A_313 = arith.constant 3 : i32
        %dma_start3A_314 = arith.constant 0 : i32
        %dma_start3A_315 = arith.constant 0 : i32
        %dma_start3A_316 = tpu.memref_slice %arg6[%dma_start3A_313, %dma_start3A_314, %dma_start3A_315] : memref<4x2x128xi32, #tpu.memory_space<vmem>> -> memref<1x2x128xi32, #tpu.memory_space<vmem>>
        %dma_start3A_317 = tpu.memref_squeeze %dma_start3A_316 : memref<1x2x128xi32, #tpu.memory_space<vmem>> -> memref<2x128xi32, #tpu.memory_space<vmem>>
        %dma_start3A_318 = arith.constant 0 : i32
        %dma_start3A_319 = arith.constant 0 : i32
        %dma_start3A_320 = tpu.memref_slice %arg3[%add3A_312, %dma_start3A_318, %dma_start3A_319] : memref<2560x2x128xi32, #tpu.memory_space<hbm>> -> memref<1x2x128xi32, #tpu.memory_space<hbm>>
        %dma_start3A_321 = tpu.memref_squeeze %dma_start3A_320 : memref<1x2x128xi32, #tpu.memory_space<hbm>> -> memref<2x128xi32, #tpu.memory_space<hbm>>
        %dma_start3A_322 = arith.constant 0 : i32
        %dma_start3A_323 = arith.constant 0 : i32
        %dma_start3A_324 = tpu.memref_slice %arg6[%dma_start3A_313, %dma_start3A_322, %dma_start3A_323] : memref<4x2x128xi32, #tpu.memory_space<vmem>> -> memref<1x2x128xi32, #tpu.memory_space<vmem>>
        %dma_start3A_325 = tpu.memref_squeeze %dma_start3A_324 : memref<1x2x128xi32, #tpu.memory_space<vmem>> -> memref<2x128xi32, #tpu.memory_space<vmem>>
        %dma_start3A_326 = arith.constant 0 : i32
        %dma_start3A_327 = arith.constant 0 : i32
        %dma_start3A_328 = tpu.memref_slice %arg3[%add3A_312, %dma_start3A_326, %dma_start3A_327] : memref<2560x2x128xi32, #tpu.memory_space<hbm>> -> memref<1x2x128xi32, #tpu.memory_space<hbm>>
        %dma_start3A_329 = tpu.memref_squeeze %dma_start3A_328 : memref<1x2x128xi32, #tpu.memory_space<hbm>> -> memref<2x128xi32, #tpu.memory_space<hbm>>
        tpu.enqueue_dma source(%dma_start3A_329 : memref<2x128xi32, #tpu.memory_space<hbm>>) target(%dma_start3A_325 : memref<2x128xi32, #tpu.memory_space<vmem>>) target_semaphore(%arg10 : memref<!tpu.dma_semaphore, #tpu.memory_space<semaphore_mem>>)
      } else {
      }
      %add3A_188 = arith.constant 1 : i32
      %add3A_189 = arith.addi %add3A_160, %add3A_188 : i32
      %lt3A_190 = arith.constant 80 : i32
      %lt3A_191 = arith.cmpi slt, %add3A_189, %lt3A_190 : i32
      %convert_element_type3A_192 = arith.extui %lt3A_191 : i1 to i32
      %cond3A_193 = arith.constant 0 : i32
      %cond3A_194 = arith.cmpi ne, %convert_element_type3A_192, %cond3A_193 : i32
      scf.if %cond3A_194 {
        %dma_wait3A_310 = arith.constant 0 : i32
        %dma_wait3A_311 = arith.constant 2 : i32
        %dma_wait3A_312 = arith.constant 0 : i32
        %dma_wait3A_313 = arith.constant 0 : i32
        %dma_wait3A_314 = tpu.memref_slice %arg6[%dma_wait3A_311, %dma_wait3A_312, %dma_wait3A_313] : memref<4x2x128xi32, #tpu.memory_space<vmem>> -> memref<1x2x128xi32, #tpu.memory_space<vmem>>
        %dma_wait3A_315 = tpu.memref_squeeze %dma_wait3A_314 : memref<1x2x128xi32, #tpu.memory_space<vmem>> -> memref<2x128xi32, #tpu.memory_space<vmem>>
        %dma_wait3A_316 = arith.constant 0 : i32
        %dma_wait3A_317 = arith.constant 0 : i32
        %dma_wait3A_318 = tpu.memref_slice %arg3[%dma_wait3A_310, %dma_wait3A_316, %dma_wait3A_317] : memref<2560x2x128xi32, #tpu.memory_space<hbm>> -> memref<1x2x128xi32, #tpu.memory_space<hbm>>
        %dma_wait3A_319 = tpu.memref_squeeze %dma_wait3A_318 : memref<1x2x128xi32, #tpu.memory_space<hbm>> -> memref<2x128xi32, #tpu.memory_space<hbm>>
        %dma_wait3A_320 = arith.constant 0 : i32
        %dma_wait3A_321 = arith.constant 0 : i32
        %dma_wait3A_322 = tpu.memref_slice %arg6[%dma_wait3A_311, %dma_wait3A_320, %dma_wait3A_321] : memref<4x2x128xi32, #tpu.memory_space<vmem>> -> memref<1x2x128xi32, #tpu.memory_space<vmem>>
        %dma_wait3A_323 = tpu.memref_squeeze %dma_wait3A_322 : memref<1x2x128xi32, #tpu.memory_space<vmem>> -> memref<2x128xi32, #tpu.memory_space<vmem>>
        %dma_wait3A_324 = arith.constant 0 : i32
        %dma_wait3A_325 = arith.constant 0 : i32
        %dma_wait3A_326 = tpu.memref_slice %arg3[%dma_wait3A_310, %dma_wait3A_324, %dma_wait3A_325] : memref<2560x2x128xi32, #tpu.memory_space<hbm>> -> memref<1x2x128xi32, #tpu.memory_space<hbm>>
        %dma_wait3A_327 = tpu.memref_squeeze %dma_wait3A_326 : memref<1x2x128xi32, #tpu.memory_space<hbm>> -> memref<2x128xi32, #tpu.memory_space<hbm>>
        tpu.wait_dma2 semaphore(%arg9 : memref<!tpu.dma_semaphore, #tpu.memory_space<semaphore_mem>>) src(%dma_wait3A_327 : memref<2x128xi32, #tpu.memory_space<hbm>>) dst(%dma_wait3A_323 : memref<2x128xi32, #tpu.memory_space<vmem>>)
        %dma_start3A_328 = arith.constant 2 : i32
        %dma_start3A_329 = arith.constant 0 : i32
        %dma_start3A_330 = arith.constant 0 : i32
        %dma_start3A_331 = arith.constant 0 : i32
        %dma_start3A_332 = arith.constant 0 : i32
        %dma_start3A_333 = tpu.memref_slice %arg7[%dma_start3A_330, %dma_start3A_331, %dma_start3A_332] : memref<2x128x128xf32, #tpu.memory_space<vmem>> -> memref<1x128x128xf32, #tpu.memory_space<vmem>>
        %dma_start3A_334 = tpu.memref_squeeze %dma_start3A_333 : memref<1x128x128xf32, #tpu.memory_space<vmem>> -> memref<128x128xf32, #tpu.memory_space<vmem>>
        %dma_start3A_335 = arith.constant 0 : i32
        %dma_start3A_336 = tpu.memref_slice %arg6[%dma_start3A_328, %dma_start3A_329, %dma_start3A_335] : memref<4x2x128xi32, #tpu.memory_space<vmem>> -> memref<1x1x128xi32, #tpu.memory_space<vmem>>
        %dma_start3A_337 = tpu.memref_squeeze %dma_start3A_336 : memref<1x1x128xi32, #tpu.memory_space<vmem>> -> memref<128xi32, #tpu.memory_space<vmem>>
        %dma_start3A_338 = arith.constant 0 : i32
        %dma_start3A_339 = arith.constant 0 : i32
        %dma_start3A_340 = tpu.memref_slice %arg2[%dma_start3A_338, %dma_start3A_339] : memref<10000x128xf32, #tpu.memory_space<hbm>> -> memref<10000x128xf32, #tpu.memory_space<hbm>>
        tpu.enqueue_indirect_dma source(%dma_start3A_340 : memref<10000x128xf32, #tpu.memory_space<hbm>>) target(%dma_start3A_334 : memref<128x128xf32, #tpu.memory_space<vmem>>) offsets(%dma_start3A_337 : memref<128xi32, #tpu.memory_space<vmem>>) semaphore(%arg11 : memref<!tpu.dma_semaphore, #tpu.memory_space<semaphore_mem>>)
      } else {
      }
      %dma_start3A_195 = arith.constant 1 : i32
      %dma_start3A_196 = arith.constant 1 : i32
      %dma_start3A_197 = arith.constant 1 : i32
      %dma_start3A_198 = arith.constant 0 : i32
      %dma_start3A_199 = arith.constant 0 : i32
      %dma_start3A_200 = tpu.memref_slice %arg7[%dma_start3A_195, %dma_start3A_198, %dma_start3A_199] : memref<2x128x128xf32, #tpu.memory_space<vmem>> -> memref<1x128x128xf32, #tpu.memory_space<vmem>>
      %dma_start3A_201 = tpu.memref_squeeze %dma_start3A_200 : memref<1x128x128xf32, #tpu.memory_space<vmem>> -> memref<128x128xf32, #tpu.memory_space<vmem>>
      %dma_start3A_202 = arith.constant 0 : i32
      %dma_start3A_203 = tpu.memref_slice %arg6[%dma_start3A_196, %dma_start3A_197, %dma_start3A_202] : memref<4x2x128xi32, #tpu.memory_space<vmem>> -> memref<1x1x128xi32, #tpu.memory_space<vmem>>
      %dma_start3A_204 = tpu.memref_squeeze %dma_start3A_203 : memref<1x1x128xi32, #tpu.memory_space<vmem>> -> memref<128xi32, #tpu.memory_space<vmem>>
      %dma_start3A_205 = arith.constant 0 : i32
      %dma_start3A_206 = arith.constant 0 : i32
      %dma_start3A_207 = tpu.memref_slice %arg8[%dma_start3A_205, %dma_start3A_206] : memref<10112x128xf32, #tpu.memory_space<vmem_shared>> -> memref<10112x128xf32, #tpu.memory_space<vmem_shared>>
      tpu.enqueue_indirect_dma source(%dma_start3A_201 : memref<128x128xf32, #tpu.memory_space<vmem>>) target(%dma_start3A_207 : memref<10112x128xf32, #tpu.memory_space<vmem_shared>>) offsets(%dma_start3A_204 : memref<128xi32, #tpu.memory_space<vmem>>) semaphore(%arg13 : memref<!tpu.dma_semaphore, #tpu.memory_space<semaphore_mem>>) {add = true}
      %mul3A_208 = arith.constant 4 : i32
      %mul3A_209 = arith.muli %add3A_109, %mul3A_208 : i32
      %add3A_210 = arith.constant 2 : i32
      %add3A_211 = arith.addi %mul3A_209, %add3A_210 : i32
      %dma_wait3A_212 = arith.constant 0 : i32
      %dma_wait3A_213 = arith.constant 0 : i32
      %dma_wait3A_214 = arith.constant 0 : i32
      %dma_wait3A_215 = tpu.memref_slice %arg7[%dma_wait3A_212, %dma_wait3A_213, %dma_wait3A_214] : memref<2x128x128xf32, #tpu.memory_space<vmem>> -> memref<1x128x128xf32, #tpu.memory_space<vmem>>
      %dma_wait3A_216 = tpu.memref_squeeze %dma_wait3A_215 : memref<1x128x128xf32, #tpu.memory_space<vmem>> -> memref<128x128xf32, #tpu.memory_space<vmem>>
      %dma_wait3A_217 = arith.constant 0 : i32
      %dma_wait3A_218 = arith.constant 0 : i32
      %dma_wait3A_219 = tpu.memref_slice %arg2[%dma_wait3A_217, %dma_wait3A_218] : memref<10000x128xf32, #tpu.memory_space<hbm>> -> memref<128x128xf32, #tpu.memory_space<hbm>>
      %dma_wait3A_220 = arith.constant 0 : i32
      %dma_wait3A_221 = arith.constant 0 : i32
      %dma_wait3A_222 = tpu.memref_slice %arg7[%dma_wait3A_212, %dma_wait3A_220, %dma_wait3A_221] : memref<2x128x128xf32, #tpu.memory_space<vmem>> -> memref<1x128x128xf32, #tpu.memory_space<vmem>>
      %dma_wait3A_223 = tpu.memref_squeeze %dma_wait3A_222 : memref<1x128x128xf32, #tpu.memory_space<vmem>> -> memref<128x128xf32, #tpu.memory_space<vmem>>
      %dma_wait3A_224 = arith.constant 0 : i32
      %dma_wait3A_225 = arith.constant 0 : i32
      %dma_wait3A_226 = tpu.memref_slice %arg2[%dma_wait3A_224, %dma_wait3A_225] : memref<10000x128xf32, #tpu.memory_space<hbm>> -> memref<128x128xf32, #tpu.memory_space<hbm>>
      tpu.wait_dma2 semaphore(%arg11 : memref<!tpu.dma_semaphore, #tpu.memory_space<semaphore_mem>>) src(%dma_wait3A_226 : memref<128x128xf32, #tpu.memory_space<hbm>>) dst(%dma_wait3A_223 : memref<128x128xf32, #tpu.memory_space<vmem>>)
      %gt3A_227 = arith.constant 0 : i32
      %gt3A_228 = arith.cmpi sgt, %add3A_211, %gt3A_227 : i32
      %convert_element_type3A_229 = arith.extui %gt3A_228 : i1 to i32
      %cond3A_230 = arith.constant 0 : i32
      %cond3A_231 = arith.cmpi ne, %convert_element_type3A_229, %cond3A_230 : i32
      scf.if %cond3A_231 {
        %dma_wait3A_310 = arith.constant 1 : i32
        %dma_wait3A_311 = arith.constant 0 : i32
        %dma_wait3A_312 = arith.constant 0 : i32
        %dma_wait3A_313 = tpu.memref_slice %arg7[%dma_wait3A_310, %dma_wait3A_311, %dma_wait3A_312] : memref<2x128x128xf32, #tpu.memory_space<vmem>> -> memref<1x128x128xf32, #tpu.memory_space<vmem>>
        %dma_wait3A_314 = tpu.memref_squeeze %dma_wait3A_313 : memref<1x128x128xf32, #tpu.memory_space<vmem>> -> memref<128x128xf32, #tpu.memory_space<vmem>>
        %dma_wait3A_315 = arith.constant 0 : i32
        %dma_wait3A_316 = arith.constant 0 : i32
        %dma_wait3A_317 = tpu.memref_slice %arg8[%dma_wait3A_315, %dma_wait3A_316] : memref<10112x128xf32, #tpu.memory_space<vmem_shared>> -> memref<128x128xf32, #tpu.memory_space<vmem_shared>>
        %dma_wait3A_318 = arith.constant 0 : i32
        %dma_wait3A_319 = arith.constant 0 : i32
        %dma_wait3A_320 = tpu.memref_slice %arg8[%dma_wait3A_318, %dma_wait3A_319] : memref<10112x128xf32, #tpu.memory_space<vmem_shared>> -> memref<128x128xf32, #tpu.memory_space<vmem_shared>>
        %dma_wait3A_321 = arith.constant 0 : i32
        %dma_wait3A_322 = arith.constant 0 : i32
        %dma_wait3A_323 = tpu.memref_slice %arg7[%dma_wait3A_310, %dma_wait3A_321, %dma_wait3A_322] : memref<2x128x128xf32, #tpu.memory_space<vmem>> -> memref<1x128x128xf32, #tpu.memory_space<vmem>>
        %dma_wait3A_324 = tpu.memref_squeeze %dma_wait3A_323 : memref<1x128x128xf32, #tpu.memory_space<vmem>> -> memref<128x128xf32, #tpu.memory_space<vmem>>
        tpu.wait_dma2 semaphore(%arg13 : memref<!tpu.dma_semaphore, #tpu.memory_space<semaphore_mem>>) src(%dma_wait3A_324 : memref<128x128xf32, #tpu.memory_space<vmem>>) dst(%dma_wait3A_320 : memref<128x128xf32, #tpu.memory_space<vmem_shared>>)
      } else {
      }
      %add3A_232 = arith.constant 2 : i32
      %add3A_233 = arith.addi %add3A_211, %add3A_232 : i32
      %lt3A_234 = arith.constant 80 : i32
      %lt3A_235 = arith.cmpi slt, %add3A_233, %lt3A_234 : i32
      %convert_element_type3A_236 = arith.extui %lt3A_235 : i1 to i32
      %cond3A_237 = arith.constant 0 : i32
      %cond3A_238 = arith.cmpi ne, %convert_element_type3A_236, %cond3A_237 : i32
      scf.if %cond3A_238 {
        %add3A_310 = arith.addi %add3A_19, %add3A_211 : i32
        %add3A_311 = arith.constant 2 : i32
        %add3A_312 = arith.addi %add3A_310, %add3A_311 : i32
        %dma_start3A_313 = arith.constant 0 : i32
        %dma_start3A_314 = arith.constant 0 : i32
        %dma_start3A_315 = arith.constant 0 : i32
        %dma_start3A_316 = tpu.memref_slice %arg6[%dma_start3A_313, %dma_start3A_314, %dma_start3A_315] : memref<4x2x128xi32, #tpu.memory_space<vmem>> -> memref<1x2x128xi32, #tpu.memory_space<vmem>>
        %dma_start3A_317 = tpu.memref_squeeze %dma_start3A_316 : memref<1x2x128xi32, #tpu.memory_space<vmem>> -> memref<2x128xi32, #tpu.memory_space<vmem>>
        %dma_start3A_318 = arith.constant 0 : i32
        %dma_start3A_319 = arith.constant 0 : i32
        %dma_start3A_320 = tpu.memref_slice %arg3[%add3A_312, %dma_start3A_318, %dma_start3A_319] : memref<2560x2x128xi32, #tpu.memory_space<hbm>> -> memref<1x2x128xi32, #tpu.memory_space<hbm>>
        %dma_start3A_321 = tpu.memref_squeeze %dma_start3A_320 : memref<1x2x128xi32, #tpu.memory_space<hbm>> -> memref<2x128xi32, #tpu.memory_space<hbm>>
        %dma_start3A_322 = arith.constant 0 : i32
        %dma_start3A_323 = arith.constant 0 : i32
        %dma_start3A_324 = tpu.memref_slice %arg6[%dma_start3A_313, %dma_start3A_322, %dma_start3A_323] : memref<4x2x128xi32, #tpu.memory_space<vmem>> -> memref<1x2x128xi32, #tpu.memory_space<vmem>>
        %dma_start3A_325 = tpu.memref_squeeze %dma_start3A_324 : memref<1x2x128xi32, #tpu.memory_space<vmem>> -> memref<2x128xi32, #tpu.memory_space<vmem>>
        %dma_start3A_326 = arith.constant 0 : i32
        %dma_start3A_327 = arith.constant 0 : i32
        %dma_start3A_328 = tpu.memref_slice %arg3[%add3A_312, %dma_start3A_326, %dma_start3A_327] : memref<2560x2x128xi32, #tpu.memory_space<hbm>> -> memref<1x2x128xi32, #tpu.memory_space<hbm>>
        %dma_start3A_329 = tpu.memref_squeeze %dma_start3A_328 : memref<1x2x128xi32, #tpu.memory_space<hbm>> -> memref<2x128xi32, #tpu.memory_space<hbm>>
        tpu.enqueue_dma source(%dma_start3A_329 : memref<2x128xi32, #tpu.memory_space<hbm>>) target(%dma_start3A_325 : memref<2x128xi32, #tpu.memory_space<vmem>>) target_semaphore(%arg9 : memref<!tpu.dma_semaphore, #tpu.memory_space<semaphore_mem>>)
      } else {
      }
      %add3A_239 = arith.constant 1 : i32
      %add3A_240 = arith.addi %add3A_211, %add3A_239 : i32
      %lt3A_241 = arith.constant 80 : i32
      %lt3A_242 = arith.cmpi slt, %add3A_240, %lt3A_241 : i32
      %convert_element_type3A_243 = arith.extui %lt3A_242 : i1 to i32
      %cond3A_244 = arith.constant 0 : i32
      %cond3A_245 = arith.cmpi ne, %convert_element_type3A_243, %cond3A_244 : i32
      scf.if %cond3A_245 {
        %dma_wait3A_310 = arith.constant 0 : i32
        %dma_wait3A_311 = arith.constant 3 : i32
        %dma_wait3A_312 = arith.constant 0 : i32
        %dma_wait3A_313 = arith.constant 0 : i32
        %dma_wait3A_314 = tpu.memref_slice %arg6[%dma_wait3A_311, %dma_wait3A_312, %dma_wait3A_313] : memref<4x2x128xi32, #tpu.memory_space<vmem>> -> memref<1x2x128xi32, #tpu.memory_space<vmem>>
        %dma_wait3A_315 = tpu.memref_squeeze %dma_wait3A_314 : memref<1x2x128xi32, #tpu.memory_space<vmem>> -> memref<2x128xi32, #tpu.memory_space<vmem>>
        %dma_wait3A_316 = arith.constant 0 : i32
        %dma_wait3A_317 = arith.constant 0 : i32
        %dma_wait3A_318 = tpu.memref_slice %arg3[%dma_wait3A_310, %dma_wait3A_316, %dma_wait3A_317] : memref<2560x2x128xi32, #tpu.memory_space<hbm>> -> memref<1x2x128xi32, #tpu.memory_space<hbm>>
        %dma_wait3A_319 = tpu.memref_squeeze %dma_wait3A_318 : memref<1x2x128xi32, #tpu.memory_space<hbm>> -> memref<2x128xi32, #tpu.memory_space<hbm>>
        %dma_wait3A_320 = arith.constant 0 : i32
        %dma_wait3A_321 = arith.constant 0 : i32
        %dma_wait3A_322 = tpu.memref_slice %arg6[%dma_wait3A_311, %dma_wait3A_320, %dma_wait3A_321] : memref<4x2x128xi32, #tpu.memory_space<vmem>> -> memref<1x2x128xi32, #tpu.memory_space<vmem>>
        %dma_wait3A_323 = tpu.memref_squeeze %dma_wait3A_322 : memref<1x2x128xi32, #tpu.memory_space<vmem>> -> memref<2x128xi32, #tpu.memory_space<vmem>>
        %dma_wait3A_324 = arith.constant 0 : i32
        %dma_wait3A_325 = arith.constant 0 : i32
        %dma_wait3A_326 = tpu.memref_slice %arg3[%dma_wait3A_310, %dma_wait3A_324, %dma_wait3A_325] : memref<2560x2x128xi32, #tpu.memory_space<hbm>> -> memref<1x2x128xi32, #tpu.memory_space<hbm>>
        %dma_wait3A_327 = tpu.memref_squeeze %dma_wait3A_326 : memref<1x2x128xi32, #tpu.memory_space<hbm>> -> memref<2x128xi32, #tpu.memory_space<hbm>>
        tpu.wait_dma2 semaphore(%arg10 : memref<!tpu.dma_semaphore, #tpu.memory_space<semaphore_mem>>) src(%dma_wait3A_327 : memref<2x128xi32, #tpu.memory_space<hbm>>) dst(%dma_wait3A_323 : memref<2x128xi32, #tpu.memory_space<vmem>>)
        %dma_start3A_328 = arith.constant 3 : i32
        %dma_start3A_329 = arith.constant 0 : i32
        %dma_start3A_330 = arith.constant 1 : i32
        %dma_start3A_331 = arith.constant 0 : i32
        %dma_start3A_332 = arith.constant 0 : i32
        %dma_start3A_333 = tpu.memref_slice %arg7[%dma_start3A_330, %dma_start3A_331, %dma_start3A_332] : memref<2x128x128xf32, #tpu.memory_space<vmem>> -> memref<1x128x128xf32, #tpu.memory_space<vmem>>
        %dma_start3A_334 = tpu.memref_squeeze %dma_start3A_333 : memref<1x128x128xf32, #tpu.memory_space<vmem>> -> memref<128x128xf32, #tpu.memory_space<vmem>>
        %dma_start3A_335 = arith.constant 0 : i32
        %dma_start3A_336 = tpu.memref_slice %arg6[%dma_start3A_328, %dma_start3A_329, %dma_start3A_335] : memref<4x2x128xi32, #tpu.memory_space<vmem>> -> memref<1x1x128xi32, #tpu.memory_space<vmem>>
        %dma_start3A_337 = tpu.memref_squeeze %dma_start3A_336 : memref<1x1x128xi32, #tpu.memory_space<vmem>> -> memref<128xi32, #tpu.memory_space<vmem>>
        %dma_start3A_338 = arith.constant 0 : i32
        %dma_start3A_339 = arith.constant 0 : i32
        %dma_start3A_340 = tpu.memref_slice %arg2[%dma_start3A_338, %dma_start3A_339] : memref<10000x128xf32, #tpu.memory_space<hbm>> -> memref<10000x128xf32, #tpu.memory_space<hbm>>
        tpu.enqueue_indirect_dma source(%dma_start3A_340 : memref<10000x128xf32, #tpu.memory_space<hbm>>) target(%dma_start3A_334 : memref<128x128xf32, #tpu.memory_space<vmem>>) offsets(%dma_start3A_337 : memref<128xi32, #tpu.memory_space<vmem>>) semaphore(%arg11 : memref<!tpu.dma_semaphore, #tpu.memory_space<semaphore_mem>>)
      } else {
      }
      %dma_start3A_246 = arith.constant 0 : i32
      %dma_start3A_247 = arith.constant 2 : i32
      %dma_start3A_248 = arith.constant 1 : i32
      %dma_start3A_249 = arith.constant 0 : i32
      %dma_start3A_250 = arith.constant 0 : i32
      %dma_start3A_251 = tpu.memref_slice %arg7[%dma_start3A_246, %dma_start3A_249, %dma_start3A_250] : memref<2x128x128xf32, #tpu.memory_space<vmem>> -> memref<1x128x128xf32, #tpu.memory_space<vmem>>
      %dma_start3A_252 = tpu.memref_squeeze %dma_start3A_251 : memref<1x128x128xf32, #tpu.memory_space<vmem>> -> memref<128x128xf32, #tpu.memory_space<vmem>>
      %dma_start3A_253 = arith.constant 0 : i32
      %dma_start3A_254 = tpu.memref_slice %arg6[%dma_start3A_247, %dma_start3A_248, %dma_start3A_253] : memref<4x2x128xi32, #tpu.memory_space<vmem>> -> memref<1x1x128xi32, #tpu.memory_space<vmem>>
      %dma_start3A_255 = tpu.memref_squeeze %dma_start3A_254 : memref<1x1x128xi32, #tpu.memory_space<vmem>> -> memref<128xi32, #tpu.memory_space<vmem>>
      %dma_start3A_256 = arith.constant 0 : i32
      %dma_start3A_257 = arith.constant 0 : i32
      %dma_start3A_258 = tpu.memref_slice %arg8[%dma_start3A_256, %dma_start3A_257] : memref<10112x128xf32, #tpu.memory_space<vmem_shared>> -> memref<10112x128xf32, #tpu.memory_space<vmem_shared>>
      tpu.enqueue_indirect_dma source(%dma_start3A_252 : memref<128x128xf32, #tpu.memory_space<vmem>>) target(%dma_start3A_258 : memref<10112x128xf32, #tpu.memory_space<vmem_shared>>) offsets(%dma_start3A_255 : memref<128xi32, #tpu.memory_space<vmem>>) semaphore(%arg12 : memref<!tpu.dma_semaphore, #tpu.memory_space<semaphore_mem>>) {add = true}
      %mul3A_259 = arith.constant 4 : i32
      %mul3A_260 = arith.muli %add3A_109, %mul3A_259 : i32
      %add3A_261 = arith.constant 3 : i32
      %add3A_262 = arith.addi %mul3A_260, %add3A_261 : i32
      %dma_wait3A_263 = arith.constant 1 : i32
      %dma_wait3A_264 = arith.constant 0 : i32
      %dma_wait3A_265 = arith.constant 0 : i32
      %dma_wait3A_266 = tpu.memref_slice %arg7[%dma_wait3A_263, %dma_wait3A_264, %dma_wait3A_265] : memref<2x128x128xf32, #tpu.memory_space<vmem>> -> memref<1x128x128xf32, #tpu.memory_space<vmem>>
      %dma_wait3A_267 = tpu.memref_squeeze %dma_wait3A_266 : memref<1x128x128xf32, #tpu.memory_space<vmem>> -> memref<128x128xf32, #tpu.memory_space<vmem>>
      %dma_wait3A_268 = arith.constant 0 : i32
      %dma_wait3A_269 = arith.constant 0 : i32
      %dma_wait3A_270 = tpu.memref_slice %arg2[%dma_wait3A_268, %dma_wait3A_269] : memref<10000x128xf32, #tpu.memory_space<hbm>> -> memref<128x128xf32, #tpu.memory_space<hbm>>
      %dma_wait3A_271 = arith.constant 0 : i32
      %dma_wait3A_272 = arith.constant 0 : i32
      %dma_wait3A_273 = tpu.memref_slice %arg7[%dma_wait3A_263, %dma_wait3A_271, %dma_wait3A_272] : memref<2x128x128xf32, #tpu.memory_space<vmem>> -> memref<1x128x128xf32, #tpu.memory_space<vmem>>
      %dma_wait3A_274 = tpu.memref_squeeze %dma_wait3A_273 : memref<1x128x128xf32, #tpu.memory_space<vmem>> -> memref<128x128xf32, #tpu.memory_space<vmem>>
      %dma_wait3A_275 = arith.constant 0 : i32
      %dma_wait3A_276 = arith.constant 0 : i32
      %dma_wait3A_277 = tpu.memref_slice %arg2[%dma_wait3A_275, %dma_wait3A_276] : memref<10000x128xf32, #tpu.memory_space<hbm>> -> memref<128x128xf32, #tpu.memory_space<hbm>>
      tpu.wait_dma2 semaphore(%arg11 : memref<!tpu.dma_semaphore, #tpu.memory_space<semaphore_mem>>) src(%dma_wait3A_277 : memref<128x128xf32, #tpu.memory_space<hbm>>) dst(%dma_wait3A_274 : memref<128x128xf32, #tpu.memory_space<vmem>>)
      %gt3A_278 = arith.constant 0 : i32
      %gt3A_279 = arith.cmpi sgt, %add3A_262, %gt3A_278 : i32
      %convert_element_type3A_280 = arith.extui %gt3A_279 : i1 to i32
      %cond3A_281 = arith.constant 0 : i32
      %cond3A_282 = arith.cmpi ne, %convert_element_type3A_280, %cond3A_281 : i32
      scf.if %cond3A_282 {
        %dma_wait3A_310 = arith.constant 0 : i32
        %dma_wait3A_311 = arith.constant 0 : i32
        %dma_wait3A_312 = arith.constant 0 : i32
        %dma_wait3A_313 = tpu.memref_slice %arg7[%dma_wait3A_310, %dma_wait3A_311, %dma_wait3A_312] : memref<2x128x128xf32, #tpu.memory_space<vmem>> -> memref<1x128x128xf32, #tpu.memory_space<vmem>>
        %dma_wait3A_314 = tpu.memref_squeeze %dma_wait3A_313 : memref<1x128x128xf32, #tpu.memory_space<vmem>> -> memref<128x128xf32, #tpu.memory_space<vmem>>
        %dma_wait3A_315 = arith.constant 0 : i32
        %dma_wait3A_316 = arith.constant 0 : i32
        %dma_wait3A_317 = tpu.memref_slice %arg8[%dma_wait3A_315, %dma_wait3A_316] : memref<10112x128xf32, #tpu.memory_space<vmem_shared>> -> memref<128x128xf32, #tpu.memory_space<vmem_shared>>
        %dma_wait3A_318 = arith.constant 0 : i32
        %dma_wait3A_319 = arith.constant 0 : i32
        %dma_wait3A_320 = tpu.memref_slice %arg8[%dma_wait3A_318, %dma_wait3A_319] : memref<10112x128xf32, #tpu.memory_space<vmem_shared>> -> memref<128x128xf32, #tpu.memory_space<vmem_shared>>
        %dma_wait3A_321 = arith.constant 0 : i32
        %dma_wait3A_322 = arith.constant 0 : i32
        %dma_wait3A_323 = tpu.memref_slice %arg7[%dma_wait3A_310, %dma_wait3A_321, %dma_wait3A_322] : memref<2x128x128xf32, #tpu.memory_space<vmem>> -> memref<1x128x128xf32, #tpu.memory_space<vmem>>
        %dma_wait3A_324 = tpu.memref_squeeze %dma_wait3A_323 : memref<1x128x128xf32, #tpu.memory_space<vmem>> -> memref<128x128xf32, #tpu.memory_space<vmem>>
        tpu.wait_dma2 semaphore(%arg12 : memref<!tpu.dma_semaphore, #tpu.memory_space<semaphore_mem>>) src(%dma_wait3A_324 : memref<128x128xf32, #tpu.memory_space<vmem>>) dst(%dma_wait3A_320 : memref<128x128xf32, #tpu.memory_space<vmem_shared>>)
      } else {
      }
      %add3A_283 = arith.constant 2 : i32
      %add3A_284 = arith.addi %add3A_262, %add3A_283 : i32
      %lt3A_285 = arith.constant 80 : i32
      %lt3A_286 = arith.cmpi slt, %add3A_284, %lt3A_285 : i32
      %convert_element_type3A_287 = arith.extui %lt3A_286 : i1 to i32
      %cond3A_288 = arith.constant 0 : i32
      %cond3A_289 = arith.cmpi ne, %convert_element_type3A_287, %cond3A_288 : i32
      scf.if %cond3A_289 {
        %add3A_310 = arith.addi %add3A_19, %add3A_262 : i32
        %add3A_311 = arith.constant 2 : i32
        %add3A_312 = arith.addi %add3A_310, %add3A_311 : i32
        %dma_start3A_313 = arith.constant 1 : i32
        %dma_start3A_314 = arith.constant 0 : i32
        %dma_start3A_315 = arith.constant 0 : i32
        %dma_start3A_316 = tpu.memref_slice %arg6[%dma_start3A_313, %dma_start3A_314, %dma_start3A_315] : memref<4x2x128xi32, #tpu.memory_space<vmem>> -> memref<1x2x128xi32, #tpu.memory_space<vmem>>
        %dma_start3A_317 = tpu.memref_squeeze %dma_start3A_316 : memref<1x2x128xi32, #tpu.memory_space<vmem>> -> memref<2x128xi32, #tpu.memory_space<vmem>>
        %dma_start3A_318 = arith.constant 0 : i32
        %dma_start3A_319 = arith.constant 0 : i32
        %dma_start3A_320 = tpu.memref_slice %arg3[%add3A_312, %dma_start3A_318, %dma_start3A_319] : memref<2560x2x128xi32, #tpu.memory_space<hbm>> -> memref<1x2x128xi32, #tpu.memory_space<hbm>>
        %dma_start3A_321 = tpu.memref_squeeze %dma_start3A_320 : memref<1x2x128xi32, #tpu.memory_space<hbm>> -> memref<2x128xi32, #tpu.memory_space<hbm>>
        %dma_start3A_322 = arith.constant 0 : i32
        %dma_start3A_323 = arith.constant 0 : i32
        %dma_start3A_324 = tpu.memref_slice %arg6[%dma_start3A_313, %dma_start3A_322, %dma_start3A_323] : memref<4x2x128xi32, #tpu.memory_space<vmem>> -> memref<1x2x128xi32, #tpu.memory_space<vmem>>
        %dma_start3A_325 = tpu.memref_squeeze %dma_start3A_324 : memref<1x2x128xi32, #tpu.memory_space<vmem>> -> memref<2x128xi32, #tpu.memory_space<vmem>>
        %dma_start3A_326 = arith.constant 0 : i32
        %dma_start3A_327 = arith.constant 0 : i32
        %dma_start3A_328 = tpu.memref_slice %arg3[%add3A_312, %dma_start3A_326, %dma_start3A_327] : memref<2560x2x128xi32, #tpu.memory_space<hbm>> -> memref<1x2x128xi32, #tpu.memory_space<hbm>>
        %dma_start3A_329 = tpu.memref_squeeze %dma_start3A_328 : memref<1x2x128xi32, #tpu.memory_space<hbm>> -> memref<2x128xi32, #tpu.memory_space<hbm>>
        tpu.enqueue_dma source(%dma_start3A_329 : memref<2x128xi32, #tpu.memory_space<hbm>>) target(%dma_start3A_325 : memref<2x128xi32, #tpu.memory_space<vmem>>) target_semaphore(%arg10 : memref<!tpu.dma_semaphore, #tpu.memory_space<semaphore_mem>>)
      } else {
      }
      %add3A_290 = arith.constant 1 : i32
      %add3A_291 = arith.addi %add3A_262, %add3A_290 : i32
      %lt3A_292 = arith.constant 80 : i32
      %lt3A_293 = arith.cmpi slt, %add3A_291, %lt3A_292 : i32
      %convert_element_type3A_294 = arith.extui %lt3A_293 : i1 to i32
      %cond3A_295 = arith.constant 0 : i32
      %cond3A_296 = arith.cmpi ne, %convert_element_type3A_294, %cond3A_295 : i32
      scf.if %cond3A_296 {
        %dma_wait3A_310 = arith.constant 0 : i32
        %dma_wait3A_311 = arith.constant 0 : i32
        %dma_wait3A_312 = arith.constant 0 : i32
        %dma_wait3A_313 = arith.constant 0 : i32
        %dma_wait3A_314 = tpu.memref_slice %arg6[%dma_wait3A_311, %dma_wait3A_312, %dma_wait3A_313] : memref<4x2x128xi32, #tpu.memory_space<vmem>> -> memref<1x2x128xi32, #tpu.memory_space<vmem>>
        %dma_wait3A_315 = tpu.memref_squeeze %dma_wait3A_314 : memref<1x2x128xi32, #tpu.memory_space<vmem>> -> memref<2x128xi32, #tpu.memory_space<vmem>>
        %dma_wait3A_316 = arith.constant 0 : i32
        %dma_wait3A_317 = arith.constant 0 : i32
        %dma_wait3A_318 = tpu.memref_slice %arg3[%dma_wait3A_310, %dma_wait3A_316, %dma_wait3A_317] : memref<2560x2x128xi32, #tpu.memory_space<hbm>> -> memref<1x2x128xi32, #tpu.memory_space<hbm>>
        %dma_wait3A_319 = tpu.memref_squeeze %dma_wait3A_318 : memref<1x2x128xi32, #tpu.memory_space<hbm>> -> memref<2x128xi32, #tpu.memory_space<hbm>>
        %dma_wait3A_320 = arith.constant 0 : i32
        %dma_wait3A_321 = arith.constant 0 : i32
        %dma_wait3A_322 = tpu.memref_slice %arg6[%dma_wait3A_311, %dma_wait3A_320, %dma_wait3A_321] : memref<4x2x128xi32, #tpu.memory_space<vmem>> -> memref<1x2x128xi32, #tpu.memory_space<vmem>>
        %dma_wait3A_323 = tpu.memref_squeeze %dma_wait3A_322 : memref<1x2x128xi32, #tpu.memory_space<vmem>> -> memref<2x128xi32, #tpu.memory_space<vmem>>
        %dma_wait3A_324 = arith.constant 0 : i32
        %dma_wait3A_325 = arith.constant 0 : i32
        %dma_wait3A_326 = tpu.memref_slice %arg3[%dma_wait3A_310, %dma_wait3A_324, %dma_wait3A_325] : memref<2560x2x128xi32, #tpu.memory_space<hbm>> -> memref<1x2x128xi32, #tpu.memory_space<hbm>>
        %dma_wait3A_327 = tpu.memref_squeeze %dma_wait3A_326 : memref<1x2x128xi32, #tpu.memory_space<hbm>> -> memref<2x128xi32, #tpu.memory_space<hbm>>
        tpu.wait_dma2 semaphore(%arg9 : memref<!tpu.dma_semaphore, #tpu.memory_space<semaphore_mem>>) src(%dma_wait3A_327 : memref<2x128xi32, #tpu.memory_space<hbm>>) dst(%dma_wait3A_323 : memref<2x128xi32, #tpu.memory_space<vmem>>)
        %dma_start3A_328 = arith.constant 0 : i32
        %dma_start3A_329 = arith.constant 0 : i32
        %dma_start3A_330 = arith.constant 0 : i32
        %dma_start3A_331 = arith.constant 0 : i32
        %dma_start3A_332 = arith.constant 0 : i32
        %dma_start3A_333 = tpu.memref_slice %arg7[%dma_start3A_330, %dma_start3A_331, %dma_start3A_332] : memref<2x128x128xf32, #tpu.memory_space<vmem>> -> memref<1x128x128xf32, #tpu.memory_space<vmem>>
        %dma_start3A_334 = tpu.memref_squeeze %dma_start3A_333 : memref<1x128x128xf32, #tpu.memory_space<vmem>> -> memref<128x128xf32, #tpu.memory_space<vmem>>
        %dma_start3A_335 = arith.constant 0 : i32
        %dma_start3A_336 = tpu.memref_slice %arg6[%dma_start3A_328, %dma_start3A_329, %dma_start3A_335] : memref<4x2x128xi32, #tpu.memory_space<vmem>> -> memref<1x1x128xi32, #tpu.memory_space<vmem>>
        %dma_start3A_337 = tpu.memref_squeeze %dma_start3A_336 : memref<1x1x128xi32, #tpu.memory_space<vmem>> -> memref<128xi32, #tpu.memory_space<vmem>>
        %dma_start3A_338 = arith.constant 0 : i32
        %dma_start3A_339 = arith.constant 0 : i32
        %dma_start3A_340 = tpu.memref_slice %arg2[%dma_start3A_338, %dma_start3A_339] : memref<10000x128xf32, #tpu.memory_space<hbm>> -> memref<10000x128xf32, #tpu.memory_space<hbm>>
        tpu.enqueue_indirect_dma source(%dma_start3A_340 : memref<10000x128xf32, #tpu.memory_space<hbm>>) target(%dma_start3A_334 : memref<128x128xf32, #tpu.memory_space<vmem>>) offsets(%dma_start3A_337 : memref<128xi32, #tpu.memory_space<vmem>>) semaphore(%arg11 : memref<!tpu.dma_semaphore, #tpu.memory_space<semaphore_mem>>)
      } else {
      }
      %dma_start3A_297 = arith.constant 1 : i32
      %dma_start3A_298 = arith.constant 3 : i32
      %dma_start3A_299 = arith.constant 1 : i32
      %dma_start3A_300 = arith.constant 0 : i32
      %dma_start3A_301 = arith.constant 0 : i32
      %dma_start3A_302 = tpu.memref_slice %arg7[%dma_start3A_297, %dma_start3A_300, %dma_start3A_301] : memref<2x128x128xf32, #tpu.memory_space<vmem>> -> memref<1x128x128xf32, #tpu.memory_space<vmem>>
      %dma_start3A_303 = tpu.memref_squeeze %dma_start3A_302 : memref<1x128x128xf32, #tpu.memory_space<vmem>> -> memref<128x128xf32, #tpu.memory_space<vmem>>
      %dma_start3A_304 = arith.constant 0 : i32
      %dma_start3A_305 = tpu.memref_slice %arg6[%dma_start3A_298, %dma_start3A_299, %dma_start3A_304] : memref<4x2x128xi32, #tpu.memory_space<vmem>> -> memref<1x1x128xi32, #tpu.memory_space<vmem>>
      %dma_start3A_306 = tpu.memref_squeeze %dma_start3A_305 : memref<1x1x128xi32, #tpu.memory_space<vmem>> -> memref<128xi32, #tpu.memory_space<vmem>>
      %dma_start3A_307 = arith.constant 0 : i32
      %dma_start3A_308 = arith.constant 0 : i32
      %dma_start3A_309 = tpu.memref_slice %arg8[%dma_start3A_307, %dma_start3A_308] : memref<10112x128xf32, #tpu.memory_space<vmem_shared>> -> memref<10112x128xf32, #tpu.memory_space<vmem_shared>>
      tpu.enqueue_indirect_dma source(%dma_start3A_303 : memref<128x128xf32, #tpu.memory_space<vmem>>) target(%dma_start3A_309 : memref<10112x128xf32, #tpu.memory_space<vmem_shared>>) offsets(%dma_start3A_306 : memref<128xi32, #tpu.memory_space<vmem>>) semaphore(%arg13 : memref<!tpu.dma_semaphore, #tpu.memory_space<semaphore_mem>>) {add = true}
    }
    %scan3A_88 = arith.constant 20 : i32
    %dma_wait3A_89 = arith.constant 1 : i32
    %dma_wait3A_90 = arith.constant 0 : i32
    %dma_wait3A_91 = arith.constant 0 : i32
    %dma_wait3A_92 = tpu.memref_slice %arg7[%dma_wait3A_89, %dma_wait3A_90, %dma_wait3A_91] : memref<2x128x128xf32, #tpu.memory_space<vmem>> -> memref<1x128x128xf32, #tpu.memory_space<vmem>>
    %dma_wait3A_93 = tpu.memref_squeeze %dma_wait3A_92 : memref<1x128x128xf32, #tpu.memory_space<vmem>> -> memref<128x128xf32, #tpu.memory_space<vmem>>
    %dma_wait3A_94 = arith.constant 0 : i32
    %dma_wait3A_95 = arith.constant 0 : i32
    %dma_wait3A_96 = tpu.memref_slice %arg8[%dma_wait3A_94, %dma_wait3A_95] : memref<10112x128xf32, #tpu.memory_space<vmem_shared>> -> memref<128x128xf32, #tpu.memory_space<vmem_shared>>
    %dma_wait3A_97 = arith.constant 0 : i32
    %dma_wait3A_98 = arith.constant 0 : i32
    %dma_wait3A_99 = tpu.memref_slice %arg8[%dma_wait3A_97, %dma_wait3A_98] : memref<10112x128xf32, #tpu.memory_space<vmem_shared>> -> memref<128x128xf32, #tpu.memory_space<vmem_shared>>
    %dma_wait3A_100 = arith.constant 0 : i32
    %dma_wait3A_101 = arith.constant 0 : i32
    %dma_wait3A_102 = tpu.memref_slice %arg7[%dma_wait3A_89, %dma_wait3A_100, %dma_wait3A_101] : memref<2x128x128xf32, #tpu.memory_space<vmem>> -> memref<1x128x128xf32, #tpu.memory_space<vmem>>
    %dma_wait3A_103 = tpu.memref_squeeze %dma_wait3A_102 : memref<1x128x128xf32, #tpu.memory_space<vmem>> -> memref<128x128xf32, #tpu.memory_space<vmem>>
    tpu.wait_dma2 semaphore(%arg13 : memref<!tpu.dma_semaphore, #tpu.memory_space<semaphore_mem>>) src(%dma_wait3A_103 : memref<128x128xf32, #tpu.memory_space<vmem>>) dst(%dma_wait3A_99 : memref<128x128xf32, #tpu.memory_space<vmem_shared>>)
    %barrier3A_104 = arith.constant 0 : index
    tpu.barrier barrier_id(%barrier3A_104)
    "tpu.region"() ({
      %run_scoped3A_105 = tpu.sem_alloc : memref<!tpu.dma_semaphore, #tpu.memory_space<semaphore_mem>>
      %dma_start3A_106 = arith.constant 0 : i32
      %dma_start3A_107 = arith.constant 0 : i32
      %dma_start3A_108 = tpu.memref_slice %arg5[%arg0, %dma_start3A_106, %dma_start3A_107] : memref<2x10112x128xf32, #tpu.memory_space<hbm>> -> memref<1x10112x128xf32, #tpu.memory_space<hbm>>
      %dma_start3A_109 = tpu.memref_squeeze %dma_start3A_108 : memref<1x10112x128xf32, #tpu.memory_space<hbm>> -> memref<10112x128xf32, #tpu.memory_space<hbm>>
      %dma_start3A_110 = arith.constant 0 : i32
      %dma_start3A_111 = tpu.memref_slice %dma_start3A_109[%mul3A_0, %dma_start3A_110] : memref<10112x128xf32, #tpu.memory_space<hbm>> -> memref<632x128xf32, #tpu.memory_space<hbm>>
      %dma_start3A_112 = arith.constant 0 : i32
      %dma_start3A_113 = tpu.memref_slice %arg8[%mul3A_0, %dma_start3A_112] : memref<10112x128xf32, #tpu.memory_space<vmem_shared>> -> memref<632x128xf32, #tpu.memory_space<vmem_shared>>
      tpu.enqueue_dma source(%dma_start3A_113 : memref<632x128xf32, #tpu.memory_space<vmem_shared>>) target(%dma_start3A_111 : memref<632x128xf32, #tpu.memory_space<hbm>>) target_semaphore(%run_scoped3A_105 : memref<!tpu.dma_semaphore, #tpu.memory_space<semaphore_mem>>)
      %dma_wait3A_114 = arith.constant 0 : i32
      %dma_wait3A_115 = arith.constant 0 : i32
      %dma_wait3A_116 = tpu.memref_slice %arg5[%arg0, %dma_wait3A_114, %dma_wait3A_115] : memref<2x10112x128xf32, #tpu.memory_space<hbm>> -> memref<1x10112x128xf32, #tpu.memory_space<hbm>>
      %dma_wait3A_117 = tpu.memref_squeeze %dma_wait3A_116 : memref<1x10112x128xf32, #tpu.memory_space<hbm>> -> memref<10112x128xf32, #tpu.memory_space<hbm>>
      %dma_wait3A_118 = arith.constant 0 : i32
      %dma_wait3A_119 = tpu.memref_slice %dma_wait3A_117[%mul3A_0, %dma_wait3A_118] : memref<10112x128xf32, #tpu.memory_space<hbm>> -> memref<632x128xf32, #tpu.memory_space<hbm>>
      %dma_wait3A_120 = arith.constant 0 : i32
      %dma_wait3A_121 = tpu.memref_slice %arg8[%mul3A_0, %dma_wait3A_120] : memref<10112x128xf32, #tpu.memory_space<vmem_shared>> -> memref<632x128xf32, #tpu.memory_space<vmem_shared>>
      tpu.wait_dma2 semaphore(%run_scoped3A_105 : memref<!tpu.dma_semaphore, #tpu.memory_space<semaphore_mem>>) src(%dma_wait3A_121 : memref<632x128xf32, #tpu.memory_space<vmem_shared>>) dst(%dma_wait3A_119 : memref<632x128xf32, #tpu.memory_space<hbm>>)
      tpu.yield
    }) : () -> ()
    return
  }
}

#map = affine_map<(d0, d1) -> (0, 0)>
#map1 = affine_map<(d0, d1) -> (0, 0, 0)>
module attributes {stable_mosaic.version = 14 : i64} {
  func.func @layer(%arg0: i32, %arg1: i32, %arg2: memref<10000x128xf32, #tpu.memory_space<hbm>>, %arg3: memref<2560x2x128xi32, #tpu.memory_space<hbm>>, %arg4: memref<128x128xf32, #tpu.memory_space<hbm>>, %arg5: memref<2x10112x128xf32, #tpu.memory_space<hbm>>, %arg6: memref<4x2x128xi32, #tpu.memory_space<vmem>>, %arg7: memref<2x128x128xf32, #tpu.memory_space<vmem>>, %arg8: memref<10112x128xf32, #tpu.memory_space<vmem_shared>>, %arg9: memref<!tpu.dma_semaphore, #tpu.memory_space<semaphore_mem>>, %arg10: memref<!tpu.dma_semaphore, #tpu.memory_space<semaphore_mem>>, %arg11: memref<!tpu.dma_semaphore, #tpu.memory_space<semaphore_mem>>, %arg12: memref<!tpu.dma_semaphore, #tpu.memory_space<semaphore_mem>>, %arg13: memref<!tpu.dma_semaphore, #tpu.memory_space<semaphore_mem>>) attributes {dimension_semantics = [#tpu.dimension_semantics<core_parallel>, #tpu.dimension_semantics<subcore_parallel>], iteration_bounds = array<i64: 2, 16>, scalar_prefetch = 0 : i64, scratch_operands = 8 : i64, tpu.core_type = #tpu.core_type<sc_vector_subcore>, window_params = [{transform_indices = #map}, {transform_indices = #map1}, {transform_indices = #map}, {transform_indices = #map1}]} {
    %run_scoped3A = arith.constant 0 : i32
    "tpu.region"() ({
      %run_scoped3A_105 = tpu.sem_alloc : memref<!tpu.dma_semaphore, #tpu.memory_space<semaphore_mem>>
      %dma_start3A_106 = arith.constant 0 : i32
      %dma_start3A_107 = arith.constant 0 : i32
      %dma_start3A_108 = tpu.memref_slice %arg7[%run_scoped3A, %dma_start3A_106, %dma_start3A_107] : memref<2x128x128xf32, #tpu.memory_space<vmem>> -> memref<1x128x128xf32, #tpu.memory_space<vmem>>
      %dma_start3A_109 = tpu.memref_squeeze %dma_start3A_108 : memref<1x128x128xf32, #tpu.memory_space<vmem>> -> memref<128x128xf32, #tpu.memory_space<vmem>>
      %dma_start3A_110 = arith.constant 0 : i32
      %dma_start3A_111 = arith.constant 0 : i32
      %dma_start3A_112 = tpu.memref_slice %arg7[%run_scoped3A, %dma_start3A_110, %dma_start3A_111] : memref<2x128x128xf32, #tpu.memory_space<vmem>> -> memref<1x128x128xf32, #tpu.memory_space<vmem>>
      %dma_start3A_113 = tpu.memref_squeeze %dma_start3A_112 : memref<1x128x128xf32, #tpu.memory_space<vmem>> -> memref<128x128xf32, #tpu.memory_space<vmem>>
      tpu.enqueue_dma source(%arg4 : memref<128x128xf32, #tpu.memory_space<hbm>>) target(%dma_start3A_113 : memref<128x128xf32, #tpu.memory_space<vmem>>) target_semaphore(%run_scoped3A_105 : memref<!tpu.dma_semaphore, #tpu.memory_space<semaphore_mem>>)
      %dma_wait3A_114 = arith.constant 0 : i32
      %dma_wait3A_115 = arith.constant 0 : i32
      %dma_wait3A_116 = tpu.memref_slice %arg7[%run_scoped3A, %dma_wait3A_114, %dma_wait3A_115] : memref<2x128x128xf32, #tpu.memory_space<vmem>> -> memref<1x128x128xf32, #tpu.memory_space<vmem>>
      %dma_wait3A_117 = tpu.memref_squeeze %dma_wait3A_116 : memref<1x128x128xf32, #tpu.memory_space<vmem>> -> memref<128x128xf32, #tpu.memory_space<vmem>>
      %dma_wait3A_118 = arith.constant 0 : i32
      %dma_wait3A_119 = arith.constant 0 : i32
      %dma_wait3A_120 = tpu.memref_slice %arg7[%run_scoped3A, %dma_wait3A_118, %dma_wait3A_119] : memref<2x128x128xf32, #tpu.memory_space<vmem>> -> memref<1x128x128xf32, #tpu.memory_space<vmem>>
      %dma_wait3A_121 = tpu.memref_squeeze %dma_wait3A_120 : memref<1x128x128xf32, #tpu.memory_space<vmem>> -> memref<128x128xf32, #tpu.memory_space<vmem>>
      tpu.wait_dma2 semaphore(%run_scoped3A_105 : memref<!tpu.dma_semaphore, #tpu.memory_space<semaphore_mem>>) src(%arg4 : memref<128x128xf32, #tpu.memory_space<hbm>>) dst(%dma_wait3A_121 : memref<128x128xf32, #tpu.memory_space<vmem>>)
      tpu.yield
    }) : () -> ()
    %mul3A = arith.constant 632 : i32
    %mul3A_0 = arith.muli %arg1, %mul3A : i32
    %add3A = arith.constant 0 : i32
    %add3A_1 = arith.addi %mul3A_0, %add3A : i32
    %run_scoped3A_2 = arith.constant 0 : i32
    "tpu.region"() ({
      %run_scoped3A_105 = tpu.sem_alloc : memref<!tpu.dma_semaphore, #tpu.memory_space<semaphore_mem>>
      %dma_start3A_106 = arith.constant 0 : i32
      %dma_start3A_107 = arith.constant 0 : i32
      %dma_start3A_108 = tpu.memref_slice %arg7[%run_scoped3A_2, %dma_start3A_106, %dma_start3A_107] : memref<2x128x128xf32, #tpu.memory_space<vmem>> -> memref<1x128x128xf32, #tpu.memory_space<vmem>>
      %dma_start3A_109 = tpu.memref_squeeze %dma_start3A_108 : memref<1x128x128xf32, #tpu.memory_space<vmem>> -> memref<128x128xf32, #tpu.memory_space<vmem>>
      %dma_start3A_110 = arith.constant 0 : i32
      %dma_start3A_111 = arith.constant 0 : i32
      %dma_start3A_112 = tpu.memref_slice %dma_start3A_109[%dma_start3A_110, %dma_start3A_111] : memref<128x128xf32, #tpu.memory_space<vmem>> -> memref<128x128xf32, #tpu.memory_space<vmem>>
      %dma_start3A_113 = arith.constant 0 : i32
      %dma_start3A_114 = tpu.memref_slice %arg8[%add3A_1, %dma_start3A_113] : memref<10112x128xf32, #tpu.memory_space<vmem_shared>> -> memref<128x128xf32, #tpu.memory_space<vmem_shared>>
      %dma_start3A_115 = arith.constant 0 : i32
      %dma_start3A_116 = tpu.memref_slice %arg8[%add3A_1, %dma_start3A_115] : memref<10112x128xf32, #tpu.memory_space<vmem_shared>> -> memref<128x128xf32, #tpu.memory_space<vmem_shared>>
      %dma_start3A_117 = arith.constant 0 : i32
      %dma_start3A_118 = arith.constant 0 : i32
      %dma_start3A_119 = tpu.memref_slice %arg7[%run_scoped3A_2, %dma_start3A_117, %dma_start3A_118] : memref<2x128x128xf32, #tpu.memory_space<vmem>> -> memref<1x128x128xf32, #tpu.memory_space<vmem>>
      %dma_start3A_120 = tpu.memref_squeeze %dma_start3A_119 : memref<1x128x128xf32, #tpu.memory_space<vmem>> -> memref<128x128xf32, #tpu.memory_space<vmem>>
      %dma_start3A_121 = arith.constant 0 : i32
      %dma_start3A_122 = arith.constant 0 : i32
      %dma_start3A_123 = tpu.memref_slice %dma_start3A_120[%dma_start3A_121, %dma_start3A_122] : memref<128x128xf32, #tpu.memory_space<vmem>> -> memref<128x128xf32, #tpu.memory_space<vmem>>
      tpu.enqueue_dma source(%dma_start3A_123 : memref<128x128xf32, #tpu.memory_space<vmem>>) target(%dma_start3A_116 : memref<128x128xf32, #tpu.memory_space<vmem_shared>>) target_semaphore(%run_scoped3A_105 : memref<!tpu.dma_semaphore, #tpu.memory_space<semaphore_mem>>)
      %dma_wait3A_124 = arith.constant 0 : i32
      %dma_wait3A_125 = arith.constant 0 : i32
      %dma_wait3A_126 = tpu.memref_slice %arg7[%run_scoped3A_2, %dma_wait3A_124, %dma_wait3A_125] : memref<2x128x128xf32, #tpu.memory_space<vmem>> -> memref<1x128x128xf32, #tpu.memory_space<vmem>>
      %dma_wait3A_127 = tpu.memref_squeeze %dma_wait3A_126 : memref<1x128x128xf32, #tpu.memory_space<vmem>> -> memref<128x128xf32, #tpu.memory_space<vmem>>
      %dma_wait3A_128 = arith.constant 0 : i32
      %dma_wait3A_129 = arith.constant 0 : i32
      %dma_wait3A_130 = tpu.memref_slice %dma_wait3A_127[%dma_wait3A_128, %dma_wait3A_129] : memref<128x128xf32, #tpu.memory_space<vmem>> -> memref<128x128xf32, #tpu.memory_space<vmem>>
      %dma_wait3A_131 = arith.constant 0 : i32
      %dma_wait3A_132 = tpu.memref_slice %arg8[%add3A_1, %dma_wait3A_131] : memref<10112x128xf32, #tpu.memory_space<vmem_shared>> -> memref<128x128xf32, #tpu.memory_space<vmem_shared>>
      %dma_wait3A_133 = arith.constant 0 : i32
      %dma_wait3A_134 = tpu.memref_slice %arg8[%add3A_1, %dma_wait3A_133] : memref<10112x128xf32, #tpu.memory_space<vmem_shared>> -> memref<128x128xf32, #tpu.memory_space<vmem_shared>>
      %dma_wait3A_135 = arith.constant 0 : i32
      %dma_wait3A_136 = arith.constant 0 : i32
      %dma_wait3A_137 = tpu.memref_slice %arg7[%run_scoped3A_2, %dma_wait3A_135, %dma_wait3A_136] : memref<2x128x128xf32, #tpu.memory_space<vmem>> -> memref<1x128x128xf32, #tpu.memory_space<vmem>>
      %dma_wait3A_138 = tpu.memref_squeeze %dma_wait3A_137 : memref<1x128x128xf32, #tpu.memory_space<vmem>> -> memref<128x128xf32, #tpu.memory_space<vmem>>
      %dma_wait3A_139 = arith.constant 0 : i32
      %dma_wait3A_140 = arith.constant 0 : i32
      %dma_wait3A_141 = tpu.memref_slice %dma_wait3A_138[%dma_wait3A_139, %dma_wait3A_140] : memref<128x128xf32, #tpu.memory_space<vmem>> -> memref<128x128xf32, #tpu.memory_space<vmem>>
      tpu.wait_dma2 semaphore(%run_scoped3A_105 : memref<!tpu.dma_semaphore, #tpu.memory_space<semaphore_mem>>) src(%dma_wait3A_141 : memref<128x128xf32, #tpu.memory_space<vmem>>) dst(%dma_wait3A_134 : memref<128x128xf32, #tpu.memory_space<vmem_shared>>)
      tpu.yield
    }) : () -> ()
    %add3A_3 = arith.constant 128 : i32
    %add3A_4 = arith.addi %mul3A_0, %add3A_3 : i32
    %run_scoped3A_5 = arith.constant 0 : i32
    "tpu.region"() ({
      %run_scoped3A_105 = tpu.sem_alloc : memref<!tpu.dma_semaphore, #tpu.memory_space<semaphore_mem>>
      %dma_start3A_106 = arith.constant 0 : i32
      %dma_start3A_107 = arith.constant 0 : i32
      %dma_start3A_108 = tpu.memref_slice %arg7[%run_scoped3A_5, %dma_start3A_106, %dma_start3A_107] : memref<2x128x128xf32, #tpu.memory_space<vmem>> -> memref<1x128x128xf32, #tpu.memory_space<vmem>>
      %dma_start3A_109 = tpu.memref_squeeze %dma_start3A_108 : memref<1x128x128xf32, #tpu.memory_space<vmem>> -> memref<128x128xf32, #tpu.memory_space<vmem>>
      %dma_start3A_110 = arith.constant 0 : i32
      %dma_start3A_111 = arith.constant 0 : i32
      %dma_start3A_112 = tpu.memref_slice %dma_start3A_109[%dma_start3A_110, %dma_start3A_111] : memref<128x128xf32, #tpu.memory_space<vmem>> -> memref<128x128xf32, #tpu.memory_space<vmem>>
      %dma_start3A_113 = arith.constant 0 : i32
      %dma_start3A_114 = tpu.memref_slice %arg8[%add3A_4, %dma_start3A_113] : memref<10112x128xf32, #tpu.memory_space<vmem_shared>> -> memref<128x128xf32, #tpu.memory_space<vmem_shared>>
      %dma_start3A_115 = arith.constant 0 : i32
      %dma_start3A_116 = tpu.memref_slice %arg8[%add3A_4, %dma_start3A_115] : memref<10112x128xf32, #tpu.memory_space<vmem_shared>> -> memref<128x128xf32, #tpu.memory_space<vmem_shared>>
      %dma_start3A_117 = arith.constant 0 : i32
      %dma_start3A_118 = arith.constant 0 : i32
      %dma_start3A_119 = tpu.memref_slice %arg7[%run_scoped3A_5, %dma_start3A_117, %dma_start3A_118] : memref<2x128x128xf32, #tpu.memory_space<vmem>> -> memref<1x128x128xf32, #tpu.memory_space<vmem>>
      %dma_start3A_120 = tpu.memref_squeeze %dma_start3A_119 : memref<1x128x128xf32, #tpu.memory_space<vmem>> -> memref<128x128xf32, #tpu.memory_space<vmem>>
      %dma_start3A_121 = arith.constant 0 : i32
      %dma_start3A_122 = arith.constant 0 : i32
      %dma_start3A_123 = tpu.memref_slice %dma_start3A_120[%dma_start3A_121, %dma_start3A_122] : memref<128x128xf32, #tpu.memory_space<vmem>> -> memref<128x128xf32, #tpu.memory_space<vmem>>
      tpu.enqueue_dma source(%dma_start3A_123 : memref<128x128xf32, #tpu.memory_space<vmem>>) target(%dma_start3A_116 : memref<128x128xf32, #tpu.memory_space<vmem_shared>>) target_semaphore(%run_scoped3A_105 : memref<!tpu.dma_semaphore, #tpu.memory_space<semaphore_mem>>)
      %dma_wait3A_124 = arith.constant 0 : i32
      %dma_wait3A_125 = arith.constant 0 : i32
      %dma_wait3A_126 = tpu.memref_slice %arg7[%run_scoped3A_5, %dma_wait3A_124, %dma_wait3A_125] : memref<2x128x128xf32, #tpu.memory_space<vmem>> -> memref<1x128x128xf32, #tpu.memory_space<vmem>>
      %dma_wait3A_127 = tpu.memref_squeeze %dma_wait3A_126 : memref<1x128x128xf32, #tpu.memory_space<vmem>> -> memref<128x128xf32, #tpu.memory_space<vmem>>
      %dma_wait3A_128 = arith.constant 0 : i32
      %dma_wait3A_129 = arith.constant 0 : i32
      %dma_wait3A_130 = tpu.memref_slice %dma_wait3A_127[%dma_wait3A_128, %dma_wait3A_129] : memref<128x128xf32, #tpu.memory_space<vmem>> -> memref<128x128xf32, #tpu.memory_space<vmem>>
      %dma_wait3A_131 = arith.constant 0 : i32
      %dma_wait3A_132 = tpu.memref_slice %arg8[%add3A_4, %dma_wait3A_131] : memref<10112x128xf32, #tpu.memory_space<vmem_shared>> -> memref<128x128xf32, #tpu.memory_space<vmem_shared>>
      %dma_wait3A_133 = arith.constant 0 : i32
      %dma_wait3A_134 = tpu.memref_slice %arg8[%add3A_4, %dma_wait3A_133] : memref<10112x128xf32, #tpu.memory_space<vmem_shared>> -> memref<128x128xf32, #tpu.memory_space<vmem_shared>>
      %dma_wait3A_135 = arith.constant 0 : i32
      %dma_wait3A_136 = arith.constant 0 : i32
      %dma_wait3A_137 = tpu.memref_slice %arg7[%run_scoped3A_5, %dma_wait3A_135, %dma_wait3A_136] : memref<2x128x128xf32, #tpu.memory_space<vmem>> -> memref<1x128x128xf32, #tpu.memory_space<vmem>>
      %dma_wait3A_138 = tpu.memref_squeeze %dma_wait3A_137 : memref<1x128x128xf32, #tpu.memory_space<vmem>> -> memref<128x128xf32, #tpu.memory_space<vmem>>
      %dma_wait3A_139 = arith.constant 0 : i32
      %dma_wait3A_140 = arith.constant 0 : i32
      %dma_wait3A_141 = tpu.memref_slice %dma_wait3A_138[%dma_wait3A_139, %dma_wait3A_140] : memref<128x128xf32, #tpu.memory_space<vmem>> -> memref<128x128xf32, #tpu.memory_space<vmem>>
      tpu.wait_dma2 semaphore(%run_scoped3A_105 : memref<!tpu.dma_semaphore, #tpu.memory_space<semaphore_mem>>) src(%dma_wait3A_141 : memref<128x128xf32, #tpu.memory_space<vmem>>) dst(%dma_wait3A_134 : memref<128x128xf32, #tpu.memory_space<vmem_shared>>)
      tpu.yield
    }) : () -> ()
    %add3A_6 = arith.constant 256 : i32
    %add3A_7 = arith.addi %mul3A_0, %add3A_6 : i32
    %run_scoped3A_8 = arith.constant 0 : i32
    "tpu.region"() ({
      %run_scoped3A_105 = tpu.sem_alloc : memref<!tpu.dma_semaphore, #tpu.memory_space<semaphore_mem>>
      %dma_start3A_106 = arith.constant 0 : i32
      %dma_start3A_107 = arith.constant 0 : i32
      %dma_start3A_108 = tpu.memref_slice %arg7[%run_scoped3A_8, %dma_start3A_106, %dma_start3A_107] : memref<2x128x128xf32, #tpu.memory_space<vmem>> -> memref<1x128x128xf32, #tpu.memory_space<vmem>>
      %dma_start3A_109 = tpu.memref_squeeze %dma_start3A_108 : memref<1x128x128xf32, #tpu.memory_space<vmem>> -> memref<128x128xf32, #tpu.memory_space<vmem>>
      %dma_start3A_110 = arith.constant 0 : i32
      %dma_start3A_111 = arith.constant 0 : i32
      %dma_start3A_112 = tpu.memref_slice %dma_start3A_109[%dma_start3A_110, %dma_start3A_111] : memref<128x128xf32, #tpu.memory_space<vmem>> -> memref<128x128xf32, #tpu.memory_space<vmem>>
      %dma_start3A_113 = arith.constant 0 : i32
      %dma_start3A_114 = tpu.memref_slice %arg8[%add3A_7, %dma_start3A_113] : memref<10112x128xf32, #tpu.memory_space<vmem_shared>> -> memref<128x128xf32, #tpu.memory_space<vmem_shared>>
      %dma_start3A_115 = arith.constant 0 : i32
      %dma_start3A_116 = tpu.memref_slice %arg8[%add3A_7, %dma_start3A_115] : memref<10112x128xf32, #tpu.memory_space<vmem_shared>> -> memref<128x128xf32, #tpu.memory_space<vmem_shared>>
      %dma_start3A_117 = arith.constant 0 : i32
      %dma_start3A_118 = arith.constant 0 : i32
      %dma_start3A_119 = tpu.memref_slice %arg7[%run_scoped3A_8, %dma_start3A_117, %dma_start3A_118] : memref<2x128x128xf32, #tpu.memory_space<vmem>> -> memref<1x128x128xf32, #tpu.memory_space<vmem>>
      %dma_start3A_120 = tpu.memref_squeeze %dma_start3A_119 : memref<1x128x128xf32, #tpu.memory_space<vmem>> -> memref<128x128xf32, #tpu.memory_space<vmem>>
      %dma_start3A_121 = arith.constant 0 : i32
      %dma_start3A_122 = arith.constant 0 : i32
      %dma_start3A_123 = tpu.memref_slice %dma_start3A_120[%dma_start3A_121, %dma_start3A_122] : memref<128x128xf32, #tpu.memory_space<vmem>> -> memref<128x128xf32, #tpu.memory_space<vmem>>
      tpu.enqueue_dma source(%dma_start3A_123 : memref<128x128xf32, #tpu.memory_space<vmem>>) target(%dma_start3A_116 : memref<128x128xf32, #tpu.memory_space<vmem_shared>>) target_semaphore(%run_scoped3A_105 : memref<!tpu.dma_semaphore, #tpu.memory_space<semaphore_mem>>)
      %dma_wait3A_124 = arith.constant 0 : i32
      %dma_wait3A_125 = arith.constant 0 : i32
      %dma_wait3A_126 = tpu.memref_slice %arg7[%run_scoped3A_8, %dma_wait3A_124, %dma_wait3A_125] : memref<2x128x128xf32, #tpu.memory_space<vmem>> -> memref<1x128x128xf32, #tpu.memory_space<vmem>>
      %dma_wait3A_127 = tpu.memref_squeeze %dma_wait3A_126 : memref<1x128x128xf32, #tpu.memory_space<vmem>> -> memref<128x128xf32, #tpu.memory_space<vmem>>
      %dma_wait3A_128 = arith.constant 0 : i32
      %dma_wait3A_129 = arith.constant 0 : i32
      %dma_wait3A_130 = tpu.memref_slice %dma_wait3A_127[%dma_wait3A_128, %dma_wait3A_129] : memref<128x128xf32, #tpu.memory_space<vmem>> -> memref<128x128xf32, #tpu.memory_space<vmem>>
      %dma_wait3A_131 = arith.constant 0 : i32
      %dma_wait3A_132 = tpu.memref_slice %arg8[%add3A_7, %dma_wait3A_131] : memref<10112x128xf32, #tpu.memory_space<vmem_shared>> -> memref<128x128xf32, #tpu.memory_space<vmem_shared>>
      %dma_wait3A_133 = arith.constant 0 : i32
      %dma_wait3A_134 = tpu.memref_slice %arg8[%add3A_7, %dma_wait3A_133] : memref<10112x128xf32, #tpu.memory_space<vmem_shared>> -> memref<128x128xf32, #tpu.memory_space<vmem_shared>>
      %dma_wait3A_135 = arith.constant 0 : i32
      %dma_wait3A_136 = arith.constant 0 : i32
      %dma_wait3A_137 = tpu.memref_slice %arg7[%run_scoped3A_8, %dma_wait3A_135, %dma_wait3A_136] : memref<2x128x128xf32, #tpu.memory_space<vmem>> -> memref<1x128x128xf32, #tpu.memory_space<vmem>>
      %dma_wait3A_138 = tpu.memref_squeeze %dma_wait3A_137 : memref<1x128x128xf32, #tpu.memory_space<vmem>> -> memref<128x128xf32, #tpu.memory_space<vmem>>
      %dma_wait3A_139 = arith.constant 0 : i32
      %dma_wait3A_140 = arith.constant 0 : i32
      %dma_wait3A_141 = tpu.memref_slice %dma_wait3A_138[%dma_wait3A_139, %dma_wait3A_140] : memref<128x128xf32, #tpu.memory_space<vmem>> -> memref<128x128xf32, #tpu.memory_space<vmem>>
      tpu.wait_dma2 semaphore(%run_scoped3A_105 : memref<!tpu.dma_semaphore, #tpu.memory_space<semaphore_mem>>) src(%dma_wait3A_141 : memref<128x128xf32, #tpu.memory_space<vmem>>) dst(%dma_wait3A_134 : memref<128x128xf32, #tpu.memory_space<vmem_shared>>)
      tpu.yield
    }) : () -> ()
    %add3A_9 = arith.constant 384 : i32
    %add3A_10 = arith.addi %mul3A_0, %add3A_9 : i32
    %run_scoped3A_11 = arith.constant 0 : i32
    "tpu.region"() ({
      %run_scoped3A_105 = tpu.sem_alloc : memref<!tpu.dma_semaphore, #tpu.memory_space<semaphore_mem>>
      %dma_start3A_106 = arith.constant 0 : i32
      %dma_start3A_107 = arith.constant 0 : i32
      %dma_start3A_108 = tpu.memref_slice %arg7[%run_scoped3A_11, %dma_start3A_106, %dma_start3A_107] : memref<2x128x128xf32, #tpu.memory_space<vmem>> -> memref<1x128x128xf32, #tpu.memory_space<vmem>>
      %dma_start3A_109 = tpu.memref_squeeze %dma_start3A_108 : memref<1x128x128xf32, #tpu.memory_space<vmem>> -> memref<128x128xf32, #tpu.memory_space<vmem>>
      %dma_start3A_110 = arith.constant 0 : i32
      %dma_start3A_111 = arith.constant 0 : i32
      %dma_start3A_112 = tpu.memref_slice %dma_start3A_109[%dma_start3A_110, %dma_start3A_111] : memref<128x128xf32, #tpu.memory_space<vmem>> -> memref<128x128xf32, #tpu.memory_space<vmem>>
      %dma_start3A_113 = arith.constant 0 : i32
      %dma_start3A_114 = tpu.memref_slice %arg8[%add3A_10, %dma_start3A_113] : memref<10112x128xf32, #tpu.memory_space<vmem_shared>> -> memref<128x128xf32, #tpu.memory_space<vmem_shared>>
      %dma_start3A_115 = arith.constant 0 : i32
      %dma_start3A_116 = tpu.memref_slice %arg8[%add3A_10, %dma_start3A_115] : memref<10112x128xf32, #tpu.memory_space<vmem_shared>> -> memref<128x128xf32, #tpu.memory_space<vmem_shared>>
      %dma_start3A_117 = arith.constant 0 : i32
      %dma_start3A_118 = arith.constant 0 : i32
      %dma_start3A_119 = tpu.memref_slice %arg7[%run_scoped3A_11, %dma_start3A_117, %dma_start3A_118] : memref<2x128x128xf32, #tpu.memory_space<vmem>> -> memref<1x128x128xf32, #tpu.memory_space<vmem>>
      %dma_start3A_120 = tpu.memref_squeeze %dma_start3A_119 : memref<1x128x128xf32, #tpu.memory_space<vmem>> -> memref<128x128xf32, #tpu.memory_space<vmem>>
      %dma_start3A_121 = arith.constant 0 : i32
      %dma_start3A_122 = arith.constant 0 : i32
      %dma_start3A_123 = tpu.memref_slice %dma_start3A_120[%dma_start3A_121, %dma_start3A_122] : memref<128x128xf32, #tpu.memory_space<vmem>> -> memref<128x128xf32, #tpu.memory_space<vmem>>
      tpu.enqueue_dma source(%dma_start3A_123 : memref<128x128xf32, #tpu.memory_space<vmem>>) target(%dma_start3A_116 : memref<128x128xf32, #tpu.memory_space<vmem_shared>>) target_semaphore(%run_scoped3A_105 : memref<!tpu.dma_semaphore, #tpu.memory_space<semaphore_mem>>)
      %dma_wait3A_124 = arith.constant 0 : i32
      %dma_wait3A_125 = arith.constant 0 : i32
      %dma_wait3A_126 = tpu.memref_slice %arg7[%run_scoped3A_11, %dma_wait3A_124, %dma_wait3A_125] : memref<2x128x128xf32, #tpu.memory_space<vmem>> -> memref<1x128x128xf32, #tpu.memory_space<vmem>>
      %dma_wait3A_127 = tpu.memref_squeeze %dma_wait3A_126 : memref<1x128x128xf32, #tpu.memory_space<vmem>> -> memref<128x128xf32, #tpu.memory_space<vmem>>
      %dma_wait3A_128 = arith.constant 0 : i32
      %dma_wait3A_129 = arith.constant 0 : i32
      %dma_wait3A_130 = tpu.memref_slice %dma_wait3A_127[%dma_wait3A_128, %dma_wait3A_129] : memref<128x128xf32, #tpu.memory_space<vmem>> -> memref<128x128xf32, #tpu.memory_space<vmem>>
      %dma_wait3A_131 = arith.constant 0 : i32
      %dma_wait3A_132 = tpu.memref_slice %arg8[%add3A_10, %dma_wait3A_131] : memref<10112x128xf32, #tpu.memory_space<vmem_shared>> -> memref<128x128xf32, #tpu.memory_space<vmem_shared>>
      %dma_wait3A_133 = arith.constant 0 : i32
      %dma_wait3A_134 = tpu.memref_slice %arg8[%add3A_10, %dma_wait3A_133] : memref<10112x128xf32, #tpu.memory_space<vmem_shared>> -> memref<128x128xf32, #tpu.memory_space<vmem_shared>>
      %dma_wait3A_135 = arith.constant 0 : i32
      %dma_wait3A_136 = arith.constant 0 : i32
      %dma_wait3A_137 = tpu.memref_slice %arg7[%run_scoped3A_11, %dma_wait3A_135, %dma_wait3A_136] : memref<2x128x128xf32, #tpu.memory_space<vmem>> -> memref<1x128x128xf32, #tpu.memory_space<vmem>>
      %dma_wait3A_138 = tpu.memref_squeeze %dma_wait3A_137 : memref<1x128x128xf32, #tpu.memory_space<vmem>> -> memref<128x128xf32, #tpu.memory_space<vmem>>
      %dma_wait3A_139 = arith.constant 0 : i32
      %dma_wait3A_140 = arith.constant 0 : i32
      %dma_wait3A_141 = tpu.memref_slice %dma_wait3A_138[%dma_wait3A_139, %dma_wait3A_140] : memref<128x128xf32, #tpu.memory_space<vmem>> -> memref<128x128xf32, #tpu.memory_space<vmem>>
      tpu.wait_dma2 semaphore(%run_scoped3A_105 : memref<!tpu.dma_semaphore, #tpu.memory_space<semaphore_mem>>) src(%dma_wait3A_141 : memref<128x128xf32, #tpu.memory_space<vmem>>) dst(%dma_wait3A_134 : memref<128x128xf32, #tpu.memory_space<vmem_shared>>)
      tpu.yield
    }) : () -> ()
    %add3A_12 = arith.constant 512 : i32
    %add3A_13 = arith.addi %mul3A_0, %add3A_12 : i32
    %run_scoped3A_14 = arith.constant 0 : i32
    "tpu.region"() ({
      %run_scoped3A_105 = tpu.sem_alloc : memref<!tpu.dma_semaphore, #tpu.memory_space<semaphore_mem>>
      %dma_start3A_106 = arith.constant 0 : i32
      %dma_start3A_107 = arith.constant 0 : i32
      %dma_start3A_108 = tpu.memref_slice %arg7[%run_scoped3A_14, %dma_start3A_106, %dma_start3A_107] : memref<2x128x128xf32, #tpu.memory_space<vmem>> -> memref<1x128x128xf32, #tpu.memory_space<vmem>>
      %dma_start3A_109 = tpu.memref_squeeze %dma_start3A_108 : memref<1x128x128xf32, #tpu.memory_space<vmem>> -> memref<128x128xf32, #tpu.memory_space<vmem>>
      %dma_start3A_110 = arith.constant 0 : i32
      %dma_start3A_111 = arith.constant 0 : i32
      %dma_start3A_112 = tpu.memref_slice %dma_start3A_109[%dma_start3A_110, %dma_start3A_111] : memref<128x128xf32, #tpu.memory_space<vmem>> -> memref<120x128xf32, #tpu.memory_space<vmem>>
      %dma_start3A_113 = arith.constant 0 : i32
      %dma_start3A_114 = tpu.memref_slice %arg8[%add3A_13, %dma_start3A_113] : memref<10112x128xf32, #tpu.memory_space<vmem_shared>> -> memref<120x128xf32, #tpu.memory_space<vmem_shared>>
      %dma_start3A_115 = arith.constant 0 : i32
      %dma_start3A_116 = tpu.memref_slice %arg8[%add3A_13, %dma_start3A_115] : memref<10112x128xf32, #tpu.memory_space<vmem_shared>> -> memref<120x128xf32, #tpu.memory_space<vmem_shared>>
      %dma_start3A_117 = arith.constant 0 : i32
      %dma_start3A_118 = arith.constant 0 : i32
      %dma_start3A_119 = tpu.memref_slice %arg7[%run_scoped3A_14, %dma_start3A_117, %dma_start3A_118] : memref<2x128x128xf32, #tpu.memory_space<vmem>> -> memref<1x128x128xf32, #tpu.memory_space<vmem>>
      %dma_start3A_120 = tpu.memref_squeeze %dma_start3A_119 : memref<1x128x128xf32, #tpu.memory_space<vmem>> -> memref<128x128xf32, #tpu.memory_space<vmem>>
      %dma_start3A_121 = arith.constant 0 : i32
      %dma_start3A_122 = arith.constant 0 : i32
      %dma_start3A_123 = tpu.memref_slice %dma_start3A_120[%dma_start3A_121, %dma_start3A_122] : memref<128x128xf32, #tpu.memory_space<vmem>> -> memref<120x128xf32, #tpu.memory_space<vmem>>
      tpu.enqueue_dma source(%dma_start3A_123 : memref<120x128xf32, #tpu.memory_space<vmem>>) target(%dma_start3A_116 : memref<120x128xf32, #tpu.memory_space<vmem_shared>>) target_semaphore(%run_scoped3A_105 : memref<!tpu.dma_semaphore, #tpu.memory_space<semaphore_mem>>)
      %dma_wait3A_124 = arith.constant 0 : i32
      %dma_wait3A_125 = arith.constant 0 : i32
      %dma_wait3A_126 = tpu.memref_slice %arg7[%run_scoped3A_14, %dma_wait3A_124, %dma_wait3A_125] : memref<2x128x128xf32, #tpu.memory_space<vmem>> -> memref<1x128x128xf32, #tpu.memory_space<vmem>>
      %dma_wait3A_127 = tpu.memref_squeeze %dma_wait3A_126 : memref<1x128x128xf32, #tpu.memory_space<vmem>> -> memref<128x128xf32, #tpu.memory_space<vmem>>
      %dma_wait3A_128 = arith.constant 0 : i32
      %dma_wait3A_129 = arith.constant 0 : i32
      %dma_wait3A_130 = tpu.memref_slice %dma_wait3A_127[%dma_wait3A_128, %dma_wait3A_129] : memref<128x128xf32, #tpu.memory_space<vmem>> -> memref<120x128xf32, #tpu.memory_space<vmem>>
      %dma_wait3A_131 = arith.constant 0 : i32
      %dma_wait3A_132 = tpu.memref_slice %arg8[%add3A_13, %dma_wait3A_131] : memref<10112x128xf32, #tpu.memory_space<vmem_shared>> -> memref<120x128xf32, #tpu.memory_space<vmem_shared>>
      %dma_wait3A_133 = arith.constant 0 : i32
      %dma_wait3A_134 = tpu.memref_slice %arg8[%add3A_13, %dma_wait3A_133] : memref<10112x128xf32, #tpu.memory_space<vmem_shared>> -> memref<120x128xf32, #tpu.memory_space<vmem_shared>>
      %dma_wait3A_135 = arith.constant 0 : i32
      %dma_wait3A_136 = arith.constant 0 : i32
      %dma_wait3A_137 = tpu.memref_slice %arg7[%run_scoped3A_14, %dma_wait3A_135, %dma_wait3A_136] : memref<2x128x128xf32, #tpu.memory_space<vmem>> -> memref<1x128x128xf32, #tpu.memory_space<vmem>>
      %dma_wait3A_138 = tpu.memref_squeeze %dma_wait3A_137 : memref<1x128x128xf32, #tpu.memory_space<vmem>> -> memref<128x128xf32, #tpu.memory_space<vmem>>
      %dma_wait3A_139 = arith.constant 0 : i32
      %dma_wait3A_140 = arith.constant 0 : i32
      %dma_wait3A_141 = tpu.memref_slice %dma_wait3A_138[%dma_wait3A_139, %dma_wait3A_140] : memref<128x128xf32, #tpu.memory_space<vmem>> -> memref<120x128xf32, #tpu.memory_space<vmem>>
      tpu.wait_dma2 semaphore(%run_scoped3A_105 : memref<!tpu.dma_semaphore, #tpu.memory_space<semaphore_mem>>) src(%dma_wait3A_141 : memref<120x128xf32, #tpu.memory_space<vmem>>) dst(%dma_wait3A_134 : memref<120x128xf32, #tpu.memory_space<vmem_shared>>)
      tpu.yield
    }) : () -> ()
    %barrier3A = arith.constant 0 : index
    tpu.barrier barrier_id(%barrier3A)
    %mul3A_15 = arith.constant 1280 : i32
    %mul3A_16 = arith.muli %arg0, %mul3A_15 : i32
    %mul3A_17 = arith.constant 80 : i32
    %mul3A_18 = arith.muli %arg1, %mul3A_17 : i32
    %add3A_19 = arith.addi %mul3A_16, %mul3A_18 : i32
    %dma_start3A = arith.constant 0 : i32
    %dma_start3A_20 = arith.constant 0 : i32
    %dma_start3A_21 = arith.constant 0 : i32
    %dma_start3A_22 = tpu.memref_slice %arg6[%dma_start3A, %dma_start3A_20, %dma_start3A_21] : memref<4x2x128xi32, #tpu.memory_space<vmem>> -> memref<1x2x128xi32, #tpu.memory_space<vmem>>
    %dma_start3A_23 = tpu.memref_squeeze %dma_start3A_22 : memref<1x2x128xi32, #tpu.memory_space<vmem>> -> memref<2x128xi32, #tpu.memory_space<vmem>>
    %dma_start3A_24 = arith.constant 0 : i32
    %dma_start3A_25 = arith.constant 0 : i32
    %dma_start3A_26 = tpu.memref_slice %arg3[%add3A_19, %dma_start3A_24, %dma_start3A_25] : memref<2560x2x128xi32, #tpu.memory_space<hbm>> -> memref<1x2x128xi32, #tpu.memory_space<hbm>>
    %dma_start3A_27 = tpu.memref_squeeze %dma_start3A_26 : memref<1x2x128xi32, #tpu.memory_space<hbm>> -> memref<2x128xi32, #tpu.memory_space<hbm>>
    %dma_start3A_28 = arith.constant 0 : i32
    %dma_start3A_29 = arith.constant 0 : i32
    %dma_start3A_30 = tpu.memref_slice %arg6[%dma_start3A, %dma_start3A_28, %dma_start3A_29] : memref<4x2x128xi32, #tpu.memory_space<vmem>> -> memref<1x2x128xi32, #tpu.memory_space<vmem>>
    %dma_start3A_31 = tpu.memref_squeeze %dma_start3A_30 : memref<1x2x128xi32, #tpu.memory_space<vmem>> -> memref<2x128xi32, #tpu.memory_space<vmem>>
    %dma_start3A_32 = arith.constant 0 : i32
    %dma_start3A_33 = arith.constant 0 : i32
    %dma_start3A_34 = tpu.memref_slice %arg3[%add3A_19, %dma_start3A_32, %dma_start3A_33] : memref<2560x2x128xi32, #tpu.memory_space<hbm>> -> memref<1x2x128xi32, #tpu.memory_space<hbm>>
    %dma_start3A_35 = tpu.memref_squeeze %dma_start3A_34 : memref<1x2x128xi32, #tpu.memory_space<hbm>> -> memref<2x128xi32, #tpu.memory_space<hbm>>
    tpu.enqueue_dma source(%dma_start3A_35 : memref<2x128xi32, #tpu.memory_space<hbm>>) target(%dma_start3A_31 : memref<2x128xi32, #tpu.memory_space<vmem>>) target_semaphore(%arg9 : memref<!tpu.dma_semaphore, #tpu.memory_space<semaphore_mem>>)
    %add3A_36 = arith.constant 1 : i32
    %add3A_37 = arith.addi %add3A_19, %add3A_36 : i32
    %dma_start3A_38 = arith.constant 1 : i32
    %dma_start3A_39 = arith.constant 0 : i32
    %dma_start3A_40 = arith.constant 0 : i32
    %dma_start3A_41 = tpu.memref_slice %arg6[%dma_start3A_38, %dma_start3A_39, %dma_start3A_40] : memref<4x2x128xi32, #tpu.memory_space<vmem>> -> memref<1x2x128xi32, #tpu.memory_space<vmem>>
    %dma_start3A_42 = tpu.memref_squeeze %dma_start3A_41 : memref<1x2x128xi32, #tpu.memory_space<vmem>> -> memref<2x128xi32, #tpu.memory_space<vmem>>
    %dma_start3A_43 = arith.constant 0 : i32
    %dma_start3A_44 = arith.constant 0 : i32
    %dma_start3A_45 = tpu.memref_slice %arg3[%add3A_37, %dma_start3A_43, %dma_start3A_44] : memref<2560x2x128xi32, #tpu.memory_space<hbm>> -> memref<1x2x128xi32, #tpu.memory_space<hbm>>
    %dma_start3A_46 = tpu.memref_squeeze %dma_start3A_45 : memref<1x2x128xi32, #tpu.memory_space<hbm>> -> memref<2x128xi32, #tpu.memory_space<hbm>>
    %dma_start3A_47 = arith.constant 0 : i32
    %dma_start3A_48 = arith.constant 0 : i32
    %dma_start3A_49 = tpu.memref_slice %arg6[%dma_start3A_38, %dma_start3A_47, %dma_start3A_48] : memref<4x2x128xi32, #tpu.memory_space<vmem>> -> memref<1x2x128xi32, #tpu.memory_space<vmem>>
    %dma_start3A_50 = tpu.memref_squeeze %dma_start3A_49 : memref<1x2x128xi32, #tpu.memory_space<vmem>> -> memref<2x128xi32, #tpu.memory_space<vmem>>
    %dma_start3A_51 = arith.constant 0 : i32
    %dma_start3A_52 = arith.constant 0 : i32
    %dma_start3A_53 = tpu.memref_slice %arg3[%add3A_37, %dma_start3A_51, %dma_start3A_52] : memref<2560x2x128xi32, #tpu.memory_space<hbm>> -> memref<1x2x128xi32, #tpu.memory_space<hbm>>
    %dma_start3A_54 = tpu.memref_squeeze %dma_start3A_53 : memref<1x2x128xi32, #tpu.memory_space<hbm>> -> memref<2x128xi32, #tpu.memory_space<hbm>>
    tpu.enqueue_dma source(%dma_start3A_54 : memref<2x128xi32, #tpu.memory_space<hbm>>) target(%dma_start3A_50 : memref<2x128xi32, #tpu.memory_space<vmem>>) target_semaphore(%arg10 : memref<!tpu.dma_semaphore, #tpu.memory_space<semaphore_mem>>)
    %dma_wait3A = arith.constant 0 : i32
    %dma_wait3A_55 = arith.constant 0 : i32
    %dma_wait3A_56 = arith.constant 0 : i32
    %dma_wait3A_57 = arith.constant 0 : i32
    %dma_wait3A_58 = tpu.memref_slice %arg6[%dma_wait3A_55, %dma_wait3A_56, %dma_wait3A_57] : memref<4x2x128xi32, #tpu.memory_space<vmem>> -> memref<1x2x128xi32, #tpu.memory_space<vmem>>
    %dma_wait3A_59 = tpu.memref_squeeze %dma_wait3A_58 : memref<1x2x128xi32, #tpu.memory_space<vmem>> -> memref<2x128xi32, #tpu.memory_space<vmem>>
    %dma_wait3A_60 = arith.constant 0 : i32
    %dma_wait3A_61 = arith.constant 0 : i32
    %dma_wait3A_62 = tpu.memref_slice %arg3[%dma_wait3A, %dma_wait3A_60, %dma_wait3A_61] : memref<2560x2x128xi32, #tpu.memory_space<hbm>> -> memref<1x2x128xi32, #tpu.memory_space<hbm>>
    %dma_wait3A_63 = tpu.memref_squeeze %dma_wait3A_62 : memref<1x2x128xi32, #tpu.memory_space<hbm>> -> memref<2x128xi32, #tpu.memory_space<hbm>>
    %dma_wait3A_64 = arith.constant 0 : i32
    %dma_wait3A_65 = arith.constant 0 : i32
    %dma_wait3A_66 = tpu.memref_slice %arg6[%dma_wait3A_55, %dma_wait3A_64, %dma_wait3A_65] : memref<4x2x128xi32, #tpu.memory_space<vmem>> -> memref<1x2x128xi32, #tpu.memory_space<vmem>>
    %dma_wait3A_67 = tpu.memref_squeeze %dma_wait3A_66 : memref<1x2x128xi32, #tpu.memory_space<vmem>> -> memref<2x128xi32, #tpu.memory_space<vmem>>
    %dma_wait3A_68 = arith.constant 0 : i32
    %dma_wait3A_69 = arith.constant 0 : i32
    %dma_wait3A_70 = tpu.memref_slice %arg3[%dma_wait3A, %dma_wait3A_68, %dma_wait3A_69] : memref<2560x2x128xi32, #tpu.memory_space<hbm>> -> memref<1x2x128xi32, #tpu.memory_space<hbm>>
    %dma_wait3A_71 = tpu.memref_squeeze %dma_wait3A_70 : memref<1x2x128xi32, #tpu.memory_space<hbm>> -> memref<2x128xi32, #tpu.memory_space<hbm>>
    tpu.wait_dma2 semaphore(%arg9 : memref<!tpu.dma_semaphore, #tpu.memory_space<semaphore_mem>>) src(%dma_wait3A_71 : memref<2x128xi32, #tpu.memory_space<hbm>>) dst(%dma_wait3A_67 : memref<2x128xi32, #tpu.memory_space<vmem>>)
    %dma_start3A_72 = arith.constant 0 : i32
    %dma_start3A_73 = arith.constant 0 : i32
    %dma_start3A_74 = arith.constant 0 : i32
    %dma_start3A_75 = arith.constant 0 : i32
    %dma_start3A_76 = arith.constant 0 : i32
    %dma_start3A_77 = tpu.memref_slice %arg7[%dma_start3A_74, %dma_start3A_75, %dma_start3A_76] : memref<2x128x128xf32, #tpu.memory_space<vmem>> -> memref<1x128x128xf32, #tpu.memory_space<vmem>>
    %dma_start3A_78 = tpu.memref_squeeze %dma_start3A_77 : memref<1x128x128xf32, #tpu.memory_space<vmem>> -> memref<128x128xf32, #tpu.memory_space<vmem>>
    %dma_start3A_79 = arith.constant 0 : i32
    %dma_start3A_80 = tpu.memref_slice %arg6[%dma_start3A_72, %dma_start3A_73, %dma_start3A_79] : memref<4x2x128xi32, #tpu.memory_space<vmem>> -> memref<1x1x128xi32, #tpu.memory_space<vmem>>
    %dma_start3A_81 = tpu.memref_squeeze %dma_start3A_80 : memref<1x1x128xi32, #tpu.memory_space<vmem>> -> memref<128xi32, #tpu.memory_space<vmem>>
    %dma_start3A_82 = arith.constant 0 : i32
    %dma_start3A_83 = arith.constant 0 : i32
    %dma_start3A_84 = tpu.memref_slice %arg2[%dma_start3A_82, %dma_start3A_83] : memref<10000x128xf32, #tpu.memory_space<hbm>> -> memref<10000x128xf32, #tpu.memory_space<hbm>>
    tpu.enqueue_indirect_dma source(%dma_start3A_84 : memref<10000x128xf32, #tpu.memory_space<hbm>>) target(%dma_start3A_78 : memref<128x128xf32, #tpu.memory_space<vmem>>) offsets(%dma_start3A_81 : memref<128xi32, #tpu.memory_space<vmem>>) semaphore(%arg11 : memref<!tpu.dma_semaphore, #tpu.memory_space<semaphore_mem>>)
    %scan3A = arith.constant 0 : i32
    %scan3A_85 = arith.constant 20 : i32
    %scan3A_86 = arith.addi %scan3A, %scan3A_85 : i32
    %scan3A_87 = arith.constant 1 : i32
    scf.for %scan3A_105 = %scan3A to %scan3A_86 step %scan3A_87  : i32 {
      %mul3A_106 = arith.constant 1 : i32
      %mul3A_107 = arith.muli %scan3A_105, %mul3A_106 : i32
      %add3A_108 = arith.constant 0 : i32
      %add3A_109 = arith.addi %add3A_108, %mul3A_107 : i32
      %mul3A_110 = arith.constant 4 : i32
      %mul3A_111 = arith.muli %add3A_109, %mul3A_110 : i32
      %add3A_112 = arith.constant 0 : i32
      %add3A_113 = arith.addi %mul3A_111, %add3A_112 : i32
      %dma_wait3A_114 = arith.constant 0 : i32
      %dma_wait3A_115 = arith.constant 0 : i32
      %dma_wait3A_116 = arith.constant 0 : i32
      %dma_wait3A_117 = tpu.memref_slice %arg7[%dma_wait3A_114, %dma_wait3A_115, %dma_wait3A_116] : memref<2x128x128xf32, #tpu.memory_space<vmem>> -> memref<1x128x128xf32, #tpu.memory_space<vmem>>
      %dma_wait3A_118 = tpu.memref_squeeze %dma_wait3A_117 : memref<1x128x128xf32, #tpu.memory_space<vmem>> -> memref<128x128xf32, #tpu.memory_space<vmem>>
      %dma_wait3A_119 = arith.constant 0 : i32
      %dma_wait3A_120 = arith.constant 0 : i32
      %dma_wait3A_121 = tpu.memref_slice %arg2[%dma_wait3A_119, %dma_wait3A_120] : memref<10000x128xf32, #tpu.memory_space<hbm>> -> memref<128x128xf32, #tpu.memory_space<hbm>>
      %dma_wait3A_122 = arith.constant 0 : i32
      %dma_wait3A_123 = arith.constant 0 : i32
      %dma_wait3A_124 = tpu.memref_slice %arg7[%dma_wait3A_114, %dma_wait3A_122, %dma_wait3A_123] : memref<2x128x128xf32, #tpu.memory_space<vmem>> -> memref<1x128x128xf32, #tpu.memory_space<vmem>>
      %dma_wait3A_125 = tpu.memref_squeeze %dma_wait3A_124 : memref<1x128x128xf32, #tpu.memory_space<vmem>> -> memref<128x128xf32, #tpu.memory_space<vmem>>
      %dma_wait3A_126 = arith.constant 0 : i32
      %dma_wait3A_127 = arith.constant 0 : i32
      %dma_wait3A_128 = tpu.memref_slice %arg2[%dma_wait3A_126, %dma_wait3A_127] : memref<10000x128xf32, #tpu.memory_space<hbm>> -> memref<128x128xf32, #tpu.memory_space<hbm>>
      tpu.wait_dma2 semaphore(%arg11 : memref<!tpu.dma_semaphore, #tpu.memory_space<semaphore_mem>>) src(%dma_wait3A_128 : memref<128x128xf32, #tpu.memory_space<hbm>>) dst(%dma_wait3A_125 : memref<128x128xf32, #tpu.memory_space<vmem>>)
      %gt3A = arith.constant 0 : i32
      %gt3A_129 = arith.cmpi sgt, %add3A_113, %gt3A : i32
      %convert_element_type3A = arith.extui %gt3A_129 : i1 to i32
      %cond3A = arith.constant 0 : i32
      %cond3A_130 = arith.cmpi ne, %convert_element_type3A, %cond3A : i32
      scf.if %cond3A_130 {
        %dma_wait3A_310 = arith.constant 1 : i32
        %dma_wait3A_311 = arith.constant 0 : i32
        %dma_wait3A_312 = arith.constant 0 : i32
        %dma_wait3A_313 = tpu.memref_slice %arg7[%dma_wait3A_310, %dma_wait3A_311, %dma_wait3A_312] : memref<2x128x128xf32, #tpu.memory_space<vmem>> -> memref<1x128x128xf32, #tpu.memory_space<vmem>>
        %dma_wait3A_314 = tpu.memref_squeeze %dma_wait3A_313 : memref<1x128x128xf32, #tpu.memory_space<vmem>> -> memref<128x128xf32, #tpu.memory_space<vmem>>
        %dma_wait3A_315 = arith.constant 0 : i32
        %dma_wait3A_316 = arith.constant 0 : i32
        %dma_wait3A_317 = tpu.memref_slice %arg8[%dma_wait3A_315, %dma_wait3A_316] : memref<10112x128xf32, #tpu.memory_space<vmem_shared>> -> memref<128x128xf32, #tpu.memory_space<vmem_shared>>
        %dma_wait3A_318 = arith.constant 0 : i32
        %dma_wait3A_319 = arith.constant 0 : i32
        %dma_wait3A_320 = tpu.memref_slice %arg8[%dma_wait3A_318, %dma_wait3A_319] : memref<10112x128xf32, #tpu.memory_space<vmem_shared>> -> memref<128x128xf32, #tpu.memory_space<vmem_shared>>
        %dma_wait3A_321 = arith.constant 0 : i32
        %dma_wait3A_322 = arith.constant 0 : i32
        %dma_wait3A_323 = tpu.memref_slice %arg7[%dma_wait3A_310, %dma_wait3A_321, %dma_wait3A_322] : memref<2x128x128xf32, #tpu.memory_space<vmem>> -> memref<1x128x128xf32, #tpu.memory_space<vmem>>
        %dma_wait3A_324 = tpu.memref_squeeze %dma_wait3A_323 : memref<1x128x128xf32, #tpu.memory_space<vmem>> -> memref<128x128xf32, #tpu.memory_space<vmem>>
        tpu.wait_dma2 semaphore(%arg13 : memref<!tpu.dma_semaphore, #tpu.memory_space<semaphore_mem>>) src(%dma_wait3A_324 : memref<128x128xf32, #tpu.memory_space<vmem>>) dst(%dma_wait3A_320 : memref<128x128xf32, #tpu.memory_space<vmem_shared>>)
      } else {
      }
      %add3A_131 = arith.constant 2 : i32
      %add3A_132 = arith.addi %add3A_113, %add3A_131 : i32
      %lt3A = arith.constant 80 : i32
      %lt3A_133 = arith.cmpi slt, %add3A_132, %lt3A : i32
      %convert_element_type3A_134 = arith.extui %lt3A_133 : i1 to i32
      %cond3A_135 = arith.constant 0 : i32
      %cond3A_136 = arith.cmpi ne, %convert_element_type3A_134, %cond3A_135 : i32
      scf.if %cond3A_136 {
        %add3A_310 = arith.addi %add3A_19, %add3A_113 : i32
        %add3A_311 = arith.constant 2 : i32
        %add3A_312 = arith.addi %add3A_310, %add3A_311 : i32
        %dma_start3A_313 = arith.constant 2 : i32
        %dma_start3A_314 = arith.constant 0 : i32
        %dma_start3A_315 = arith.constant 0 : i32
        %dma_start3A_316 = tpu.memref_slice %arg6[%dma_start3A_313, %dma_start3A_314, %dma_start3A_315] : memref<4x2x128xi32, #tpu.memory_space<vmem>> -> memref<1x2x128xi32, #tpu.memory_space<vmem>>
        %dma_start3A_317 = tpu.memref_squeeze %dma_start3A_316 : memref<1x2x128xi32, #tpu.memory_space<vmem>> -> memref<2x128xi32, #tpu.memory_space<vmem>>
        %dma_start3A_318 = arith.constant 0 : i32
        %dma_start3A_319 = arith.constant 0 : i32
        %dma_start3A_320 = tpu.memref_slice %arg3[%add3A_312, %dma_start3A_318, %dma_start3A_319] : memref<2560x2x128xi32, #tpu.memory_space<hbm>> -> memref<1x2x128xi32, #tpu.memory_space<hbm>>
        %dma_start3A_321 = tpu.memref_squeeze %dma_start3A_320 : memref<1x2x128xi32, #tpu.memory_space<hbm>> -> memref<2x128xi32, #tpu.memory_space<hbm>>
        %dma_start3A_322 = arith.constant 0 : i32
        %dma_start3A_323 = arith.constant 0 : i32
        %dma_start3A_324 = tpu.memref_slice %arg6[%dma_start3A_313, %dma_start3A_322, %dma_start3A_323] : memref<4x2x128xi32, #tpu.memory_space<vmem>> -> memref<1x2x128xi32, #tpu.memory_space<vmem>>
        %dma_start3A_325 = tpu.memref_squeeze %dma_start3A_324 : memref<1x2x128xi32, #tpu.memory_space<vmem>> -> memref<2x128xi32, #tpu.memory_space<vmem>>
        %dma_start3A_326 = arith.constant 0 : i32
        %dma_start3A_327 = arith.constant 0 : i32
        %dma_start3A_328 = tpu.memref_slice %arg3[%add3A_312, %dma_start3A_326, %dma_start3A_327] : memref<2560x2x128xi32, #tpu.memory_space<hbm>> -> memref<1x2x128xi32, #tpu.memory_space<hbm>>
        %dma_start3A_329 = tpu.memref_squeeze %dma_start3A_328 : memref<1x2x128xi32, #tpu.memory_space<hbm>> -> memref<2x128xi32, #tpu.memory_space<hbm>>
        tpu.enqueue_dma source(%dma_start3A_329 : memref<2x128xi32, #tpu.memory_space<hbm>>) target(%dma_start3A_325 : memref<2x128xi32, #tpu.memory_space<vmem>>) target_semaphore(%arg9 : memref<!tpu.dma_semaphore, #tpu.memory_space<semaphore_mem>>)
      } else {
      }
      %add3A_137 = arith.constant 1 : i32
      %add3A_138 = arith.addi %add3A_113, %add3A_137 : i32
      %lt3A_139 = arith.constant 80 : i32
      %lt3A_140 = arith.cmpi slt, %add3A_138, %lt3A_139 : i32
      %convert_element_type3A_141 = arith.extui %lt3A_140 : i1 to i32
      %cond3A_142 = arith.constant 0 : i32
      %cond3A_143 = arith.cmpi ne, %convert_element_type3A_141, %cond3A_142 : i32
      scf.if %cond3A_143 {
        %dma_wait3A_310 = arith.constant 0 : i32
        %dma_wait3A_311 = arith.constant 1 : i32
        %dma_wait3A_312 = arith.constant 0 : i32
        %dma_wait3A_313 = arith.constant 0 : i32
        %dma_wait3A_314 = tpu.memref_slice %arg6[%dma_wait3A_311, %dma_wait3A_312, %dma_wait3A_313] : memref<4x2x128xi32, #tpu.memory_space<vmem>> -> memref<1x2x128xi32, #tpu.memory_space<vmem>>
        %dma_wait3A_315 = tpu.memref_squeeze %dma_wait3A_314 : memref<1x2x128xi32, #tpu.memory_space<vmem>> -> memref<2x128xi32, #tpu.memory_space<vmem>>
        %dma_wait3A_316 = arith.constant 0 : i32
        %dma_wait3A_317 = arith.constant 0 : i32
        %dma_wait3A_318 = tpu.memref_slice %arg3[%dma_wait3A_310, %dma_wait3A_316, %dma_wait3A_317] : memref<2560x2x128xi32, #tpu.memory_space<hbm>> -> memref<1x2x128xi32, #tpu.memory_space<hbm>>
        %dma_wait3A_319 = tpu.memref_squeeze %dma_wait3A_318 : memref<1x2x128xi32, #tpu.memory_space<hbm>> -> memref<2x128xi32, #tpu.memory_space<hbm>>
        %dma_wait3A_320 = arith.constant 0 : i32
        %dma_wait3A_321 = arith.constant 0 : i32
        %dma_wait3A_322 = tpu.memref_slice %arg6[%dma_wait3A_311, %dma_wait3A_320, %dma_wait3A_321] : memref<4x2x128xi32, #tpu.memory_space<vmem>> -> memref<1x2x128xi32, #tpu.memory_space<vmem>>
        %dma_wait3A_323 = tpu.memref_squeeze %dma_wait3A_322 : memref<1x2x128xi32, #tpu.memory_space<vmem>> -> memref<2x128xi32, #tpu.memory_space<vmem>>
        %dma_wait3A_324 = arith.constant 0 : i32
        %dma_wait3A_325 = arith.constant 0 : i32
        %dma_wait3A_326 = tpu.memref_slice %arg3[%dma_wait3A_310, %dma_wait3A_324, %dma_wait3A_325] : memref<2560x2x128xi32, #tpu.memory_space<hbm>> -> memref<1x2x128xi32, #tpu.memory_space<hbm>>
        %dma_wait3A_327 = tpu.memref_squeeze %dma_wait3A_326 : memref<1x2x128xi32, #tpu.memory_space<hbm>> -> memref<2x128xi32, #tpu.memory_space<hbm>>
        tpu.wait_dma2 semaphore(%arg10 : memref<!tpu.dma_semaphore, #tpu.memory_space<semaphore_mem>>) src(%dma_wait3A_327 : memref<2x128xi32, #tpu.memory_space<hbm>>) dst(%dma_wait3A_323 : memref<2x128xi32, #tpu.memory_space<vmem>>)
        %dma_start3A_328 = arith.constant 1 : i32
        %dma_start3A_329 = arith.constant 0 : i32
        %dma_start3A_330 = arith.constant 1 : i32
        %dma_start3A_331 = arith.constant 0 : i32
        %dma_start3A_332 = arith.constant 0 : i32
        %dma_start3A_333 = tpu.memref_slice %arg7[%dma_start3A_330, %dma_start3A_331, %dma_start3A_332] : memref<2x128x128xf32, #tpu.memory_space<vmem>> -> memref<1x128x128xf32, #tpu.memory_space<vmem>>
        %dma_start3A_334 = tpu.memref_squeeze %dma_start3A_333 : memref<1x128x128xf32, #tpu.memory_space<vmem>> -> memref<128x128xf32, #tpu.memory_space<vmem>>
        %dma_start3A_335 = arith.constant 0 : i32
        %dma_start3A_336 = tpu.memref_slice %arg6[%dma_start3A_328, %dma_start3A_329, %dma_start3A_335] : memref<4x2x128xi32, #tpu.memory_space<vmem>> -> memref<1x1x128xi32, #tpu.memory_space<vmem>>
        %dma_start3A_337 = tpu.memref_squeeze %dma_start3A_336 : memref<1x1x128xi32, #tpu.memory_space<vmem>> -> memref<128xi32, #tpu.memory_space<vmem>>
        %dma_start3A_338 = arith.constant 0 : i32
        %dma_start3A_339 = arith.constant 0 : i32
        %dma_start3A_340 = tpu.memref_slice %arg2[%dma_start3A_338, %dma_start3A_339] : memref<10000x128xf32, #tpu.memory_space<hbm>> -> memref<10000x128xf32, #tpu.memory_space<hbm>>
        tpu.enqueue_indirect_dma source(%dma_start3A_340 : memref<10000x128xf32, #tpu.memory_space<hbm>>) target(%dma_start3A_334 : memref<128x128xf32, #tpu.memory_space<vmem>>) offsets(%dma_start3A_337 : memref<128xi32, #tpu.memory_space<vmem>>) semaphore(%arg11 : memref<!tpu.dma_semaphore, #tpu.memory_space<semaphore_mem>>)
      } else {
      }
      %dma_start3A_144 = arith.constant 0 : i32
      %dma_start3A_145 = arith.constant 0 : i32
      %dma_start3A_146 = arith.constant 1 : i32
      %dma_start3A_147 = arith.constant 0 : i32
      %dma_start3A_148 = arith.constant 0 : i32
      %dma_start3A_149 = tpu.memref_slice %arg7[%dma_start3A_144, %dma_start3A_147, %dma_start3A_148] : memref<2x128x128xf32, #tpu.memory_space<vmem>> -> memref<1x128x128xf32, #tpu.memory_space<vmem>>
      %dma_start3A_150 = tpu.memref_squeeze %dma_start3A_149 : memref<1x128x128xf32, #tpu.memory_space<vmem>> -> memref<128x128xf32, #tpu.memory_space<vmem>>
      %dma_start3A_151 = arith.constant 0 : i32
      %dma_start3A_152 = tpu.memref_slice %arg6[%dma_start3A_145, %dma_start3A_146, %dma_start3A_151] : memref<4x2x128xi32, #tpu.memory_space<vmem>> -> memref<1x1x128xi32, #tpu.memory_space<vmem>>
      %dma_start3A_153 = tpu.memref_squeeze %dma_start3A_152 : memref<1x1x128xi32, #tpu.memory_space<vmem>> -> memref<128xi32, #tpu.memory_space<vmem>>
      %dma_start3A_154 = arith.constant 0 : i32
      %dma_start3A_155 = arith.constant 0 : i32
      %dma_start3A_156 = tpu.memref_slice %arg8[%dma_start3A_154, %dma_start3A_155] : memref<10112x128xf32, #tpu.memory_space<vmem_shared>> -> memref<10112x128xf32, #tpu.memory_space<vmem_shared>>
      tpu.enqueue_indirect_dma source(%dma_start3A_150 : memref<128x128xf32, #tpu.memory_space<vmem>>) target(%dma_start3A_156 : memref<10112x128xf32, #tpu.memory_space<vmem_shared>>) offsets(%dma_start3A_153 : memref<128xi32, #tpu.memory_space<vmem>>) semaphore(%arg12 : memref<!tpu.dma_semaphore, #tpu.memory_space<semaphore_mem>>) {add = true}
      %mul3A_157 = arith.constant 4 : i32
      %mul3A_158 = arith.muli %add3A_109, %mul3A_157 : i32
      %add3A_159 = arith.constant 1 : i32
      %add3A_160 = arith.addi %mul3A_158, %add3A_159 : i32
      %dma_wait3A_161 = arith.constant 1 : i32
      %dma_wait3A_162 = arith.constant 0 : i32
      %dma_wait3A_163 = arith.constant 0 : i32
      %dma_wait3A_164 = tpu.memref_slice %arg7[%dma_wait3A_161, %dma_wait3A_162, %dma_wait3A_163] : memref<2x128x128xf32, #tpu.memory_space<vmem>> -> memref<1x128x128xf32, #tpu.memory_space<vmem>>
      %dma_wait3A_165 = tpu.memref_squeeze %dma_wait3A_164 : memref<1x128x128xf32, #tpu.memory_space<vmem>> -> memref<128x128xf32, #tpu.memory_space<vmem>>
      %dma_wait3A_166 = arith.constant 0 : i32
      %dma_wait3A_167 = arith.constant 0 : i32
      %dma_wait3A_168 = tpu.memref_slice %arg2[%dma_wait3A_166, %dma_wait3A_167] : memref<10000x128xf32, #tpu.memory_space<hbm>> -> memref<128x128xf32, #tpu.memory_space<hbm>>
      %dma_wait3A_169 = arith.constant 0 : i32
      %dma_wait3A_170 = arith.constant 0 : i32
      %dma_wait3A_171 = tpu.memref_slice %arg7[%dma_wait3A_161, %dma_wait3A_169, %dma_wait3A_170] : memref<2x128x128xf32, #tpu.memory_space<vmem>> -> memref<1x128x128xf32, #tpu.memory_space<vmem>>
      %dma_wait3A_172 = tpu.memref_squeeze %dma_wait3A_171 : memref<1x128x128xf32, #tpu.memory_space<vmem>> -> memref<128x128xf32, #tpu.memory_space<vmem>>
      %dma_wait3A_173 = arith.constant 0 : i32
      %dma_wait3A_174 = arith.constant 0 : i32
      %dma_wait3A_175 = tpu.memref_slice %arg2[%dma_wait3A_173, %dma_wait3A_174] : memref<10000x128xf32, #tpu.memory_space<hbm>> -> memref<128x128xf32, #tpu.memory_space<hbm>>
      tpu.wait_dma2 semaphore(%arg11 : memref<!tpu.dma_semaphore, #tpu.memory_space<semaphore_mem>>) src(%dma_wait3A_175 : memref<128x128xf32, #tpu.memory_space<hbm>>) dst(%dma_wait3A_172 : memref<128x128xf32, #tpu.memory_space<vmem>>)
      %gt3A_176 = arith.constant 0 : i32
      %gt3A_177 = arith.cmpi sgt, %add3A_160, %gt3A_176 : i32
      %convert_element_type3A_178 = arith.extui %gt3A_177 : i1 to i32
      %cond3A_179 = arith.constant 0 : i32
      %cond3A_180 = arith.cmpi ne, %convert_element_type3A_178, %cond3A_179 : i32
      scf.if %cond3A_180 {
        %dma_wait3A_310 = arith.constant 0 : i32
        %dma_wait3A_311 = arith.constant 0 : i32
        %dma_wait3A_312 = arith.constant 0 : i32
        %dma_wait3A_313 = tpu.memref_slice %arg7[%dma_wait3A_310, %dma_wait3A_311, %dma_wait3A_312] : memref<2x128x128xf32, #tpu.memory_space<vmem>> -> memref<1x128x128xf32, #tpu.memory_space<vmem>>
        %dma_wait3A_314 = tpu.memref_squeeze %dma_wait3A_313 : memref<1x128x128xf32, #tpu.memory_space<vmem>> -> memref<128x128xf32, #tpu.memory_space<vmem>>
        %dma_wait3A_315 = arith.constant 0 : i32
        %dma_wait3A_316 = arith.constant 0 : i32
        %dma_wait3A_317 = tpu.memref_slice %arg8[%dma_wait3A_315, %dma_wait3A_316] : memref<10112x128xf32, #tpu.memory_space<vmem_shared>> -> memref<128x128xf32, #tpu.memory_space<vmem_shared>>
        %dma_wait3A_318 = arith.constant 0 : i32
        %dma_wait3A_319 = arith.constant 0 : i32
        %dma_wait3A_320 = tpu.memref_slice %arg8[%dma_wait3A_318, %dma_wait3A_319] : memref<10112x128xf32, #tpu.memory_space<vmem_shared>> -> memref<128x128xf32, #tpu.memory_space<vmem_shared>>
        %dma_wait3A_321 = arith.constant 0 : i32
        %dma_wait3A_322 = arith.constant 0 : i32
        %dma_wait3A_323 = tpu.memref_slice %arg7[%dma_wait3A_310, %dma_wait3A_321, %dma_wait3A_322] : memref<2x128x128xf32, #tpu.memory_space<vmem>> -> memref<1x128x128xf32, #tpu.memory_space<vmem>>
        %dma_wait3A_324 = tpu.memref_squeeze %dma_wait3A_323 : memref<1x128x128xf32, #tpu.memory_space<vmem>> -> memref<128x128xf32, #tpu.memory_space<vmem>>
        tpu.wait_dma2 semaphore(%arg12 : memref<!tpu.dma_semaphore, #tpu.memory_space<semaphore_mem>>) src(%dma_wait3A_324 : memref<128x128xf32, #tpu.memory_space<vmem>>) dst(%dma_wait3A_320 : memref<128x128xf32, #tpu.memory_space<vmem_shared>>)
      } else {
      }
      %add3A_181 = arith.constant 2 : i32
      %add3A_182 = arith.addi %add3A_160, %add3A_181 : i32
      %lt3A_183 = arith.constant 80 : i32
      %lt3A_184 = arith.cmpi slt, %add3A_182, %lt3A_183 : i32
      %convert_element_type3A_185 = arith.extui %lt3A_184 : i1 to i32
      %cond3A_186 = arith.constant 0 : i32
      %cond3A_187 = arith.cmpi ne, %convert_element_type3A_185, %cond3A_186 : i32
      scf.if %cond3A_187 {
        %add3A_310 = arith.addi %add3A_19, %add3A_160 : i32
        %add3A_311 = arith.constant 2 : i32
        %add3A_312 = arith.addi %add3A_310, %add3A_311 : i32
        %dma_start3A_313 = arith.constant 3 : i32
        %dma_start3A_314 = arith.constant 0 : i32
        %dma_start3A_315 = arith.constant 0 : i32
        %dma_start3A_316 = tpu.memref_slice %arg6[%dma_start3A_313, %dma_start3A_314, %dma_start3A_315] : memref<4x2x128xi32, #tpu.memory_space<vmem>> -> memref<1x2x128xi32, #tpu.memory_space<vmem>>
        %dma_start3A_317 = tpu.memref_squeeze %dma_start3A_316 : memref<1x2x128xi32, #tpu.memory_space<vmem>> -> memref<2x128xi32, #tpu.memory_space<vmem>>
        %dma_start3A_318 = arith.constant 0 : i32
        %dma_start3A_319 = arith.constant 0 : i32
        %dma_start3A_320 = tpu.memref_slice %arg3[%add3A_312, %dma_start3A_318, %dma_start3A_319] : memref<2560x2x128xi32, #tpu.memory_space<hbm>> -> memref<1x2x128xi32, #tpu.memory_space<hbm>>
        %dma_start3A_321 = tpu.memref_squeeze %dma_start3A_320 : memref<1x2x128xi32, #tpu.memory_space<hbm>> -> memref<2x128xi32, #tpu.memory_space<hbm>>
        %dma_start3A_322 = arith.constant 0 : i32
        %dma_start3A_323 = arith.constant 0 : i32
        %dma_start3A_324 = tpu.memref_slice %arg6[%dma_start3A_313, %dma_start3A_322, %dma_start3A_323] : memref<4x2x128xi32, #tpu.memory_space<vmem>> -> memref<1x2x128xi32, #tpu.memory_space<vmem>>
        %dma_start3A_325 = tpu.memref_squeeze %dma_start3A_324 : memref<1x2x128xi32, #tpu.memory_space<vmem>> -> memref<2x128xi32, #tpu.memory_space<vmem>>
        %dma_start3A_326 = arith.constant 0 : i32
        %dma_start3A_327 = arith.constant 0 : i32
        %dma_start3A_328 = tpu.memref_slice %arg3[%add3A_312, %dma_start3A_326, %dma_start3A_327] : memref<2560x2x128xi32, #tpu.memory_space<hbm>> -> memref<1x2x128xi32, #tpu.memory_space<hbm>>
        %dma_start3A_329 = tpu.memref_squeeze %dma_start3A_328 : memref<1x2x128xi32, #tpu.memory_space<hbm>> -> memref<2x128xi32, #tpu.memory_space<hbm>>
        tpu.enqueue_dma source(%dma_start3A_329 : memref<2x128xi32, #tpu.memory_space<hbm>>) target(%dma_start3A_325 : memref<2x128xi32, #tpu.memory_space<vmem>>) target_semaphore(%arg10 : memref<!tpu.dma_semaphore, #tpu.memory_space<semaphore_mem>>)
      } else {
      }
      %add3A_188 = arith.constant 1 : i32
      %add3A_189 = arith.addi %add3A_160, %add3A_188 : i32
      %lt3A_190 = arith.constant 80 : i32
      %lt3A_191 = arith.cmpi slt, %add3A_189, %lt3A_190 : i32
      %convert_element_type3A_192 = arith.extui %lt3A_191 : i1 to i32
      %cond3A_193 = arith.constant 0 : i32
      %cond3A_194 = arith.cmpi ne, %convert_element_type3A_192, %cond3A_193 : i32
      scf.if %cond3A_194 {
        %dma_wait3A_310 = arith.constant 0 : i32
        %dma_wait3A_311 = arith.constant 2 : i32
        %dma_wait3A_312 = arith.constant 0 : i32
        %dma_wait3A_313 = arith.constant 0 : i32
        %dma_wait3A_314 = tpu.memref_slice %arg6[%dma_wait3A_311, %dma_wait3A_312, %dma_wait3A_313] : memref<4x2x128xi32, #tpu.memory_space<vmem>> -> memref<1x2x128xi32, #tpu.memory_space<vmem>>
        %dma_wait3A_315 = tpu.memref_squeeze %dma_wait3A_314 : memref<1x2x128xi32, #tpu.memory_space<vmem>> -> memref<2x128xi32, #tpu.memory_space<vmem>>
        %dma_wait3A_316 = arith.constant 0 : i32
        %dma_wait3A_317 = arith.constant 0 : i32
        %dma_wait3A_318 = tpu.memref_slice %arg3[%dma_wait3A_310, %dma_wait3A_316, %dma_wait3A_317] : memref<2560x2x128xi32, #tpu.memory_space<hbm>> -> memref<1x2x128xi32, #tpu.memory_space<hbm>>
        %dma_wait3A_319 = tpu.memref_squeeze %dma_wait3A_318 : memref<1x2x128xi32, #tpu.memory_space<hbm>> -> memref<2x128xi32, #tpu.memory_space<hbm>>
        %dma_wait3A_320 = arith.constant 0 : i32
        %dma_wait3A_321 = arith.constant 0 : i32
        %dma_wait3A_322 = tpu.memref_slice %arg6[%dma_wait3A_311, %dma_wait3A_320, %dma_wait3A_321] : memref<4x2x128xi32, #tpu.memory_space<vmem>> -> memref<1x2x128xi32, #tpu.memory_space<vmem>>
        %dma_wait3A_323 = tpu.memref_squeeze %dma_wait3A_322 : memref<1x2x128xi32, #tpu.memory_space<vmem>> -> memref<2x128xi32, #tpu.memory_space<vmem>>
        %dma_wait3A_324 = arith.constant 0 : i32
        %dma_wait3A_325 = arith.constant 0 : i32
        %dma_wait3A_326 = tpu.memref_slice %arg3[%dma_wait3A_310, %dma_wait3A_324, %dma_wait3A_325] : memref<2560x2x128xi32, #tpu.memory_space<hbm>> -> memref<1x2x128xi32, #tpu.memory_space<hbm>>
        %dma_wait3A_327 = tpu.memref_squeeze %dma_wait3A_326 : memref<1x2x128xi32, #tpu.memory_space<hbm>> -> memref<2x128xi32, #tpu.memory_space<hbm>>
        tpu.wait_dma2 semaphore(%arg9 : memref<!tpu.dma_semaphore, #tpu.memory_space<semaphore_mem>>) src(%dma_wait3A_327 : memref<2x128xi32, #tpu.memory_space<hbm>>) dst(%dma_wait3A_323 : memref<2x128xi32, #tpu.memory_space<vmem>>)
        %dma_start3A_328 = arith.constant 2 : i32
        %dma_start3A_329 = arith.constant 0 : i32
        %dma_start3A_330 = arith.constant 0 : i32
        %dma_start3A_331 = arith.constant 0 : i32
        %dma_start3A_332 = arith.constant 0 : i32
        %dma_start3A_333 = tpu.memref_slice %arg7[%dma_start3A_330, %dma_start3A_331, %dma_start3A_332] : memref<2x128x128xf32, #tpu.memory_space<vmem>> -> memref<1x128x128xf32, #tpu.memory_space<vmem>>
        %dma_start3A_334 = tpu.memref_squeeze %dma_start3A_333 : memref<1x128x128xf32, #tpu.memory_space<vmem>> -> memref<128x128xf32, #tpu.memory_space<vmem>>
        %dma_start3A_335 = arith.constant 0 : i32
        %dma_start3A_336 = tpu.memref_slice %arg6[%dma_start3A_328, %dma_start3A_329, %dma_start3A_335] : memref<4x2x128xi32, #tpu.memory_space<vmem>> -> memref<1x1x128xi32, #tpu.memory_space<vmem>>
        %dma_start3A_337 = tpu.memref_squeeze %dma_start3A_336 : memref<1x1x128xi32, #tpu.memory_space<vmem>> -> memref<128xi32, #tpu.memory_space<vmem>>
        %dma_start3A_338 = arith.constant 0 : i32
        %dma_start3A_339 = arith.constant 0 : i32
        %dma_start3A_340 = tpu.memref_slice %arg2[%dma_start3A_338, %dma_start3A_339] : memref<10000x128xf32, #tpu.memory_space<hbm>> -> memref<10000x128xf32, #tpu.memory_space<hbm>>
        tpu.enqueue_indirect_dma source(%dma_start3A_340 : memref<10000x128xf32, #tpu.memory_space<hbm>>) target(%dma_start3A_334 : memref<128x128xf32, #tpu.memory_space<vmem>>) offsets(%dma_start3A_337 : memref<128xi32, #tpu.memory_space<vmem>>) semaphore(%arg11 : memref<!tpu.dma_semaphore, #tpu.memory_space<semaphore_mem>>)
      } else {
      }
      %dma_start3A_195 = arith.constant 1 : i32
      %dma_start3A_196 = arith.constant 1 : i32
      %dma_start3A_197 = arith.constant 1 : i32
      %dma_start3A_198 = arith.constant 0 : i32
      %dma_start3A_199 = arith.constant 0 : i32
      %dma_start3A_200 = tpu.memref_slice %arg7[%dma_start3A_195, %dma_start3A_198, %dma_start3A_199] : memref<2x128x128xf32, #tpu.memory_space<vmem>> -> memref<1x128x128xf32, #tpu.memory_space<vmem>>
      %dma_start3A_201 = tpu.memref_squeeze %dma_start3A_200 : memref<1x128x128xf32, #tpu.memory_space<vmem>> -> memref<128x128xf32, #tpu.memory_space<vmem>>
      %dma_start3A_202 = arith.constant 0 : i32
      %dma_start3A_203 = tpu.memref_slice %arg6[%dma_start3A_196, %dma_start3A_197, %dma_start3A_202] : memref<4x2x128xi32, #tpu.memory_space<vmem>> -> memref<1x1x128xi32, #tpu.memory_space<vmem>>
      %dma_start3A_204 = tpu.memref_squeeze %dma_start3A_203 : memref<1x1x128xi32, #tpu.memory_space<vmem>> -> memref<128xi32, #tpu.memory_space<vmem>>
      %dma_start3A_205 = arith.constant 0 : i32
      %dma_start3A_206 = arith.constant 0 : i32
      %dma_start3A_207 = tpu.memref_slice %arg8[%dma_start3A_205, %dma_start3A_206] : memref<10112x128xf32, #tpu.memory_space<vmem_shared>> -> memref<10112x128xf32, #tpu.memory_space<vmem_shared>>
      tpu.enqueue_indirect_dma source(%dma_start3A_201 : memref<128x128xf32, #tpu.memory_space<vmem>>) target(%dma_start3A_207 : memref<10112x128xf32, #tpu.memory_space<vmem_shared>>) offsets(%dma_start3A_204 : memref<128xi32, #tpu.memory_space<vmem>>) semaphore(%arg13 : memref<!tpu.dma_semaphore, #tpu.memory_space<semaphore_mem>>) {add = true}
      %mul3A_208 = arith.constant 4 : i32
      %mul3A_209 = arith.muli %add3A_109, %mul3A_208 : i32
      %add3A_210 = arith.constant 2 : i32
      %add3A_211 = arith.addi %mul3A_209, %add3A_210 : i32
      %dma_wait3A_212 = arith.constant 0 : i32
      %dma_wait3A_213 = arith.constant 0 : i32
      %dma_wait3A_214 = arith.constant 0 : i32
      %dma_wait3A_215 = tpu.memref_slice %arg7[%dma_wait3A_212, %dma_wait3A_213, %dma_wait3A_214] : memref<2x128x128xf32, #tpu.memory_space<vmem>> -> memref<1x128x128xf32, #tpu.memory_space<vmem>>
      %dma_wait3A_216 = tpu.memref_squeeze %dma_wait3A_215 : memref<1x128x128xf32, #tpu.memory_space<vmem>> -> memref<128x128xf32, #tpu.memory_space<vmem>>
      %dma_wait3A_217 = arith.constant 0 : i32
      %dma_wait3A_218 = arith.constant 0 : i32
      %dma_wait3A_219 = tpu.memref_slice %arg2[%dma_wait3A_217, %dma_wait3A_218] : memref<10000x128xf32, #tpu.memory_space<hbm>> -> memref<128x128xf32, #tpu.memory_space<hbm>>
      %dma_wait3A_220 = arith.constant 0 : i32
      %dma_wait3A_221 = arith.constant 0 : i32
      %dma_wait3A_222 = tpu.memref_slice %arg7[%dma_wait3A_212, %dma_wait3A_220, %dma_wait3A_221] : memref<2x128x128xf32, #tpu.memory_space<vmem>> -> memref<1x128x128xf32, #tpu.memory_space<vmem>>
      %dma_wait3A_223 = tpu.memref_squeeze %dma_wait3A_222 : memref<1x128x128xf32, #tpu.memory_space<vmem>> -> memref<128x128xf32, #tpu.memory_space<vmem>>
      %dma_wait3A_224 = arith.constant 0 : i32
      %dma_wait3A_225 = arith.constant 0 : i32
      %dma_wait3A_226 = tpu.memref_slice %arg2[%dma_wait3A_224, %dma_wait3A_225] : memref<10000x128xf32, #tpu.memory_space<hbm>> -> memref<128x128xf32, #tpu.memory_space<hbm>>
      tpu.wait_dma2 semaphore(%arg11 : memref<!tpu.dma_semaphore, #tpu.memory_space<semaphore_mem>>) src(%dma_wait3A_226 : memref<128x128xf32, #tpu.memory_space<hbm>>) dst(%dma_wait3A_223 : memref<128x128xf32, #tpu.memory_space<vmem>>)
      %gt3A_227 = arith.constant 0 : i32
      %gt3A_228 = arith.cmpi sgt, %add3A_211, %gt3A_227 : i32
      %convert_element_type3A_229 = arith.extui %gt3A_228 : i1 to i32
      %cond3A_230 = arith.constant 0 : i32
      %cond3A_231 = arith.cmpi ne, %convert_element_type3A_229, %cond3A_230 : i32
      scf.if %cond3A_231 {
        %dma_wait3A_310 = arith.constant 1 : i32
        %dma_wait3A_311 = arith.constant 0 : i32
        %dma_wait3A_312 = arith.constant 0 : i32
        %dma_wait3A_313 = tpu.memref_slice %arg7[%dma_wait3A_310, %dma_wait3A_311, %dma_wait3A_312] : memref<2x128x128xf32, #tpu.memory_space<vmem>> -> memref<1x128x128xf32, #tpu.memory_space<vmem>>
        %dma_wait3A_314 = tpu.memref_squeeze %dma_wait3A_313 : memref<1x128x128xf32, #tpu.memory_space<vmem>> -> memref<128x128xf32, #tpu.memory_space<vmem>>
        %dma_wait3A_315 = arith.constant 0 : i32
        %dma_wait3A_316 = arith.constant 0 : i32
        %dma_wait3A_317 = tpu.memref_slice %arg8[%dma_wait3A_315, %dma_wait3A_316] : memref<10112x128xf32, #tpu.memory_space<vmem_shared>> -> memref<128x128xf32, #tpu.memory_space<vmem_shared>>
        %dma_wait3A_318 = arith.constant 0 : i32
        %dma_wait3A_319 = arith.constant 0 : i32
        %dma_wait3A_320 = tpu.memref_slice %arg8[%dma_wait3A_318, %dma_wait3A_319] : memref<10112x128xf32, #tpu.memory_space<vmem_shared>> -> memref<128x128xf32, #tpu.memory_space<vmem_shared>>
        %dma_wait3A_321 = arith.constant 0 : i32
        %dma_wait3A_322 = arith.constant 0 : i32
        %dma_wait3A_323 = tpu.memref_slice %arg7[%dma_wait3A_310, %dma_wait3A_321, %dma_wait3A_322] : memref<2x128x128xf32, #tpu.memory_space<vmem>> -> memref<1x128x128xf32, #tpu.memory_space<vmem>>
        %dma_wait3A_324 = tpu.memref_squeeze %dma_wait3A_323 : memref<1x128x128xf32, #tpu.memory_space<vmem>> -> memref<128x128xf32, #tpu.memory_space<vmem>>
        tpu.wait_dma2 semaphore(%arg13 : memref<!tpu.dma_semaphore, #tpu.memory_space<semaphore_mem>>) src(%dma_wait3A_324 : memref<128x128xf32, #tpu.memory_space<vmem>>) dst(%dma_wait3A_320 : memref<128x128xf32, #tpu.memory_space<vmem_shared>>)
      } else {
      }
      %add3A_232 = arith.constant 2 : i32
      %add3A_233 = arith.addi %add3A_211, %add3A_232 : i32
      %lt3A_234 = arith.constant 80 : i32
      %lt3A_235 = arith.cmpi slt, %add3A_233, %lt3A_234 : i32
      %convert_element_type3A_236 = arith.extui %lt3A_235 : i1 to i32
      %cond3A_237 = arith.constant 0 : i32
      %cond3A_238 = arith.cmpi ne, %convert_element_type3A_236, %cond3A_237 : i32
      scf.if %cond3A_238 {
        %add3A_310 = arith.addi %add3A_19, %add3A_211 : i32
        %add3A_311 = arith.constant 2 : i32
        %add3A_312 = arith.addi %add3A_310, %add3A_311 : i32
        %dma_start3A_313 = arith.constant 0 : i32
        %dma_start3A_314 = arith.constant 0 : i32
        %dma_start3A_315 = arith.constant 0 : i32
        %dma_start3A_316 = tpu.memref_slice %arg6[%dma_start3A_313, %dma_start3A_314, %dma_start3A_315] : memref<4x2x128xi32, #tpu.memory_space<vmem>> -> memref<1x2x128xi32, #tpu.memory_space<vmem>>
        %dma_start3A_317 = tpu.memref_squeeze %dma_start3A_316 : memref<1x2x128xi32, #tpu.memory_space<vmem>> -> memref<2x128xi32, #tpu.memory_space<vmem>>
        %dma_start3A_318 = arith.constant 0 : i32
        %dma_start3A_319 = arith.constant 0 : i32
        %dma_start3A_320 = tpu.memref_slice %arg3[%add3A_312, %dma_start3A_318, %dma_start3A_319] : memref<2560x2x128xi32, #tpu.memory_space<hbm>> -> memref<1x2x128xi32, #tpu.memory_space<hbm>>
        %dma_start3A_321 = tpu.memref_squeeze %dma_start3A_320 : memref<1x2x128xi32, #tpu.memory_space<hbm>> -> memref<2x128xi32, #tpu.memory_space<hbm>>
        %dma_start3A_322 = arith.constant 0 : i32
        %dma_start3A_323 = arith.constant 0 : i32
        %dma_start3A_324 = tpu.memref_slice %arg6[%dma_start3A_313, %dma_start3A_322, %dma_start3A_323] : memref<4x2x128xi32, #tpu.memory_space<vmem>> -> memref<1x2x128xi32, #tpu.memory_space<vmem>>
        %dma_start3A_325 = tpu.memref_squeeze %dma_start3A_324 : memref<1x2x128xi32, #tpu.memory_space<vmem>> -> memref<2x128xi32, #tpu.memory_space<vmem>>
        %dma_start3A_326 = arith.constant 0 : i32
        %dma_start3A_327 = arith.constant 0 : i32
        %dma_start3A_328 = tpu.memref_slice %arg3[%add3A_312, %dma_start3A_326, %dma_start3A_327] : memref<2560x2x128xi32, #tpu.memory_space<hbm>> -> memref<1x2x128xi32, #tpu.memory_space<hbm>>
        %dma_start3A_329 = tpu.memref_squeeze %dma_start3A_328 : memref<1x2x128xi32, #tpu.memory_space<hbm>> -> memref<2x128xi32, #tpu.memory_space<hbm>>
        tpu.enqueue_dma source(%dma_start3A_329 : memref<2x128xi32, #tpu.memory_space<hbm>>) target(%dma_start3A_325 : memref<2x128xi32, #tpu.memory_space<vmem>>) target_semaphore(%arg9 : memref<!tpu.dma_semaphore, #tpu.memory_space<semaphore_mem>>)
      } else {
      }
      %add3A_239 = arith.constant 1 : i32
      %add3A_240 = arith.addi %add3A_211, %add3A_239 : i32
      %lt3A_241 = arith.constant 80 : i32
      %lt3A_242 = arith.cmpi slt, %add3A_240, %lt3A_241 : i32
      %convert_element_type3A_243 = arith.extui %lt3A_242 : i1 to i32
      %cond3A_244 = arith.constant 0 : i32
      %cond3A_245 = arith.cmpi ne, %convert_element_type3A_243, %cond3A_244 : i32
      scf.if %cond3A_245 {
        %dma_wait3A_310 = arith.constant 0 : i32
        %dma_wait3A_311 = arith.constant 3 : i32
        %dma_wait3A_312 = arith.constant 0 : i32
        %dma_wait3A_313 = arith.constant 0 : i32
        %dma_wait3A_314 = tpu.memref_slice %arg6[%dma_wait3A_311, %dma_wait3A_312, %dma_wait3A_313] : memref<4x2x128xi32, #tpu.memory_space<vmem>> -> memref<1x2x128xi32, #tpu.memory_space<vmem>>
        %dma_wait3A_315 = tpu.memref_squeeze %dma_wait3A_314 : memref<1x2x128xi32, #tpu.memory_space<vmem>> -> memref<2x128xi32, #tpu.memory_space<vmem>>
        %dma_wait3A_316 = arith.constant 0 : i32
        %dma_wait3A_317 = arith.constant 0 : i32
        %dma_wait3A_318 = tpu.memref_slice %arg3[%dma_wait3A_310, %dma_wait3A_316, %dma_wait3A_317] : memref<2560x2x128xi32, #tpu.memory_space<hbm>> -> memref<1x2x128xi32, #tpu.memory_space<hbm>>
        %dma_wait3A_319 = tpu.memref_squeeze %dma_wait3A_318 : memref<1x2x128xi32, #tpu.memory_space<hbm>> -> memref<2x128xi32, #tpu.memory_space<hbm>>
        %dma_wait3A_320 = arith.constant 0 : i32
        %dma_wait3A_321 = arith.constant 0 : i32
        %dma_wait3A_322 = tpu.memref_slice %arg6[%dma_wait3A_311, %dma_wait3A_320, %dma_wait3A_321] : memref<4x2x128xi32, #tpu.memory_space<vmem>> -> memref<1x2x128xi32, #tpu.memory_space<vmem>>
        %dma_wait3A_323 = tpu.memref_squeeze %dma_wait3A_322 : memref<1x2x128xi32, #tpu.memory_space<vmem>> -> memref<2x128xi32, #tpu.memory_space<vmem>>
        %dma_wait3A_324 = arith.constant 0 : i32
        %dma_wait3A_325 = arith.constant 0 : i32
        %dma_wait3A_326 = tpu.memref_slice %arg3[%dma_wait3A_310, %dma_wait3A_324, %dma_wait3A_325] : memref<2560x2x128xi32, #tpu.memory_space<hbm>> -> memref<1x2x128xi32, #tpu.memory_space<hbm>>
        %dma_wait3A_327 = tpu.memref_squeeze %dma_wait3A_326 : memref<1x2x128xi32, #tpu.memory_space<hbm>> -> memref<2x128xi32, #tpu.memory_space<hbm>>
        tpu.wait_dma2 semaphore(%arg10 : memref<!tpu.dma_semaphore, #tpu.memory_space<semaphore_mem>>) src(%dma_wait3A_327 : memref<2x128xi32, #tpu.memory_space<hbm>>) dst(%dma_wait3A_323 : memref<2x128xi32, #tpu.memory_space<vmem>>)
        %dma_start3A_328 = arith.constant 3 : i32
        %dma_start3A_329 = arith.constant 0 : i32
        %dma_start3A_330 = arith.constant 1 : i32
        %dma_start3A_331 = arith.constant 0 : i32
        %dma_start3A_332 = arith.constant 0 : i32
        %dma_start3A_333 = tpu.memref_slice %arg7[%dma_start3A_330, %dma_start3A_331, %dma_start3A_332] : memref<2x128x128xf32, #tpu.memory_space<vmem>> -> memref<1x128x128xf32, #tpu.memory_space<vmem>>
        %dma_start3A_334 = tpu.memref_squeeze %dma_start3A_333 : memref<1x128x128xf32, #tpu.memory_space<vmem>> -> memref<128x128xf32, #tpu.memory_space<vmem>>
        %dma_start3A_335 = arith.constant 0 : i32
        %dma_start3A_336 = tpu.memref_slice %arg6[%dma_start3A_328, %dma_start3A_329, %dma_start3A_335] : memref<4x2x128xi32, #tpu.memory_space<vmem>> -> memref<1x1x128xi32, #tpu.memory_space<vmem>>
        %dma_start3A_337 = tpu.memref_squeeze %dma_start3A_336 : memref<1x1x128xi32, #tpu.memory_space<vmem>> -> memref<128xi32, #tpu.memory_space<vmem>>
        %dma_start3A_338 = arith.constant 0 : i32
        %dma_start3A_339 = arith.constant 0 : i32
        %dma_start3A_340 = tpu.memref_slice %arg2[%dma_start3A_338, %dma_start3A_339] : memref<10000x128xf32, #tpu.memory_space<hbm>> -> memref<10000x128xf32, #tpu.memory_space<hbm>>
        tpu.enqueue_indirect_dma source(%dma_start3A_340 : memref<10000x128xf32, #tpu.memory_space<hbm>>) target(%dma_start3A_334 : memref<128x128xf32, #tpu.memory_space<vmem>>) offsets(%dma_start3A_337 : memref<128xi32, #tpu.memory_space<vmem>>) semaphore(%arg11 : memref<!tpu.dma_semaphore, #tpu.memory_space<semaphore_mem>>)
      } else {
      }
      %dma_start3A_246 = arith.constant 0 : i32
      %dma_start3A_247 = arith.constant 2 : i32
      %dma_start3A_248 = arith.constant 1 : i32
      %dma_start3A_249 = arith.constant 0 : i32
      %dma_start3A_250 = arith.constant 0 : i32
      %dma_start3A_251 = tpu.memref_slice %arg7[%dma_start3A_246, %dma_start3A_249, %dma_start3A_250] : memref<2x128x128xf32, #tpu.memory_space<vmem>> -> memref<1x128x128xf32, #tpu.memory_space<vmem>>
      %dma_start3A_252 = tpu.memref_squeeze %dma_start3A_251 : memref<1x128x128xf32, #tpu.memory_space<vmem>> -> memref<128x128xf32, #tpu.memory_space<vmem>>
      %dma_start3A_253 = arith.constant 0 : i32
      %dma_start3A_254 = tpu.memref_slice %arg6[%dma_start3A_247, %dma_start3A_248, %dma_start3A_253] : memref<4x2x128xi32, #tpu.memory_space<vmem>> -> memref<1x1x128xi32, #tpu.memory_space<vmem>>
      %dma_start3A_255 = tpu.memref_squeeze %dma_start3A_254 : memref<1x1x128xi32, #tpu.memory_space<vmem>> -> memref<128xi32, #tpu.memory_space<vmem>>
      %dma_start3A_256 = arith.constant 0 : i32
      %dma_start3A_257 = arith.constant 0 : i32
      %dma_start3A_258 = tpu.memref_slice %arg8[%dma_start3A_256, %dma_start3A_257] : memref<10112x128xf32, #tpu.memory_space<vmem_shared>> -> memref<10112x128xf32, #tpu.memory_space<vmem_shared>>
      tpu.enqueue_indirect_dma source(%dma_start3A_252 : memref<128x128xf32, #tpu.memory_space<vmem>>) target(%dma_start3A_258 : memref<10112x128xf32, #tpu.memory_space<vmem_shared>>) offsets(%dma_start3A_255 : memref<128xi32, #tpu.memory_space<vmem>>) semaphore(%arg12 : memref<!tpu.dma_semaphore, #tpu.memory_space<semaphore_mem>>) {add = true}
      %mul3A_259 = arith.constant 4 : i32
      %mul3A_260 = arith.muli %add3A_109, %mul3A_259 : i32
      %add3A_261 = arith.constant 3 : i32
      %add3A_262 = arith.addi %mul3A_260, %add3A_261 : i32
      %dma_wait3A_263 = arith.constant 1 : i32
      %dma_wait3A_264 = arith.constant 0 : i32
      %dma_wait3A_265 = arith.constant 0 : i32
      %dma_wait3A_266 = tpu.memref_slice %arg7[%dma_wait3A_263, %dma_wait3A_264, %dma_wait3A_265] : memref<2x128x128xf32, #tpu.memory_space<vmem>> -> memref<1x128x128xf32, #tpu.memory_space<vmem>>
      %dma_wait3A_267 = tpu.memref_squeeze %dma_wait3A_266 : memref<1x128x128xf32, #tpu.memory_space<vmem>> -> memref<128x128xf32, #tpu.memory_space<vmem>>
      %dma_wait3A_268 = arith.constant 0 : i32
      %dma_wait3A_269 = arith.constant 0 : i32
      %dma_wait3A_270 = tpu.memref_slice %arg2[%dma_wait3A_268, %dma_wait3A_269] : memref<10000x128xf32, #tpu.memory_space<hbm>> -> memref<128x128xf32, #tpu.memory_space<hbm>>
      %dma_wait3A_271 = arith.constant 0 : i32
      %dma_wait3A_272 = arith.constant 0 : i32
      %dma_wait3A_273 = tpu.memref_slice %arg7[%dma_wait3A_263, %dma_wait3A_271, %dma_wait3A_272] : memref<2x128x128xf32, #tpu.memory_space<vmem>> -> memref<1x128x128xf32, #tpu.memory_space<vmem>>
      %dma_wait3A_274 = tpu.memref_squeeze %dma_wait3A_273 : memref<1x128x128xf32, #tpu.memory_space<vmem>> -> memref<128x128xf32, #tpu.memory_space<vmem>>
      %dma_wait3A_275 = arith.constant 0 : i32
      %dma_wait3A_276 = arith.constant 0 : i32
      %dma_wait3A_277 = tpu.memref_slice %arg2[%dma_wait3A_275, %dma_wait3A_276] : memref<10000x128xf32, #tpu.memory_space<hbm>> -> memref<128x128xf32, #tpu.memory_space<hbm>>
      tpu.wait_dma2 semaphore(%arg11 : memref<!tpu.dma_semaphore, #tpu.memory_space<semaphore_mem>>) src(%dma_wait3A_277 : memref<128x128xf32, #tpu.memory_space<hbm>>) dst(%dma_wait3A_274 : memref<128x128xf32, #tpu.memory_space<vmem>>)
      %gt3A_278 = arith.constant 0 : i32
      %gt3A_279 = arith.cmpi sgt, %add3A_262, %gt3A_278 : i32
      %convert_element_type3A_280 = arith.extui %gt3A_279 : i1 to i32
      %cond3A_281 = arith.constant 0 : i32
      %cond3A_282 = arith.cmpi ne, %convert_element_type3A_280, %cond3A_281 : i32
      scf.if %cond3A_282 {
        %dma_wait3A_310 = arith.constant 0 : i32
        %dma_wait3A_311 = arith.constant 0 : i32
        %dma_wait3A_312 = arith.constant 0 : i32
        %dma_wait3A_313 = tpu.memref_slice %arg7[%dma_wait3A_310, %dma_wait3A_311, %dma_wait3A_312] : memref<2x128x128xf32, #tpu.memory_space<vmem>> -> memref<1x128x128xf32, #tpu.memory_space<vmem>>
        %dma_wait3A_314 = tpu.memref_squeeze %dma_wait3A_313 : memref<1x128x128xf32, #tpu.memory_space<vmem>> -> memref<128x128xf32, #tpu.memory_space<vmem>>
        %dma_wait3A_315 = arith.constant 0 : i32
        %dma_wait3A_316 = arith.constant 0 : i32
        %dma_wait3A_317 = tpu.memref_slice %arg8[%dma_wait3A_315, %dma_wait3A_316] : memref<10112x128xf32, #tpu.memory_space<vmem_shared>> -> memref<128x128xf32, #tpu.memory_space<vmem_shared>>
        %dma_wait3A_318 = arith.constant 0 : i32
        %dma_wait3A_319 = arith.constant 0 : i32
        %dma_wait3A_320 = tpu.memref_slice %arg8[%dma_wait3A_318, %dma_wait3A_319] : memref<10112x128xf32, #tpu.memory_space<vmem_shared>> -> memref<128x128xf32, #tpu.memory_space<vmem_shared>>
        %dma_wait3A_321 = arith.constant 0 : i32
        %dma_wait3A_322 = arith.constant 0 : i32
        %dma_wait3A_323 = tpu.memref_slice %arg7[%dma_wait3A_310, %dma_wait3A_321, %dma_wait3A_322] : memref<2x128x128xf32, #tpu.memory_space<vmem>> -> memref<1x128x128xf32, #tpu.memory_space<vmem>>
        %dma_wait3A_324 = tpu.memref_squeeze %dma_wait3A_323 : memref<1x128x128xf32, #tpu.memory_space<vmem>> -> memref<128x128xf32, #tpu.memory_space<vmem>>
        tpu.wait_dma2 semaphore(%arg12 : memref<!tpu.dma_semaphore, #tpu.memory_space<semaphore_mem>>) src(%dma_wait3A_324 : memref<128x128xf32, #tpu.memory_space<vmem>>) dst(%dma_wait3A_320 : memref<128x128xf32, #tpu.memory_space<vmem_shared>>)
      } else {
      }
      %add3A_283 = arith.constant 2 : i32
      %add3A_284 = arith.addi %add3A_262, %add3A_283 : i32
      %lt3A_285 = arith.constant 80 : i32
      %lt3A_286 = arith.cmpi slt, %add3A_284, %lt3A_285 : i32
      %convert_element_type3A_287 = arith.extui %lt3A_286 : i1 to i32
      %cond3A_288 = arith.constant 0 : i32
      %cond3A_289 = arith.cmpi ne, %convert_element_type3A_287, %cond3A_288 : i32
      scf.if %cond3A_289 {
        %add3A_310 = arith.addi %add3A_19, %add3A_262 : i32
        %add3A_311 = arith.constant 2 : i32
        %add3A_312 = arith.addi %add3A_310, %add3A_311 : i32
        %dma_start3A_313 = arith.constant 1 : i32
        %dma_start3A_314 = arith.constant 0 : i32
        %dma_start3A_315 = arith.constant 0 : i32
        %dma_start3A_316 = tpu.memref_slice %arg6[%dma_start3A_313, %dma_start3A_314, %dma_start3A_315] : memref<4x2x128xi32, #tpu.memory_space<vmem>> -> memref<1x2x128xi32, #tpu.memory_space<vmem>>
        %dma_start3A_317 = tpu.memref_squeeze %dma_start3A_316 : memref<1x2x128xi32, #tpu.memory_space<vmem>> -> memref<2x128xi32, #tpu.memory_space<vmem>>
        %dma_start3A_318 = arith.constant 0 : i32
        %dma_start3A_319 = arith.constant 0 : i32
        %dma_start3A_320 = tpu.memref_slice %arg3[%add3A_312, %dma_start3A_318, %dma_start3A_319] : memref<2560x2x128xi32, #tpu.memory_space<hbm>> -> memref<1x2x128xi32, #tpu.memory_space<hbm>>
        %dma_start3A_321 = tpu.memref_squeeze %dma_start3A_320 : memref<1x2x128xi32, #tpu.memory_space<hbm>> -> memref<2x128xi32, #tpu.memory_space<hbm>>
        %dma_start3A_322 = arith.constant 0 : i32
        %dma_start3A_323 = arith.constant 0 : i32
        %dma_start3A_324 = tpu.memref_slice %arg6[%dma_start3A_313, %dma_start3A_322, %dma_start3A_323] : memref<4x2x128xi32, #tpu.memory_space<vmem>> -> memref<1x2x128xi32, #tpu.memory_space<vmem>>
        %dma_start3A_325 = tpu.memref_squeeze %dma_start3A_324 : memref<1x2x128xi32, #tpu.memory_space<vmem>> -> memref<2x128xi32, #tpu.memory_space<vmem>>
        %dma_start3A_326 = arith.constant 0 : i32
        %dma_start3A_327 = arith.constant 0 : i32
        %dma_start3A_328 = tpu.memref_slice %arg3[%add3A_312, %dma_start3A_326, %dma_start3A_327] : memref<2560x2x128xi32, #tpu.memory_space<hbm>> -> memref<1x2x128xi32, #tpu.memory_space<hbm>>
        %dma_start3A_329 = tpu.memref_squeeze %dma_start3A_328 : memref<1x2x128xi32, #tpu.memory_space<hbm>> -> memref<2x128xi32, #tpu.memory_space<hbm>>
        tpu.enqueue_dma source(%dma_start3A_329 : memref<2x128xi32, #tpu.memory_space<hbm>>) target(%dma_start3A_325 : memref<2x128xi32, #tpu.memory_space<vmem>>) target_semaphore(%arg10 : memref<!tpu.dma_semaphore, #tpu.memory_space<semaphore_mem>>)
      } else {
      }
      %add3A_290 = arith.constant 1 : i32
      %add3A_291 = arith.addi %add3A_262, %add3A_290 : i32
      %lt3A_292 = arith.constant 80 : i32
      %lt3A_293 = arith.cmpi slt, %add3A_291, %lt3A_292 : i32
      %convert_element_type3A_294 = arith.extui %lt3A_293 : i1 to i32
      %cond3A_295 = arith.constant 0 : i32
      %cond3A_296 = arith.cmpi ne, %convert_element_type3A_294, %cond3A_295 : i32
      scf.if %cond3A_296 {
        %dma_wait3A_310 = arith.constant 0 : i32
        %dma_wait3A_311 = arith.constant 0 : i32
        %dma_wait3A_312 = arith.constant 0 : i32
        %dma_wait3A_313 = arith.constant 0 : i32
        %dma_wait3A_314 = tpu.memref_slice %arg6[%dma_wait3A_311, %dma_wait3A_312, %dma_wait3A_313] : memref<4x2x128xi32, #tpu.memory_space<vmem>> -> memref<1x2x128xi32, #tpu.memory_space<vmem>>
        %dma_wait3A_315 = tpu.memref_squeeze %dma_wait3A_314 : memref<1x2x128xi32, #tpu.memory_space<vmem>> -> memref<2x128xi32, #tpu.memory_space<vmem>>
        %dma_wait3A_316 = arith.constant 0 : i32
        %dma_wait3A_317 = arith.constant 0 : i32
        %dma_wait3A_318 = tpu.memref_slice %arg3[%dma_wait3A_310, %dma_wait3A_316, %dma_wait3A_317] : memref<2560x2x128xi32, #tpu.memory_space<hbm>> -> memref<1x2x128xi32, #tpu.memory_space<hbm>>
        %dma_wait3A_319 = tpu.memref_squeeze %dma_wait3A_318 : memref<1x2x128xi32, #tpu.memory_space<hbm>> -> memref<2x128xi32, #tpu.memory_space<hbm>>
        %dma_wait3A_320 = arith.constant 0 : i32
        %dma_wait3A_321 = arith.constant 0 : i32
        %dma_wait3A_322 = tpu.memref_slice %arg6[%dma_wait3A_311, %dma_wait3A_320, %dma_wait3A_321] : memref<4x2x128xi32, #tpu.memory_space<vmem>> -> memref<1x2x128xi32, #tpu.memory_space<vmem>>
        %dma_wait3A_323 = tpu.memref_squeeze %dma_wait3A_322 : memref<1x2x128xi32, #tpu.memory_space<vmem>> -> memref<2x128xi32, #tpu.memory_space<vmem>>
        %dma_wait3A_324 = arith.constant 0 : i32
        %dma_wait3A_325 = arith.constant 0 : i32
        %dma_wait3A_326 = tpu.memref_slice %arg3[%dma_wait3A_310, %dma_wait3A_324, %dma_wait3A_325] : memref<2560x2x128xi32, #tpu.memory_space<hbm>> -> memref<1x2x128xi32, #tpu.memory_space<hbm>>
        %dma_wait3A_327 = tpu.memref_squeeze %dma_wait3A_326 : memref<1x2x128xi32, #tpu.memory_space<hbm>> -> memref<2x128xi32, #tpu.memory_space<hbm>>
        tpu.wait_dma2 semaphore(%arg9 : memref<!tpu.dma_semaphore, #tpu.memory_space<semaphore_mem>>) src(%dma_wait3A_327 : memref<2x128xi32, #tpu.memory_space<hbm>>) dst(%dma_wait3A_323 : memref<2x128xi32, #tpu.memory_space<vmem>>)
        %dma_start3A_328 = arith.constant 0 : i32
        %dma_start3A_329 = arith.constant 0 : i32
        %dma_start3A_330 = arith.constant 0 : i32
        %dma_start3A_331 = arith.constant 0 : i32
        %dma_start3A_332 = arith.constant 0 : i32
        %dma_start3A_333 = tpu.memref_slice %arg7[%dma_start3A_330, %dma_start3A_331, %dma_start3A_332] : memref<2x128x128xf32, #tpu.memory_space<vmem>> -> memref<1x128x128xf32, #tpu.memory_space<vmem>>
        %dma_start3A_334 = tpu.memref_squeeze %dma_start3A_333 : memref<1x128x128xf32, #tpu.memory_space<vmem>> -> memref<128x128xf32, #tpu.memory_space<vmem>>
        %dma_start3A_335 = arith.constant 0 : i32
        %dma_start3A_336 = tpu.memref_slice %arg6[%dma_start3A_328, %dma_start3A_329, %dma_start3A_335] : memref<4x2x128xi32, #tpu.memory_space<vmem>> -> memref<1x1x128xi32, #tpu.memory_space<vmem>>
        %dma_start3A_337 = tpu.memref_squeeze %dma_start3A_336 : memref<1x1x128xi32, #tpu.memory_space<vmem>> -> memref<128xi32, #tpu.memory_space<vmem>>
        %dma_start3A_338 = arith.constant 0 : i32
        %dma_start3A_339 = arith.constant 0 : i32
        %dma_start3A_340 = tpu.memref_slice %arg2[%dma_start3A_338, %dma_start3A_339] : memref<10000x128xf32, #tpu.memory_space<hbm>> -> memref<10000x128xf32, #tpu.memory_space<hbm>>
        tpu.enqueue_indirect_dma source(%dma_start3A_340 : memref<10000x128xf32, #tpu.memory_space<hbm>>) target(%dma_start3A_334 : memref<128x128xf32, #tpu.memory_space<vmem>>) offsets(%dma_start3A_337 : memref<128xi32, #tpu.memory_space<vmem>>) semaphore(%arg11 : memref<!tpu.dma_semaphore, #tpu.memory_space<semaphore_mem>>)
      } else {
      }
      %dma_start3A_297 = arith.constant 1 : i32
      %dma_start3A_298 = arith.constant 3 : i32
      %dma_start3A_299 = arith.constant 1 : i32
      %dma_start3A_300 = arith.constant 0 : i32
      %dma_start3A_301 = arith.constant 0 : i32
      %dma_start3A_302 = tpu.memref_slice %arg7[%dma_start3A_297, %dma_start3A_300, %dma_start3A_301] : memref<2x128x128xf32, #tpu.memory_space<vmem>> -> memref<1x128x128xf32, #tpu.memory_space<vmem>>
      %dma_start3A_303 = tpu.memref_squeeze %dma_start3A_302 : memref<1x128x128xf32, #tpu.memory_space<vmem>> -> memref<128x128xf32, #tpu.memory_space<vmem>>
      %dma_start3A_304 = arith.constant 0 : i32
      %dma_start3A_305 = tpu.memref_slice %arg6[%dma_start3A_298, %dma_start3A_299, %dma_start3A_304] : memref<4x2x128xi32, #tpu.memory_space<vmem>> -> memref<1x1x128xi32, #tpu.memory_space<vmem>>
      %dma_start3A_306 = tpu.memref_squeeze %dma_start3A_305 : memref<1x1x128xi32, #tpu.memory_space<vmem>> -> memref<128xi32, #tpu.memory_space<vmem>>
      %dma_start3A_307 = arith.constant 0 : i32
      %dma_start3A_308 = arith.constant 0 : i32
      %dma_start3A_309 = tpu.memref_slice %arg8[%dma_start3A_307, %dma_start3A_308] : memref<10112x128xf32, #tpu.memory_space<vmem_shared>> -> memref<10112x128xf32, #tpu.memory_space<vmem_shared>>
      tpu.enqueue_indirect_dma source(%dma_start3A_303 : memref<128x128xf32, #tpu.memory_space<vmem>>) target(%dma_start3A_309 : memref<10112x128xf32, #tpu.memory_space<vmem_shared>>) offsets(%dma_start3A_306 : memref<128xi32, #tpu.memory_space<vmem>>) semaphore(%arg13 : memref<!tpu.dma_semaphore, #tpu.memory_space<semaphore_mem>>) {add = true}
    }
    %scan3A_88 = arith.constant 20 : i32
    %dma_wait3A_89 = arith.constant 1 : i32
    %dma_wait3A_90 = arith.constant 0 : i32
    %dma_wait3A_91 = arith.constant 0 : i32
    %dma_wait3A_92 = tpu.memref_slice %arg7[%dma_wait3A_89, %dma_wait3A_90, %dma_wait3A_91] : memref<2x128x128xf32, #tpu.memory_space<vmem>> -> memref<1x128x128xf32, #tpu.memory_space<vmem>>
    %dma_wait3A_93 = tpu.memref_squeeze %dma_wait3A_92 : memref<1x128x128xf32, #tpu.memory_space<vmem>> -> memref<128x128xf32, #tpu.memory_space<vmem>>
    %dma_wait3A_94 = arith.constant 0 : i32
    %dma_wait3A_95 = arith.constant 0 : i32
    %dma_wait3A_96 = tpu.memref_slice %arg8[%dma_wait3A_94, %dma_wait3A_95] : memref<10112x128xf32, #tpu.memory_space<vmem_shared>> -> memref<128x128xf32, #tpu.memory_space<vmem_shared>>
    %dma_wait3A_97 = arith.constant 0 : i32
    %dma_wait3A_98 = arith.constant 0 : i32
    %dma_wait3A_99 = tpu.memref_slice %arg8[%dma_wait3A_97, %dma_wait3A_98] : memref<10112x128xf32, #tpu.memory_space<vmem_shared>> -> memref<128x128xf32, #tpu.memory_space<vmem_shared>>
    %dma_wait3A_100 = arith.constant 0 : i32
    %dma_wait3A_101 = arith.constant 0 : i32
    %dma_wait3A_102 = tpu.memref_slice %arg7[%dma_wait3A_89, %dma_wait3A_100, %dma_wait3A_101] : memref<2x128x128xf32, #tpu.memory_space<vmem>> -> memref<1x128x128xf32, #tpu.memory_space<vmem>>
    %dma_wait3A_103 = tpu.memref_squeeze %dma_wait3A_102 : memref<1x128x128xf32, #tpu.memory_space<vmem>> -> memref<128x128xf32, #tpu.memory_space<vmem>>
    tpu.wait_dma2 semaphore(%arg13 : memref<!tpu.dma_semaphore, #tpu.memory_space<semaphore_mem>>) src(%dma_wait3A_103 : memref<128x128xf32, #tpu.memory_space<vmem>>) dst(%dma_wait3A_99 : memref<128x128xf32, #tpu.memory_space<vmem_shared>>)
    %barrier3A_104 = arith.constant 0 : index
    tpu.barrier barrier_id(%barrier3A_104)
    "tpu.region"() ({
      %run_scoped3A_105 = tpu.sem_alloc : memref<!tpu.dma_semaphore, #tpu.memory_space<semaphore_mem>>
      %dma_start3A_106 = arith.constant 0 : i32
      %dma_start3A_107 = arith.constant 0 : i32
      %dma_start3A_108 = tpu.memref_slice %arg5[%arg0, %dma_start3A_106, %dma_start3A_107] : memref<2x10112x128xf32, #tpu.memory_space<hbm>> -> memref<1x10112x128xf32, #tpu.memory_space<hbm>>
      %dma_start3A_109 = tpu.memref_squeeze %dma_start3A_108 : memref<1x10112x128xf32, #tpu.memory_space<hbm>> -> memref<10112x128xf32, #tpu.memory_space<hbm>>
      %dma_start3A_110 = arith.constant 0 : i32
      %dma_start3A_111 = tpu.memref_slice %dma_start3A_109[%mul3A_0, %dma_start3A_110] : memref<10112x128xf32, #tpu.memory_space<hbm>> -> memref<632x128xf32, #tpu.memory_space<hbm>>
      %dma_start3A_112 = arith.constant 0 : i32
      %dma_start3A_113 = tpu.memref_slice %arg8[%mul3A_0, %dma_start3A_112] : memref<10112x128xf32, #tpu.memory_space<vmem_shared>> -> memref<632x128xf32, #tpu.memory_space<vmem_shared>>
      tpu.enqueue_dma source(%dma_start3A_113 : memref<632x128xf32, #tpu.memory_space<vmem_shared>>) target(%dma_start3A_111 : memref<632x128xf32, #tpu.memory_space<hbm>>) target_semaphore(%run_scoped3A_105 : memref<!tpu.dma_semaphore, #tpu.memory_space<semaphore_mem>>)
      %dma_wait3A_114 = arith.constant 0 : i32
      %dma_wait3A_115 = arith.constant 0 : i32
      %dma_wait3A_116 = tpu.memref_slice %arg5[%arg0, %dma_wait3A_114, %dma_wait3A_115] : memref<2x10112x128xf32, #tpu.memory_space<hbm>> -> memref<1x10112x128xf32, #tpu.memory_space<hbm>>
      %dma_wait3A_117 = tpu.memref_squeeze %dma_wait3A_116 : memref<1x10112x128xf32, #tpu.memory_space<hbm>> -> memref<10112x128xf32, #tpu.memory_space<hbm>>
      %dma_wait3A_118 = arith.constant 0 : i32
      %dma_wait3A_119 = tpu.memref_slice %dma_wait3A_117[%mul3A_0, %dma_wait3A_118] : memref<10112x128xf32, #tpu.memory_space<hbm>> -> memref<632x128xf32, #tpu.memory_space<hbm>>
      %dma_wait3A_120 = arith.constant 0 : i32
      %dma_wait3A_121 = tpu.memref_slice %arg8[%mul3A_0, %dma_wait3A_120] : memref<10112x128xf32, #tpu.memory_space<vmem_shared>> -> memref<632x128xf32, #tpu.memory_space<vmem_shared>>
      tpu.wait_dma2 semaphore(%run_scoped3A_105 : memref<!tpu.dma_semaphore, #tpu.memory_space<semaphore_mem>>) src(%dma_wait3A_121 : memref<632x128xf32, #tpu.memory_space<vmem_shared>>) dst(%dma_wait3A_119 : memref<632x128xf32, #tpu.memory_space<hbm>>)
      tpu.yield
    }) : () -> ()
    return
  }
}

module attributes {stable_mosaic.version = 14 : i64} {
  func.func @_prescale_body(%arg0: i32, %arg1: memref<2x1000x128xf32, #tpu.memory_space<vmem>>, %arg2: memref<1000x128xf32, #tpu.memory_space<vmem>>, %arg3: memref<1000x128xf32, #tpu.memory_space<vmem>>) attributes {dimension_semantics = [#tpu.dimension_semantics<arbitrary>], iteration_bounds = array<i64: 10>, scalar_prefetch = 0 : i64, scratch_operands = 0 : i64, tpu.core_type = #tpu.core_type<tc>, window_params = [{transform_indices = @transform_0, window_bounds = array<i64: 2, 1000, 128>}, {transform_indices = @transform_1, window_bounds = array<i64: 1000, 128>}, {transform_indices = @transform_2, window_bounds = array<i64: 1000, 128>}]} {
    %get3A = arith.constant 0 : index
    %get3A_0 = arith.constant 0 : index
    %get3A_1 = arith.constant 0 : index
    %get3A_2 = vector.load %arg1[%get3A, %get3A_0, %get3A_1] : memref<2x1000x128xf32, #tpu.memory_space<vmem>>, vector<1x1000x1xf32>
    %get3A_3 = vector.shape_cast %get3A_2 : vector<1x1000x1xf32> to vector<1000x1xf32>
    %get3A_4 = arith.constant 1 : index
    %get3A_5 = arith.constant 0 : index
    %get3A_6 = arith.constant 0 : index
    %get3A_7 = vector.load %arg1[%get3A_4, %get3A_5, %get3A_6] : memref<2x1000x128xf32, #tpu.memory_space<vmem>>, vector<1x1000x1xf32>
    %get3A_8 = vector.shape_cast %get3A_7 : vector<1x1000x1xf32> to vector<1000x1xf32>
    %add3A = arith.addf %get3A_3, %get3A_8 : vector<1000x1xf32>
    %add3A_9 = arith.constant 1.000000e+00 : f32
    %add3A_10 = vector.broadcast %add3A_9 : f32 to vector<1000x1xf32>
    %add3A_11 = arith.addf %add3A, %add3A_10 : vector<1000x1xf32>
    %rsqrt3A = math.rsqrt %add3A_11 : vector<1000x1xf32>
    %get3A_12 = arith.constant 0 : index
    %get3A_13 = arith.constant 0 : index
    %get3A_14 = vector.load %arg2[%get3A_12, %get3A_13] : memref<1000x128xf32, #tpu.memory_space<vmem>>, vector<1000x128xf32>
    %mul3A = vector.broadcast %rsqrt3A : vector<1000x1xf32> to vector<1000x128xf32>
    %mul3A_15 = arith.mulf %mul3A, %get3A_14 : vector<1000x128xf32>
    %swap3A = arith.constant 0 : index
    %swap3A_16 = arith.constant 0 : index
    %swap3A_17 = vector.load %arg3[%swap3A, %swap3A_16] : memref<1000x128xf32, #tpu.memory_space<vmem>>, vector<1000x128xf32>
    tpu.vector_store %arg3[%swap3A, %swap3A_16], %mul3A_15 {strides = array<i32>} : memref<1000x128xf32, #tpu.memory_space<vmem>>, vector<1000x128xf32>,
    return
  }
  func.func @transform_0(%arg0: i32) -> (i32, i32, i32) {
    %c0_i32 = arith.constant 0 : i32
    %c0_i32_0 = arith.constant 0 : i32
    %c0_i32_1 = arith.constant 0 : i32
    return %c0_i32, %arg0, %c0_i32_0 : i32, i32, i32
  }
  func.func @transform_1(%arg0: i32) -> (i32, i32) {
    %c0_i32 = arith.constant 0 : i32
    %c0_i32_0 = arith.constant 0 : i32
    return %arg0, %c0_i32 : i32, i32
  }
  func.func @transform_2(%arg0: i32) -> (i32, i32) {
    %c0_i32 = arith.constant 0 : i32
    %c0_i32_0 = arith.constant 0 : i32
    return %arg0, %c0_i32 : i32, i32
  }
}

module attributes {stable_mosaic.version = 14 : i64} {
  func.func @_combine_mid_body(%arg0: i32, %arg1: memref<2x1000x128xf32, #tpu.memory_space<vmem>>, %arg2: memref<2x1000x128xf32, #tpu.memory_space<vmem>>, %arg3: memref<1000x128xf32, #tpu.memory_space<vmem>>, %arg4: memref<1000x128xf32, #tpu.memory_space<vmem>>, %arg5: memref<1000x128xf32, #tpu.memory_space<vmem>>, %arg6: memref<1000x128xf32, #tpu.memory_space<vmem>>) attributes {dimension_semantics = [#tpu.dimension_semantics<arbitrary>], iteration_bounds = array<i64: 10>, scalar_prefetch = 0 : i64, scratch_operands = 0 : i64, tpu.core_type = #tpu.core_type<tc>, window_params = [{transform_indices = @transform_0, window_bounds = array<i64: 2, 1000, 128>}, {transform_indices = @transform_1, window_bounds = array<i64: 2, 1000, 128>}, {transform_indices = @transform_2, window_bounds = array<i64: 1000, 128>}, {transform_indices = @transform_3, window_bounds = array<i64: 1000, 128>}, {transform_indices = @transform_4, window_bounds = array<i64: 1000, 128>}, {transform_indices = @transform_5, window_bounds = array<i64: 1000, 128>}]} {
    %get3A = arith.constant 0 : index
    %get3A_0 = arith.constant 0 : index
    %get3A_1 = arith.constant 0 : index
    %get3A_2 = vector.load %arg1[%get3A, %get3A_0, %get3A_1] : memref<2x1000x128xf32, #tpu.memory_space<vmem>>, vector<1x1000x1xf32>
    %get3A_3 = vector.shape_cast %get3A_2 : vector<1x1000x1xf32> to vector<1000x1xf32>
    %get3A_4 = arith.constant 1 : index
    %get3A_5 = arith.constant 0 : index
    %get3A_6 = arith.constant 0 : index
    %get3A_7 = vector.load %arg1[%get3A_4, %get3A_5, %get3A_6] : memref<2x1000x128xf32, #tpu.memory_space<vmem>>, vector<1x1000x1xf32>
    %get3A_8 = vector.shape_cast %get3A_7 : vector<1x1000x1xf32> to vector<1000x1xf32>
    %add3A = arith.addf %get3A_3, %get3A_8 : vector<1000x1xf32>
    %add3A_9 = arith.constant 1.000000e+00 : f32
    %add3A_10 = vector.broadcast %add3A_9 : f32 to vector<1000x1xf32>
    %add3A_11 = arith.addf %add3A, %add3A_10 : vector<1000x1xf32>
    %rsqrt3A = math.rsqrt %add3A_11 : vector<1000x1xf32>
    %get3A_12 = arith.constant 0 : index
    %get3A_13 = arith.constant 0 : index
    %get3A_14 = arith.constant 0 : index
    %get3A_15 = vector.load %arg2[%get3A_12, %get3A_13, %get3A_14] : memref<2x1000x128xf32, #tpu.memory_space<vmem>>, vector<1x1000x128xf32>
    %get3A_16 = vector.shape_cast %get3A_15 : vector<1x1000x128xf32> to vector<1000x128xf32>
    %get3A_17 = arith.constant 1 : index
    %get3A_18 = arith.constant 0 : index
    %get3A_19 = arith.constant 0 : index
    %get3A_20 = vector.load %arg2[%get3A_17, %get3A_18, %get3A_19] : memref<2x1000x128xf32, #tpu.memory_space<vmem>>, vector<1x1000x128xf32>
    %get3A_21 = vector.shape_cast %get3A_20 : vector<1x1000x128xf32> to vector<1000x128xf32>
    %add3A_22 = arith.addf %get3A_16, %get3A_21 : vector<1000x128xf32>
    %get3A_23 = arith.constant 0 : index
    %get3A_24 = arith.constant 0 : index
    %get3A_25 = vector.load %arg3[%get3A_23, %get3A_24] : memref<1000x128xf32, #tpu.memory_space<vmem>>, vector<1000x128xf32>
    %add3A_26 = arith.addf %add3A_22, %get3A_25 : vector<1000x128xf32>
    %mul3A = vector.broadcast %rsqrt3A : vector<1000x1xf32> to vector<1000x128xf32>
    %mul3A_27 = arith.mulf %mul3A, %add3A_26 : vector<1000x128xf32>
    %get3A_28 = arith.constant 0 : index
    %get3A_29 = arith.constant 0 : index
    %get3A_30 = vector.load %arg4[%get3A_28, %get3A_29] : memref<1000x128xf32, #tpu.memory_space<vmem>>, vector<1000x128xf32>
    %add3A_31 = arith.addf %get3A_30, %mul3A_27 : vector<1000x128xf32>
    %swap3A = arith.constant 0 : index
    %swap3A_32 = arith.constant 0 : index
    %swap3A_33 = vector.load %arg6[%swap3A, %swap3A_32] : memref<1000x128xf32, #tpu.memory_space<vmem>>, vector<1000x128xf32>
    tpu.vector_store %arg6[%swap3A, %swap3A_32], %add3A_31 {strides = array<i32>} : memref<1000x128xf32, #tpu.memory_space<vmem>>, vector<1000x128xf32>,
    %mul3A_34 = vector.broadcast %rsqrt3A : vector<1000x1xf32> to vector<1000x128xf32>
    %mul3A_35 = arith.mulf %mul3A_34, %mul3A_27 : vector<1000x128xf32>
    %swap3A_36 = arith.constant 0 : index
    %swap3A_37 = arith.constant 0 : index
    %swap3A_38 = vector.load %arg5[%swap3A_36, %swap3A_37] : memref<1000x128xf32, #tpu.memory_space<vmem>>, vector<1000x128xf32>
    tpu.vector_store %arg5[%swap3A_36, %swap3A_37], %mul3A_35 {strides = array<i32>} : memref<1000x128xf32, #tpu.memory_space<vmem>>, vector<1000x128xf32>,
    return
  }
  func.func @transform_0(%arg0: i32) -> (i32, i32, i32) {
    %c0_i32 = arith.constant 0 : i32
    %c0_i32_0 = arith.constant 0 : i32
    %c0_i32_1 = arith.constant 0 : i32
    return %c0_i32, %arg0, %c0_i32_0 : i32, i32, i32
  }
  func.func @transform_1(%arg0: i32) -> (i32, i32, i32) {
    %c0_i32 = arith.constant 0 : i32
    %c0_i32_0 = arith.constant 0 : i32
    %c0_i32_1 = arith.constant 0 : i32
    return %c0_i32, %arg0, %c0_i32_0 : i32, i32, i32
  }
  func.func @transform_2(%arg0: i32) -> (i32, i32) {
    %c0_i32 = arith.constant 0 : i32
    %c0_i32_0 = arith.constant 0 : i32
    return %arg0, %c0_i32 : i32, i32
  }
  func.func @transform_3(%arg0: i32) -> (i32, i32) {
    %c0_i32 = arith.constant 0 : i32
    %c0_i32_0 = arith.constant 0 : i32
    return %arg0, %c0_i32 : i32, i32
  }
  func.func @transform_4(%arg0: i32) -> (i32, i32) {
    %c0_i32 = arith.constant 0 : i32
    %c0_i32_0 = arith.constant 0 : i32
    return %arg0, %c0_i32 : i32, i32
  }
  func.func @transform_5(%arg0: i32) -> (i32, i32) {
    %c0_i32 = arith.constant 0 : i32
    %c0_i32_0 = arith.constant 0 : i32
    return %arg0, %c0_i32 : i32, i32
  }
}

module attributes {stable_mosaic.version = 14 : i64} {
  func.func @_combine_last_body(%arg0: i32, %arg1: memref<2x1000x128xf32, #tpu.memory_space<vmem>>, %arg2: memref<2x1000x128xf32, #tpu.memory_space<vmem>>, %arg3: memref<1000x128xf32, #tpu.memory_space<vmem>>, %arg4: memref<1000x128xf32, #tpu.memory_space<vmem>>, %arg5: memref<1000x128xf32, #tpu.memory_space<vmem>>) attributes {dimension_semantics = [#tpu.dimension_semantics<arbitrary>], iteration_bounds = array<i64: 10>, scalar_prefetch = 0 : i64, scratch_operands = 0 : i64, tpu.core_type = #tpu.core_type<tc>, window_params = [{transform_indices = @transform_0, window_bounds = array<i64: 2, 1000, 128>}, {transform_indices = @transform_1, window_bounds = array<i64: 2, 1000, 128>}, {transform_indices = @transform_2, window_bounds = array<i64: 1000, 128>}, {transform_indices = @transform_3, window_bounds = array<i64: 1000, 128>}, {transform_indices = @transform_4, window_bounds = array<i64: 1000, 128>}]} {
    %get3A = arith.constant 0 : index
    %get3A_0 = arith.constant 0 : index
    %get3A_1 = arith.constant 0 : index
    %get3A_2 = vector.load %arg1[%get3A, %get3A_0, %get3A_1] : memref<2x1000x128xf32, #tpu.memory_space<vmem>>, vector<1x1000x1xf32>
    %get3A_3 = vector.shape_cast %get3A_2 : vector<1x1000x1xf32> to vector<1000x1xf32>
    %get3A_4 = arith.constant 1 : index
    %get3A_5 = arith.constant 0 : index
    %get3A_6 = arith.constant 0 : index
    %get3A_7 = vector.load %arg1[%get3A_4, %get3A_5, %get3A_6] : memref<2x1000x128xf32, #tpu.memory_space<vmem>>, vector<1x1000x1xf32>
    %get3A_8 = vector.shape_cast %get3A_7 : vector<1x1000x1xf32> to vector<1000x1xf32>
    %add3A = arith.addf %get3A_3, %get3A_8 : vector<1000x1xf32>
    %add3A_9 = arith.constant 1.000000e+00 : f32
    %add3A_10 = vector.broadcast %add3A_9 : f32 to vector<1000x1xf32>
    %add3A_11 = arith.addf %add3A, %add3A_10 : vector<1000x1xf32>
    %rsqrt3A = math.rsqrt %add3A_11 : vector<1000x1xf32>
    %get3A_12 = arith.constant 0 : index
    %get3A_13 = arith.constant 0 : index
    %get3A_14 = arith.constant 0 : index
    %get3A_15 = vector.load %arg2[%get3A_12, %get3A_13, %get3A_14] : memref<2x1000x128xf32, #tpu.memory_space<vmem>>, vector<1x1000x128xf32>
    %get3A_16 = vector.shape_cast %get3A_15 : vector<1x1000x128xf32> to vector<1000x128xf32>
    %get3A_17 = arith.constant 1 : index
    %get3A_18 = arith.constant 0 : index
    %get3A_19 = arith.constant 0 : index
    %get3A_20 = vector.load %arg2[%get3A_17, %get3A_18, %get3A_19] : memref<2x1000x128xf32, #tpu.memory_space<vmem>>, vector<1x1000x128xf32>
    %get3A_21 = vector.shape_cast %get3A_20 : vector<1x1000x128xf32> to vector<1000x128xf32>
    %add3A_22 = arith.addf %get3A_16, %get3A_21 : vector<1000x128xf32>
    %get3A_23 = arith.constant 0 : index
    %get3A_24 = arith.constant 0 : index
    %get3A_25 = vector.load %arg3[%get3A_23, %get3A_24] : memref<1000x128xf32, #tpu.memory_space<vmem>>, vector<1000x128xf32>
    %add3A_26 = arith.addf %add3A_22, %get3A_25 : vector<1000x128xf32>
    %mul3A = vector.broadcast %rsqrt3A : vector<1000x1xf32> to vector<1000x128xf32>
    %mul3A_27 = arith.mulf %mul3A, %add3A_26 : vector<1000x128xf32>
    %get3A_28 = arith.constant 0 : index
    %get3A_29 = arith.constant 0 : index
    %get3A_30 = vector.load %arg4[%get3A_28, %get3A_29] : memref<1000x128xf32, #tpu.memory_space<vmem>>, vector<1000x128xf32>
    %add3A_31 = arith.addf %get3A_30, %mul3A_27 : vector<1000x128xf32>
    %mul3A_32 = arith.constant 2.500000e-01 : f32
    %mul3A_33 = vector.broadcast %mul3A_32 : f32 to vector<1000x128xf32>
    %mul3A_34 = arith.mulf %add3A_31, %mul3A_33 : vector<1000x128xf32>
    %swap3A = arith.constant 0 : index
    %swap3A_35 = arith.constant 0 : index
    %swap3A_36 = vector.load %arg5[%swap3A, %swap3A_35] : memref<1000x128xf32, #tpu.memory_space<vmem>>, vector<1000x128xf32>
    tpu.vector_store %arg5[%swap3A, %swap3A_35], %mul3A_34 {strides = array<i32>} : memref<1000x128xf32, #tpu.memory_space<vmem>>, vector<1000x128xf32>,
    return
  }
  func.func @transform_0(%arg0: i32) -> (i32, i32, i32) {
    %c0_i32 = arith.constant 0 : i32
    %c0_i32_0 = arith.constant 0 : i32
    %c0_i32_1 = arith.constant 0 : i32
    return %c0_i32, %arg0, %c0_i32_0 : i32, i32, i32
  }
  func.func @transform_1(%arg0: i32) -> (i32, i32, i32) {
    %c0_i32 = arith.constant 0 : i32
    %c0_i32_0 = arith.constant 0 : i32
    %c0_i32_1 = arith.constant 0 : i32
    return %c0_i32, %arg0, %c0_i32_0 : i32, i32, i32
  }
  func.func @transform_2(%arg0: i32) -> (i32, i32) {
    %c0_i32 = arith.constant 0 : i32
    %c0_i32_0 = arith.constant 0 : i32
    return %arg0, %c0_i32 : i32, i32
  }
  func.func @transform_3(%arg0: i32) -> (i32, i32) {
    %c0_i32 = arith.constant 0 : i32
    %c0_i32_0 = arith.constant 0 : i32
    return %arg0, %c0_i32 : i32, i32
  }
  func.func @transform_4(%arg0: i32) -> (i32, i32) {
    %c0_i32 = arith.constant 0 : i32
    %c0_i32_0 = arith.constant 0 : i32
    return %arg0, %c0_i32 : i32, i32
  }
}

</mosaic_0001>

<sc_bundles>
// kernel: kernel.10.cloned.1.call-start
scs
__scs_entry_jumppad:
0x0: {  	(pc) =	sbr.rel $0x88, $3  }
0x1: {  	(tag) =	ssettag $0x0;
	lr =	simm.s32 $0x1  }
0x2: {  	[smem:$0x3F9F] =	sst lr;
	_ =	strace $0xD0000000  }
0x3: {  	_ = 	snop  }
0x4: {  	_ = 	snop  }
0x5: {  	_ = 	snop  }
0x6: {  	_ = 	snop  }
0x7: {  	_ = 	snop  }
__scs_overlays_trampoline_lowered:
0x8: {  	[smem:$0x3FAE] =	sst s0  }
0x9: {  	[smem:$0x3FAF] =	sst s1  }
0xa: {  	[smem:$0x3FB0] =	sst s2  }
0xb: {  	[smem:$0x3FB1] =	sst s3  }
0xc: {  	[smem:$0x3FB2] =	sst s4  }
0xd: {  	[smem:$0x3FB3] =	sst s5  }
0xe: {  	[smem:$0x3FB4] =	sst s6  }
0xf: {  	[smem:$0x3FB5] =	sst s7  }
0x10: {  	[smem:$0x3FB6] =	sst s8  }
0x11: {  	[smem:$0x3FB7] =	sst s9;
	s0 =	simm.s32 @!p0 $0x0  }
0x12: {  	s1 =	sld [smem:$0x3F9D];
	s0 =	simm.s32 @p0 $0x1  }
0x13: {  	[smem:$0x3FB8] =	sst s0;
	s0 =	simm.s32 @!p1 $0x0  }
0x14: {  	s2 =	sld [smem:$0x3F9C];
	s0 =	simm.s32 @p1 $0x1  }
0x15: {  	[smem:$0x3FB9] =	sst s0;
	s0 =	simm.s32 @!p2 $0x0  }
0x16: {  	s3 =	sld [smem:$0x3FDB];
	s0 =	simm.s32 @p2 $0x1  }
0x17: {  	s4 =	simm.s32 $0x1BF5;
	[smem:$0x3FBB] =	sst s0  }
0x18: {  	s0 =	sld [smem:$0x3F9E];
	_ =	swait.ge [sflag:s4], $0x0  }
0x19: {  	s7 =	sld [smem:$0x3F9F]  }
0x1a: {  	s8 =	sadd.s32 $0xFFFFE003, lr  }
0x1b: {  	s9 =	sadd.s32 $0xFFFFFEF7, lr;
	s5 =	simm.s32 $0xFFFFFFFF;
	p2 =	slt.u32 s8, $0xFFFFF086  }
0x1c: {  	p1 =	slt.u32 s9, $0xF7A;
	s5 =	simm.s32 @!p2 $0x0  }
0x1d: {  	s5 =	simm.s32 @p1 $0x1;
	p0 =	seq.s32 s7, s2  }
0x1e: {  	s7 =	smul.u32 @!p0 $0xF7A, s2;
	p2 =	seq.s32 @!p0 s5, $0x0  }
0x1f: {  	s9 =	smul.u32 $0xF7A, s1;
	s8 =	simm.s32 @!p0 $0x1BF5;
	p2 =	por !p2, p0  }
0x20: {  	[sflag:s8] =	ssyncset.s32 @!p0 $0xFFFFF086;
	s6 =	sadd.s32 @!p0 s3, s7;
	s7 =	simm.s32 @!p0 $0x108  }
0x21: {  	s3 =	sadd.s32 s3, s9;
	s6 =	sadd.s32 @!p0 $0x88, s6;
	s7 =	simm.s32 @p2 $0x1082  }
0x22: {  	[simem:s7], [sflag:s8] =	dma.local @!p0 [hbm:s6], $0xF7A  }
0x23: {  	s9 =	sor.u32 $0xD0000000, s2;
	s6 =	simm.s32 $0x108;
	_ =	swait.ge @!p0 [sflag:s8], $0x0  }
0x24: {  	s3 =	sadd.s32 $0x88, s3;
	s6 =	simm.s32 @!p1 $0x1082;
	[sflag:s4] =	ssyncset.s32 $0xFFFFF086  }
0x25: {  	[simem:s6], [sflag:s4] =	dma.local [hbm:s3], $0xF7A  }
0x26: {  	[smem:$0x3F9F] =	sst s1;
	(tag) =	ssettag s2;
	_ =	strace s9  }
0x27: {  	s1 =	sld [smem:$0x3FAF]  }
0x28: {  	s2 =	sld [smem:$0x3FB0]  }
0x29: {  	s4 =	sld [smem:$0x3FB2]  }
0x2a: {  	p0 =	seq.s32 s5, $0x0;
	s5 =	sld [smem:$0x3FB3]  }
0x2b: {  	s6 =	sld [smem:$0x3FB4]  }
0x2c: {  	s7 =	sld [smem:$0x3FB5]  }
0x2d: {  	s3 =	simm.s32 $0x108;
	s8 =	sld [smem:$0x3FB6]  }
0x2e: {  	s3 =	simm.s32 @!p0 $0x1082;
	s9 =	sld [smem:$0x3FB7]  }
0x2f: {  	lr =	sadd.s32 s0, s3;
	s0 =	sld [smem:$0x3FAE]  }
0x30: {  	s3 =	sld [smem:$0x3FB1]  }
0x31: {  	[smem:$0x3FBA] =	sst s10  }
0x32: {  	s10 =	sld [smem:$0x3FB8];
	_ =	sdelay $0x3  }
0x33: {  	p0 =	seq.s32 s10, $0x1;
	s10 =	sld [smem:$0x3FBA];
	_ =	sdelay $0x3  }
0x34: {  	[smem:$0x3FBA] =	sst s10  }
0x35: {  	s10 =	sld [smem:$0x3FB9];
	_ =	sdelay $0x3  }
0x36: {  	p1 =	seq.s32 s10, $0x1;
	s10 =	sld [smem:$0x3FBA];
	_ =	sdelay $0x3  }
0x37: {  	[smem:$0x3FBA] =	sst s10  }
0x38: {  	s10 =	sld [smem:$0x3FBB]  }
0x39: {  	_ = 	snop;
	(pc) =	sbr.ind lr, $3  }
0x3a: {  	_ = 	snop  }
0x3b: {  	_ = 	snop  }
0x3c: {  	p2 =	seq.s32 s10, $0x1;
	s10 =	sld [smem:$0x3FBA]  }
0x3d: {  	_ =	shalt  }
0x3e: {  	_ =	shalt  }
0x3f: {  	_ =	shalt  }
0x40: {  	_ =	shalt  }
0x41: {  	_ =	shalt  }
0x42: {  	_ =	shalt  }
0x43: {  	_ =	shalt  }
0x44: {  	_ =	shalt  }
0x45: {  	_ =	shalt  }
0x46: {  	_ =	shalt  }
0x47: {  	_ =	shalt  }
0x48: {  	_ =	shalt  }
0x49: {  	_ =	shalt  }
0x4a: {  	_ =	shalt  }
0x4b: {  	_ =	shalt  }
0x4c: {  	_ =	shalt  }
0x4d: {  	_ =	shalt  }
0x4e: {  	_ =	shalt  }
0x4f: {  	_ =	shalt  }
0x50: {  	_ =	shalt  }
0x51: {  	_ =	shalt  }
0x52: {  	_ =	shalt  }
0x53: {  	_ =	shalt  }
0x54: {  	_ =	shalt  }
0x55: {  	_ =	shalt  }
0x56: {  	_ =	shalt  }
0x57: {  	_ =	shalt  }
0x58: {  	_ =	shalt  }
0x59: {  	_ =	shalt  }
0x5a: {  	_ =	shalt  }
0x5b: {  	_ =	shalt  }
0x5c: {  	_ =	shalt  }
0x5d: {  	_ =	shalt  }
0x5e: {  	_ =	shalt  }
0x5f: {  	_ =	shalt  }
0x60: {  	_ =	shalt  }
0x61: {  	_ =	shalt  }
0x62: {  	_ =	shalt  }
0x63: {  	_ =	shalt  }
0x64: {  	_ =	shalt  }
0x65: {  	_ =	shalt  }
0x66: {  	_ =	shalt  }
0x67: {  	_ =	shalt  }
0x68: {  	_ =	shalt  }
0x69: {  	_ =	shalt  }
0x6a: {  	_ =	shalt  }
0x6b: {  	_ =	shalt  }
0x6c: {  	_ =	shalt  }
0x6d: {  	_ =	shalt  }
0x6e: {  	_ =	shalt  }
0x6f: {  	_ =	shalt  }
0x70: {  	_ =	shalt  }
0x71: {  	_ =	shalt  }
0x72: {  	_ =	shalt  }
0x73: {  	_ =	shalt  }
0x74: {  	_ =	shalt  }
0x75: {  	_ =	shalt  }
0x76: {  	_ =	shalt  }
0x77: {  	_ =	shalt  }
0x78: {  	_ =	shalt  }
0x79: {  	_ =	shalt  }
0x7a: {  	_ =	shalt  }
0x7b: {  	_ =	shalt  }
0x7c: {  	_ =	shalt  }
0x7d: {  	_ =	shalt  }
0x7e: {  	_ =	shalt  }
0x7f: {  	_ =	shalt  }
0x80: {  	_ =	shalt  }
0x81: {  	_ =	shalt  }
0x82: {  	_ =	shalt  }
0x83: {  	_ =	shalt  }
0x84: {  	_ =	shalt  }
0x85: {  	_ =	shalt  }
0x86: {  	_ =	shalt  }
0x87: {  	_ =	shalt  }
.Lfunc_end0:
.L_simem_size_0:
called_computation_lowered:
.L_overlay_start_0:
0x88: {  	s2 =	sld [smem:$0x3FD9]  }
0x89: {  	s3 =	sld [smem:$0x3FFE];
	_ =	sdelay $0x1  }
0x8a: {  	s1 =	srdreg.scid  }
0x8b: {  	s0 =	sand.u32 $0x1, s1  }
0x8c: {  	s17 =	sshll.u32 s0, $0xA;
	s2 =	sadd.s32 s3, s2  }
0x8d: {  	s2 =	sadd.s32 s2, s17  }
0x8e: {  	[smem:$0x3FC6] =	sst s2  }
0x8f: {  	_ = 	snop  }
0x90: {  	s2 =	sld [smem:$0x3FD0];
	(tm) =	ssettm $0x1  }
0x91: {  	s18 =	sld [smem:$0x3FFB];
	_ =	sdelay $0x3  }
0x92: {  	_ =	strace s18  }
0x93: {  	s3 =	sld [smem:$0x3FFC];
	_ =	sdelay $0x3  }
0x94: {  	_ =	strace s3  }
0x95: {  	s3 =	sld [smem:$0x3FFD];
	_ =	sdelay $0x3  }
0x96: {  	_ =	strace s3  }
0x97: {  	_ =	strace $0x8FFFFFFF  }
0x98: {  	s19 =	sld [smem:$0x3FDB];
	_ =	sdelay $0x1  }
0x99: {  	s4 =	simm.s32 $_scs_section_size  }
0x9a: {  	s5 =	simm.s32 $_size__tile_overlayer_lowered;
	s6 =	simm.s32 $_tile_overlayer_lowered  }
0x9b: {  	s22 =	simm.s32 $0x1BFF;
	s21 =	sshll.u32 s6, $0x1;
	s3 =	sadd.s32 s4, s19  }
0x9c: {  	s7 =	simm.s32 $0x0;
	s20 =	sshll.u32 s5, $0x1;
	s5 =	sadd.s32 s21, s3  }
0x9d: {  	[timem:s7], [sflag:s22] =	dma.local [hbm:s5], s20  }
0x9e: {  	_ =	swait.ge [sflag:s22], s20  }
0x9f: {  	s4 =	ssub.s32 $0x0, s20;
	[sflag:s22] =	ssyncset.done $0x0  }
0xa0: {  	[sflag:s22] =	ssyncadd.s32 s4;
	_ =	sdelay $0x1  }
0xa1: {  	s23 =	simm.s32 $0x1B8B  }
0xa2: {  	_ =	swait.ge [sflag:s23], $0x1  }
0xa3: {  	[sflag:s23] =	ssyncset.done $0x0  }
0xa4: {  	s25 =	simm.s32 $0x1B8E;
	s24 =	sld [smem:$0x3FFE];
	[sflag:s23] =	ssyncadd.s32 $0xFFFFFFFF  }
0xa5: {  	s26 =	simm.s32 $execute0_lowered;
	[smem:$0x3FD2] =	sst s25  }
0xa6: {  	s5 =	sshll.u32 s26, $0x1;
	_ =	strace $0x80000046;
	[dreg:$0x1] =	wrdreg $0xFFFFFFFF  }
0xa7: {  	s28 =	simm.s32 $_size_execute0_lowered;
	s3 =	sadd.s32 s3, s5;
	[dreg:$0x0] =	wrdreg $0x0  }
0xa8: {  	s5 =	sshll.u32 s28, $0x1;
	[dreg:$0x2] =	wrdreg s3  }
0xa9: {  	[dreg:$0x3] =	wrdreg s5  }
0xaa: {  	[dreg:$0x4] =	wrdreg $0xC0  }
0xab: {  	_ =	task [dreg:s7], $0x5FFFF  }
0xac: {  	[dreg:$0x1] =	wrdreg $0xFFFFFFFF  }
0xad: {  	[dreg:$0x0] =	wrdreg $0x60  }
0xae: {  	[dreg:$0x2] =	wrdreg s2  }
0xaf: {  	[dreg:$0x3] =	wrdreg s24  }
0xb0: {  	[dreg:$0x4] =	wrdreg $0x84000  }
0xb1: {  	[dreg:$0x5] =	wrdreg $0x9  }
0xb2: {  	_ =	task.clear_ibuf [dreg:s7], $0x6FFFF;
	_ =	strace $0x90000046  }
0xb3: {  	s29 =	simm.s32 $0x9;
	_ =	strace $0x80000048  }
0xb4: {  	_ =	swait.ge [sflag:s29], $0x1  }
0xb5: {  	[sflag:s29] =	ssyncadd.s32 $0xFFFFFFFF  }
0xb6: {  	_ =	strace $0x90000048  }
0xb7: {  	_ =	sfence  }
0xb8: {  	s30 =	sld [smem:$0x0];
	_ =	sdelay $0x2  }
0xb9: {  	s31 =	sshll.u32 s1, $0xD;
	s1 =	sshrl.u32 s1, $0x2  }
0xba: {  	s3 =	sand.u32 $0x4000, s31;
	s1 =	sadd.s32 s1, s30  }
0xbb: {  	s0 =	sor.u32 s3, s0;
	s1 =	sshll.u32 s1, $0x11  }
0xbc: {  	s0 =	sor.u32 s1, s0  }
0xbd: {  	s0 =	sadd.s32 $0x8F2B, s0  }
0xbe: {  	[sflag:s0] =	ssyncadd.remote.s32 $0x1  }
0xbf: {  	_ =	sfence.sel $0xFFFF  }
0xc0: {  	[dreg:$0x0] =	wrdreg $0xFFFFFFFF;
	(pc) =	sbr.abs _section_cstart, $3  }
0xc1: {  	[dreg:$0x1] =	wrdreg $0xFFFFFFFF  }
0xc2: {  	_ =	task.clear_ibuf [dreg:s7], $0x2FFFF;
	_ =	strace $0x9FFFFFFF  }
0xc3: {  	(tm) =	ssettm $0x7FFFFFFF  }
tec
execute0_lowered:
.L_overlay_start_1:
0x0: {  	(tag) =	ssettag $0x1  }
0x1: {  	s1 =	rddreg [dreg:$0x0]  }
0x2: {  	s0 =	rddreg [dreg:$0x1]  }
0x3: {  	s2 =	rddreg [dreg:$0x2]  }
0x4: {  	s3 =	simm.s32 $0x0;
	s4 =	srdreg.scid;
	s13 =	stileid.u32  }
0x5: {  	s16 =	simm.s32 $0x6;
	s17 =	simm.s32 $0x100;
	s18 =	simm.s32 $0x1  }
0x6: {  	s19 =	simm.s32 $0x80;
	s20 =	simm.s32 $0x3;
	s21 =	simm.s32 $0x200  }
0x7: {  	s22 =	simm.s32 $0x2;
	s28 =	simm.s32 $0x180;
	s6 =	smul.u32 $0x4F000, s13  }
0x8: {  	s29 =	simm.s32 $0x5;
	s30 =	simm.s32 $0x280;
	s9 =	smul.u32 $0x50, s13  }
0x9: {  	s31 =	simm.s32 $0x380;
	s4 =	sand.u32 $0x1, s4;
	s15 =	smul.u32 $0xA00, s13  }
0xa: {  	[smem:$0x7FF] =	sst s3;
	s14 =	sadd.s32 $0x3A00, s0;
	s5 =	smul.u32 $0x27800, s4  }
0xb: {  	s7 =	sadd.s32 $0x17A00, s0;
	_ =	strace $0x80000047;
	s8 =	smul.u32 $0x500, s4  }
0xc: {  	[dreg:$0x4] =	wrdreg s7;
	s23 =	ssub.s32 $0x2, s4;
	s4 =	smul.u32 $0xA000, s4  }
0xd: {  	s6 =	sshrl.u32 s6, $0x2;
	s24 =	sshrl.u32 s23, $0x1;
	s0 =	sadd.s32 s5, s0  }
0xe: {  	s6 =	sadd.s32 s6, s2;
	s5 =	ssub.s32 s23, s24;
	s10 =	sadd.s32 s9, s8  }
0xf: {  	s24 =	smul.u32 $0x2780, s13;
	s4 =	sadd.s32 s4, s14;
	s23 =	simm.s32 $0x4400  }
0x10: {  	s25 =	sadd.s32 $0x4000, s6;
	s26 =	sadd.s32 $0x8000, s6;
	s9 =	sadd.s32 $0xC000, s6  }
.Ltmp0:
0x11: {  	s11 =	sshll.u32 s10, $0x5;
	s10 =	sadd.s32 $0x10000, s6;
	(pc) =	sbr.rel .LBB2_1-.Ltmp0, $4  }
0x12: {  	s0 =	sadd.s32 $0x18200, s0;
	s13 =	smax.u32 s5, $0x1;
	[dreg:$0x5] =	wrdreg s25  }
0x13: {  	[dreg:$0x6] =	wrdreg s26;
	s11 =	sadd.s32 s14, s11;
	s14 =	sadd.s32 s15, s4  }
0x14: {  	s15 =	simm.s32 $0x400;
	s24 =	sadd.s32 s24, s0;
	s25 =	simm.s32 $0x4  }
0x15: {  	s26 =	simm.s32 $0x300;
	s0 =	simm.s32 $0x0;
	s12 =	sadd.s32 $0x20, s11  }
.LBB2_4:
0x16: {  	[spmem:s2] =	stream.indirect.scatter.add.f32 [tilespmem:s23], [sflag:$0x5], $0x80, s31, s19, $0xb8;
	[tilespmem:$0x1C000] =	vst v63  }
0x17: {  	s4 =	stileid.u32;
	_ =	swait.ge [sflag:s29], $0x4000  }
0x18: {  	s5 =	sshrl.u32 s6, $0x3;
	s0 =	sadd.s32 $0x1, s0;
	[sflag:s29] =	ssyncset.done $0x0  }
0x19: {  	s4 =	sshll.u32 s4, $0x6;
	p0 =	sne.s32 s0, s13;
	[sflag:s29] =	ssyncadd.s32 $0xFFFFC000  }
.Ltmp1:
0x1a: {  	s4 =	sor.u32 $0x1C06, s4;
	[bflag:$0x0] =	sbarrier.arrive $0xFFFF;
	(pc) =	sbr.rel @!p0 .LBB2_5-.Ltmp1, $4  }
0x1b: {  	[hbm:s24], [sflag:s4] =	dma.local [spmem:s5], $0x2780  }
0x1c: {  	_ =	swait.ge [sflag:s16], $0x2780  }
0x1d: {  	[sflag:s16] =	ssyncset.done $0x0  }
0x1e: {  	[sflag:s16] =	ssyncadd.s32 $0xFFFFD880  }
.LBB2_1:
0x1f: {  	s4 =	rddreg [dreg:$0x4]  }
0x20: {  	[tilespmem:s15], [sflag:$0x6] =	stream.linear.gather [hbm4b:s4+s3], $0x4000, $0x38;
	[tilespmem:$0x1C000] =	vst v63  }
0x21: {  	_ =	swait.ge [sflag:s16], $0x4000  }
0x22: {  	[sflag:s16] =	ssyncset.done $0x0  }
0x23: {  	[sflag:s16] =	ssyncadd.s32 $0xFFFFC000  }
0x24: {  	[spmem:s6] =	stream.linear.scatter [tilespmem:s15], [sflag:$0x6], $0x4000, $0x38;
	[tilespmem:$0x1C000] =	vst v63  }
0x25: {  	_ =	swait.ge [sflag:s16], $0x4000  }
0x26: {  	[sflag:s16] =	ssyncset.done $0x0  }
0x27: {  	s7 =	rddreg [dreg:$0x5];
	[sflag:s16] =	ssyncadd.s32 $0xFFFFC000  }
0x28: {  	[spmem:s7] =	stream.linear.scatter [tilespmem:s15], [sflag:$0x6], $0x4000, $0x38;
	[tilespmem:$0x1C000] =	vst v63  }
0x29: {  	_ =	swait.ge [sflag:s16], $0x4000  }
0x2a: {  	[sflag:s16] =	ssyncset.done $0x0  }
0x2b: {  	s8 =	rddreg [dreg:$0x6];
	[sflag:s16] =	ssyncadd.s32 $0xFFFFC000  }
0x2c: {  	[spmem:s8] =	stream.linear.scatter [tilespmem:s15], [sflag:$0x6], $0x4000, $0x38;
	[tilespmem:$0x1C000] =	vst v63  }
0x2d: {  	_ =	swait.ge [sflag:s16], $0x4000  }
0x2e: {  	[sflag:s16] =	ssyncset.done $0x0  }
0x2f: {  	[sflag:s16] =	ssyncadd.s32 $0xFFFFC000  }
0x30: {  	[spmem:s9] =	stream.linear.scatter [tilespmem:s15], [sflag:$0x6], $0x4000, $0x38;
	[tilespmem:$0x1C000] =	vst v63  }
0x31: {  	_ =	swait.ge [sflag:s16], $0x4000  }
0x32: {  	[sflag:s16] =	ssyncset.done $0x0  }
0x33: {  	[sflag:s16] =	ssyncadd.s32 $0xFFFFC000  }
0x34: {  	[spmem:s10] =	stream.linear.scatter [tilespmem:s15], [sflag:$0x6], $0x3C00, $0x38;
	[tilespmem:$0x1C000] =	vst v63  }
0x35: {  	_ =	swait.ge [sflag:s16], $0x3C00  }
0x36: {  	[sflag:s16] =	ssyncset.done $0x0  }
0x37: {  	[sflag:s16] =	ssyncadd.s32 $0xFFFFC400  }
0x38: {  	[bflag:$0x0] =	sbarrier.arrive $0xFFFF  }
0x39: {  	[tilespmem:s3], [sflag:$0x1] =	stream.linear.gather [hbm4b:s11+s3], $0x100, $0x38;
	[tilespmem:$0x1C000] =	vst v63  }
0x3a: {  	_ = 	snop  }
0x3b: {  	[tilespmem:s17], [sflag:$0x2] =	stream.linear.gather [hbm4b:s12+s3], $0x100, $0x38;
	[tilespmem:$0x1C000] =	vst v63  }
0x3c: {  	_ =	swait.ge [sflag:s18], $0x100  }
0x3d: {  	[sflag:s18] =	ssyncset.done $0x0  }
0x3e: {  	s4 =	simm.s32 $0x0;
	[sflag:s18] =	ssyncadd.s32 $0xFFFFFF00  }
0x3f: {  	[tilespmem:s15], [sflag:$0x3] =	stream.indirect.gather [hbm4b:s1+s19], $0x80, s3, s19, $0xb8;
	[tilespmem:$0x1C000] =	vst v63  }
.LBB2_2:
0x40: {  	_ =	swait.ge [sflag:s20], $0x4000  }
0x41: {  	p0 =	seq.s32 s4, $0x0;
	[sflag:s20] =	ssyncset.done $0x0  }
0x42: {  	s7 =	simm.s32 @!p0 $0x5;
	[sflag:s20] =	ssyncadd.s32 $0xFFFFC000  }
0x43: {  	_ =	swait.ge @!p0 [sflag:s7], $0x4000  }
0x44: {  	s5 =	sadd.s32 s4, s14;
	[sflag:s7] =	ssyncset.done @!p0 $0x0  }
0x45: {  	s8 =	sadd.s32 $0x40, s5;
	[sflag:s7] =	ssyncadd.s32 @!p0 $0xFFFFC000  }
0x46: {  	[tilespmem:s21], [sflag:$0x1] =	stream.linear.gather [hbm4b:s8+s3], $0x100, $0x38;
	[tilespmem:$0x1C000] =	vst v63  }
0x47: {  	_ =	swait.ge [sflag:s22], $0x100  }
0x48: {  	[sflag:s22] =	ssyncset.done $0x0  }
0x49: {  	[sflag:s22] =	ssyncadd.s32 $0xFFFFFF00  }
0x4a: {  	[tilespmem:s23], [sflag:$0x3] =	stream.indirect.gather [hbm4b:s1+s19], $0x80, s17, s19, $0xb8;
	[tilespmem:$0x1C000] =	vst v63  }
0x4b: {  	_ = 	snop  }
0x4c: {  	[spmem:s2] =	stream.indirect.scatter.add.f32 [tilespmem:s15], [sflag:$0x4], $0x80, s19, s19, $0xb8;
	[tilespmem:$0x1C000] =	vst v63  }
0x4d: {  	_ =	swait.ge [sflag:s20], $0x4000  }
0x4e: {  	[sflag:s20] =	ssyncset.done $0x0  }
0x4f: {  	[sflag:s20] =	ssyncadd.s32 $0xFFFFC000  }
0x50: {  	_ =	swait.ge [sflag:s25], $0x4000  }
0x51: {  	[sflag:s25] =	ssyncset.done $0x0  }
0x52: {  	s8 =	sadd.s32 $0x60, s5;
	[sflag:s25] =	ssyncadd.s32 $0xFFFFC000  }
0x53: {  	[tilespmem:s26], [sflag:$0x2] =	stream.linear.gather [hbm4b:s8+s3], $0x100, $0x38;
	[tilespmem:$0x1C000] =	vst v63  }
0x54: {  	_ =	swait.ge [sflag:s18], $0x100  }
0x55: {  	[sflag:s18] =	ssyncset.done $0x0  }
0x56: {  	[sflag:s18] =	ssyncadd.s32 $0xFFFFFF00  }
0x57: {  	[tilespmem:s15], [sflag:$0x3] =	stream.indirect.gather [hbm4b:s1+s19], $0x80, s21, s19, $0xb8;
	[tilespmem:$0x1C000] =	vst v63  }
0x58: {  	_ = 	snop  }
0x59: {  	[spmem:s2] =	stream.indirect.scatter.add.f32 [tilespmem:s23], [sflag:$0x5], $0x80, s28, s19, $0xb8;
	[tilespmem:$0x1C000] =	vst v63  }
0x5a: {  	_ =	swait.ge [sflag:s20], $0x4000  }
0x5b: {  	[sflag:s20] =	ssyncset.done $0x0  }
0x5c: {  	[sflag:s20] =	ssyncadd.s32 $0xFFFFC000  }
0x5d: {  	p0 =	seq.s32 s4, $0x980;
	_ =	swait.ge [sflag:s29], $0x4000  }
0x5e: {  	s7 =	sadd.s32 @!p0 s4, s14;
	[sflag:s29] =	ssyncset.done $0x0  }
0x5f: {  	s7 =	sadd.s32 @!p0 $0x80, s7;
	s8 =	simm.s32 @!p0 $0x0;
	[sflag:s29] =	ssyncadd.s32 $0xFFFFC000  }
0x60: {  	[tilespmem:s8], [sflag:$0x1] =	stream.linear.gather @!p0 [hbm4b:s7+s8], $0x100, $0x38;
	[tilespmem:$0x1C000] =	vst v63  }
0x61: {  	_ =	swait.ge [sflag:s22], $0x100  }
0x62: {  	[sflag:s22] =	ssyncset.done $0x0  }
0x63: {  	[sflag:s22] =	ssyncadd.s32 $0xFFFFFF00  }
0x64: {  	[tilespmem:s23], [sflag:$0x3] =	stream.indirect.gather [hbm4b:s1+s19], $0x80, s26, s19, $0xb8;
	[tilespmem:$0x1C000] =	vst v63  }
0x65: {  	_ = 	snop  }
0x66: {  	[spmem:s2] =	stream.indirect.scatter.add.f32 [tilespmem:s15], [sflag:$0x4], $0x80, s30, s19, $0xb8;
	[tilespmem:$0x1C000] =	vst v63  }
0x67: {  	_ =	swait.ge [sflag:s20], $0x4000  }
.Ltmp2:
0x68: {  	[sflag:s20] =	ssyncset.done $0x0;
	(pc) =	sbr.rel @p0 .LBB2_4-.Ltmp2, $4  }
0x69: {  	[sflag:s20] =	ssyncadd.s32 $0xFFFFC000  }
0x6a: {  	_ =	swait.ge [sflag:s25], $0x4000  }
0x6b: {  	[sflag:s25] =	ssyncset.done $0x0  }
0x6c: {  	[sflag:s25] =	ssyncadd.s32 $0xFFFFC000  }
0x6d: {  	s5 =	sadd.s32 $0xA0, s5  }
0x6e: {  	[tilespmem:s17], [sflag:$0x2] =	stream.linear.gather [hbm4b:s5+s3], $0x100, $0x38;
	[tilespmem:$0x1C000] =	vst v63  }
0x6f: {  	_ =	swait.ge [sflag:s18], $0x100  }
.Ltmp3:
0x70: {  	[sflag:s18] =	ssyncset.done $0x0;
	(pc) =	sbr.rel .LBB2_2-.Ltmp3, $4  }
0x71: {  	[sflag:s18] =	ssyncadd.s32 $0xFFFFFF00  }
0x72: {  	[tilespmem:s15], [sflag:$0x3] =	stream.indirect.gather [hbm4b:s1+s19], $0x80, s3, s19, $0xb8;
	[tilespmem:$0x1C000] =	vst v63  }
0x73: {  	s4 =	sadd.s32 $0x80, s4  }
0x74: {  	[spmem:s2] =	stream.indirect.scatter.add.f32 [tilespmem:s23], [sflag:$0x5], $0x80, s31, s19, $0xb8;
	[tilespmem:$0x1C000] =	vst v63  }
.LBB2_5:
0x75: {  	_ =	sfence.sel $0x180000  }
0x76: {  	[bflag:$0x0] =	sbarrier.arrive $0xFFFF  }
0x77: {  	_ =	strace $0x90000047  }
0x78: {  	s0 =	stileid.u32;
	[bflag:$0x2] =	sbarrier.arrive $0xFFFF  }
0x79: {  	p0 =	sne.s32 s0, $0x0;
	s0 =	rddreg [dreg:$0x3]  }
0x7a: {  	s0 =	sadd.s32 @!p0 $0x100000, s0  }
0x7b: {  	[sflag:s0] =	ssyncadd.tile.s32 @!p0 $0x1;
	_ =	shalt  }
.Lfunc_end2:
_tile_overlayer_lowered:
.L_overlay_start_2:
0x7c: {  	(tag) =	ssettag $0x2  }
0x7d: {  	s0 =	rddreg [dreg:$0x0];
	s2 =	stileid.u32  }
0x7e: {  	s1 =	rddreg [dreg:$0x1];
	p0 =	sne.s32 s2, $0x0  }
0x7f: {  	s3 =	rddreg [dreg:$0x2];
	[bflag:$0x3] =	sbarrier.arrive $0xFFFF;
	s2 =	simm.s32 @!p0 $0x1C06  }
0x80: {  	[timem:s3], [sflag:s2] =	dma.local @!p0 [hbm:s0], s1  }
0x81: {  	s0 =	simm.s32 @!p0 $0x6  }
0x82: {  	_ =	swait.ge @!p0 [sflag:s0], s1  }
0x83: {  	s1 =	ssub.s32 @!p0 $0x0, s1;
	[sflag:s0] =	ssyncset.done @!p0 $0x0  }
0x84: {  	[sflag:s0] =	ssyncadd.s32 @!p0 s1  }
0x85: {  	[bflag:$0x3] =	sbarrier.arrive $0xFFFF  }
0x86: {  	_ =	shalt  }

// kernel: kernel.13.cloned.1.call-start
scs
__scs_entry_jumppad:
0x0: {  	(pc) =	sbr.rel $0x88, $3  }
0x1: {  	(tag) =	ssettag $0x0;
	lr =	simm.s32 $0x1  }
0x2: {  	[smem:$0x3F9F] =	sst lr;
	_ =	strace $0xD0000000  }
0x3: {  	_ = 	snop  }
0x4: {  	_ = 	snop  }
0x5: {  	_ = 	snop  }
0x6: {  	_ = 	snop  }
0x7: {  	_ = 	snop  }
__scs_overlays_trampoline_lowered:
0x8: {  	[smem:$0x3FAE] =	sst s0  }
0x9: {  	[smem:$0x3FAF] =	sst s1  }
0xa: {  	[smem:$0x3FB0] =	sst s2  }
0xb: {  	[smem:$0x3FB1] =	sst s3  }
0xc: {  	[smem:$0x3FB2] =	sst s4  }
0xd: {  	[smem:$0x3FB3] =	sst s5  }
0xe: {  	[smem:$0x3FB4] =	sst s6  }
0xf: {  	[smem:$0x3FB5] =	sst s7  }
0x10: {  	[smem:$0x3FB6] =	sst s8  }
0x11: {  	[smem:$0x3FB7] =	sst s9;
	s0 =	simm.s32 @!p0 $0x0  }
0x12: {  	s1 =	sld [smem:$0x3F9D];
	s0 =	simm.s32 @p0 $0x1  }
0x13: {  	[smem:$0x3FB8] =	sst s0;
	s0 =	simm.s32 @!p1 $0x0  }
0x14: {  	s2 =	sld [smem:$0x3F9C];
	s0 =	simm.s32 @p1 $0x1  }
0x15: {  	[smem:$0x3FB9] =	sst s0;
	s0 =	simm.s32 @!p2 $0x0  }
0x16: {  	s3 =	sld [smem:$0x3FDB];
	s0 =	simm.s32 @p2 $0x1  }
0x17: {  	s4 =	simm.s32 $0x1BF5;
	[smem:$0x3FBB] =	sst s0  }
0x18: {  	s0 =	sld [smem:$0x3F9E];
	_ =	swait.ge [sflag:s4], $0x0  }
0x19: {  	s7 =	sld [smem:$0x3F9F]  }
0x1a: {  	s8 =	sadd.s32 $0xFFFFE003, lr  }
0x1b: {  	s9 =	sadd.s32 $0xFFFFFEF7, lr;
	s5 =	simm.s32 $0xFFFFFFFF;
	p2 =	slt.u32 s8, $0xFFFFF086  }
0x1c: {  	p1 =	slt.u32 s9, $0xF7A;
	s5 =	simm.s32 @!p2 $0x0  }
0x1d: {  	s5 =	simm.s32 @p1 $0x1;
	p0 =	seq.s32 s7, s2  }
0x1e: {  	s7 =	smul.u32 @!p0 $0xF7A, s2;
	p2 =	seq.s32 @!p0 s5, $0x0  }
0x1f: {  	s9 =	smul.u32 $0xF7A, s1;
	s8 =	simm.s32 @!p0 $0x1BF5;
	p2 =	por !p2, p0  }
0x20: {  	[sflag:s8] =	ssyncset.s32 @!p0 $0xFFFFF086;
	s6 =	sadd.s32 @!p0 s3, s7;
	s7 =	simm.s32 @!p0 $0x108  }
0x21: {  	s3 =	sadd.s32 s3, s9;
	s6 =	sadd.s32 @!p0 $0x88, s6;
	s7 =	simm.s32 @p2 $0x1082  }
0x22: {  	[simem:s7], [sflag:s8] =	dma.local @!p0 [hbm:s6], $0xF7A  }
0x23: {  	s9 =	sor.u32 $0xD0000000, s2;
	s6 =	simm.s32 $0x108;
	_ =	swait.ge @!p0 [sflag:s8], $0x0  }
0x24: {  	s3 =	sadd.s32 $0x88, s3;
	s6 =	simm.s32 @!p1 $0x1082;
	[sflag:s4] =	ssyncset.s32 $0xFFFFF086  }
0x25: {  	[simem:s6], [sflag:s4] =	dma.local [hbm:s3], $0xF7A  }
0x26: {  	[smem:$0x3F9F] =	sst s1;
	(tag) =	ssettag s2;
	_ =	strace s9  }
0x27: {  	s1 =	sld [smem:$0x3FAF]  }
0x28: {  	s2 =	sld [smem:$0x3FB0]  }
0x29: {  	s4 =	sld [smem:$0x3FB2]  }
0x2a: {  	p0 =	seq.s32 s5, $0x0;
	s5 =	sld [smem:$0x3FB3]  }
0x2b: {  	s6 =	sld [smem:$0x3FB4]  }
0x2c: {  	s7 =	sld [smem:$0x3FB5]  }
0x2d: {  	s3 =	simm.s32 $0x108;
	s8 =	sld [smem:$0x3FB6]  }
0x2e: {  	s3 =	simm.s32 @!p0 $0x1082;
	s9 =	sld [smem:$0x3FB7]  }
0x2f: {  	lr =	sadd.s32 s0, s3;
	s0 =	sld [smem:$0x3FAE]  }
0x30: {  	s3 =	sld [smem:$0x3FB1]  }
0x31: {  	[smem:$0x3FBA] =	sst s10  }
0x32: {  	s10 =	sld [smem:$0x3FB8];
	_ =	sdelay $0x3  }
0x33: {  	p0 =	seq.s32 s10, $0x1;
	s10 =	sld [smem:$0x3FBA];
	_ =	sdelay $0x3  }
0x34: {  	[smem:$0x3FBA] =	sst s10  }
0x35: {  	s10 =	sld [smem:$0x3FB9];
	_ =	sdelay $0x3  }
0x36: {  	p1 =	seq.s32 s10, $0x1;
	s10 =	sld [smem:$0x3FBA];
	_ =	sdelay $0x3  }
0x37: {  	[smem:$0x3FBA] =	sst s10  }
0x38: {  	s10 =	sld [smem:$0x3FBB]  }
0x39: {  	_ = 	snop;
	(pc) =	sbr.ind lr, $3  }
0x3a: {  	_ = 	snop  }
0x3b: {  	_ = 	snop  }
0x3c: {  	p2 =	seq.s32 s10, $0x1;
	s10 =	sld [smem:$0x3FBA]  }
0x3d: {  	_ =	shalt  }
0x3e: {  	_ =	shalt  }
0x3f: {  	_ =	shalt  }
0x40: {  	_ =	shalt  }
0x41: {  	_ =	shalt  }
0x42: {  	_ =	shalt  }
0x43: {  	_ =	shalt  }
0x44: {  	_ =	shalt  }
0x45: {  	_ =	shalt  }
0x46: {  	_ =	shalt  }
0x47: {  	_ =	shalt  }
0x48: {  	_ =	shalt  }
0x49: {  	_ =	shalt  }
0x4a: {  	_ =	shalt  }
0x4b: {  	_ =	shalt  }
0x4c: {  	_ =	shalt  }
0x4d: {  	_ =	shalt  }
0x4e: {  	_ =	shalt  }
0x4f: {  	_ =	shalt  }
0x50: {  	_ =	shalt  }
0x51: {  	_ =	shalt  }
0x52: {  	_ =	shalt  }
0x53: {  	_ =	shalt  }
0x54: {  	_ =	shalt  }
0x55: {  	_ =	shalt  }
0x56: {  	_ =	shalt  }
0x57: {  	_ =	shalt  }
0x58: {  	_ =	shalt  }
0x59: {  	_ =	shalt  }
0x5a: {  	_ =	shalt  }
0x5b: {  	_ =	shalt  }
0x5c: {  	_ =	shalt  }
0x5d: {  	_ =	shalt  }
0x5e: {  	_ =	shalt  }
0x5f: {  	_ =	shalt  }
0x60: {  	_ =	shalt  }
0x61: {  	_ =	shalt  }
0x62: {  	_ =	shalt  }
0x63: {  	_ =	shalt  }
0x64: {  	_ =	shalt  }
0x65: {  	_ =	shalt  }
0x66: {  	_ =	shalt  }
0x67: {  	_ =	shalt  }
0x68: {  	_ =	shalt  }
0x69: {  	_ =	shalt  }
0x6a: {  	_ =	shalt  }
0x6b: {  	_ =	shalt  }
0x6c: {  	_ =	shalt  }
0x6d: {  	_ =	shalt  }
0x6e: {  	_ =	shalt  }
0x6f: {  	_ =	shalt  }
0x70: {  	_ =	shalt  }
0x71: {  	_ =	shalt  }
0x72: {  	_ =	shalt  }
0x73: {  	_ =	shalt  }
0x74: {  	_ =	shalt  }
0x75: {  	_ =	shalt  }
0x76: {  	_ =	shalt  }
0x77: {  	_ =	shalt  }
0x78: {  	_ =	shalt  }
0x79: {  	_ =	shalt  }
0x7a: {  	_ =	shalt  }
0x7b: {  	_ =	shalt  }
0x7c: {  	_ =	shalt  }
0x7d: {  	_ =	shalt  }
0x7e: {  	_ =	shalt  }
0x7f: {  	_ =	shalt  }
0x80: {  	_ =	shalt  }
0x81: {  	_ =	shalt  }
0x82: {  	_ =	shalt  }
0x83: {  	_ =	shalt  }
0x84: {  	_ =	shalt  }
0x85: {  	_ =	shalt  }
0x86: {  	_ =	shalt  }
0x87: {  	_ =	shalt  }
.Lfunc_end0:
.L_simem_size_0:
called_computation.1_lowered:
.L_overlay_start_0:
0x88: {  	s2 =	sld [smem:$0x3FD9]  }
0x89: {  	s3 =	sld [smem:$0x3FFE];
	_ =	sdelay $0x1  }
0x8a: {  	s1 =	srdreg.scid  }
0x8b: {  	s0 =	sand.u32 $0x1, s1  }
0x8c: {  	s17 =	sshll.u32 s0, $0xA;
	s2 =	sadd.s32 s3, s2  }
0x8d: {  	s2 =	sadd.s32 s2, s17  }
0x8e: {  	[smem:$0x3FC6] =	sst s2  }
0x8f: {  	_ = 	snop  }
0x90: {  	s2 =	sld [smem:$0x3FD0];
	(tm) =	ssettm $0x1  }
0x91: {  	s18 =	sld [smem:$0x3FFB];
	_ =	sdelay $0x3  }
0x92: {  	_ =	strace s18  }
0x93: {  	s3 =	sld [smem:$0x3FFC];
	_ =	sdelay $0x3  }
0x94: {  	_ =	strace s3  }
0x95: {  	s3 =	sld [smem:$0x3FFD];
	_ =	sdelay $0x3  }
0x96: {  	_ =	strace s3  }
0x97: {  	_ =	strace $0x8FFFFFFF  }
0x98: {  	s19 =	sld [smem:$0x3FDB];
	_ =	sdelay $0x1  }
0x99: {  	s4 =	simm.s32 $_scs_section_size  }
0x9a: {  	s5 =	simm.s32 $_size__tile_overlayer_lowered;
	s6 =	simm.s32 $_tile_overlayer_lowered  }
0x9b: {  	s22 =	simm.s32 $0x1BFF;
	s21 =	sshll.u32 s6, $0x1;
	s3 =	sadd.s32 s4, s19  }
0x9c: {  	s7 =	simm.s32 $0x0;
	s20 =	sshll.u32 s5, $0x1;
	s5 =	sadd.s32 s21, s3  }
0x9d: {  	[timem:s7], [sflag:s22] =	dma.local [hbm:s5], s20  }
0x9e: {  	_ =	swait.ge [sflag:s22], s20  }
0x9f: {  	s4 =	ssub.s32 $0x0, s20;
	[sflag:s22] =	ssyncset.done $0x0  }
0xa0: {  	[sflag:s22] =	ssyncadd.s32 s4;
	_ =	sdelay $0x1  }
0xa1: {  	s23 =	simm.s32 $0x1B8B  }
0xa2: {  	_ =	swait.ge [sflag:s23], $0x1  }
0xa3: {  	[sflag:s23] =	ssyncset.done $0x0  }
0xa4: {  	s25 =	simm.s32 $0x1B8E;
	s24 =	sld [smem:$0x3FFE];
	[sflag:s23] =	ssyncadd.s32 $0xFFFFFFFF  }
0xa5: {  	s26 =	simm.s32 $execute0_lowered;
	[smem:$0x3FD2] =	sst s25  }
0xa6: {  	s5 =	sshll.u32 s26, $0x1;
	_ =	strace $0x80000049;
	[dreg:$0x1] =	wrdreg $0xFFFFFFFF  }
0xa7: {  	s28 =	simm.s32 $_size_execute0_lowered;
	s3 =	sadd.s32 s3, s5;
	[dreg:$0x0] =	wrdreg $0x0  }
0xa8: {  	s5 =	sshll.u32 s28, $0x1;
	[dreg:$0x2] =	wrdreg s3  }
0xa9: {  	[dreg:$0x3] =	wrdreg s5  }
0xaa: {  	[dreg:$0x4] =	wrdreg $0xC0  }
0xab: {  	_ =	task [dreg:s7], $0x5FFFF  }
0xac: {  	[dreg:$0x1] =	wrdreg $0xFFFFFFFF  }
0xad: {  	[dreg:$0x0] =	wrdreg $0x60  }
0xae: {  	[dreg:$0x2] =	wrdreg s2  }
0xaf: {  	[dreg:$0x3] =	wrdreg s24  }
0xb0: {  	[dreg:$0x4] =	wrdreg $0x84000  }
0xb1: {  	[dreg:$0x5] =	wrdreg $0x9  }
0xb2: {  	_ =	task.clear_ibuf [dreg:s7], $0x6FFFF;
	_ =	strace $0x90000049  }
0xb3: {  	s29 =	simm.s32 $0x9;
	_ =	strace $0x8000004B  }
0xb4: {  	_ =	swait.ge [sflag:s29], $0x1  }
0xb5: {  	[sflag:s29] =	ssyncadd.s32 $0xFFFFFFFF  }
0xb6: {  	_ =	strace $0x9000004B  }
0xb7: {  	_ =	sfence  }
0xb8: {  	s30 =	sld [smem:$0x0];
	_ =	sdelay $0x2  }
0xb9: {  	s31 =	sshll.u32 s1, $0xD;
	s1 =	sshrl.u32 s1, $0x2  }
0xba: {  	s3 =	sand.u32 $0x4000, s31;
	s1 =	sadd.s32 s1, s30  }
0xbb: {  	s0 =	sor.u32 s3, s0;
	s1 =	sshll.u32 s1, $0x11  }
0xbc: {  	s0 =	sor.u32 s1, s0  }
0xbd: {  	s0 =	sadd.s32 $0x8F2B, s0  }
0xbe: {  	[sflag:s0] =	ssyncadd.remote.s32 $0x1  }
0xbf: {  	_ =	sfence.sel $0xFFFF  }
0xc0: {  	[dreg:$0x0] =	wrdreg $0xFFFFFFFF;
	(pc) =	sbr.abs _section_cstart, $3  }
0xc1: {  	[dreg:$0x1] =	wrdreg $0xFFFFFFFF  }
0xc2: {  	_ =	task.clear_ibuf [dreg:s7], $0x2FFFF;
	_ =	strace $0x9FFFFFFF  }
0xc3: {  	(tm) =	ssettm $0x7FFFFFFF  }
tec
execute0_lowered:
.L_overlay_start_1:
0x0: {  	(tag) =	ssettag $0x1  }
0x1: {  	s1 =	rddreg [dreg:$0x0]  }
0x2: {  	s0 =	rddreg [dreg:$0x1]  }
0x3: {  	s2 =	rddreg [dreg:$0x2]  }
0x4: {  	s3 =	simm.s32 $0x0;
	s4 =	srdreg.scid;
	s13 =	stileid.u32  }
0x5: {  	s16 =	simm.s32 $0x6;
	s17 =	simm.s32 $0x100;
	s18 =	simm.s32 $0x1  }
0x6: {  	s19 =	simm.s32 $0x80;
	s20 =	simm.s32 $0x3;
	s21 =	simm.s32 $0x200  }
0x7: {  	s22 =	simm.s32 $0x2;
	s28 =	simm.s32 $0x180;
	s6 =	smul.u32 $0x4F000, s13  }
0x8: {  	s29 =	simm.s32 $0x5;
	s30 =	simm.s32 $0x280;
	s9 =	smul.u32 $0x50, s13  }
0x9: {  	s31 =	simm.s32 $0x380;
	s4 =	sand.u32 $0x1, s4;
	s15 =	smul.u32 $0xA00, s13  }
0xa: {  	[smem:$0x7FF] =	sst s3;
	s14 =	sadd.s32 $0x3A00, s0;
	s5 =	smul.u32 $0x27800, s4  }
0xb: {  	s7 =	sadd.s32 $0x17A00, s0;
	_ =	strace $0x8000004A;
	s8 =	smul.u32 $0x500, s4  }
0xc: {  	[dreg:$0x4] =	wrdreg s7;
	s23 =	ssub.s32 $0x2, s4;
	s4 =	smul.u32 $0xA000, s4  }
0xd: {  	s6 =	sshrl.u32 s6, $0x2;
	s24 =	sshrl.u32 s23, $0x1;
	s0 =	sadd.s32 s5, s0  }
0xe: {  	s6 =	sadd.s32 s6, s2;
	s5 =	ssub.s32 s23, s24;
	s10 =	sadd.s32 s9, s8  }
0xf: {  	s24 =	smul.u32 $0x2780, s13;
	s4 =	sadd.s32 s4, s14;
	s23 =	simm.s32 $0x4400  }
0x10: {  	s25 =	sadd.s32 $0x4000, s6;
	s26 =	sadd.s32 $0x8000, s6;
	s9 =	sadd.s32 $0xC000, s6  }
.Ltmp0:
0x11: {  	s11 =	sshll.u32 s10, $0x5;
	s10 =	sadd.s32 $0x10000, s6;
	(pc) =	sbr.rel .LBB2_1-.Ltmp0, $4  }
0x12: {  	s0 =	sadd.s32 $0x67200, s0;
	s13 =	smax.u32 s5, $0x1;
	[dreg:$0x5] =	wrdreg s25  }
0x13: {  	[dreg:$0x6] =	wrdreg s26;
	s11 =	sadd.s32 s14, s11;
	s14 =	sadd.s32 s15, s4  }
0x14: {  	s15 =	simm.s32 $0x400;
	s24 =	sadd.s32 s24, s0;
	s25 =	simm.s32 $0x4  }
0x15: {  	s26 =	simm.s32 $0x300;
	s0 =	simm.s32 $0x0;
	s12 =	sadd.s32 $0x20, s11  }
.LBB2_4:
0x16: {  	[spmem:s2] =	stream.indirect.scatter.add.f32 [tilespmem:s23], [sflag:$0x5], $0x80, s31, s19, $0xb8;
	[tilespmem:$0x1C000] =	vst v63  }
0x17: {  	s4 =	stileid.u32;
	_ =	swait.ge [sflag:s29], $0x4000  }
0x18: {  	s5 =	sshrl.u32 s6, $0x3;
	s0 =	sadd.s32 $0x1, s0;
	[sflag:s29] =	ssyncset.done $0x0  }
0x19: {  	s4 =	sshll.u32 s4, $0x6;
	p0 =	sne.s32 s0, s13;
	[sflag:s29] =	ssyncadd.s32 $0xFFFFC000  }
.Ltmp1:
0x1a: {  	s4 =	sor.u32 $0x1C06, s4;
	[bflag:$0x0] =	sbarrier.arrive $0xFFFF;
	(pc) =	sbr.rel @!p0 .LBB2_5-.Ltmp1, $4  }
0x1b: {  	[hbm:s24], [sflag:s4] =	dma.local [spmem:s5], $0x2780  }
0x1c: {  	_ =	swait.ge [sflag:s16], $0x2780  }
0x1d: {  	[sflag:s16] =	ssyncset.done $0x0  }
0x1e: {  	[sflag:s16] =	ssyncadd.s32 $0xFFFFD880  }
.LBB2_1:
0x1f: {  	s4 =	rddreg [dreg:$0x4]  }
0x20: {  	[tilespmem:s15], [sflag:$0x6] =	stream.linear.gather [hbm4b:s4+s3], $0x4000, $0x38;
	[tilespmem:$0x1C000] =	vst v63  }
0x21: {  	_ =	swait.ge [sflag:s16], $0x4000  }
0x22: {  	[sflag:s16] =	ssyncset.done $0x0  }
0x23: {  	[sflag:s16] =	ssyncadd.s32 $0xFFFFC000  }
0x24: {  	[spmem:s6] =	stream.linear.scatter [tilespmem:s15], [sflag:$0x6], $0x4000, $0x38;
	[tilespmem:$0x1C000] =	vst v63  }
0x25: {  	_ =	swait.ge [sflag:s16], $0x4000  }
0x26: {  	[sflag:s16] =	ssyncset.done $0x0  }
0x27: {  	s7 =	rddreg [dreg:$0x5];
	[sflag:s16] =	ssyncadd.s32 $0xFFFFC000  }
0x28: {  	[spmem:s7] =	stream.linear.scatter [tilespmem:s15], [sflag:$0x6], $0x4000, $0x38;
	[tilespmem:$0x1C000] =	vst v63  }
0x29: {  	_ =	swait.ge [sflag:s16], $0x4000  }
0x2a: {  	[sflag:s16] =	ssyncset.done $0x0  }
0x2b: {  	s8 =	rddreg [dreg:$0x6];
	[sflag:s16] =	ssyncadd.s32 $0xFFFFC000  }
0x2c: {  	[spmem:s8] =	stream.linear.scatter [tilespmem:s15], [sflag:$0x6], $0x4000, $0x38;
	[tilespmem:$0x1C000] =	vst v63  }
0x2d: {  	_ =	swait.ge [sflag:s16], $0x4000  }
0x2e: {  	[sflag:s16] =	ssyncset.done $0x0  }
0x2f: {  	[sflag:s16] =	ssyncadd.s32 $0xFFFFC000  }
0x30: {  	[spmem:s9] =	stream.linear.scatter [tilespmem:s15], [sflag:$0x6], $0x4000, $0x38;
	[tilespmem:$0x1C000] =	vst v63  }
0x31: {  	_ =	swait.ge [sflag:s16], $0x4000  }
0x32: {  	[sflag:s16] =	ssyncset.done $0x0  }
0x33: {  	[sflag:s16] =	ssyncadd.s32 $0xFFFFC000  }
0x34: {  	[spmem:s10] =	stream.linear.scatter [tilespmem:s15], [sflag:$0x6], $0x3C00, $0x38;
	[tilespmem:$0x1C000] =	vst v63  }
0x35: {  	_ =	swait.ge [sflag:s16], $0x3C00  }
0x36: {  	[sflag:s16] =	ssyncset.done $0x0  }
0x37: {  	[sflag:s16] =	ssyncadd.s32 $0xFFFFC400  }
0x38: {  	[bflag:$0x0] =	sbarrier.arrive $0xFFFF  }
0x39: {  	[tilespmem:s3], [sflag:$0x1] =	stream.linear.gather [hbm4b:s11+s3], $0x100, $0x38;
	[tilespmem:$0x1C000] =	vst v63  }
0x3a: {  	_ = 	snop  }
0x3b: {  	[tilespmem:s17], [sflag:$0x2] =	stream.linear.gather [hbm4b:s12+s3], $0x100, $0x38;
	[tilespmem:$0x1C000] =	vst v63  }
0x3c: {  	_ =	swait.ge [sflag:s18], $0x100  }
0x3d: {  	[sflag:s18] =	ssyncset.done $0x0  }
0x3e: {  	s4 =	simm.s32 $0x0;
	[sflag:s18] =	ssyncadd.s32 $0xFFFFFF00  }
0x3f: {  	[tilespmem:s15], [sflag:$0x3] =	stream.indirect.gather [hbm4b:s1+s19], $0x80, s3, s19, $0xb8;
	[tilespmem:$0x1C000] =	vst v63  }
.LBB2_2:
0x40: {  	_ =	swait.ge [sflag:s20], $0x4000  }
0x41: {  	p0 =	seq.s32 s4, $0x0;
	[sflag:s20] =	ssyncset.done $0x0  }
0x42: {  	s7 =	simm.s32 @!p0 $0x5;
	[sflag:s20] =	ssyncadd.s32 $0xFFFFC000  }
0x43: {  	_ =	swait.ge @!p0 [sflag:s7], $0x4000  }
0x44: {  	s5 =	sadd.s32 s4, s14;
	[sflag:s7] =	ssyncset.done @!p0 $0x0  }
0x45: {  	s8 =	sadd.s32 $0x40, s5;
	[sflag:s7] =	ssyncadd.s32 @!p0 $0xFFFFC000  }
0x46: {  	[tilespmem:s21], [sflag:$0x1] =	stream.linear.gather [hbm4b:s8+s3], $0x100, $0x38;
	[tilespmem:$0x1C000] =	vst v63  }
0x47: {  	_ =	swait.ge [sflag:s22], $0x100  }
0x48: {  	[sflag:s22] =	ssyncset.done $0x0  }
0x49: {  	[sflag:s22] =	ssyncadd.s32 $0xFFFFFF00  }
0x4a: {  	[tilespmem:s23], [sflag:$0x3] =	stream.indirect.gather [hbm4b:s1+s19], $0x80, s17, s19, $0xb8;
	[tilespmem:$0x1C000] =	vst v63  }
0x4b: {  	_ = 	snop  }
0x4c: {  	[spmem:s2] =	stream.indirect.scatter.add.f32 [tilespmem:s15], [sflag:$0x4], $0x80, s19, s19, $0xb8;
	[tilespmem:$0x1C000] =	vst v63  }
0x4d: {  	_ =	swait.ge [sflag:s20], $0x4000  }
0x4e: {  	[sflag:s20] =	ssyncset.done $0x0  }
0x4f: {  	[sflag:s20] =	ssyncadd.s32 $0xFFFFC000  }
0x50: {  	_ =	swait.ge [sflag:s25], $0x4000  }
0x51: {  	[sflag:s25] =	ssyncset.done $0x0  }
0x52: {  	s8 =	sadd.s32 $0x60, s5;
	[sflag:s25] =	ssyncadd.s32 $0xFFFFC000  }
0x53: {  	[tilespmem:s26], [sflag:$0x2] =	stream.linear.gather [hbm4b:s8+s3], $0x100, $0x38;
	[tilespmem:$0x1C000] =	vst v63  }
0x54: {  	_ =	swait.ge [sflag:s18], $0x100  }
0x55: {  	[sflag:s18] =	ssyncset.done $0x0  }
0x56: {  	[sflag:s18] =	ssyncadd.s32 $0xFFFFFF00  }
0x57: {  	[tilespmem:s15], [sflag:$0x3] =	stream.indirect.gather [hbm4b:s1+s19], $0x80, s21, s19, $0xb8;
	[tilespmem:$0x1C000] =	vst v63  }
0x58: {  	_ = 	snop  }
0x59: {  	[spmem:s2] =	stream.indirect.scatter.add.f32 [tilespmem:s23], [sflag:$0x5], $0x80, s28, s19, $0xb8;
	[tilespmem:$0x1C000] =	vst v63  }
0x5a: {  	_ =	swait.ge [sflag:s20], $0x4000  }
0x5b: {  	[sflag:s20] =	ssyncset.done $0x0  }
0x5c: {  	[sflag:s20] =	ssyncadd.s32 $0xFFFFC000  }
0x5d: {  	p0 =	seq.s32 s4, $0x980;
	_ =	swait.ge [sflag:s29], $0x4000  }
0x5e: {  	s7 =	sadd.s32 @!p0 s4, s14;
	[sflag:s29] =	ssyncset.done $0x0  }
0x5f: {  	s7 =	sadd.s32 @!p0 $0x80, s7;
	s8 =	simm.s32 @!p0 $0x0;
	[sflag:s29] =	ssyncadd.s32 $0xFFFFC000  }
0x60: {  	[tilespmem:s8], [sflag:$0x1] =	stream.linear.gather @!p0 [hbm4b:s7+s8], $0x100, $0x38;
	[tilespmem:$0x1C000] =	vst v63  }
0x61: {  	_ =	swait.ge [sflag:s22], $0x100  }
0x62: {  	[sflag:s22] =	ssyncset.done $0x0  }
0x63: {  	[sflag:s22] =	ssyncadd.s32 $0xFFFFFF00  }
0x64: {  	[tilespmem:s23], [sflag:$0x3] =	stream.indirect.gather [hbm4b:s1+s19], $0x80, s26, s19, $0xb8;
	[tilespmem:$0x1C000] =	vst v63  }
0x65: {  	_ = 	snop  }
0x66: {  	[spmem:s2] =	stream.indirect.scatter.add.f32 [tilespmem:s15], [sflag:$0x4], $0x80, s30, s19, $0xb8;
	[tilespmem:$0x1C000] =	vst v63  }
0x67: {  	_ =	swait.ge [sflag:s20], $0x4000  }
.Ltmp2:
0x68: {  	[sflag:s20] =	ssyncset.done $0x0;
	(pc) =	sbr.rel @p0 .LBB2_4-.Ltmp2, $4  }
0x69: {  	[sflag:s20] =	ssyncadd.s32 $0xFFFFC000  }
0x6a: {  	_ =	swait.ge [sflag:s25], $0x4000  }
0x6b: {  	[sflag:s25] =	ssyncset.done $0x0  }
0x6c: {  	[sflag:s25] =	ssyncadd.s32 $0xFFFFC000  }
0x6d: {  	s5 =	sadd.s32 $0xA0, s5  }
0x6e: {  	[tilespmem:s17], [sflag:$0x2] =	stream.linear.gather [hbm4b:s5+s3], $0x100, $0x38;
	[tilespmem:$0x1C000] =	vst v63  }
0x6f: {  	_ =	swait.ge [sflag:s18], $0x100  }
.Ltmp3:
0x70: {  	[sflag:s18] =	ssyncset.done $0x0;
	(pc) =	sbr.rel .LBB2_2-.Ltmp3, $4  }
0x71: {  	[sflag:s18] =	ssyncadd.s32 $0xFFFFFF00  }
0x72: {  	[tilespmem:s15], [sflag:$0x3] =	stream.indirect.gather [hbm4b:s1+s19], $0x80, s3, s19, $0xb8;
	[tilespmem:$0x1C000] =	vst v63  }
0x73: {  	s4 =	sadd.s32 $0x80, s4  }
0x74: {  	[spmem:s2] =	stream.indirect.scatter.add.f32 [tilespmem:s23], [sflag:$0x5], $0x80, s31, s19, $0xb8;
	[tilespmem:$0x1C000] =	vst v63  }
.LBB2_5:
0x75: {  	_ =	sfence.sel $0x180000  }
0x76: {  	[bflag:$0x0] =	sbarrier.arrive $0xFFFF  }
0x77: {  	_ =	strace $0x9000004A  }
0x78: {  	s0 =	stileid.u32;
	[bflag:$0x2] =	sbarrier.arrive $0xFFFF  }
0x79: {  	p0 =	sne.s32 s0, $0x0;
	s0 =	rddreg [dreg:$0x3]  }
0x7a: {  	s0 =	sadd.s32 @!p0 $0x100000, s0  }
0x7b: {  	[sflag:s0] =	ssyncadd.tile.s32 @!p0 $0x1;
	_ =	shalt  }
.Lfunc_end2:
_tile_overlayer_lowered:
.L_overlay_start_2:
0x7c: {  	(tag) =	ssettag $0x2  }
0x7d: {  	s0 =	rddreg [dreg:$0x0];
	s2 =	stileid.u32  }
0x7e: {  	s1 =	rddreg [dreg:$0x1];
	p0 =	sne.s32 s2, $0x0  }
0x7f: {  	s3 =	rddreg [dreg:$0x2];
	[bflag:$0x3] =	sbarrier.arrive $0xFFFF;
	s2 =	simm.s32 @!p0 $0x1C06  }
0x80: {  	[timem:s3], [sflag:s2] =	dma.local @!p0 [hbm:s0], s1  }
0x81: {  	s0 =	simm.s32 @!p0 $0x6  }
0x82: {  	_ =	swait.ge @!p0 [sflag:s0], s1  }
0x83: {  	s1 =	ssub.s32 @!p0 $0x0, s1;
	[sflag:s0] =	ssyncset.done @!p0 $0x0  }
0x84: {  	[sflag:s0] =	ssyncadd.s32 @!p0 s1  }
0x85: {  	[bflag:$0x3] =	sbarrier.arrive $0xFFFF  }
0x86: {  	_ =	shalt  }

// kernel: kernel.16.cloned.1.call-start
scs
__scs_entry_jumppad:
0x0: {  	(pc) =	sbr.rel $0x88, $3  }
0x1: {  	(tag) =	ssettag $0x0;
	lr =	simm.s32 $0x1  }
0x2: {  	[smem:$0x3F9F] =	sst lr;
	_ =	strace $0xD0000000  }
0x3: {  	_ = 	snop  }
0x4: {  	_ = 	snop  }
0x5: {  	_ = 	snop  }
0x6: {  	_ = 	snop  }
0x7: {  	_ = 	snop  }
__scs_overlays_trampoline_lowered:
0x8: {  	[smem:$0x3FAE] =	sst s0  }
0x9: {  	[smem:$0x3FAF] =	sst s1  }
0xa: {  	[smem:$0x3FB0] =	sst s2  }
0xb: {  	[smem:$0x3FB1] =	sst s3  }
0xc: {  	[smem:$0x3FB2] =	sst s4  }
0xd: {  	[smem:$0x3FB3] =	sst s5  }
0xe: {  	[smem:$0x3FB4] =	sst s6  }
0xf: {  	[smem:$0x3FB5] =	sst s7  }
0x10: {  	[smem:$0x3FB6] =	sst s8  }
0x11: {  	[smem:$0x3FB7] =	sst s9;
	s0 =	simm.s32 @!p0 $0x0  }
0x12: {  	s1 =	sld [smem:$0x3F9D];
	s0 =	simm.s32 @p0 $0x1  }
0x13: {  	[smem:$0x3FB8] =	sst s0;
	s0 =	simm.s32 @!p1 $0x0  }
0x14: {  	s2 =	sld [smem:$0x3F9C];
	s0 =	simm.s32 @p1 $0x1  }
0x15: {  	[smem:$0x3FB9] =	sst s0;
	s0 =	simm.s32 @!p2 $0x0  }
0x16: {  	s3 =	sld [smem:$0x3FDB];
	s0 =	simm.s32 @p2 $0x1  }
0x17: {  	s4 =	simm.s32 $0x1BF5;
	[smem:$0x3FBB] =	sst s0  }
0x18: {  	s0 =	sld [smem:$0x3F9E];
	_ =	swait.ge [sflag:s4], $0x0  }
0x19: {  	s7 =	sld [smem:$0x3F9F]  }
0x1a: {  	s8 =	sadd.s32 $0xFFFFE003, lr  }
0x1b: {  	s9 =	sadd.s32 $0xFFFFFEF7, lr;
	s5 =	simm.s32 $0xFFFFFFFF;
	p2 =	slt.u32 s8, $0xFFFFF086  }
0x1c: {  	p1 =	slt.u32 s9, $0xF7A;
	s5 =	simm.s32 @!p2 $0x0  }
0x1d: {  	s5 =	simm.s32 @p1 $0x1;
	p0 =	seq.s32 s7, s2  }
0x1e: {  	s7 =	smul.u32 @!p0 $0xF7A, s2;
	p2 =	seq.s32 @!p0 s5, $0x0  }
0x1f: {  	s9 =	smul.u32 $0xF7A, s1;
	s8 =	simm.s32 @!p0 $0x1BF5;
	p2 =	por !p2, p0  }
0x20: {  	[sflag:s8] =	ssyncset.s32 @!p0 $0xFFFFF086;
	s6 =	sadd.s32 @!p0 s3, s7;
	s7 =	simm.s32 @!p0 $0x108  }
0x21: {  	s3 =	sadd.s32 s3, s9;
	s6 =	sadd.s32 @!p0 $0x88, s6;
	s7 =	simm.s32 @p2 $0x1082  }
0x22: {  	[simem:s7], [sflag:s8] =	dma.local @!p0 [hbm:s6], $0xF7A  }
0x23: {  	s9 =	sor.u32 $0xD0000000, s2;
	s6 =	simm.s32 $0x108;
	_ =	swait.ge @!p0 [sflag:s8], $0x0  }
0x24: {  	s3 =	sadd.s32 $0x88, s3;
	s6 =	simm.s32 @!p1 $0x1082;
	[sflag:s4] =	ssyncset.s32 $0xFFFFF086  }
0x25: {  	[simem:s6], [sflag:s4] =	dma.local [hbm:s3], $0xF7A  }
0x26: {  	[smem:$0x3F9F] =	sst s1;
	(tag) =	ssettag s2;
	_ =	strace s9  }
0x27: {  	s1 =	sld [smem:$0x3FAF]  }
0x28: {  	s2 =	sld [smem:$0x3FB0]  }
0x29: {  	s4 =	sld [smem:$0x3FB2]  }
0x2a: {  	p0 =	seq.s32 s5, $0x0;
	s5 =	sld [smem:$0x3FB3]  }
0x2b: {  	s6 =	sld [smem:$0x3FB4]  }
0x2c: {  	s7 =	sld [smem:$0x3FB5]  }
0x2d: {  	s3 =	simm.s32 $0x108;
	s8 =	sld [smem:$0x3FB6]  }
0x2e: {  	s3 =	simm.s32 @!p0 $0x1082;
	s9 =	sld [smem:$0x3FB7]  }
0x2f: {  	lr =	sadd.s32 s0, s3;
	s0 =	sld [smem:$0x3FAE]  }
0x30: {  	s3 =	sld [smem:$0x3FB1]  }
0x31: {  	[smem:$0x3FBA] =	sst s10  }
0x32: {  	s10 =	sld [smem:$0x3FB8];
	_ =	sdelay $0x3  }
0x33: {  	p0 =	seq.s32 s10, $0x1;
	s10 =	sld [smem:$0x3FBA];
	_ =	sdelay $0x3  }
0x34: {  	[smem:$0x3FBA] =	sst s10  }
0x35: {  	s10 =	sld [smem:$0x3FB9];
	_ =	sdelay $0x3  }
0x36: {  	p1 =	seq.s32 s10, $0x1;
	s10 =	sld [smem:$0x3FBA];
	_ =	sdelay $0x3  }
0x37: {  	[smem:$0x3FBA] =	sst s10  }
0x38: {  	s10 =	sld [smem:$0x3FBB]  }
0x39: {  	_ = 	snop;
	(pc) =	sbr.ind lr, $3  }
0x3a: {  	_ = 	snop  }
0x3b: {  	_ = 	snop  }
0x3c: {  	p2 =	seq.s32 s10, $0x1;
	s10 =	sld [smem:$0x3FBA]  }
0x3d: {  	_ =	shalt  }
0x3e: {  	_ =	shalt  }
0x3f: {  	_ =	shalt  }
0x40: {  	_ =	shalt  }
0x41: {  	_ =	shalt  }
0x42: {  	_ =	shalt  }
0x43: {  	_ =	shalt  }
0x44: {  	_ =	shalt  }
0x45: {  	_ =	shalt  }
0x46: {  	_ =	shalt  }
0x47: {  	_ =	shalt  }
0x48: {  	_ =	shalt  }
0x49: {  	_ =	shalt  }
0x4a: {  	_ =	shalt  }
0x4b: {  	_ =	shalt  }
0x4c: {  	_ =	shalt  }
0x4d: {  	_ =	shalt  }
0x4e: {  	_ =	shalt  }
0x4f: {  	_ =	shalt  }
0x50: {  	_ =	shalt  }
0x51: {  	_ =	shalt  }
0x52: {  	_ =	shalt  }
0x53: {  	_ =	shalt  }
0x54: {  	_ =	shalt  }
0x55: {  	_ =	shalt  }
0x56: {  	_ =	shalt  }
0x57: {  	_ =	shalt  }
0x58: {  	_ =	shalt  }
0x59: {  	_ =	shalt  }
0x5a: {  	_ =	shalt  }
0x5b: {  	_ =	shalt  }
0x5c: {  	_ =	shalt  }
0x5d: {  	_ =	shalt  }
0x5e: {  	_ =	shalt  }
0x5f: {  	_ =	shalt  }
0x60: {  	_ =	shalt  }
0x61: {  	_ =	shalt  }
0x62: {  	_ =	shalt  }
0x63: {  	_ =	shalt  }
0x64: {  	_ =	shalt  }
0x65: {  	_ =	shalt  }
0x66: {  	_ =	shalt  }
0x67: {  	_ =	shalt  }
0x68: {  	_ =	shalt  }
0x69: {  	_ =	shalt  }
0x6a: {  	_ =	shalt  }
0x6b: {  	_ =	shalt  }
0x6c: {  	_ =	shalt  }
0x6d: {  	_ =	shalt  }
0x6e: {  	_ =	shalt  }
0x6f: {  	_ =	shalt  }
0x70: {  	_ =	shalt  }
0x71: {  	_ =	shalt  }
0x72: {  	_ =	shalt  }
0x73: {  	_ =	shalt  }
0x74: {  	_ =	shalt  }
0x75: {  	_ =	shalt  }
0x76: {  	_ =	shalt  }
0x77: {  	_ =	shalt  }
0x78: {  	_ =	shalt  }
0x79: {  	_ =	shalt  }
0x7a: {  	_ =	shalt  }
0x7b: {  	_ =	shalt  }
0x7c: {  	_ =	shalt  }
0x7d: {  	_ =	shalt  }
0x7e: {  	_ =	shalt  }
0x7f: {  	_ =	shalt  }
0x80: {  	_ =	shalt  }
0x81: {  	_ =	shalt  }
0x82: {  	_ =	shalt  }
0x83: {  	_ =	shalt  }
0x84: {  	_ =	shalt  }
0x85: {  	_ =	shalt  }
0x86: {  	_ =	shalt  }
0x87: {  	_ =	shalt  }
.Lfunc_end0:
.L_simem_size_0:
called_computation.2_lowered:
.L_overlay_start_0:
0x88: {  	s2 =	sld [smem:$0x3FD9]  }
0x89: {  	s3 =	sld [smem:$0x3FFE];
	_ =	sdelay $0x1  }
0x8a: {  	s1 =	srdreg.scid  }
0x8b: {  	s0 =	sand.u32 $0x1, s1  }
0x8c: {  	s17 =	sshll.u32 s0, $0xA;
	s2 =	sadd.s32 s3, s2  }
0x8d: {  	s2 =	sadd.s32 s2, s17  }
0x8e: {  	[smem:$0x3FC6] =	sst s2  }
0x8f: {  	_ = 	snop  }
0x90: {  	s2 =	sld [smem:$0x3FD0];
	(tm) =	ssettm $0x1  }
0x91: {  	s18 =	sld [smem:$0x3FFB];
	_ =	sdelay $0x3  }
0x92: {  	_ =	strace s18  }
0x93: {  	s3 =	sld [smem:$0x3FFC];
	_ =	sdelay $0x3  }
0x94: {  	_ =	strace s3  }
0x95: {  	s3 =	sld [smem:$0x3FFD];
	_ =	sdelay $0x3  }
0x96: {  	_ =	strace s3  }
0x97: {  	_ =	strace $0x8FFFFFFF  }
0x98: {  	s19 =	sld [smem:$0x3FDB];
	_ =	sdelay $0x1  }
0x99: {  	s4 =	simm.s32 $_scs_section_size  }
0x9a: {  	s5 =	simm.s32 $_size__tile_overlayer_lowered;
	s6 =	simm.s32 $_tile_overlayer_lowered  }
0x9b: {  	s22 =	simm.s32 $0x1BFF;
	s21 =	sshll.u32 s6, $0x1;
	s3 =	sadd.s32 s4, s19  }
0x9c: {  	s7 =	simm.s32 $0x0;
	s20 =	sshll.u32 s5, $0x1;
	s5 =	sadd.s32 s21, s3  }
0x9d: {  	[timem:s7], [sflag:s22] =	dma.local [hbm:s5], s20  }
0x9e: {  	_ =	swait.ge [sflag:s22], s20  }
0x9f: {  	s4 =	ssub.s32 $0x0, s20;
	[sflag:s22] =	ssyncset.done $0x0  }
0xa0: {  	[sflag:s22] =	ssyncadd.s32 s4;
	_ =	sdelay $0x1  }
0xa1: {  	s23 =	simm.s32 $0x1B8B  }
0xa2: {  	_ =	swait.ge [sflag:s23], $0x1  }
0xa3: {  	[sflag:s23] =	ssyncset.done $0x0  }
0xa4: {  	s25 =	simm.s32 $0x1B8E;
	s24 =	sld [smem:$0x3FFE];
	[sflag:s23] =	ssyncadd.s32 $0xFFFFFFFF  }
0xa5: {  	s26 =	simm.s32 $execute0_lowered;
	[smem:$0x3FD2] =	sst s25  }
0xa6: {  	s5 =	sshll.u32 s26, $0x1;
	_ =	strace $0x8000004C;
	[dreg:$0x1] =	wrdreg $0xFFFFFFFF  }
0xa7: {  	s28 =	simm.s32 $_size_execute0_lowered;
	s3 =	sadd.s32 s3, s5;
	[dreg:$0x0] =	wrdreg $0x0  }
0xa8: {  	s5 =	sshll.u32 s28, $0x1;
	[dreg:$0x2] =	wrdreg s3  }
0xa9: {  	[dreg:$0x3] =	wrdreg s5  }
0xaa: {  	[dreg:$0x4] =	wrdreg $0xC0  }
0xab: {  	_ =	task [dreg:s7], $0x5FFFF  }
0xac: {  	[dreg:$0x1] =	wrdreg $0xFFFFFFFF  }
0xad: {  	[dreg:$0x0] =	wrdreg $0x60  }
0xae: {  	[dreg:$0x2] =	wrdreg s2  }
0xaf: {  	[dreg:$0x3] =	wrdreg s24  }
0xb0: {  	[dreg:$0x4] =	wrdreg $0x84000  }
0xb1: {  	[dreg:$0x5] =	wrdreg $0x9  }
0xb2: {  	_ =	task.clear_ibuf [dreg:s7], $0x6FFFF;
	_ =	strace $0x9000004C  }
0xb3: {  	s29 =	simm.s32 $0x9;
	_ =	strace $0x8000004E  }
0xb4: {  	_ =	swait.ge [sflag:s29], $0x1  }
0xb5: {  	[sflag:s29] =	ssyncadd.s32 $0xFFFFFFFF  }
0xb6: {  	_ =	strace $0x9000004E  }
0xb7: {  	_ =	sfence  }
0xb8: {  	s30 =	sld [smem:$0x0];
	_ =	sdelay $0x2  }
0xb9: {  	s31 =	sshll.u32 s1, $0xD;
	s1 =	sshrl.u32 s1, $0x2  }
0xba: {  	s3 =	sand.u32 $0x4000, s31;
	s1 =	sadd.s32 s1, s30  }
0xbb: {  	s0 =	sor.u32 s3, s0;
	s1 =	sshll.u32 s1, $0x11  }
0xbc: {  	s0 =	sor.u32 s1, s0  }
0xbd: {  	s0 =	sadd.s32 $0x8F2B, s0  }
0xbe: {  	[sflag:s0] =	ssyncadd.remote.s32 $0x1  }
0xbf: {  	_ =	sfence.sel $0xFFFF  }
0xc0: {  	[dreg:$0x0] =	wrdreg $0xFFFFFFFF;
	(pc) =	sbr.abs _section_cstart, $3  }
0xc1: {  	[dreg:$0x1] =	wrdreg $0xFFFFFFFF  }
0xc2: {  	_ =	task.clear_ibuf [dreg:s7], $0x2FFFF;
	_ =	strace $0x9FFFFFFF  }
0xc3: {  	(tm) =	ssettm $0x7FFFFFFF  }
tec
execute0_lowered:
.L_overlay_start_1:
0x0: {  	(tag) =	ssettag $0x1  }
0x1: {  	s1 =	rddreg [dreg:$0x0]  }
0x2: {  	s0 =	rddreg [dreg:$0x1]  }
0x3: {  	s2 =	rddreg [dreg:$0x2]  }
0x4: {  	s3 =	simm.s32 $0x0;
	s4 =	srdreg.scid;
	s13 =	stileid.u32  }
0x5: {  	s16 =	simm.s32 $0x6;
	s17 =	simm.s32 $0x100;
	s18 =	simm.s32 $0x1  }
0x6: {  	s19 =	simm.s32 $0x80;
	s20 =	simm.s32 $0x3;
	s21 =	simm.s32 $0x200  }
0x7: {  	s22 =	simm.s32 $0x2;
	s28 =	simm.s32 $0x180;
	s6 =	smul.u32 $0x4F000, s13  }
0x8: {  	s29 =	simm.s32 $0x5;
	s30 =	simm.s32 $0x280;
	s9 =	smul.u32 $0x50, s13  }
0x9: {  	s31 =	simm.s32 $0x380;
	s4 =	sand.u32 $0x1, s4;
	s15 =	smul.u32 $0xA00, s13  }
0xa: {  	[smem:$0x7FF] =	sst s3;
	s14 =	sadd.s32 $0x3A00, s0;
	s5 =	smul.u32 $0x27800, s4  }
0xb: {  	s7 =	sadd.s32 $0x17A00, s0;
	_ =	strace $0x8000004D;
	s8 =	smul.u32 $0x500, s4  }
0xc: {  	[dreg:$0x4] =	wrdreg s7;
	s23 =	ssub.s32 $0x2, s4;
	s4 =	smul.u32 $0xA000, s4  }
0xd: {  	s6 =	sshrl.u32 s6, $0x2;
	s24 =	sshrl.u32 s23, $0x1;
	s0 =	sadd.s32 s5, s0  }
0xe: {  	s6 =	sadd.s32 s6, s2;
	s5 =	ssub.s32 s23, s24;
	s10 =	sadd.s32 s9, s8  }
0xf: {  	s24 =	smul.u32 $0x2780, s13;
	s4 =	sadd.s32 s4, s14;
	s23 =	simm.s32 $0x4400  }
0x10: {  	s25 =	sadd.s32 $0x4000, s6;
	s26 =	sadd.s32 $0x8000, s6;
	s9 =	sadd.s32 $0xC000, s6  }
.Ltmp0:
0x11: {  	s11 =	sshll.u32 s10, $0x5;
	s10 =	sadd.s32 $0x10000, s6;
	(pc) =	sbr.rel .LBB2_1-.Ltmp0, $4  }
0x12: {  	s0 =	sadd.s32 $0x67200, s0;
	s13 =	smax.u32 s5, $0x1;
	[dreg:$0x5] =	wrdreg s25  }
0x13: {  	[dreg:$0x6] =	wrdreg s26;
	s11 =	sadd.s32 s14, s11;
	s14 =	sadd.s32 s15, s4  }
0x14: {  	s15 =	simm.s32 $0x400;
	s24 =	sadd.s32 s24, s0;
	s25 =	simm.s32 $0x4  }
0x15: {  	s26 =	simm.s32 $0x300;
	s0 =	simm.s32 $0x0;
	s12 =	sadd.s32 $0x20, s11  }
.LBB2_4:
0x16: {  	[spmem:s2] =	stream.indirect.scatter.add.f32 [tilespmem:s23], [sflag:$0x5], $0x80, s31, s19, $0xb8;
	[tilespmem:$0x1C000] =	vst v63  }
0x17: {  	s4 =	stileid.u32;
	_ =	swait.ge [sflag:s29], $0x4000  }
0x18: {  	s5 =	sshrl.u32 s6, $0x3;
	s0 =	sadd.s32 $0x1, s0;
	[sflag:s29] =	ssyncset.done $0x0  }
0x19: {  	s4 =	sshll.u32 s4, $0x6;
	p0 =	sne.s32 s0, s13;
	[sflag:s29] =	ssyncadd.s32 $0xFFFFC000  }
.Ltmp1:
0x1a: {  	s4 =	sor.u32 $0x1C06, s4;
	[bflag:$0x0] =	sbarrier.arrive $0xFFFF;
	(pc) =	sbr.rel @!p0 .LBB2_5-.Ltmp1, $4  }
0x1b: {  	[hbm:s24], [sflag:s4] =	dma.local [spmem:s5], $0x2780  }
0x1c: {  	_ =	swait.ge [sflag:s16], $0x2780  }
0x1d: {  	[sflag:s16] =	ssyncset.done $0x0  }
0x1e: {  	[sflag:s16] =	ssyncadd.s32 $0xFFFFD880  }
.LBB2_1:
0x1f: {  	s4 =	rddreg [dreg:$0x4]  }
0x20: {  	[tilespmem:s15], [sflag:$0x6] =	stream.linear.gather [hbm4b:s4+s3], $0x4000, $0x38;
	[tilespmem:$0x1C000] =	vst v63  }
0x21: {  	_ =	swait.ge [sflag:s16], $0x4000  }
0x22: {  	[sflag:s16] =	ssyncset.done $0x0  }
0x23: {  	[sflag:s16] =	ssyncadd.s32 $0xFFFFC000  }
0x24: {  	[spmem:s6] =	stream.linear.scatter [tilespmem:s15], [sflag:$0x6], $0x4000, $0x38;
	[tilespmem:$0x1C000] =	vst v63  }
0x25: {  	_ =	swait.ge [sflag:s16], $0x4000  }
0x26: {  	[sflag:s16] =	ssyncset.done $0x0  }
0x27: {  	s7 =	rddreg [dreg:$0x5];
	[sflag:s16] =	ssyncadd.s32 $0xFFFFC000  }
0x28: {  	[spmem:s7] =	stream.linear.scatter [tilespmem:s15], [sflag:$0x6], $0x4000, $0x38;
	[tilespmem:$0x1C000] =	vst v63  }
0x29: {  	_ =	swait.ge [sflag:s16], $0x4000  }
0x2a: {  	[sflag:s16] =	ssyncset.done $0x0  }
0x2b: {  	s8 =	rddreg [dreg:$0x6];
	[sflag:s16] =	ssyncadd.s32 $0xFFFFC000  }
0x2c: {  	[spmem:s8] =	stream.linear.scatter [tilespmem:s15], [sflag:$0x6], $0x4000, $0x38;
	[tilespmem:$0x1C000] =	vst v63  }
0x2d: {  	_ =	swait.ge [sflag:s16], $0x4000  }
0x2e: {  	[sflag:s16] =	ssyncset.done $0x0  }
0x2f: {  	[sflag:s16] =	ssyncadd.s32 $0xFFFFC000  }
0x30: {  	[spmem:s9] =	stream.linear.scatter [tilespmem:s15], [sflag:$0x6], $0x4000, $0x38;
	[tilespmem:$0x1C000] =	vst v63  }
0x31: {  	_ =	swait.ge [sflag:s16], $0x4000  }
0x32: {  	[sflag:s16] =	ssyncset.done $0x0  }
0x33: {  	[sflag:s16] =	ssyncadd.s32 $0xFFFFC000  }
0x34: {  	[spmem:s10] =	stream.linear.scatter [tilespmem:s15], [sflag:$0x6], $0x3C00, $0x38;
	[tilespmem:$0x1C000] =	vst v63  }
0x35: {  	_ =	swait.ge [sflag:s16], $0x3C00  }
0x36: {  	[sflag:s16] =	ssyncset.done $0x0  }
0x37: {  	[sflag:s16] =	ssyncadd.s32 $0xFFFFC400  }
0x38: {  	[bflag:$0x0] =	sbarrier.arrive $0xFFFF  }
0x39: {  	[tilespmem:s3], [sflag:$0x1] =	stream.linear.gather [hbm4b:s11+s3], $0x100, $0x38;
	[tilespmem:$0x1C000] =	vst v63  }
0x3a: {  	_ = 	snop  }
0x3b: {  	[tilespmem:s17], [sflag:$0x2] =	stream.linear.gather [hbm4b:s12+s3], $0x100, $0x38;
	[tilespmem:$0x1C000] =	vst v63  }
0x3c: {  	_ =	swait.ge [sflag:s18], $0x100  }
0x3d: {  	[sflag:s18] =	ssyncset.done $0x0  }
0x3e: {  	s4 =	simm.s32 $0x0;
	[sflag:s18] =	ssyncadd.s32 $0xFFFFFF00  }
0x3f: {  	[tilespmem:s15], [sflag:$0x3] =	stream.indirect.gather [hbm4b:s1+s19], $0x80, s3, s19, $0xb8;
	[tilespmem:$0x1C000] =	vst v63  }
.LBB2_2:
0x40: {  	_ =	swait.ge [sflag:s20], $0x4000  }
0x41: {  	p0 =	seq.s32 s4, $0x0;
	[sflag:s20] =	ssyncset.done $0x0  }
0x42: {  	s7 =	simm.s32 @!p0 $0x5;
	[sflag:s20] =	ssyncadd.s32 $0xFFFFC000  }
0x43: {  	_ =	swait.ge @!p0 [sflag:s7], $0x4000  }
0x44: {  	s5 =	sadd.s32 s4, s14;
	[sflag:s7] =	ssyncset.done @!p0 $0x0  }
0x45: {  	s8 =	sadd.s32 $0x40, s5;
	[sflag:s7] =	ssyncadd.s32 @!p0 $0xFFFFC000  }
0x46: {  	[tilespmem:s21], [sflag:$0x1] =	stream.linear.gather [hbm4b:s8+s3], $0x100, $0x38;
	[tilespmem:$0x1C000] =	vst v63  }
0x47: {  	_ =	swait.ge [sflag:s22], $0x100  }
0x48: {  	[sflag:s22] =	ssyncset.done $0x0  }
0x49: {  	[sflag:s22] =	ssyncadd.s32 $0xFFFFFF00  }
0x4a: {  	[tilespmem:s23], [sflag:$0x3] =	stream.indirect.gather [hbm4b:s1+s19], $0x80, s17, s19, $0xb8;
	[tilespmem:$0x1C000] =	vst v63  }
0x4b: {  	_ = 	snop  }
0x4c: {  	[spmem:s2] =	stream.indirect.scatter.add.f32 [tilespmem:s15], [sflag:$0x4], $0x80, s19, s19, $0xb8;
	[tilespmem:$0x1C000] =	vst v63  }
0x4d: {  	_ =	swait.ge [sflag:s20], $0x4000  }
0x4e: {  	[sflag:s20] =	ssyncset.done $0x0  }
0x4f: {  	[sflag:s20] =	ssyncadd.s32 $0xFFFFC000  }
0x50: {  	_ =	swait.ge [sflag:s25], $0x4000  }
0x51: {  	[sflag:s25] =	ssyncset.done $0x0  }
0x52: {  	s8 =	sadd.s32 $0x60, s5;
	[sflag:s25] =	ssyncadd.s32 $0xFFFFC000  }
0x53: {  	[tilespmem:s26], [sflag:$0x2] =	stream.linear.gather [hbm4b:s8+s3], $0x100, $0x38;
	[tilespmem:$0x1C000] =	vst v63  }
0x54: {  	_ =	swait.ge [sflag:s18], $0x100  }
0x55: {  	[sflag:s18] =	ssyncset.done $0x0  }
0x56: {  	[sflag:s18] =	ssyncadd.s32 $0xFFFFFF00  }
0x57: {  	[tilespmem:s15], [sflag:$0x3] =	stream.indirect.gather [hbm4b:s1+s19], $0x80, s21, s19, $0xb8;
	[tilespmem:$0x1C000] =	vst v63  }
0x58: {  	_ = 	snop  }
0x59: {  	[spmem:s2] =	stream.indirect.scatter.add.f32 [tilespmem:s23], [sflag:$0x5], $0x80, s28, s19, $0xb8;
	[tilespmem:$0x1C000] =	vst v63  }
0x5a: {  	_ =	swait.ge [sflag:s20], $0x4000  }
0x5b: {  	[sflag:s20] =	ssyncset.done $0x0  }
0x5c: {  	[sflag:s20] =	ssyncadd.s32 $0xFFFFC000  }
0x5d: {  	p0 =	seq.s32 s4, $0x980;
	_ =	swait.ge [sflag:s29], $0x4000  }
0x5e: {  	s7 =	sadd.s32 @!p0 s4, s14;
	[sflag:s29] =	ssyncset.done $0x0  }
0x5f: {  	s7 =	sadd.s32 @!p0 $0x80, s7;
	s8 =	simm.s32 @!p0 $0x0;
	[sflag:s29] =	ssyncadd.s32 $0xFFFFC000  }
0x60: {  	[tilespmem:s8], [sflag:$0x1] =	stream.linear.gather @!p0 [hbm4b:s7+s8], $0x100, $0x38;
	[tilespmem:$0x1C000] =	vst v63  }
0x61: {  	_ =	swait.ge [sflag:s22], $0x100  }
0x62: {  	[sflag:s22] =	ssyncset.done $0x0  }
0x63: {  	[sflag:s22] =	ssyncadd.s32 $0xFFFFFF00  }
0x64: {  	[tilespmem:s23], [sflag:$0x3] =	stream.indirect.gather [hbm4b:s1+s19], $0x80, s26, s19, $0xb8;
	[tilespmem:$0x1C000] =	vst v63  }
0x65: {  	_ = 	snop  }
0x66: {  	[spmem:s2] =	stream.indirect.scatter.add.f32 [tilespmem:s15], [sflag:$0x4], $0x80, s30, s19, $0xb8;
	[tilespmem:$0x1C000] =	vst v63  }
0x67: {  	_ =	swait.ge [sflag:s20], $0x4000  }
.Ltmp2:
0x68: {  	[sflag:s20] =	ssyncset.done $0x0;
	(pc) =	sbr.rel @p0 .LBB2_4-.Ltmp2, $4  }
0x69: {  	[sflag:s20] =	ssyncadd.s32 $0xFFFFC000  }
0x6a: {  	_ =	swait.ge [sflag:s25], $0x4000  }
0x6b: {  	[sflag:s25] =	ssyncset.done $0x0  }
0x6c: {  	[sflag:s25] =	ssyncadd.s32 $0xFFFFC000  }
0x6d: {  	s5 =	sadd.s32 $0xA0, s5  }
0x6e: {  	[tilespmem:s17], [sflag:$0x2] =	stream.linear.gather [hbm4b:s5+s3], $0x100, $0x38;
	[tilespmem:$0x1C000] =	vst v63  }
0x6f: {  	_ =	swait.ge [sflag:s18], $0x100  }
.Ltmp3:
0x70: {  	[sflag:s18] =	ssyncset.done $0x0;
	(pc) =	sbr.rel .LBB2_2-.Ltmp3, $4  }
0x71: {  	[sflag:s18] =	ssyncadd.s32 $0xFFFFFF00  }
0x72: {  	[tilespmem:s15], [sflag:$0x3] =	stream.indirect.gather [hbm4b:s1+s19], $0x80, s3, s19, $0xb8;
	[tilespmem:$0x1C000] =	vst v63  }
0x73: {  	s4 =	sadd.s32 $0x80, s4  }
0x74: {  	[spmem:s2] =	stream.indirect.scatter.add.f32 [tilespmem:s23], [sflag:$0x5], $0x80, s31, s19, $0xb8;
	[tilespmem:$0x1C000] =	vst v63  }
.LBB2_5:
0x75: {  	_ =	sfence.sel $0x180000  }
0x76: {  	[bflag:$0x0] =	sbarrier.arrive $0xFFFF  }
0x77: {  	_ =	strace $0x9000004D  }
0x78: {  	s0 =	stileid.u32;
	[bflag:$0x2] =	sbarrier.arrive $0xFFFF  }
0x79: {  	p0 =	sne.s32 s0, $0x0;
	s0 =	rddreg [dreg:$0x3]  }
0x7a: {  	s0 =	sadd.s32 @!p0 $0x100000, s0  }
0x7b: {  	[sflag:s0] =	ssyncadd.tile.s32 @!p0 $0x1;
	_ =	shalt  }
.Lfunc_end2:
_tile_overlayer_lowered:
.L_overlay_start_2:
0x7c: {  	(tag) =	ssettag $0x2  }
0x7d: {  	s0 =	rddreg [dreg:$0x0];
	s2 =	stileid.u32  }
0x7e: {  	s1 =	rddreg [dreg:$0x1];
	p0 =	sne.s32 s2, $0x0  }
0x7f: {  	s3 =	rddreg [dreg:$0x2];
	[bflag:$0x3] =	sbarrier.arrive $0xFFFF;
	s2 =	simm.s32 @!p0 $0x1C06  }
0x80: {  	[timem:s3], [sflag:s2] =	dma.local @!p0 [hbm:s0], s1  }
0x81: {  	s0 =	simm.s32 @!p0 $0x6  }
0x82: {  	_ =	swait.ge @!p0 [sflag:s0], s1  }
0x83: {  	s1 =	ssub.s32 @!p0 $0x0, s1;
	[sflag:s0] =	ssyncset.done @!p0 $0x0  }
0x84: {  	[sflag:s0] =	ssyncadd.s32 @!p0 s1  }
0x85: {  	[bflag:$0x3] =	sbarrier.arrive $0xFFFF  }
0x86: {  	_ =	shalt  }

// kernel: kernel.19.cloned.1.call-start
scs
__scs_entry_jumppad:
0x0: {  	(pc) =	sbr.rel $0x88, $3  }
0x1: {  	(tag) =	ssettag $0x0;
	lr =	simm.s32 $0x1  }
0x2: {  	[smem:$0x3F9F] =	sst lr;
	_ =	strace $0xD0000000  }
0x3: {  	_ = 	snop  }
0x4: {  	_ = 	snop  }
0x5: {  	_ = 	snop  }
0x6: {  	_ = 	snop  }
0x7: {  	_ = 	snop  }
__scs_overlays_trampoline_lowered:
0x8: {  	[smem:$0x3FAE] =	sst s0  }
0x9: {  	[smem:$0x3FAF] =	sst s1  }
0xa: {  	[smem:$0x3FB0] =	sst s2  }
0xb: {  	[smem:$0x3FB1] =	sst s3  }
0xc: {  	[smem:$0x3FB2] =	sst s4  }
0xd: {  	[smem:$0x3FB3] =	sst s5  }
0xe: {  	[smem:$0x3FB4] =	sst s6  }
0xf: {  	[smem:$0x3FB5] =	sst s7  }
0x10: {  	[smem:$0x3FB6] =	sst s8  }
0x11: {  	[smem:$0x3FB7] =	sst s9;
	s0 =	simm.s32 @!p0 $0x0  }
0x12: {  	s1 =	sld [smem:$0x3F9D];
	s0 =	simm.s32 @p0 $0x1  }
0x13: {  	[smem:$0x3FB8] =	sst s0;
	s0 =	simm.s32 @!p1 $0x0  }
0x14: {  	s2 =	sld [smem:$0x3F9C];
	s0 =	simm.s32 @p1 $0x1  }
0x15: {  	[smem:$0x3FB9] =	sst s0;
	s0 =	simm.s32 @!p2 $0x0  }
0x16: {  	s3 =	sld [smem:$0x3FDB];
	s0 =	simm.s32 @p2 $0x1  }
0x17: {  	s4 =	simm.s32 $0x1BF5;
	[smem:$0x3FBB] =	sst s0  }
0x18: {  	s0 =	sld [smem:$0x3F9E];
	_ =	swait.ge [sflag:s4], $0x0  }
0x19: {  	s7 =	sld [smem:$0x3F9F]  }
0x1a: {  	s8 =	sadd.s32 $0xFFFFE003, lr  }
0x1b: {  	s9 =	sadd.s32 $0xFFFFFEF7, lr;
	s5 =	simm.s32 $0xFFFFFFFF;
	p2 =	slt.u32 s8, $0xFFFFF086  }
0x1c: {  	p1 =	slt.u32 s9, $0xF7A;
	s5 =	simm.s32 @!p2 $0x0  }
0x1d: {  	s5 =	simm.s32 @p1 $0x1;
	p0 =	seq.s32 s7, s2  }
0x1e: {  	s7 =	smul.u32 @!p0 $0xF7A, s2;
	p2 =	seq.s32 @!p0 s5, $0x0  }
0x1f: {  	s9 =	smul.u32 $0xF7A, s1;
	s8 =	simm.s32 @!p0 $0x1BF5;
	p2 =	por !p2, p0  }
0x20: {  	[sflag:s8] =	ssyncset.s32 @!p0 $0xFFFFF086;
	s6 =	sadd.s32 @!p0 s3, s7;
	s7 =	simm.s32 @!p0 $0x108  }
0x21: {  	s3 =	sadd.s32 s3, s9;
	s6 =	sadd.s32 @!p0 $0x88, s6;
	s7 =	simm.s32 @p2 $0x1082  }
0x22: {  	[simem:s7], [sflag:s8] =	dma.local @!p0 [hbm:s6], $0xF7A  }
0x23: {  	s9 =	sor.u32 $0xD0000000, s2;
	s6 =	simm.s32 $0x108;
	_ =	swait.ge @!p0 [sflag:s8], $0x0  }
0x24: {  	s3 =	sadd.s32 $0x88, s3;
	s6 =	simm.s32 @!p1 $0x1082;
	[sflag:s4] =	ssyncset.s32 $0xFFFFF086  }
0x25: {  	[simem:s6], [sflag:s4] =	dma.local [hbm:s3], $0xF7A  }
0x26: {  	[smem:$0x3F9F] =	sst s1;
	(tag) =	ssettag s2;
	_ =	strace s9  }
0x27: {  	s1 =	sld [smem:$0x3FAF]  }
0x28: {  	s2 =	sld [smem:$0x3FB0]  }
0x29: {  	s4 =	sld [smem:$0x3FB2]  }
0x2a: {  	p0 =	seq.s32 s5, $0x0;
	s5 =	sld [smem:$0x3FB3]  }
0x2b: {  	s6 =	sld [smem:$0x3FB4]  }
0x2c: {  	s7 =	sld [smem:$0x3FB5]  }
0x2d: {  	s3 =	simm.s32 $0x108;
	s8 =	sld [smem:$0x3FB6]  }
0x2e: {  	s3 =	simm.s32 @!p0 $0x1082;
	s9 =	sld [smem:$0x3FB7]  }
0x2f: {  	lr =	sadd.s32 s0, s3;
	s0 =	sld [smem:$0x3FAE]  }
0x30: {  	s3 =	sld [smem:$0x3FB1]  }
0x31: {  	[smem:$0x3FBA] =	sst s10  }
0x32: {  	s10 =	sld [smem:$0x3FB8];
	_ =	sdelay $0x3  }
0x33: {  	p0 =	seq.s32 s10, $0x1;
	s10 =	sld [smem:$0x3FBA];
	_ =	sdelay $0x3  }
0x34: {  	[smem:$0x3FBA] =	sst s10  }
0x35: {  	s10 =	sld [smem:$0x3FB9];
	_ =	sdelay $0x3  }
0x36: {  	p1 =	seq.s32 s10, $0x1;
	s10 =	sld [smem:$0x3FBA];
	_ =	sdelay $0x3  }
0x37: {  	[smem:$0x3FBA] =	sst s10  }
0x38: {  	s10 =	sld [smem:$0x3FBB]  }
0x39: {  	_ = 	snop;
	(pc) =	sbr.ind lr, $3  }
0x3a: {  	_ = 	snop  }
0x3b: {  	_ = 	snop  }
0x3c: {  	p2 =	seq.s32 s10, $0x1;
	s10 =	sld [smem:$0x3FBA]  }
0x3d: {  	_ =	shalt  }
0x3e: {  	_ =	shalt  }
0x3f: {  	_ =	shalt  }
0x40: {  	_ =	shalt  }
0x41: {  	_ =	shalt  }
0x42: {  	_ =	shalt  }
0x43: {  	_ =	shalt  }
0x44: {  	_ =	shalt  }
0x45: {  	_ =	shalt  }
0x46: {  	_ =	shalt  }
0x47: {  	_ =	shalt  }
0x48: {  	_ =	shalt  }
0x49: {  	_ =	shalt  }
0x4a: {  	_ =	shalt  }
0x4b: {  	_ =	shalt  }
0x4c: {  	_ =	shalt  }
0x4d: {  	_ =	shalt  }
0x4e: {  	_ =	shalt  }
0x4f: {  	_ =	shalt  }
0x50: {  	_ =	shalt  }
0x51: {  	_ =	shalt  }
0x52: {  	_ =	shalt  }
0x53: {  	_ =	shalt  }
0x54: {  	_ =	shalt  }
0x55: {  	_ =	shalt  }
0x56: {  	_ =	shalt  }
0x57: {  	_ =	shalt  }
0x58: {  	_ =	shalt  }
0x59: {  	_ =	shalt  }
0x5a: {  	_ =	shalt  }
0x5b: {  	_ =	shalt  }
0x5c: {  	_ =	shalt  }
0x5d: {  	_ =	shalt  }
0x5e: {  	_ =	shalt  }
0x5f: {  	_ =	shalt  }
0x60: {  	_ =	shalt  }
0x61: {  	_ =	shalt  }
0x62: {  	_ =	shalt  }
0x63: {  	_ =	shalt  }
0x64: {  	_ =	shalt  }
0x65: {  	_ =	shalt  }
0x66: {  	_ =	shalt  }
0x67: {  	_ =	shalt  }
0x68: {  	_ =	shalt  }
0x69: {  	_ =	shalt  }
0x6a: {  	_ =	shalt  }
0x6b: {  	_ =	shalt  }
0x6c: {  	_ =	shalt  }
0x6d: {  	_ =	shalt  }
0x6e: {  	_ =	shalt  }
0x6f: {  	_ =	shalt  }
0x70: {  	_ =	shalt  }
0x71: {  	_ =	shalt  }
0x72: {  	_ =	shalt  }
0x73: {  	_ =	shalt  }
0x74: {  	_ =	shalt  }
0x75: {  	_ =	shalt  }
0x76: {  	_ =	shalt  }
0x77: {  	_ =	shalt  }
0x78: {  	_ =	shalt  }
0x79: {  	_ =	shalt  }
0x7a: {  	_ =	shalt  }
0x7b: {  	_ =	shalt  }
0x7c: {  	_ =	shalt  }
0x7d: {  	_ =	shalt  }
0x7e: {  	_ =	shalt  }
0x7f: {  	_ =	shalt  }
0x80: {  	_ =	shalt  }
0x81: {  	_ =	shalt  }
0x82: {  	_ =	shalt  }
0x83: {  	_ =	shalt  }
0x84: {  	_ =	shalt  }
0x85: {  	_ =	shalt  }
0x86: {  	_ =	shalt  }
0x87: {  	_ =	shalt  }
.Lfunc_end0:
.L_simem_size_0:
called_computation.3_lowered:
.L_overlay_start_0:
0x88: {  	s2 =	sld [smem:$0x3FD9]  }
0x89: {  	s3 =	sld [smem:$0x3FFE];
	_ =	sdelay $0x1  }
0x8a: {  	s1 =	srdreg.scid  }
0x8b: {  	s0 =	sand.u32 $0x1, s1  }
0x8c: {  	s17 =	sshll.u32 s0, $0xA;
	s2 =	sadd.s32 s3, s2  }
0x8d: {  	s2 =	sadd.s32 s2, s17  }
0x8e: {  	[smem:$0x3FC6] =	sst s2  }
0x8f: {  	_ = 	snop  }
0x90: {  	s2 =	sld [smem:$0x3FD0];
	(tm) =	ssettm $0x1  }
0x91: {  	s18 =	sld [smem:$0x3FFB];
	_ =	sdelay $0x3  }
0x92: {  	_ =	strace s18  }
0x93: {  	s3 =	sld [smem:$0x3FFC];
	_ =	sdelay $0x3  }
0x94: {  	_ =	strace s3  }
0x95: {  	s3 =	sld [smem:$0x3FFD];
	_ =	sdelay $0x3  }
0x96: {  	_ =	strace s3  }
0x97: {  	_ =	strace $0x8FFFFFFF  }
0x98: {  	s19 =	sld [smem:$0x3FDB];
	_ =	sdelay $0x1  }
0x99: {  	s4 =	simm.s32 $_scs_section_size  }
0x9a: {  	s5 =	simm.s32 $_size__tile_overlayer_lowered;
	s6 =	simm.s32 $_tile_overlayer_lowered  }
0x9b: {  	s22 =	simm.s32 $0x1BFF;
	s21 =	sshll.u32 s6, $0x1;
	s3 =	sadd.s32 s4, s19  }
0x9c: {  	s7 =	simm.s32 $0x0;
	s20 =	sshll.u32 s5, $0x1;
	s5 =	sadd.s32 s21, s3  }
0x9d: {  	[timem:s7], [sflag:s22] =	dma.local [hbm:s5], s20  }
0x9e: {  	_ =	swait.ge [sflag:s22], s20  }
0x9f: {  	s4 =	ssub.s32 $0x0, s20;
	[sflag:s22] =	ssyncset.done $0x0  }
0xa0: {  	[sflag:s22] =	ssyncadd.s32 s4;
	_ =	sdelay $0x1  }
0xa1: {  	s23 =	simm.s32 $0x1B8B  }
0xa2: {  	_ =	swait.ge [sflag:s23], $0x1  }
0xa3: {  	[sflag:s23] =	ssyncset.done $0x0  }
0xa4: {  	s25 =	simm.s32 $0x1B8E;
	s24 =	sld [smem:$0x3FFE];
	[sflag:s23] =	ssyncadd.s32 $0xFFFFFFFF  }
0xa5: {  	s26 =	simm.s32 $execute0_lowered;
	[smem:$0x3FD2] =	sst s25  }
0xa6: {  	s5 =	sshll.u32 s26, $0x1;
	_ =	strace $0x8000004F;
	[dreg:$0x1] =	wrdreg $0xFFFFFFFF  }
0xa7: {  	s28 =	simm.s32 $_size_execute0_lowered;
	s3 =	sadd.s32 s3, s5;
	[dreg:$0x0] =	wrdreg $0x0  }
0xa8: {  	s5 =	sshll.u32 s28, $0x1;
	[dreg:$0x2] =	wrdreg s3  }
0xa9: {  	[dreg:$0x3] =	wrdreg s5  }
0xaa: {  	[dreg:$0x4] =	wrdreg $0xC0  }
0xab: {  	_ =	task [dreg:s7], $0x5FFFF  }
0xac: {  	[dreg:$0x1] =	wrdreg $0xFFFFFFFF  }
0xad: {  	[dreg:$0x0] =	wrdreg $0x60  }
0xae: {  	[dreg:$0x2] =	wrdreg s2  }
0xaf: {  	[dreg:$0x3] =	wrdreg s24  }
0xb0: {  	[dreg:$0x4] =	wrdreg $0x84000  }
0xb1: {  	[dreg:$0x5] =	wrdreg $0x9  }
0xb2: {  	_ =	task.clear_ibuf [dreg:s7], $0x6FFFF;
	_ =	strace $0x9000004F  }
0xb3: {  	s29 =	simm.s32 $0x9;
	_ =	strace $0x80000051  }
0xb4: {  	_ =	swait.ge [sflag:s29], $0x1  }
0xb5: {  	[sflag:s29] =	ssyncadd.s32 $0xFFFFFFFF  }
0xb6: {  	_ =	strace $0x90000051  }
0xb7: {  	_ =	sfence  }
0xb8: {  	s30 =	sld [smem:$0x0];
	_ =	sdelay $0x2  }
0xb9: {  	s31 =	sshll.u32 s1, $0xD;
	s1 =	sshrl.u32 s1, $0x2  }
0xba: {  	s3 =	sand.u32 $0x4000, s31;
	s1 =	sadd.s32 s1, s30  }
0xbb: {  	s0 =	sor.u32 s3, s0;
	s1 =	sshll.u32 s1, $0x11  }
0xbc: {  	s0 =	sor.u32 s1, s0  }
0xbd: {  	s0 =	sadd.s32 $0x8F2B, s0  }
0xbe: {  	[sflag:s0] =	ssyncadd.remote.s32 $0x1  }
0xbf: {  	_ =	sfence.sel $0xFFFF  }
0xc0: {  	[dreg:$0x0] =	wrdreg $0xFFFFFFFF;
	(pc) =	sbr.abs _section_cstart, $3  }
0xc1: {  	[dreg:$0x1] =	wrdreg $0xFFFFFFFF  }
0xc2: {  	_ =	task.clear_ibuf [dreg:s7], $0x2FFFF;
	_ =	strace $0x9FFFFFFF  }
0xc3: {  	(tm) =	ssettm $0x7FFFFFFF  }
tec
execute0_lowered:
.L_overlay_start_1:
0x0: {  	(tag) =	ssettag $0x1  }
0x1: {  	s1 =	rddreg [dreg:$0x0]  }
0x2: {  	s0 =	rddreg [dreg:$0x1]  }
0x3: {  	s2 =	rddreg [dreg:$0x2]  }
0x4: {  	s3 =	simm.s32 $0x0;
	s4 =	srdreg.scid;
	s13 =	stileid.u32  }
0x5: {  	s16 =	simm.s32 $0x6;
	s17 =	simm.s32 $0x100;
	s18 =	simm.s32 $0x1  }
0x6: {  	s19 =	simm.s32 $0x80;
	s20 =	simm.s32 $0x3;
	s21 =	simm.s32 $0x200  }
0x7: {  	s22 =	simm.s32 $0x2;
	s28 =	simm.s32 $0x180;
	s6 =	smul.u32 $0x4F000, s13  }
0x8: {  	s29 =	simm.s32 $0x5;
	s30 =	simm.s32 $0x280;
	s9 =	smul.u32 $0x50, s13  }
0x9: {  	s31 =	simm.s32 $0x380;
	s4 =	sand.u32 $0x1, s4;
	s15 =	smul.u32 $0xA00, s13  }
0xa: {  	[smem:$0x7FF] =	sst s3;
	s14 =	sadd.s32 $0x3A00, s0;
	s5 =	smul.u32 $0x27800, s4  }
0xb: {  	s7 =	sadd.s32 $0x17A00, s0;
	_ =	strace $0x80000050;
	s8 =	smul.u32 $0x500, s4  }
0xc: {  	[dreg:$0x4] =	wrdreg s7;
	s23 =	ssub.s32 $0x2, s4;
	s4 =	smul.u32 $0xA000, s4  }
0xd: {  	s6 =	sshrl.u32 s6, $0x2;
	s24 =	sshrl.u32 s23, $0x1;
	s0 =	sadd.s32 s5, s0  }
0xe: {  	s6 =	sadd.s32 s6, s2;
	s5 =	ssub.s32 s23, s24;
	s10 =	sadd.s32 s9, s8  }
0xf: {  	s24 =	smul.u32 $0x2780, s13;
	s4 =	sadd.s32 s4, s14;
	s23 =	simm.s32 $0x4400  }
0x10: {  	s25 =	sadd.s32 $0x4000, s6;
	s26 =	sadd.s32 $0x8000, s6;
	s9 =	sadd.s32 $0xC000, s6  }
.Ltmp0:
0x11: {  	s11 =	sshll.u32 s10, $0x5;
	s10 =	sadd.s32 $0x10000, s6;
	(pc) =	sbr.rel .LBB2_1-.Ltmp0, $4  }
0x12: {  	s0 =	sadd.s32 $0x67200, s0;
	s13 =	smax.u32 s5, $0x1;
	[dreg:$0x5] =	wrdreg s25  }
0x13: {  	[dreg:$0x6] =	wrdreg s26;
	s11 =	sadd.s32 s14, s11;
	s14 =	sadd.s32 s15, s4  }
0x14: {  	s15 =	simm.s32 $0x400;
	s24 =	sadd.s32 s24, s0;
	s25 =	simm.s32 $0x4  }
0x15: {  	s26 =	simm.s32 $0x300;
	s0 =	simm.s32 $0x0;
	s12 =	sadd.s32 $0x20, s11  }
.LBB2_4:
0x16: {  	[spmem:s2] =	stream.indirect.scatter.add.f32 [tilespmem:s23], [sflag:$0x5], $0x80, s31, s19, $0xb8;
	[tilespmem:$0x1C000] =	vst v63  }
0x17: {  	s4 =	stileid.u32;
	_ =	swait.ge [sflag:s29], $0x4000  }
0x18: {  	s5 =	sshrl.u32 s6, $0x3;
	s0 =	sadd.s32 $0x1, s0;
	[sflag:s29] =	ssyncset.done $0x0  }
0x19: {  	s4 =	sshll.u32 s4, $0x6;
	p0 =	sne.s32 s0, s13;
	[sflag:s29] =	ssyncadd.s32 $0xFFFFC000  }
.Ltmp1:
0x1a: {  	s4 =	sor.u32 $0x1C06, s4;
	[bflag:$0x0] =	sbarrier.arrive $0xFFFF;
	(pc) =	sbr.rel @!p0 .LBB2_5-.Ltmp1, $4  }
0x1b: {  	[hbm:s24], [sflag:s4] =	dma.local [spmem:s5], $0x2780  }
0x1c: {  	_ =	swait.ge [sflag:s16], $0x2780  }
0x1d: {  	[sflag:s16] =	ssyncset.done $0x0  }
0x1e: {  	[sflag:s16] =	ssyncadd.s32 $0xFFFFD880  }
.LBB2_1:
0x1f: {  	s4 =	rddreg [dreg:$0x4]  }
0x20: {  	[tilespmem:s15], [sflag:$0x6] =	stream.linear.gather [hbm4b:s4+s3], $0x4000, $0x38;
	[tilespmem:$0x1C000] =	vst v63  }
0x21: {  	_ =	swait.ge [sflag:s16], $0x4000  }
0x22: {  	[sflag:s16] =	ssyncset.done $0x0  }
0x23: {  	[sflag:s16] =	ssyncadd.s32 $0xFFFFC000  }
0x24: {  	[spmem:s6] =	stream.linear.scatter [tilespmem:s15], [sflag:$0x6], $0x4000, $0x38;
	[tilespmem:$0x1C000] =	vst v63  }
0x25: {  	_ =	swait.ge [sflag:s16], $0x4000  }
0x26: {  	[sflag:s16] =	ssyncset.done $0x0  }
0x27: {  	s7 =	rddreg [dreg:$0x5];
	[sflag:s16] =	ssyncadd.s32 $0xFFFFC000  }
0x28: {  	[spmem:s7] =	stream.linear.scatter [tilespmem:s15], [sflag:$0x6], $0x4000, $0x38;
	[tilespmem:$0x1C000] =	vst v63  }
0x29: {  	_ =	swait.ge [sflag:s16], $0x4000  }
0x2a: {  	[sflag:s16] =	ssyncset.done $0x0  }
0x2b: {  	s8 =	rddreg [dreg:$0x6];
	[sflag:s16] =	ssyncadd.s32 $0xFFFFC000  }
0x2c: {  	[spmem:s8] =	stream.linear.scatter [tilespmem:s15], [sflag:$0x6], $0x4000, $0x38;
	[tilespmem:$0x1C000] =	vst v63  }
0x2d: {  	_ =	swait.ge [sflag:s16], $0x4000  }
0x2e: {  	[sflag:s16] =	ssyncset.done $0x0  }
0x2f: {  	[sflag:s16] =	ssyncadd.s32 $0xFFFFC000  }
0x30: {  	[spmem:s9] =	stream.linear.scatter [tilespmem:s15], [sflag:$0x6], $0x4000, $0x38;
	[tilespmem:$0x1C000] =	vst v63  }
0x31: {  	_ =	swait.ge [sflag:s16], $0x4000  }
0x32: {  	[sflag:s16] =	ssyncset.done $0x0  }
0x33: {  	[sflag:s16] =	ssyncadd.s32 $0xFFFFC000  }
0x34: {  	[spmem:s10] =	stream.linear.scatter [tilespmem:s15], [sflag:$0x6], $0x3C00, $0x38;
	[tilespmem:$0x1C000] =	vst v63  }
0x35: {  	_ =	swait.ge [sflag:s16], $0x3C00  }
0x36: {  	[sflag:s16] =	ssyncset.done $0x0  }
0x37: {  	[sflag:s16] =	ssyncadd.s32 $0xFFFFC400  }
0x38: {  	[bflag:$0x0] =	sbarrier.arrive $0xFFFF  }
0x39: {  	[tilespmem:s3], [sflag:$0x1] =	stream.linear.gather [hbm4b:s11+s3], $0x100, $0x38;
	[tilespmem:$0x1C000] =	vst v63  }
0x3a: {  	_ = 	snop  }
0x3b: {  	[tilespmem:s17], [sflag:$0x2] =	stream.linear.gather [hbm4b:s12+s3], $0x100, $0x38;
	[tilespmem:$0x1C000] =	vst v63  }
0x3c: {  	_ =	swait.ge [sflag:s18], $0x100  }
0x3d: {  	[sflag:s18] =	ssyncset.done $0x0  }
0x3e: {  	s4 =	simm.s32 $0x0;
	[sflag:s18] =	ssyncadd.s32 $0xFFFFFF00  }
0x3f: {  	[tilespmem:s15], [sflag:$0x3] =	stream.indirect.gather [hbm4b:s1+s19], $0x80, s3, s19, $0xb8;
	[tilespmem:$0x1C000] =	vst v63  }
.LBB2_2:
0x40: {  	_ =	swait.ge [sflag:s20], $0x4000  }
0x41: {  	p0 =	seq.s32 s4, $0x0;
	[sflag:s20] =	ssyncset.done $0x0  }
0x42: {  	s7 =	simm.s32 @!p0 $0x5;
	[sflag:s20] =	ssyncadd.s32 $0xFFFFC000  }
0x43: {  	_ =	swait.ge @!p0 [sflag:s7], $0x4000  }
0x44: {  	s5 =	sadd.s32 s4, s14;
	[sflag:s7] =	ssyncset.done @!p0 $0x0  }
0x45: {  	s8 =	sadd.s32 $0x40, s5;
	[sflag:s7] =	ssyncadd.s32 @!p0 $0xFFFFC000  }
0x46: {  	[tilespmem:s21], [sflag:$0x1] =	stream.linear.gather [hbm4b:s8+s3], $0x100, $0x38;
	[tilespmem:$0x1C000] =	vst v63  }
0x47: {  	_ =	swait.ge [sflag:s22], $0x100  }
0x48: {  	[sflag:s22] =	ssyncset.done $0x0  }
0x49: {  	[sflag:s22] =	ssyncadd.s32 $0xFFFFFF00  }
0x4a: {  	[tilespmem:s23], [sflag:$0x3] =	stream.indirect.gather [hbm4b:s1+s19], $0x80, s17, s19, $0xb8;
	[tilespmem:$0x1C000] =	vst v63  }
0x4b: {  	_ = 	snop  }
0x4c: {  	[spmem:s2] =	stream.indirect.scatter.add.f32 [tilespmem:s15], [sflag:$0x4], $0x80, s19, s19, $0xb8;
	[tilespmem:$0x1C000] =	vst v63  }
0x4d: {  	_ =	swait.ge [sflag:s20], $0x4000  }
0x4e: {  	[sflag:s20] =	ssyncset.done $0x0  }
0x4f: {  	[sflag:s20] =	ssyncadd.s32 $0xFFFFC000  }
0x50: {  	_ =	swait.ge [sflag:s25], $0x4000  }
0x51: {  	[sflag:s25] =	ssyncset.done $0x0  }
0x52: {  	s8 =	sadd.s32 $0x60, s5;
	[sflag:s25] =	ssyncadd.s32 $0xFFFFC000  }
0x53: {  	[tilespmem:s26], [sflag:$0x2] =	stream.linear.gather [hbm4b:s8+s3], $0x100, $0x38;
	[tilespmem:$0x1C000] =	vst v63  }
0x54: {  	_ =	swait.ge [sflag:s18], $0x100  }
0x55: {  	[sflag:s18] =	ssyncset.done $0x0  }
0x56: {  	[sflag:s18] =	ssyncadd.s32 $0xFFFFFF00  }
0x57: {  	[tilespmem:s15], [sflag:$0x3] =	stream.indirect.gather [hbm4b:s1+s19], $0x80, s21, s19, $0xb8;
	[tilespmem:$0x1C000] =	vst v63  }
0x58: {  	_ = 	snop  }
0x59: {  	[spmem:s2] =	stream.indirect.scatter.add.f32 [tilespmem:s23], [sflag:$0x5], $0x80, s28, s19, $0xb8;
	[tilespmem:$0x1C000] =	vst v63  }
0x5a: {  	_ =	swait.ge [sflag:s20], $0x4000  }
0x5b: {  	[sflag:s20] =	ssyncset.done $0x0  }
0x5c: {  	[sflag:s20] =	ssyncadd.s32 $0xFFFFC000  }
0x5d: {  	p0 =	seq.s32 s4, $0x980;
	_ =	swait.ge [sflag:s29], $0x4000  }
0x5e: {  	s7 =	sadd.s32 @!p0 s4, s14;
	[sflag:s29] =	ssyncset.done $0x0  }
0x5f: {  	s7 =	sadd.s32 @!p0 $0x80, s7;
	s8 =	simm.s32 @!p0 $0x0;
	[sflag:s29] =	ssyncadd.s32 $0xFFFFC000  }
0x60: {  	[tilespmem:s8], [sflag:$0x1] =	stream.linear.gather @!p0 [hbm4b:s7+s8], $0x100, $0x38;
	[tilespmem:$0x1C000] =	vst v63  }
0x61: {  	_ =	swait.ge [sflag:s22], $0x100  }
0x62: {  	[sflag:s22] =	ssyncset.done $0x0  }
0x63: {  	[sflag:s22] =	ssyncadd.s32 $0xFFFFFF00  }
0x64: {  	[tilespmem:s23], [sflag:$0x3] =	stream.indirect.gather [hbm4b:s1+s19], $0x80, s26, s19, $0xb8;
	[tilespmem:$0x1C000] =	vst v63  }
0x65: {  	_ = 	snop  }
0x66: {  	[spmem:s2] =	stream.indirect.scatter.add.f32 [tilespmem:s15], [sflag:$0x4], $0x80, s30, s19, $0xb8;
	[tilespmem:$0x1C000] =	vst v63  }
0x67: {  	_ =	swait.ge [sflag:s20], $0x4000  }
.Ltmp2:
0x68: {  	[sflag:s20] =	ssyncset.done $0x0;
	(pc) =	sbr.rel @p0 .LBB2_4-.Ltmp2, $4  }
0x69: {  	[sflag:s20] =	ssyncadd.s32 $0xFFFFC000  }
0x6a: {  	_ =	swait.ge [sflag:s25], $0x4000  }
0x6b: {  	[sflag:s25] =	ssyncset.done $0x0  }
0x6c: {  	[sflag:s25] =	ssyncadd.s32 $0xFFFFC000  }
0x6d: {  	s5 =	sadd.s32 $0xA0, s5  }
0x6e: {  	[tilespmem:s17], [sflag:$0x2] =	stream.linear.gather [hbm4b:s5+s3], $0x100, $0x38;
	[tilespmem:$0x1C000] =	vst v63  }
0x6f: {  	_ =	swait.ge [sflag:s18], $0x100  }
.Ltmp3:
0x70: {  	[sflag:s18] =	ssyncset.done $0x0;
	(pc) =	sbr.rel .LBB2_2-.Ltmp3, $4  }
0x71: {  	[sflag:s18] =	ssyncadd.s32 $0xFFFFFF00  }
0x72: {  	[tilespmem:s15], [sflag:$0x3] =	stream.indirect.gather [hbm4b:s1+s19], $0x80, s3, s19, $0xb8;
	[tilespmem:$0x1C000] =	vst v63  }
0x73: {  	s4 =	sadd.s32 $0x80, s4  }
0x74: {  	[spmem:s2] =	stream.indirect.scatter.add.f32 [tilespmem:s23], [sflag:$0x5], $0x80, s31, s19, $0xb8;
	[tilespmem:$0x1C000] =	vst v63  }
.LBB2_5:
0x75: {  	_ =	sfence.sel $0x180000  }
0x76: {  	[bflag:$0x0] =	sbarrier.arrive $0xFFFF  }
0x77: {  	_ =	strace $0x90000050  }
0x78: {  	s0 =	stileid.u32;
	[bflag:$0x2] =	sbarrier.arrive $0xFFFF  }
0x79: {  	p0 =	sne.s32 s0, $0x0;
	s0 =	rddreg [dreg:$0x3]  }
0x7a: {  	s0 =	sadd.s32 @!p0 $0x100000, s0  }
0x7b: {  	[sflag:s0] =	ssyncadd.tile.s32 @!p0 $0x1;
	_ =	shalt  }
.Lfunc_end2:
_tile_overlayer_lowered:
.L_overlay_start_2:
0x7c: {  	(tag) =	ssettag $0x2  }
0x7d: {  	s0 =	rddreg [dreg:$0x0];
	s2 =	stileid.u32  }
0x7e: {  	s1 =	rddreg [dreg:$0x1];
	p0 =	sne.s32 s2, $0x0  }
0x7f: {  	s3 =	rddreg [dreg:$0x2];
	[bflag:$0x3] =	sbarrier.arrive $0xFFFF;
	s2 =	simm.s32 @!p0 $0x1C06  }
0x80: {  	[timem:s3], [sflag:s2] =	dma.local @!p0 [hbm:s0], s1  }
0x81: {  	s0 =	simm.s32 @!p0 $0x6  }
0x82: {  	_ =	swait.ge @!p0 [sflag:s0], s1  }
0x83: {  	s1 =	ssub.s32 @!p0 $0x0, s1;
	[sflag:s0] =	ssyncset.done @!p0 $0x0  }
0x84: {  	[sflag:s0] =	ssyncadd.s32 @!p0 s1  }
0x85: {  	[bflag:$0x3] =	sbarrier.arrive $0xFFFF  }
0x86: {  	_ =	shalt  }

</sc_bundles>
